<compile_context>
chip_gen: v7x
topology: tpu7x:2x2x1
jax: 0.10.2.dev20260603
libtpu: 0.0.44.dev20260713+nightly
codegen_flags: <defaults>
</compile_context>

<pallas_src>
import functools

import jax
import jax.numpy as jnp
from jax import lax
from jax.experimental import pallas as pl
from jax.experimental.pallas import tpu as pltpu
from jax.experimental.pallas import tpu_sc as plsc

_NUM_EXPERTS = 64
_MODEL_DIM = 768
_NUM_TOKENS = 32768
_TEMP_L_AUX = 0.07
_BLOCK_T = 4096
_SUB_T = 256
_GRID = _NUM_TOKENS // _BLOCK_T

_SC_CORES = 1
_SC_SUBCORES = 16
_SC_WORKERS = _SC_CORES * _SC_SUBCORES
_TPW = _NUM_TOKENS // _SC_WORKERS
_SCATTER_CHUNK = 128
_N_CHUNKS = _TPW // _SCATTER_CHUNK


def _tc_body(gt_ref, x_ref, wgt_ref, packed_ref, counts_ref, laux_ref,
             starts_ref, runc_ref, me_ref, ltri_ref):
    i = pl.program_id(0)

    @pl.when(i == 0)
    def _init():
        runc_ref[...] = jnp.zeros((1, _NUM_EXPERTS), jnp.float32)
        me_ref[...] = jnp.zeros((1, _NUM_EXPERTS), jnp.float32)
        r_io = lax.broadcasted_iota(jnp.int32, (_SUB_T, _SUB_T), 0)
        c_io = lax.broadcasted_iota(jnp.int32, (_SUB_T, _SUB_T), 1)
        ltri_ref[...] = (c_io < r_io).astype(jnp.bfloat16)

    x = x_ref[...]
    n1 = jnp.sqrt(jnp.sum(x * x, axis=1, keepdims=True))
    n1 = jnp.maximum(n1, 1e-4)
    xn = x / n1
    logits = jnp.dot(xn, wgt_ref[...], preferred_element_type=jnp.float32)

    gt = jnp.maximum(gt_ref[0], 1e-4)
    s = jax.nn.sigmoid(logits / gt)
    m = jnp.max(s, axis=1, keepdims=True)
    colf = lax.broadcasted_iota(
        jnp.int32, (_BLOCK_T, _NUM_EXPERTS), 1).astype(jnp.float32)
    e_f = jnp.min(jnp.where(s == m, colf, float(_NUM_EXPERTS)), axis=1,
                  keepdims=True)
    ohf = (colf == e_f).astype(jnp.float32)

    run = runc_ref[...]
    excls = []
    ohbf = ohf.astype(jnp.bfloat16)
    for k in range(_BLOCK_T // _SUB_T):
        ohk = ohbf[k * _SUB_T:(k + 1) * _SUB_T, :]
        ex = jnp.dot(ltri_ref[...], ohk,
                     preferred_element_type=jnp.float32) + run
        excls.append(ex)
        run = run + jnp.sum(ohf[k * _SUB_T:(k + 1) * _SUB_T, :], axis=0,
                            keepdims=True)
    excl = jnp.concatenate(excls, axis=0)
    packed_f = jnp.sum((colf + 64.0 * excl) * ohf, axis=1, keepdims=True)
    packed_ref[...] = packed_f.astype(jnp.int32).reshape(_BLOCK_T // 128, 128)

    total = run
    runc_ref[...] = total

    q = jnp.exp(logits * jnp.float32(1.0 / _TEMP_L_AUX))
    p = q / jnp.sum(q, axis=1, keepdims=True)
    me = me_ref[...] + jnp.sum(p, axis=0, keepdims=True)
    me_ref[...] = me

    @pl.when(i == _GRID - 1)
    def _finish():
        counts_ref[...] = total.astype(jnp.int32)
        cinc = total
        sh = 1
        while sh < _NUM_EXPERTS:
            cinc = cinc + jnp.concatenate(
                [jnp.zeros((1, sh), jnp.float32), cinc[:, :-sh]], axis=1)
            sh *= 2
        starts_ref[...] = (cinc - total).astype(jnp.int32)
        tot = jnp.sum(total)
        ce = total / tot + 1e-6
        laux_ref[...] = (jnp.sum(me * ce) * _NUM_EXPERTS).reshape(1, 1)


def _tc_call(x, wg_t, gating_t):
    return pl.pallas_call(
        _tc_body,
        grid=(_GRID,),
        in_specs=[
            pl.BlockSpec(memory_space=pltpu.SMEM),
            pl.BlockSpec((_BLOCK_T, _MODEL_DIM), lambda i: (i, 0)),
            pl.BlockSpec((_MODEL_DIM, _NUM_EXPERTS), lambda i: (0, 0)),
        ],
        out_specs=[
            pl.BlockSpec((_BLOCK_T // 128, 128), lambda i: (i, 0)),
            pl.BlockSpec((1, _NUM_EXPERTS), lambda i: (0, 0)),
            pl.BlockSpec((1, 1), lambda i: (0, 0)),
            pl.BlockSpec((1, _NUM_EXPERTS), lambda i: (0, 0)),
        ],
        out_shape=[
            jax.ShapeDtypeStruct((_NUM_TOKENS // 128, 128), jnp.int32),
            jax.ShapeDtypeStruct((1, _NUM_EXPERTS), jnp.int32),
            jax.ShapeDtypeStruct((1, 1), jnp.float32),
            jax.ShapeDtypeStruct((1, _NUM_EXPERTS), jnp.int32),
        ],
        scratch_shapes=[
            pltpu.VMEM((1, _NUM_EXPERTS), jnp.float32),
            pltpu.VMEM((1, _NUM_EXPERTS), jnp.float32),
            pltpu.VMEM((_SUB_T, _SUB_T), jnp.bfloat16),
        ],
    )(gating_t, x, wg_t)


def _sc_sort_body(packed_hbm, starts_hbm, out_hbm, pk_v, gs_v, pos_v, val_v,
                  shared, sem):
    wid = lax.axis_index("s")
    base = wid * _TPW
    ld1 = pltpu.async_copy(packed_hbm.at[pl.ds(base, _TPW)], pk_v, sem)
    ld2 = pltpu.async_copy(starts_hbm, gs_v, sem)
    ld1.wait()
    ld2.wait()

    for c in range(_TPW // 16):
        pk = pk_v[pl.ds(c * 16, 16)]
        ex = jnp.bitwise_and(pk, _NUM_EXPERTS - 1)
        rk = lax.shift_right_logical(pk, 6)
        g = plsc.load_gather(gs_v, [ex])
        row, colo = c // 8, (c % 8) * 16
        pos_v[row, pl.ds(colo, 16)] = g + rk
        val_v[row, pl.ds(colo, 16)] = lax.iota(jnp.int32, 16) + (base + c * 16)

    copies = [
        pltpu.async_copy(val_v.at[j], shared.at[pos_v.at[j]], sem)
        for j in range(_N_CHUNKS)
    ]
    for cp in copies:
        cp.wait()
    plsc.subcore_barrier()

    @pl.when(wid == 0)
    def _copy_out():
        pltpu.sync_copy(shared, out_hbm)


@functools.cache
def _sc_sort_call():
    return pl.kernel(
        _sc_sort_body,
        out_type=jax.ShapeDtypeStruct((_NUM_TOKENS,), jnp.int32),
        mesh=plsc.VectorSubcoreMesh(core_axis_name="c", subcore_axis_name="s",
                                    num_cores=1),
        compiler_params=pltpu.CompilerParams(needs_layout_passes=False),
        scratch_types=[
            pltpu.VMEM((_TPW,), jnp.int32),
            pltpu.VMEM((_NUM_EXPERTS,), jnp.int32),
            pltpu.VMEM((_N_CHUNKS, _SCATTER_CHUNK), jnp.int32),
            pltpu.VMEM((_N_CHUNKS, _SCATTER_CHUNK), jnp.int32),
            pltpu.VMEM_SHARED((_NUM_TOKENS,), jnp.int32),
            pltpu.SemaphoreType.DMA,
        ],
    )


def kernel(input, wg_weight, gating_t):
    n2 = jnp.maximum(jnp.linalg.norm(wg_weight, axis=1, keepdims=True), 1e-4)
    wgn_t = (wg_weight / n2).T
    packed, counts2d, laux2d, starts2d = _tc_call(input, wgn_t, gating_t)
    counts = counts2d.reshape(_NUM_EXPERTS)
    starts = starts2d.reshape(_NUM_EXPERTS)
    sort_by_expert = _sc_sort_call()(packed.reshape(_NUM_TOKENS), starts)
    l_aux = laux2d.reshape(())
    return (l_aux, sort_by_expert, counts, counts)

# --- scband reference (transcript-rebuilt; emitter-appended) ---
"""Pipeline reference for scband-top1-gate-21655225107172 (READ-ONLY COPY).

The authoritative reference and input builder live on the scoring server;
editing this copy changes nothing except your own understanding.
"""

import jax, jax.numpy as jnp
import numpy as np

NUM_EXPERTS = 64
MODEL_DIM = 768
NUM_TOKENS = 32768
TEMPERATURE_FOR_L_UAX = 0.07


def setup_inputs(seed: int = 0) -> dict:
    key = jax.random.key(seed)
    k1, k2 = jax.random.split(key)
    x = jax.random.normal(k1, (NUM_TOKENS, MODEL_DIM), dtype=jnp.float32)
    # gate weight wg: Linear(model_dim, num_experts, bias=False), orthogonal init gain=0.1 approximated
    wg_weight = jax.random.normal(k2, (NUM_EXPERTS, MODEL_DIM), dtype=jnp.float32) * 0.1
    gating_t = jnp.array([0.07], dtype=jnp.float32)
    return {"input": x, "wg_weight": wg_weight, "gating_t": gating_t}


def _cosine(mat1, mat2, eps=1e-4):
    # F.normalize(p=2, dim=1, eps): x / max(||x||, eps)
    n1 = jnp.maximum(jnp.linalg.norm(mat1, axis=1, keepdims=True), eps)
    n2 = jnp.maximum(jnp.linalg.norm(mat2, axis=1, keepdims=True), eps)
    return (mat1 / n1) @ (mat2 / n2).T


def _make_finite(scores):
    ok = jnp.isfinite(scores)
    mn = jnp.min(jnp.where(ok, scores, jnp.inf))
    return jnp.where(ok, scores, mn)


def reference(input, wg_weight, gating_t):
    # hard_cosine routing with learned temperature (clamped at eps=1e-4)
    gt = jnp.maximum(gating_t[0], 1e-4)
    logits = _cosine(input, wg_weight)  # survive_expert_indices = all experts
    logits = _make_finite(logits)
    logits = logits.astype(jnp.float32)  # use_fp32
    gates = logits
    num_experts = NUM_EXPERTS
    # greedy_assignment (single worker: all2all/all_gather are identity)
    gates1_s = jax.lax.stop_gradient(jax.nn.sigmoid(gates / gt))
    token_to_workers = jnp.argmax(gates1_s, axis=1)  # topk k=1 indices
    sort_by_expert = jnp.argsort(token_to_workers)  # stable sort ordering // k(=1)
    output_splits = jnp.zeros((num_experts,), dtype=jnp.int32).at[token_to_workers].add(1)
    input_splits = output_splits  # _All2All_with_split identity for world_size=1
    n_assigned_tokens = input_splits  # reshape(1,-1).sum(0)
    n_gathered = n_assigned_tokens[None, :]  # all_gather with world_size=1
    # load-balancing aux loss
    gates_sm = jax.nn.softmax(gates / TEMPERATURE_FOR_L_UAX, axis=1)
    me = jnp.sum(gates_sm, axis=0)
    ce = n_gathered.astype(jnp.float32) / jnp.sum(n_gathered).astype(jnp.float32) + 1e-6
    var = jnp.var(me, ddof=1)  # coef_type=0 (unbiased like torch.var)
    ce = ce.reshape(me.shape)
    var_coef = 0.0
    l_aux = (me @ ce + var_coef * var) * num_experts
    return (l_aux, sort_by_expert, input_splits, output_splits)

if __name__ == "__main__":
    import jax
    _d = setup_inputs()
    print(jax.jit(kernel)(*tuple(_d.values())))

</pallas_src>

<mosaic_0001>
#map = affine_map<(d0, d1) -> (0)>
module attributes {stable_mosaic.version = 14 : i64} {
  func.func @_sc_sort_body(%arg0: i32, %arg1: i32, %arg2: memref<32768xi32, #tpu.memory_space<hbm>>, %arg3: memref<64xi32, #tpu.memory_space<hbm>>, %arg4: memref<32768xi32, #tpu.memory_space<hbm>>, %arg5: memref<2048xi32, #tpu.memory_space<vmem>>, %arg6: memref<64xi32, #tpu.memory_space<vmem>>, %arg7: memref<16x128xi32, #tpu.memory_space<vmem>>, %arg8: memref<16x128xi32, #tpu.memory_space<vmem>>, %arg9: memref<32768xi32, #tpu.memory_space<vmem_shared>>, %arg10: memref<!tpu.dma_semaphore, #tpu.memory_space<semaphore_mem>>) attributes {dimension_semantics = [#tpu.dimension_semantics<core_parallel>, #tpu.dimension_semantics<subcore_parallel>], iteration_bounds = array<i64: 1, 16>, scalar_prefetch = 0 : i64, scratch_operands = 6 : i64, tpu.core_type = #tpu.core_type<sc_vector_subcore>, window_params = [{transform_indices = #map}, {transform_indices = #map}, {transform_indices = #map}]} {
    %mul3A = arith.constant 2048 : i32
    %mul3A_0 = arith.muli %arg1, %mul3A : i32
    %dma_start3A = tpu.memref_slice %arg2[%mul3A_0] : memref<32768xi32, #tpu.memory_space<hbm>> -> memref<2048xi32, #tpu.memory_space<hbm>>
    %dma_start3A_1 = tpu.memref_slice %arg2[%mul3A_0] : memref<32768xi32, #tpu.memory_space<hbm>> -> memref<2048xi32, #tpu.memory_space<hbm>>
    tpu.enqueue_dma source(%dma_start3A_1 : memref<2048xi32, #tpu.memory_space<hbm>>) target(%arg5 : memref<2048xi32, #tpu.memory_space<vmem>>) target_semaphore(%arg10 : memref<!tpu.dma_semaphore, #tpu.memory_space<semaphore_mem>>)
    tpu.enqueue_dma source(%arg3 : memref<64xi32, #tpu.memory_space<hbm>>) target(%arg6 : memref<64xi32, #tpu.memory_space<vmem>>) target_semaphore(%arg10 : memref<!tpu.dma_semaphore, #tpu.memory_space<semaphore_mem>>)
    %dma_wait3A = tpu.memref_slice %arg2[%mul3A_0] : memref<32768xi32, #tpu.memory_space<hbm>> -> memref<2048xi32, #tpu.memory_space<hbm>>
    %dma_wait3A_2 = tpu.memref_slice %arg2[%mul3A_0] : memref<32768xi32, #tpu.memory_space<hbm>> -> memref<2048xi32, #tpu.memory_space<hbm>>
    tpu.wait_dma2 semaphore(%arg10 : memref<!tpu.dma_semaphore, #tpu.memory_space<semaphore_mem>>) src(%dma_wait3A_2 : memref<2048xi32, #tpu.memory_space<hbm>>) dst(%arg5 : memref<2048xi32, #tpu.memory_space<vmem>>)
    tpu.wait_dma2 semaphore(%arg10 : memref<!tpu.dma_semaphore, #tpu.memory_space<semaphore_mem>>) src(%arg3 : memref<64xi32, #tpu.memory_space<hbm>>) dst(%arg6 : memref<64xi32, #tpu.memory_space<vmem>>)
    %get3A = arith.constant 0 : index
    %get3A_3 = tpu.vector_load %arg5[%get3A] {strides = array<i32>} : memref<2048xi32, #tpu.memory_space<vmem>>, vector<16xi32>,
    %and3A = arith.constant 63 : i32
    %and3A_4 = vector.broadcast %and3A : i32 to vector<16xi32>
    %and3A_5 = arith.andi %get3A_3, %and3A_4 : vector<16xi32>
    %shift_right_logical3A = arith.constant 6 : i32
    %shift_right_logical3A_6 = vector.broadcast %shift_right_logical3A : i32 to vector<16xi32>
    %shift_right_logical3A_7 = arith.shrui %get3A_3, %shift_right_logical3A_6 : vector<16xi32>
    %gather3A = tpu.vector_load_idx %arg6[%and3A_5] : memref<64xi32, #tpu.memory_space<vmem>>[vector<16xi32>], vector<16xi32>,
    %add3A = arith.addi %gather3A, %shift_right_logical3A_7 : vector<16xi32>
    %swap3A = arith.constant 0 : i32
    %swap3A_8 = arith.index_cast %swap3A : i32 to index
    %swap3A_9 = arith.constant 0 : index
    %swap3A_10 = tpu.vector_load %arg7[%swap3A_8, %swap3A_9] {strides = array<i32>} : memref<16x128xi32, #tpu.memory_space<vmem>>, vector<16xi32>,
    tpu.vector_store %arg7[%swap3A_8, %swap3A_9], %add3A {strides = array<i32>} : memref<16x128xi32, #tpu.memory_space<vmem>>, vector<16xi32>,
    %iota3A = tpu.iota {dimensions = array<i32: 0>} : vector<16xi32>
    %add3A_11 = arith.constant 0 : i32
    %add3A_12 = arith.addi %mul3A_0, %add3A_11 : i32
    %add3A_13 = vector.broadcast %add3A_12 : i32 to vector<16xi32>
    %add3A_14 = arith.addi %iota3A, %add3A_13 : vector<16xi32>
    %swap3A_15 = arith.constant 0 : i32
    %swap3A_16 = arith.index_cast %swap3A_15 : i32 to index
    %swap3A_17 = arith.constant 0 : index
    %swap3A_18 = tpu.vector_load %arg8[%swap3A_16, %swap3A_17] {strides = array<i32>} : memref<16x128xi32, #tpu.memory_space<vmem>>, vector<16xi32>,
    tpu.vector_store %arg8[%swap3A_16, %swap3A_17], %add3A_14 {strides = array<i32>} : memref<16x128xi32, #tpu.memory_space<vmem>>, vector<16xi32>,
    %get3A_19 = arith.constant 16 : index
    %get3A_20 = tpu.vector_load %arg5[%get3A_19] {strides = array<i32>} : memref<2048xi32, #tpu.memory_space<vmem>>, vector<16xi32>,
    %and3A_21 = arith.constant 63 : i32
    %and3A_22 = vector.broadcast %and3A_21 : i32 to vector<16xi32>
    %and3A_23 = arith.andi %get3A_20, %and3A_22 : vector<16xi32>
    %shift_right_logical3A_24 = arith.constant 6 : i32
    %shift_right_logical3A_25 = vector.broadcast %shift_right_logical3A_24 : i32 to vector<16xi32>
    %shift_right_logical3A_26 = arith.shrui %get3A_20, %shift_right_logical3A_25 : vector<16xi32>
    %gather3A_27 = tpu.vector_load_idx %arg6[%and3A_23] : memref<64xi32, #tpu.memory_space<vmem>>[vector<16xi32>], vector<16xi32>,
    %add3A_28 = arith.addi %gather3A_27, %shift_right_logical3A_26 : vector<16xi32>
    %swap3A_29 = arith.constant 0 : i32
    %swap3A_30 = arith.index_cast %swap3A_29 : i32 to index
    %swap3A_31 = arith.constant 16 : index
    %swap3A_32 = tpu.vector_load %arg7[%swap3A_30, %swap3A_31] {strides = array<i32>} : memref<16x128xi32, #tpu.memory_space<vmem>>, vector<16xi32>,
    tpu.vector_store %arg7[%swap3A_30, %swap3A_31], %add3A_28 {strides = array<i32>} : memref<16x128xi32, #tpu.memory_space<vmem>>, vector<16xi32>,
    %iota3A_33 = tpu.iota {dimensions = array<i32: 0>} : vector<16xi32>
    %add3A_34 = arith.constant 16 : i32
    %add3A_35 = arith.addi %mul3A_0, %add3A_34 : i32
    %add3A_36 = vector.broadcast %add3A_35 : i32 to vector<16xi32>
    %add3A_37 = arith.addi %iota3A_33, %add3A_36 : vector<16xi32>
    %swap3A_38 = arith.constant 0 : i32
    %swap3A_39 = arith.index_cast %swap3A_38 : i32 to index
    %swap3A_40 = arith.constant 16 : index
    %swap3A_41 = tpu.vector_load %arg8[%swap3A_39, %swap3A_40] {strides = array<i32>} : memref<16x128xi32, #tpu.memory_space<vmem>>, vector<16xi32>,
    tpu.vector_store %arg8[%swap3A_39, %swap3A_40], %add3A_37 {strides = array<i32>} : memref<16x128xi32, #tpu.memory_space<vmem>>, vector<16xi32>,
    %get3A_42 = arith.constant 32 : index
    %get3A_43 = tpu.vector_load %arg5[%get3A_42] {strides = array<i32>} : memref<2048xi32, #tpu.memory_space<vmem>>, vector<16xi32>,
    %and3A_44 = arith.constant 63 : i32
    %and3A_45 = vector.broadcast %and3A_44 : i32 to vector<16xi32>
    %and3A_46 = arith.andi %get3A_43, %and3A_45 : vector<16xi32>
    %shift_right_logical3A_47 = arith.constant 6 : i32
    %shift_right_logical3A_48 = vector.broadcast %shift_right_logical3A_47 : i32 to vector<16xi32>
    %shift_right_logical3A_49 = arith.shrui %get3A_43, %shift_right_logical3A_48 : vector<16xi32>
    %gather3A_50 = tpu.vector_load_idx %arg6[%and3A_46] : memref<64xi32, #tpu.memory_space<vmem>>[vector<16xi32>], vector<16xi32>,
    %add3A_51 = arith.addi %gather3A_50, %shift_right_logical3A_49 : vector<16xi32>
    %swap3A_52 = arith.constant 0 : i32
    %swap3A_53 = arith.index_cast %swap3A_52 : i32 to index
    %swap3A_54 = arith.constant 32 : index
    %swap3A_55 = tpu.vector_load %arg7[%swap3A_53, %swap3A_54] {strides = array<i32>} : memref<16x128xi32, #tpu.memory_space<vmem>>, vector<16xi32>,
    tpu.vector_store %arg7[%swap3A_53, %swap3A_54], %add3A_51 {strides = array<i32>} : memref<16x128xi32, #tpu.memory_space<vmem>>, vector<16xi32>,
    %iota3A_56 = tpu.iota {dimensions = array<i32: 0>} : vector<16xi32>
    %add3A_57 = arith.constant 32 : i32
    %add3A_58 = arith.addi %mul3A_0, %add3A_57 : i32
    %add3A_59 = vector.broadcast %add3A_58 : i32 to vector<16xi32>
    %add3A_60 = arith.addi %iota3A_56, %add3A_59 : vector<16xi32>
    %swap3A_61 = arith.constant 0 : i32
    %swap3A_62 = arith.index_cast %swap3A_61 : i32 to index
    %swap3A_63 = arith.constant 32 : index
    %swap3A_64 = tpu.vector_load %arg8[%swap3A_62, %swap3A_63] {strides = array<i32>} : memref<16x128xi32, #tpu.memory_space<vmem>>, vector<16xi32>,
    tpu.vector_store %arg8[%swap3A_62, %swap3A_63], %add3A_60 {strides = array<i32>} : memref<16x128xi32, #tpu.memory_space<vmem>>, vector<16xi32>,
    %get3A_65 = arith.constant 48 : index
    %get3A_66 = tpu.vector_load %arg5[%get3A_65] {strides = array<i32>} : memref<2048xi32, #tpu.memory_space<vmem>>, vector<16xi32>,
    %and3A_67 = arith.constant 63 : i32
    %and3A_68 = vector.broadcast %and3A_67 : i32 to vector<16xi32>
    %and3A_69 = arith.andi %get3A_66, %and3A_68 : vector<16xi32>
    %shift_right_logical3A_70 = arith.constant 6 : i32
    %shift_right_logical3A_71 = vector.broadcast %shift_right_logical3A_70 : i32 to vector<16xi32>
    %shift_right_logical3A_72 = arith.shrui %get3A_66, %shift_right_logical3A_71 : vector<16xi32>
    %gather3A_73 = tpu.vector_load_idx %arg6[%and3A_69] : memref<64xi32, #tpu.memory_space<vmem>>[vector<16xi32>], vector<16xi32>,
    %add3A_74 = arith.addi %gather3A_73, %shift_right_logical3A_72 : vector<16xi32>
    %swap3A_75 = arith.constant 0 : i32
    %swap3A_76 = arith.index_cast %swap3A_75 : i32 to index
    %swap3A_77 = arith.constant 48 : index
    %swap3A_78 = tpu.vector_load %arg7[%swap3A_76, %swap3A_77] {strides = array<i32>} : memref<16x128xi32, #tpu.memory_space<vmem>>, vector<16xi32>,
    tpu.vector_store %arg7[%swap3A_76, %swap3A_77], %add3A_74 {strides = array<i32>} : memref<16x128xi32, #tpu.memory_space<vmem>>, vector<16xi32>,
    %iota3A_79 = tpu.iota {dimensions = array<i32: 0>} : vector<16xi32>
    %add3A_80 = arith.constant 48 : i32
    %add3A_81 = arith.addi %mul3A_0, %add3A_80 : i32
    %add3A_82 = vector.broadcast %add3A_81 : i32 to vector<16xi32>
    %add3A_83 = arith.addi %iota3A_79, %add3A_82 : vector<16xi32>
    %swap3A_84 = arith.constant 0 : i32
    %swap3A_85 = arith.index_cast %swap3A_84 : i32 to index
    %swap3A_86 = arith.constant 48 : index
    %swap3A_87 = tpu.vector_load %arg8[%swap3A_85, %swap3A_86] {strides = array<i32>} : memref<16x128xi32, #tpu.memory_space<vmem>>, vector<16xi32>,
    tpu.vector_store %arg8[%swap3A_85, %swap3A_86], %add3A_83 {strides = array<i32>} : memref<16x128xi32, #tpu.memory_space<vmem>>, vector<16xi32>,
    %get3A_88 = arith.constant 64 : index
    %get3A_89 = tpu.vector_load %arg5[%get3A_88] {strides = array<i32>} : memref<2048xi32, #tpu.memory_space<vmem>>, vector<16xi32>,
    %and3A_90 = arith.constant 63 : i32
    %and3A_91 = vector.broadcast %and3A_90 : i32 to vector<16xi32>
    %and3A_92 = arith.andi %get3A_89, %and3A_91 : vector<16xi32>
    %shift_right_logical3A_93 = arith.constant 6 : i32
    %shift_right_logical3A_94 = vector.broadcast %shift_right_logical3A_93 : i32 to vector<16xi32>
    %shift_right_logical3A_95 = arith.shrui %get3A_89, %shift_right_logical3A_94 : vector<16xi32>
    %gather3A_96 = tpu.vector_load_idx %arg6[%and3A_92] : memref<64xi32, #tpu.memory_space<vmem>>[vector<16xi32>], vector<16xi32>,
    %add3A_97 = arith.addi %gather3A_96, %shift_right_logical3A_95 : vector<16xi32>
    %swap3A_98 = arith.constant 0 : i32
    %swap3A_99 = arith.index_cast %swap3A_98 : i32 to index
    %swap3A_100 = arith.constant 64 : index
    %swap3A_101 = tpu.vector_load %arg7[%swap3A_99, %swap3A_100] {strides = array<i32>} : memref<16x128xi32, #tpu.memory_space<vmem>>, vector<16xi32>,
    tpu.vector_store %arg7[%swap3A_99, %swap3A_100], %add3A_97 {strides = array<i32>} : memref<16x128xi32, #tpu.memory_space<vmem>>, vector<16xi32>,
    %iota3A_102 = tpu.iota {dimensions = array<i32: 0>} : vector<16xi32>
    %add3A_103 = arith.constant 64 : i32
    %add3A_104 = arith.addi %mul3A_0, %add3A_103 : i32
    %add3A_105 = vector.broadcast %add3A_104 : i32 to vector<16xi32>
    %add3A_106 = arith.addi %iota3A_102, %add3A_105 : vector<16xi32>
    %swap3A_107 = arith.constant 0 : i32
    %swap3A_108 = arith.index_cast %swap3A_107 : i32 to index
    %swap3A_109 = arith.constant 64 : index
    %swap3A_110 = tpu.vector_load %arg8[%swap3A_108, %swap3A_109] {strides = array<i32>} : memref<16x128xi32, #tpu.memory_space<vmem>>, vector<16xi32>,
    tpu.vector_store %arg8[%swap3A_108, %swap3A_109], %add3A_106 {strides = array<i32>} : memref<16x128xi32, #tpu.memory_space<vmem>>, vector<16xi32>,
    %get3A_111 = arith.constant 80 : index
    %get3A_112 = tpu.vector_load %arg5[%get3A_111] {strides = array<i32>} : memref<2048xi32, #tpu.memory_space<vmem>>, vector<16xi32>,
    %and3A_113 = arith.constant 63 : i32
    %and3A_114 = vector.broadcast %and3A_113 : i32 to vector<16xi32>
    %and3A_115 = arith.andi %get3A_112, %and3A_114 : vector<16xi32>
    %shift_right_logical3A_116 = arith.constant 6 : i32
    %shift_right_logical3A_117 = vector.broadcast %shift_right_logical3A_116 : i32 to vector<16xi32>
    %shift_right_logical3A_118 = arith.shrui %get3A_112, %shift_right_logical3A_117 : vector<16xi32>
    %gather3A_119 = tpu.vector_load_idx %arg6[%and3A_115] : memref<64xi32, #tpu.memory_space<vmem>>[vector<16xi32>], vector<16xi32>,
    %add3A_120 = arith.addi %gather3A_119, %shift_right_logical3A_118 : vector<16xi32>
    %swap3A_121 = arith.constant 0 : i32
    %swap3A_122 = arith.index_cast %swap3A_121 : i32 to index
    %swap3A_123 = arith.constant 80 : index
    %swap3A_124 = tpu.vector_load %arg7[%swap3A_122, %swap3A_123] {strides = array<i32>} : memref<16x128xi32, #tpu.memory_space<vmem>>, vector<16xi32>,
    tpu.vector_store %arg7[%swap3A_122, %swap3A_123], %add3A_120 {strides = array<i32>} : memref<16x128xi32, #tpu.memory_space<vmem>>, vector<16xi32>,
    %iota3A_125 = tpu.iota {dimensions = array<i32: 0>} : vector<16xi32>
    %add3A_126 = arith.constant 80 : i32
    %add3A_127 = arith.addi %mul3A_0, %add3A_126 : i32
    %add3A_128 = vector.broadcast %add3A_127 : i32 to vector<16xi32>
    %add3A_129 = arith.addi %iota3A_125, %add3A_128 : vector<16xi32>
    %swap3A_130 = arith.constant 0 : i32
    %swap3A_131 = arith.index_cast %swap3A_130 : i32 to index
    %swap3A_132 = arith.constant 80 : index
    %swap3A_133 = tpu.vector_load %arg8[%swap3A_131, %swap3A_132] {strides = array<i32>} : memref<16x128xi32, #tpu.memory_space<vmem>>, vector<16xi32>,
    tpu.vector_store %arg8[%swap3A_131, %swap3A_132], %add3A_129 {strides = array<i32>} : memref<16x128xi32, #tpu.memory_space<vmem>>, vector<16xi32>,
    %get3A_134 = arith.constant 96 : index
    %get3A_135 = tpu.vector_load %arg5[%get3A_134] {strides = array<i32>} : memref<2048xi32, #tpu.memory_space<vmem>>, vector<16xi32>,
    %and3A_136 = arith.constant 63 : i32
    %and3A_137 = vector.broadcast %and3A_136 : i32 to vector<16xi32>
    %and3A_138 = arith.andi %get3A_135, %and3A_137 : vector<16xi32>
    %shift_right_logical3A_139 = arith.constant 6 : i32
    %shift_right_logical3A_140 = vector.broadcast %shift_right_logical3A_139 : i32 to vector<16xi32>
    %shift_right_logical3A_141 = arith.shrui %get3A_135, %shift_right_logical3A_140 : vector<16xi32>
    %gather3A_142 = tpu.vector_load_idx %arg6[%and3A_138] : memref<64xi32, #tpu.memory_space<vmem>>[vector<16xi32>], vector<16xi32>,
    %add3A_143 = arith.addi %gather3A_142, %shift_right_logical3A_141 : vector<16xi32>
    %swap3A_144 = arith.constant 0 : i32
    %swap3A_145 = arith.index_cast %swap3A_144 : i32 to index
    %swap3A_146 = arith.constant 96 : index
    %swap3A_147 = tpu.vector_load %arg7[%swap3A_145, %swap3A_146] {strides = array<i32>} : memref<16x128xi32, #tpu.memory_space<vmem>>, vector<16xi32>,
    tpu.vector_store %arg7[%swap3A_145, %swap3A_146], %add3A_143 {strides = array<i32>} : memref<16x128xi32, #tpu.memory_space<vmem>>, vector<16xi32>,
    %iota3A_148 = tpu.iota {dimensions = array<i32: 0>} : vector<16xi32>
    %add3A_149 = arith.constant 96 : i32
    %add3A_150 = arith.addi %mul3A_0, %add3A_149 : i32
    %add3A_151 = vector.broadcast %add3A_150 : i32 to vector<16xi32>
    %add3A_152 = arith.addi %iota3A_148, %add3A_151 : vector<16xi32>
    %swap3A_153 = arith.constant 0 : i32
    %swap3A_154 = arith.index_cast %swap3A_153 : i32 to index
    %swap3A_155 = arith.constant 96 : index
    %swap3A_156 = tpu.vector_load %arg8[%swap3A_154, %swap3A_155] {strides = array<i32>} : memref<16x128xi32, #tpu.memory_space<vmem>>, vector<16xi32>,
    tpu.vector_store %arg8[%swap3A_154, %swap3A_155], %add3A_152 {strides = array<i32>} : memref<16x128xi32, #tpu.memory_space<vmem>>, vector<16xi32>,
    %get3A_157 = arith.constant 112 : index
    %get3A_158 = tpu.vector_load %arg5[%get3A_157] {strides = array<i32>} : memref<2048xi32, #tpu.memory_space<vmem>>, vector<16xi32>,
    %and3A_159 = arith.constant 63 : i32
    %and3A_160 = vector.broadcast %and3A_159 : i32 to vector<16xi32>
    %and3A_161 = arith.andi %get3A_158, %and3A_160 : vector<16xi32>
    %shift_right_logical3A_162 = arith.constant 6 : i32
    %shift_right_logical3A_163 = vector.broadcast %shift_right_logical3A_162 : i32 to vector<16xi32>
    %shift_right_logical3A_164 = arith.shrui %get3A_158, %shift_right_logical3A_163 : vector<16xi32>
    %gather3A_165 = tpu.vector_load_idx %arg6[%and3A_161] : memref<64xi32, #tpu.memory_space<vmem>>[vector<16xi32>], vector<16xi32>,
    %add3A_166 = arith.addi %gather3A_165, %shift_right_logical3A_164 : vector<16xi32>
    %swap3A_167 = arith.constant 0 : i32
    %swap3A_168 = arith.index_cast %swap3A_167 : i32 to index
    %swap3A_169 = arith.constant 112 : index
    %swap3A_170 = tpu.vector_load %arg7[%swap3A_168, %swap3A_169] {strides = array<i32>} : memref<16x128xi32, #tpu.memory_space<vmem>>, vector<16xi32>,
    tpu.vector_store %arg7[%swap3A_168, %swap3A_169], %add3A_166 {strides = array<i32>} : memref<16x128xi32, #tpu.memory_space<vmem>>, vector<16xi32>,
    %iota3A_171 = tpu.iota {dimensions = array<i32: 0>} : vector<16xi32>
    %add3A_172 = arith.constant 112 : i32
    %add3A_173 = arith.addi %mul3A_0, %add3A_172 : i32
    %add3A_174 = vector.broadcast %add3A_173 : i32 to vector<16xi32>
    %add3A_175 = arith.addi %iota3A_171, %add3A_174 : vector<16xi32>
    %swap3A_176 = arith.constant 0 : i32
    %swap3A_177 = arith.index_cast %swap3A_176 : i32 to index
    %swap3A_178 = arith.constant 112 : index
    %swap3A_179 = tpu.vector_load %arg8[%swap3A_177, %swap3A_178] {strides = array<i32>} : memref<16x128xi32, #tpu.memory_space<vmem>>, vector<16xi32>,
    tpu.vector_store %arg8[%swap3A_177, %swap3A_178], %add3A_175 {strides = array<i32>} : memref<16x128xi32, #tpu.memory_space<vmem>>, vector<16xi32>,
    %get3A_180 = arith.constant 128 : index
    %get3A_181 = tpu.vector_load %arg5[%get3A_180] {strides = array<i32>} : memref<2048xi32, #tpu.memory_space<vmem>>, vector<16xi32>,
    %and3A_182 = arith.constant 63 : i32
    %and3A_183 = vector.broadcast %and3A_182 : i32 to vector<16xi32>
    %and3A_184 = arith.andi %get3A_181, %and3A_183 : vector<16xi32>
    %shift_right_logical3A_185 = arith.constant 6 : i32
    %shift_right_logical3A_186 = vector.broadcast %shift_right_logical3A_185 : i32 to vector<16xi32>
    %shift_right_logical3A_187 = arith.shrui %get3A_181, %shift_right_logical3A_186 : vector<16xi32>
    %gather3A_188 = tpu.vector_load_idx %arg6[%and3A_184] : memref<64xi32, #tpu.memory_space<vmem>>[vector<16xi32>], vector<16xi32>,
    %add3A_189 = arith.addi %gather3A_188, %shift_right_logical3A_187 : vector<16xi32>
    %swap3A_190 = arith.constant 1 : i32
    %swap3A_191 = arith.index_cast %swap3A_190 : i32 to index
    %swap3A_192 = arith.constant 0 : index
    %swap3A_193 = tpu.vector_load %arg7[%swap3A_191, %swap3A_192] {strides = array<i32>} : memref<16x128xi32, #tpu.memory_space<vmem>>, vector<16xi32>,
    tpu.vector_store %arg7[%swap3A_191, %swap3A_192], %add3A_189 {strides = array<i32>} : memref<16x128xi32, #tpu.memory_space<vmem>>, vector<16xi32>,
    %iota3A_194 = tpu.iota {dimensions = array<i32: 0>} : vector<16xi32>
    %add3A_195 = arith.constant 128 : i32
    %add3A_196 = arith.addi %mul3A_0, %add3A_195 : i32
    %add3A_197 = vector.broadcast %add3A_196 : i32 to vector<16xi32>
    %add3A_198 = arith.addi %iota3A_194, %add3A_197 : vector<16xi32>
    %swap3A_199 = arith.constant 1 : i32
    %swap3A_200 = arith.index_cast %swap3A_199 : i32 to index
    %swap3A_201 = arith.constant 0 : index
    %swap3A_202 = tpu.vector_load %arg8[%swap3A_200, %swap3A_201] {strides = array<i32>} : memref<16x128xi32, #tpu.memory_space<vmem>>, vector<16xi32>,
    tpu.vector_store %arg8[%swap3A_200, %swap3A_201], %add3A_198 {strides = array<i32>} : memref<16x128xi32, #tpu.memory_space<vmem>>, vector<16xi32>,
    %get3A_203 = arith.constant 144 : index
    %get3A_204 = tpu.vector_load %arg5[%get3A_203] {strides = array<i32>} : memref<2048xi32, #tpu.memory_space<vmem>>, vector<16xi32>,
    %and3A_205 = arith.constant 63 : i32
    %and3A_206 = vector.broadcast %and3A_205 : i32 to vector<16xi32>
    %and3A_207 = arith.andi %get3A_204, %and3A_206 : vector<16xi32>
    %shift_right_logical3A_208 = arith.constant 6 : i32
    %shift_right_logical3A_209 = vector.broadcast %shift_right_logical3A_208 : i32 to vector<16xi32>
    %shift_right_logical3A_210 = arith.shrui %get3A_204, %shift_right_logical3A_209 : vector<16xi32>
    %gather3A_211 = tpu.vector_load_idx %arg6[%and3A_207] : memref<64xi32, #tpu.memory_space<vmem>>[vector<16xi32>], vector<16xi32>,
    %add3A_212 = arith.addi %gather3A_211, %shift_right_logical3A_210 : vector<16xi32>
    %swap3A_213 = arith.constant 1 : i32
    %swap3A_214 = arith.index_cast %swap3A_213 : i32 to index
    %swap3A_215 = arith.constant 16 : index
    %swap3A_216 = tpu.vector_load %arg7[%swap3A_214, %swap3A_215] {strides = array<i32>} : memref<16x128xi32, #tpu.memory_space<vmem>>, vector<16xi32>,
    tpu.vector_store %arg7[%swap3A_214, %swap3A_215], %add3A_212 {strides = array<i32>} : memref<16x128xi32, #tpu.memory_space<vmem>>, vector<16xi32>,
    %iota3A_217 = tpu.iota {dimensions = array<i32: 0>} : vector<16xi32>
    %add3A_218 = arith.constant 144 : i32
    %add3A_219 = arith.addi %mul3A_0, %add3A_218 : i32
    %add3A_220 = vector.broadcast %add3A_219 : i32 to vector<16xi32>
    %add3A_221 = arith.addi %iota3A_217, %add3A_220 : vector<16xi32>
    %swap3A_222 = arith.constant 1 : i32
    %swap3A_223 = arith.index_cast %swap3A_222 : i32 to index
    %swap3A_224 = arith.constant 16 : index
    %swap3A_225 = tpu.vector_load %arg8[%swap3A_223, %swap3A_224] {strides = array<i32>} : memref<16x128xi32, #tpu.memory_space<vmem>>, vector<16xi32>,
    tpu.vector_store %arg8[%swap3A_223, %swap3A_224], %add3A_221 {strides = array<i32>} : memref<16x128xi32, #tpu.memory_space<vmem>>, vector<16xi32>,
    %get3A_226 = arith.constant 160 : index
    %get3A_227 = tpu.vector_load %arg5[%get3A_226] {strides = array<i32>} : memref<2048xi32, #tpu.memory_space<vmem>>, vector<16xi32>,
    %and3A_228 = arith.constant 63 : i32
    %and3A_229 = vector.broadcast %and3A_228 : i32 to vector<16xi32>
    %and3A_230 = arith.andi %get3A_227, %and3A_229 : vector<16xi32>
    %shift_right_logical3A_231 = arith.constant 6 : i32
    %shift_right_logical3A_232 = vector.broadcast %shift_right_logical3A_231 : i32 to vector<16xi32>
    %shift_right_logical3A_233 = arith.shrui %get3A_227, %shift_right_logical3A_232 : vector<16xi32>
    %gather3A_234 = tpu.vector_load_idx %arg6[%and3A_230] : memref<64xi32, #tpu.memory_space<vmem>>[vector<16xi32>], vector<16xi32>,
    %add3A_235 = arith.addi %gather3A_234, %shift_right_logical3A_233 : vector<16xi32>
    %swap3A_236 = arith.constant 1 : i32
    %swap3A_237 = arith.index_cast %swap3A_236 : i32 to index
    %swap3A_238 = arith.constant 32 : index
    %swap3A_239 = tpu.vector_load %arg7[%swap3A_237, %swap3A_238] {strides = array<i32>} : memref<16x128xi32, #tpu.memory_space<vmem>>, vector<16xi32>,
    tpu.vector_store %arg7[%swap3A_237, %swap3A_238], %add3A_235 {strides = array<i32>} : memref<16x128xi32, #tpu.memory_space<vmem>>, vector<16xi32>,
    %iota3A_240 = tpu.iota {dimensions = array<i32: 0>} : vector<16xi32>
    %add3A_241 = arith.constant 160 : i32
    %add3A_242 = arith.addi %mul3A_0, %add3A_241 : i32
    %add3A_243 = vector.broadcast %add3A_242 : i32 to vector<16xi32>
    %add3A_244 = arith.addi %iota3A_240, %add3A_243 : vector<16xi32>
    %swap3A_245 = arith.constant 1 : i32
    %swap3A_246 = arith.index_cast %swap3A_245 : i32 to index
    %swap3A_247 = arith.constant 32 : index
    %swap3A_248 = tpu.vector_load %arg8[%swap3A_246, %swap3A_247] {strides = array<i32>} : memref<16x128xi32, #tpu.memory_space<vmem>>, vector<16xi32>,
    tpu.vector_store %arg8[%swap3A_246, %swap3A_247], %add3A_244 {strides = array<i32>} : memref<16x128xi32, #tpu.memory_space<vmem>>, vector<16xi32>,
    %get3A_249 = arith.constant 176 : index
    %get3A_250 = tpu.vector_load %arg5[%get3A_249] {strides = array<i32>} : memref<2048xi32, #tpu.memory_space<vmem>>, vector<16xi32>,
    %and3A_251 = arith.constant 63 : i32
    %and3A_252 = vector.broadcast %and3A_251 : i32 to vector<16xi32>
    %and3A_253 = arith.andi %get3A_250, %and3A_252 : vector<16xi32>
    %shift_right_logical3A_254 = arith.constant 6 : i32
    %shift_right_logical3A_255 = vector.broadcast %shift_right_logical3A_254 : i32 to vector<16xi32>
    %shift_right_logical3A_256 = arith.shrui %get3A_250, %shift_right_logical3A_255 : vector<16xi32>
    %gather3A_257 = tpu.vector_load_idx %arg6[%and3A_253] : memref<64xi32, #tpu.memory_space<vmem>>[vector<16xi32>], vector<16xi32>,
    %add3A_258 = arith.addi %gather3A_257, %shift_right_logical3A_256 : vector<16xi32>
    %swap3A_259 = arith.constant 1 : i32
    %swap3A_260 = arith.index_cast %swap3A_259 : i32 to index
    %swap3A_261 = arith.constant 48 : index
    %swap3A_262 = tpu.vector_load %arg7[%swap3A_260, %swap3A_261] {strides = array<i32>} : memref<16x128xi32, #tpu.memory_space<vmem>>, vector<16xi32>,
    tpu.vector_store %arg7[%swap3A_260, %swap3A_261], %add3A_258 {strides = array<i32>} : memref<16x128xi32, #tpu.memory_space<vmem>>, vector<16xi32>,
    %iota3A_263 = tpu.iota {dimensions = array<i32: 0>} : vector<16xi32>
    %add3A_264 = arith.constant 176 : i32
    %add3A_265 = arith.addi %mul3A_0, %add3A_264 : i32
    %add3A_266 = vector.broadcast %add3A_265 : i32 to vector<16xi32>
    %add3A_267 = arith.addi %iota3A_263, %add3A_266 : vector<16xi32>
    %swap3A_268 = arith.constant 1 : i32
    %swap3A_269 = arith.index_cast %swap3A_268 : i32 to index
    %swap3A_270 = arith.constant 48 : index
    %swap3A_271 = tpu.vector_load %arg8[%swap3A_269, %swap3A_270] {strides = array<i32>} : memref<16x128xi32, #tpu.memory_space<vmem>>, vector<16xi32>,
    tpu.vector_store %arg8[%swap3A_269, %swap3A_270], %add3A_267 {strides = array<i32>} : memref<16x128xi32, #tpu.memory_space<vmem>>, vector<16xi32>,
    %get3A_272 = arith.constant 192 : index
    %get3A_273 = tpu.vector_load %arg5[%get3A_272] {strides = array<i32>} : memref<2048xi32, #tpu.memory_space<vmem>>, vector<16xi32>,
    %and3A_274 = arith.constant 63 : i32
    %and3A_275 = vector.broadcast %and3A_274 : i32 to vector<16xi32>
    %and3A_276 = arith.andi %get3A_273, %and3A_275 : vector<16xi32>
    %shift_right_logical3A_277 = arith.constant 6 : i32
    %shift_right_logical3A_278 = vector.broadcast %shift_right_logical3A_277 : i32 to vector<16xi32>
    %shift_right_logical3A_279 = arith.shrui %get3A_273, %shift_right_logical3A_278 : vector<16xi32>
    %gather3A_280 = tpu.vector_load_idx %arg6[%and3A_276] : memref<64xi32, #tpu.memory_space<vmem>>[vector<16xi32>], vector<16xi32>,
    %add3A_281 = arith.addi %gather3A_280, %shift_right_logical3A_279 : vector<16xi32>
    %swap3A_282 = arith.constant 1 : i32
    %swap3A_283 = arith.index_cast %swap3A_282 : i32 to index
    %swap3A_284 = arith.constant 64 : index
    %swap3A_285 = tpu.vector_load %arg7[%swap3A_283, %swap3A_284] {strides = array<i32>} : memref<16x128xi32, #tpu.memory_space<vmem>>, vector<16xi32>,
    tpu.vector_store %arg7[%swap3A_283, %swap3A_284], %add3A_281 {strides = array<i32>} : memref<16x128xi32, #tpu.memory_space<vmem>>, vector<16xi32>,
    %iota3A_286 = tpu.iota {dimensions = array<i32: 0>} : vector<16xi32>
    %add3A_287 = arith.constant 192 : i32
    %add3A_288 = arith.addi %mul3A_0, %add3A_287 : i32
    %add3A_289 = vector.broadcast %add3A_288 : i32 to vector<16xi32>
    %add3A_290 = arith.addi %iota3A_286, %add3A_289 : vector<16xi32>
    %swap3A_291 = arith.constant 1 : i32
    %swap3A_292 = arith.index_cast %swap3A_291 : i32 to index
    %swap3A_293 = arith.constant 64 : index
    %swap3A_294 = tpu.vector_load %arg8[%swap3A_292, %swap3A_293] {strides = array<i32>} : memref<16x128xi32, #tpu.memory_space<vmem>>, vector<16xi32>,
    tpu.vector_store %arg8[%swap3A_292, %swap3A_293], %add3A_290 {strides = array<i32>} : memref<16x128xi32, #tpu.memory_space<vmem>>, vector<16xi32>,
    %get3A_295 = arith.constant 208 : index
    %get3A_296 = tpu.vector_load %arg5[%get3A_295] {strides = array<i32>} : memref<2048xi32, #tpu.memory_space<vmem>>, vector<16xi32>,
    %and3A_297 = arith.constant 63 : i32
    %and3A_298 = vector.broadcast %and3A_297 : i32 to vector<16xi32>
    %and3A_299 = arith.andi %get3A_296, %and3A_298 : vector<16xi32>
    %shift_right_logical3A_300 = arith.constant 6 : i32
    %shift_right_logical3A_301 = vector.broadcast %shift_right_logical3A_300 : i32 to vector<16xi32>
    %shift_right_logical3A_302 = arith.shrui %get3A_296, %shift_right_logical3A_301 : vector<16xi32>
    %gather3A_303 = tpu.vector_load_idx %arg6[%and3A_299] : memref<64xi32, #tpu.memory_space<vmem>>[vector<16xi32>], vector<16xi32>,
    %add3A_304 = arith.addi %gather3A_303, %shift_right_logical3A_302 : vector<16xi32>
    %swap3A_305 = arith.constant 1 : i32
    %swap3A_306 = arith.index_cast %swap3A_305 : i32 to index
    %swap3A_307 = arith.constant 80 : index
    %swap3A_308 = tpu.vector_load %arg7[%swap3A_306, %swap3A_307] {strides = array<i32>} : memref<16x128xi32, #tpu.memory_space<vmem>>, vector<16xi32>,
    tpu.vector_store %arg7[%swap3A_306, %swap3A_307], %add3A_304 {strides = array<i32>} : memref<16x128xi32, #tpu.memory_space<vmem>>, vector<16xi32>,
    %iota3A_309 = tpu.iota {dimensions = array<i32: 0>} : vector<16xi32>
    %add3A_310 = arith.constant 208 : i32
    %add3A_311 = arith.addi %mul3A_0, %add3A_310 : i32
    %add3A_312 = vector.broadcast %add3A_311 : i32 to vector<16xi32>
    %add3A_313 = arith.addi %iota3A_309, %add3A_312 : vector<16xi32>
    %swap3A_314 = arith.constant 1 : i32
    %swap3A_315 = arith.index_cast %swap3A_314 : i32 to index
    %swap3A_316 = arith.constant 80 : index
    %swap3A_317 = tpu.vector_load %arg8[%swap3A_315, %swap3A_316] {strides = array<i32>} : memref<16x128xi32, #tpu.memory_space<vmem>>, vector<16xi32>,
    tpu.vector_store %arg8[%swap3A_315, %swap3A_316], %add3A_313 {strides = array<i32>} : memref<16x128xi32, #tpu.memory_space<vmem>>, vector<16xi32>,
    %get3A_318 = arith.constant 224 : index
    %get3A_319 = tpu.vector_load %arg5[%get3A_318] {strides = array<i32>} : memref<2048xi32, #tpu.memory_space<vmem>>, vector<16xi32>,
    %and3A_320 = arith.constant 63 : i32
    %and3A_321 = vector.broadcast %and3A_320 : i32 to vector<16xi32>
    %and3A_322 = arith.andi %get3A_319, %and3A_321 : vector<16xi32>
    %shift_right_logical3A_323 = arith.constant 6 : i32
    %shift_right_logical3A_324 = vector.broadcast %shift_right_logical3A_323 : i32 to vector<16xi32>
    %shift_right_logical3A_325 = arith.shrui %get3A_319, %shift_right_logical3A_324 : vector<16xi32>
    %gather3A_326 = tpu.vector_load_idx %arg6[%and3A_322] : memref<64xi32, #tpu.memory_space<vmem>>[vector<16xi32>], vector<16xi32>,
    %add3A_327 = arith.addi %gather3A_326, %shift_right_logical3A_325 : vector<16xi32>
    %swap3A_328 = arith.constant 1 : i32
    %swap3A_329 = arith.index_cast %swap3A_328 : i32 to index
    %swap3A_330 = arith.constant 96 : index
    %swap3A_331 = tpu.vector_load %arg7[%swap3A_329, %swap3A_330] {strides = array<i32>} : memref<16x128xi32, #tpu.memory_space<vmem>>, vector<16xi32>,
    tpu.vector_store %arg7[%swap3A_329, %swap3A_330], %add3A_327 {strides = array<i32>} : memref<16x128xi32, #tpu.memory_space<vmem>>, vector<16xi32>,
    %iota3A_332 = tpu.iota {dimensions = array<i32: 0>} : vector<16xi32>
    %add3A_333 = arith.constant 224 : i32
    %add3A_334 = arith.addi %mul3A_0, %add3A_333 : i32
    %add3A_335 = vector.broadcast %add3A_334 : i32 to vector<16xi32>
    %add3A_336 = arith.addi %iota3A_332, %add3A_335 : vector<16xi32>
    %swap3A_337 = arith.constant 1 : i32
    %swap3A_338 = arith.index_cast %swap3A_337 : i32 to index
    %swap3A_339 = arith.constant 96 : index
    %swap3A_340 = tpu.vector_load %arg8[%swap3A_338, %swap3A_339] {strides = array<i32>} : memref<16x128xi32, #tpu.memory_space<vmem>>, vector<16xi32>,
    tpu.vector_store %arg8[%swap3A_338, %swap3A_339], %add3A_336 {strides = array<i32>} : memref<16x128xi32, #tpu.memory_space<vmem>>, vector<16xi32>,
    %get3A_341 = arith.constant 240 : index
    %get3A_342 = tpu.vector_load %arg5[%get3A_341] {strides = array<i32>} : memref<2048xi32, #tpu.memory_space<vmem>>, vector<16xi32>,
    %and3A_343 = arith.constant 63 : i32
    %and3A_344 = vector.broadcast %and3A_343 : i32 to vector<16xi32>
    %and3A_345 = arith.andi %get3A_342, %and3A_344 : vector<16xi32>
    %shift_right_logical3A_346 = arith.constant 6 : i32
    %shift_right_logical3A_347 = vector.broadcast %shift_right_logical3A_346 : i32 to vector<16xi32>
    %shift_right_logical3A_348 = arith.shrui %get3A_342, %shift_right_logical3A_347 : vector<16xi32>
    %gather3A_349 = tpu.vector_load_idx %arg6[%and3A_345] : memref<64xi32, #tpu.memory_space<vmem>>[vector<16xi32>], vector<16xi32>,
    %add3A_350 = arith.addi %gather3A_349, %shift_right_logical3A_348 : vector<16xi32>
    %swap3A_351 = arith.constant 1 : i32
    %swap3A_352 = arith.index_cast %swap3A_351 : i32 to index
    %swap3A_353 = arith.constant 112 : index
    %swap3A_354 = tpu.vector_load %arg7[%swap3A_352, %swap3A_353] {strides = array<i32>} : memref<16x128xi32, #tpu.memory_space<vmem>>, vector<16xi32>,
    tpu.vector_store %arg7[%swap3A_352, %swap3A_353], %add3A_350 {strides = array<i32>} : memref<16x128xi32, #tpu.memory_space<vmem>>, vector<16xi32>,
    %iota3A_355 = tpu.iota {dimensions = array<i32: 0>} : vector<16xi32>
    %add3A_356 = arith.constant 240 : i32
    %add3A_357 = arith.addi %mul3A_0, %add3A_356 : i32
    %add3A_358 = vector.broadcast %add3A_357 : i32 to vector<16xi32>
    %add3A_359 = arith.addi %iota3A_355, %add3A_358 : vector<16xi32>
    %swap3A_360 = arith.constant 1 : i32
    %swap3A_361 = arith.index_cast %swap3A_360 : i32 to index
    %swap3A_362 = arith.constant 112 : index
    %swap3A_363 = tpu.vector_load %arg8[%swap3A_361, %swap3A_362] {strides = array<i32>} : memref<16x128xi32, #tpu.memory_space<vmem>>, vector<16xi32>,
    tpu.vector_store %arg8[%swap3A_361, %swap3A_362], %add3A_359 {strides = array<i32>} : memref<16x128xi32, #tpu.memory_space<vmem>>, vector<16xi32>,
    %get3A_364 = arith.constant 256 : index
    %get3A_365 = tpu.vector_load %arg5[%get3A_364] {strides = array<i32>} : memref<2048xi32, #tpu.memory_space<vmem>>, vector<16xi32>,
    %and3A_366 = arith.constant 63 : i32
    %and3A_367 = vector.broadcast %and3A_366 : i32 to vector<16xi32>
    %and3A_368 = arith.andi %get3A_365, %and3A_367 : vector<16xi32>
    %shift_right_logical3A_369 = arith.constant 6 : i32
    %shift_right_logical3A_370 = vector.broadcast %shift_right_logical3A_369 : i32 to vector<16xi32>
    %shift_right_logical3A_371 = arith.shrui %get3A_365, %shift_right_logical3A_370 : vector<16xi32>
    %gather3A_372 = tpu.vector_load_idx %arg6[%and3A_368] : memref<64xi32, #tpu.memory_space<vmem>>[vector<16xi32>], vector<16xi32>,
    %add3A_373 = arith.addi %gather3A_372, %shift_right_logical3A_371 : vector<16xi32>
    %swap3A_374 = arith.constant 2 : i32
    %swap3A_375 = arith.index_cast %swap3A_374 : i32 to index
    %swap3A_376 = arith.constant 0 : index
    %swap3A_377 = tpu.vector_load %arg7[%swap3A_375, %swap3A_376] {strides = array<i32>} : memref<16x128xi32, #tpu.memory_space<vmem>>, vector<16xi32>,
    tpu.vector_store %arg7[%swap3A_375, %swap3A_376], %add3A_373 {strides = array<i32>} : memref<16x128xi32, #tpu.memory_space<vmem>>, vector<16xi32>,
    %iota3A_378 = tpu.iota {dimensions = array<i32: 0>} : vector<16xi32>
    %add3A_379 = arith.constant 256 : i32
    %add3A_380 = arith.addi %mul3A_0, %add3A_379 : i32
    %add3A_381 = vector.broadcast %add3A_380 : i32 to vector<16xi32>
    %add3A_382 = arith.addi %iota3A_378, %add3A_381 : vector<16xi32>
    %swap3A_383 = arith.constant 2 : i32
    %swap3A_384 = arith.index_cast %swap3A_383 : i32 to index
    %swap3A_385 = arith.constant 0 : index
    %swap3A_386 = tpu.vector_load %arg8[%swap3A_384, %swap3A_385] {strides = array<i32>} : memref<16x128xi32, #tpu.memory_space<vmem>>, vector<16xi32>,
    tpu.vector_store %arg8[%swap3A_384, %swap3A_385], %add3A_382 {strides = array<i32>} : memref<16x128xi32, #tpu.memory_space<vmem>>, vector<16xi32>,
    %get3A_387 = arith.constant 272 : index
    %get3A_388 = tpu.vector_load %arg5[%get3A_387] {strides = array<i32>} : memref<2048xi32, #tpu.memory_space<vmem>>, vector<16xi32>,
    %and3A_389 = arith.constant 63 : i32
    %and3A_390 = vector.broadcast %and3A_389 : i32 to vector<16xi32>
    %and3A_391 = arith.andi %get3A_388, %and3A_390 : vector<16xi32>
    %shift_right_logical3A_392 = arith.constant 6 : i32
    %shift_right_logical3A_393 = vector.broadcast %shift_right_logical3A_392 : i32 to vector<16xi32>
    %shift_right_logical3A_394 = arith.shrui %get3A_388, %shift_right_logical3A_393 : vector<16xi32>
    %gather3A_395 = tpu.vector_load_idx %arg6[%and3A_391] : memref<64xi32, #tpu.memory_space<vmem>>[vector<16xi32>], vector<16xi32>,
    %add3A_396 = arith.addi %gather3A_395, %shift_right_logical3A_394 : vector<16xi32>
    %swap3A_397 = arith.constant 2 : i32
    %swap3A_398 = arith.index_cast %swap3A_397 : i32 to index
    %swap3A_399 = arith.constant 16 : index
    %swap3A_400 = tpu.vector_load %arg7[%swap3A_398, %swap3A_399] {strides = array<i32>} : memref<16x128xi32, #tpu.memory_space<vmem>>, vector<16xi32>,
    tpu.vector_store %arg7[%swap3A_398, %swap3A_399], %add3A_396 {strides = array<i32>} : memref<16x128xi32, #tpu.memory_space<vmem>>, vector<16xi32>,
    %iota3A_401 = tpu.iota {dimensions = array<i32: 0>} : vector<16xi32>
    %add3A_402 = arith.constant 272 : i32
    %add3A_403 = arith.addi %mul3A_0, %add3A_402 : i32
    %add3A_404 = vector.broadcast %add3A_403 : i32 to vector<16xi32>
    %add3A_405 = arith.addi %iota3A_401, %add3A_404 : vector<16xi32>
    %swap3A_406 = arith.constant 2 : i32
    %swap3A_407 = arith.index_cast %swap3A_406 : i32 to index
    %swap3A_408 = arith.constant 16 : index
    %swap3A_409 = tpu.vector_load %arg8[%swap3A_407, %swap3A_408] {strides = array<i32>} : memref<16x128xi32, #tpu.memory_space<vmem>>, vector<16xi32>,
    tpu.vector_store %arg8[%swap3A_407, %swap3A_408], %add3A_405 {strides = array<i32>} : memref<16x128xi32, #tpu.memory_space<vmem>>, vector<16xi32>,
    %get3A_410 = arith.constant 288 : index
    %get3A_411 = tpu.vector_load %arg5[%get3A_410] {strides = array<i32>} : memref<2048xi32, #tpu.memory_space<vmem>>, vector<16xi32>,
    %and3A_412 = arith.constant 63 : i32
    %and3A_413 = vector.broadcast %and3A_412 : i32 to vector<16xi32>
    %and3A_414 = arith.andi %get3A_411, %and3A_413 : vector<16xi32>
    %shift_right_logical3A_415 = arith.constant 6 : i32
    %shift_right_logical3A_416 = vector.broadcast %shift_right_logical3A_415 : i32 to vector<16xi32>
    %shift_right_logical3A_417 = arith.shrui %get3A_411, %shift_right_logical3A_416 : vector<16xi32>
    %gather3A_418 = tpu.vector_load_idx %arg6[%and3A_414] : memref<64xi32, #tpu.memory_space<vmem>>[vector<16xi32>], vector<16xi32>,
    %add3A_419 = arith.addi %gather3A_418, %shift_right_logical3A_417 : vector<16xi32>
    %swap3A_420 = arith.constant 2 : i32
    %swap3A_421 = arith.index_cast %swap3A_420 : i32 to index
    %swap3A_422 = arith.constant 32 : index
    %swap3A_423 = tpu.vector_load %arg7[%swap3A_421, %swap3A_422] {strides = array<i32>} : memref<16x128xi32, #tpu.memory_space<vmem>>, vector<16xi32>,
    tpu.vector_store %arg7[%swap3A_421, %swap3A_422], %add3A_419 {strides = array<i32>} : memref<16x128xi32, #tpu.memory_space<vmem>>, vector<16xi32>,
    %iota3A_424 = tpu.iota {dimensions = array<i32: 0>} : vector<16xi32>
    %add3A_425 = arith.constant 288 : i32
    %add3A_426 = arith.addi %mul3A_0, %add3A_425 : i32
    %add3A_427 = vector.broadcast %add3A_426 : i32 to vector<16xi32>
    %add3A_428 = arith.addi %iota3A_424, %add3A_427 : vector<16xi32>
    %swap3A_429 = arith.constant 2 : i32
    %swap3A_430 = arith.index_cast %swap3A_429 : i32 to index
    %swap3A_431 = arith.constant 32 : index
    %swap3A_432 = tpu.vector_load %arg8[%swap3A_430, %swap3A_431] {strides = array<i32>} : memref<16x128xi32, #tpu.memory_space<vmem>>, vector<16xi32>,
    tpu.vector_store %arg8[%swap3A_430, %swap3A_431], %add3A_428 {strides = array<i32>} : memref<16x128xi32, #tpu.memory_space<vmem>>, vector<16xi32>,
    %get3A_433 = arith.constant 304 : index
    %get3A_434 = tpu.vector_load %arg5[%get3A_433] {strides = array<i32>} : memref<2048xi32, #tpu.memory_space<vmem>>, vector<16xi32>,
    %and3A_435 = arith.constant 63 : i32
    %and3A_436 = vector.broadcast %and3A_435 : i32 to vector<16xi32>
    %and3A_437 = arith.andi %get3A_434, %and3A_436 : vector<16xi32>
    %shift_right_logical3A_438 = arith.constant 6 : i32
    %shift_right_logical3A_439 = vector.broadcast %shift_right_logical3A_438 : i32 to vector<16xi32>
    %shift_right_logical3A_440 = arith.shrui %get3A_434, %shift_right_logical3A_439 : vector<16xi32>
    %gather3A_441 = tpu.vector_load_idx %arg6[%and3A_437] : memref<64xi32, #tpu.memory_space<vmem>>[vector<16xi32>], vector<16xi32>,
    %add3A_442 = arith.addi %gather3A_441, %shift_right_logical3A_440 : vector<16xi32>
    %swap3A_443 = arith.constant 2 : i32
    %swap3A_444 = arith.index_cast %swap3A_443 : i32 to index
    %swap3A_445 = arith.constant 48 : index
    %swap3A_446 = tpu.vector_load %arg7[%swap3A_444, %swap3A_445] {strides = array<i32>} : memref<16x128xi32, #tpu.memory_space<vmem>>, vector<16xi32>,
    tpu.vector_store %arg7[%swap3A_444, %swap3A_445], %add3A_442 {strides = array<i32>} : memref<16x128xi32, #tpu.memory_space<vmem>>, vector<16xi32>,
    %iota3A_447 = tpu.iota {dimensions = array<i32: 0>} : vector<16xi32>
    %add3A_448 = arith.constant 304 : i32
    %add3A_449 = arith.addi %mul3A_0, %add3A_448 : i32
    %add3A_450 = vector.broadcast %add3A_449 : i32 to vector<16xi32>
    %add3A_451 = arith.addi %iota3A_447, %add3A_450 : vector<16xi32>
    %swap3A_452 = arith.constant 2 : i32
    %swap3A_453 = arith.index_cast %swap3A_452 : i32 to index
    %swap3A_454 = arith.constant 48 : index
    %swap3A_455 = tpu.vector_load %arg8[%swap3A_453, %swap3A_454] {strides = array<i32>} : memref<16x128xi32, #tpu.memory_space<vmem>>, vector<16xi32>,
    tpu.vector_store %arg8[%swap3A_453, %swap3A_454], %add3A_451 {strides = array<i32>} : memref<16x128xi32, #tpu.memory_space<vmem>>, vector<16xi32>,
    %get3A_456 = arith.constant 320 : index
    %get3A_457 = tpu.vector_load %arg5[%get3A_456] {strides = array<i32>} : memref<2048xi32, #tpu.memory_space<vmem>>, vector<16xi32>,
    %and3A_458 = arith.constant 63 : i32
    %and3A_459 = vector.broadcast %and3A_458 : i32 to vector<16xi32>
    %and3A_460 = arith.andi %get3A_457, %and3A_459 : vector<16xi32>
    %shift_right_logical3A_461 = arith.constant 6 : i32
    %shift_right_logical3A_462 = vector.broadcast %shift_right_logical3A_461 : i32 to vector<16xi32>
    %shift_right_logical3A_463 = arith.shrui %get3A_457, %shift_right_logical3A_462 : vector<16xi32>
    %gather3A_464 = tpu.vector_load_idx %arg6[%and3A_460] : memref<64xi32, #tpu.memory_space<vmem>>[vector<16xi32>], vector<16xi32>,
    %add3A_465 = arith.addi %gather3A_464, %shift_right_logical3A_463 : vector<16xi32>
    %swap3A_466 = arith.constant 2 : i32
    %swap3A_467 = arith.index_cast %swap3A_466 : i32 to index
    %swap3A_468 = arith.constant 64 : index
    %swap3A_469 = tpu.vector_load %arg7[%swap3A_467, %swap3A_468] {strides = array<i32>} : memref<16x128xi32, #tpu.memory_space<vmem>>, vector<16xi32>,
    tpu.vector_store %arg7[%swap3A_467, %swap3A_468], %add3A_465 {strides = array<i32>} : memref<16x128xi32, #tpu.memory_space<vmem>>, vector<16xi32>,
    %iota3A_470 = tpu.iota {dimensions = array<i32: 0>} : vector<16xi32>
    %add3A_471 = arith.constant 320 : i32
    %add3A_472 = arith.addi %mul3A_0, %add3A_471 : i32
    %add3A_473 = vector.broadcast %add3A_472 : i32 to vector<16xi32>
    %add3A_474 = arith.addi %iota3A_470, %add3A_473 : vector<16xi32>
    %swap3A_475 = arith.constant 2 : i32
    %swap3A_476 = arith.index_cast %swap3A_475 : i32 to index
    %swap3A_477 = arith.constant 64 : index
    %swap3A_478 = tpu.vector_load %arg8[%swap3A_476, %swap3A_477] {strides = array<i32>} : memref<16x128xi32, #tpu.memory_space<vmem>>, vector<16xi32>,
    tpu.vector_store %arg8[%swap3A_476, %swap3A_477], %add3A_474 {strides = array<i32>} : memref<16x128xi32, #tpu.memory_space<vmem>>, vector<16xi32>,
    %get3A_479 = arith.constant 336 : index
    %get3A_480 = tpu.vector_load %arg5[%get3A_479] {strides = array<i32>} : memref<2048xi32, #tpu.memory_space<vmem>>, vector<16xi32>,
    %and3A_481 = arith.constant 63 : i32
    %and3A_482 = vector.broadcast %and3A_481 : i32 to vector<16xi32>
    %and3A_483 = arith.andi %get3A_480, %and3A_482 : vector<16xi32>
    %shift_right_logical3A_484 = arith.constant 6 : i32
    %shift_right_logical3A_485 = vector.broadcast %shift_right_logical3A_484 : i32 to vector<16xi32>
    %shift_right_logical3A_486 = arith.shrui %get3A_480, %shift_right_logical3A_485 : vector<16xi32>
    %gather3A_487 = tpu.vector_load_idx %arg6[%and3A_483] : memref<64xi32, #tpu.memory_space<vmem>>[vector<16xi32>], vector<16xi32>,
    %add3A_488 = arith.addi %gather3A_487, %shift_right_logical3A_486 : vector<16xi32>
    %swap3A_489 = arith.constant 2 : i32
    %swap3A_490 = arith.index_cast %swap3A_489 : i32 to index
    %swap3A_491 = arith.constant 80 : index
    %swap3A_492 = tpu.vector_load %arg7[%swap3A_490, %swap3A_491] {strides = array<i32>} : memref<16x128xi32, #tpu.memory_space<vmem>>, vector<16xi32>,
    tpu.vector_store %arg7[%swap3A_490, %swap3A_491], %add3A_488 {strides = array<i32>} : memref<16x128xi32, #tpu.memory_space<vmem>>, vector<16xi32>,
    %iota3A_493 = tpu.iota {dimensions = array<i32: 0>} : vector<16xi32>
    %add3A_494 = arith.constant 336 : i32
    %add3A_495 = arith.addi %mul3A_0, %add3A_494 : i32
    %add3A_496 = vector.broadcast %add3A_495 : i32 to vector<16xi32>
    %add3A_497 = arith.addi %iota3A_493, %add3A_496 : vector<16xi32>
    %swap3A_498 = arith.constant 2 : i32
    %swap3A_499 = arith.index_cast %swap3A_498 : i32 to index
    %swap3A_500 = arith.constant 80 : index
    %swap3A_501 = tpu.vector_load %arg8[%swap3A_499, %swap3A_500] {strides = array<i32>} : memref<16x128xi32, #tpu.memory_space<vmem>>, vector<16xi32>,
    tpu.vector_store %arg8[%swap3A_499, %swap3A_500], %add3A_497 {strides = array<i32>} : memref<16x128xi32, #tpu.memory_space<vmem>>, vector<16xi32>,
    %get3A_502 = arith.constant 352 : index
    %get3A_503 = tpu.vector_load %arg5[%get3A_502] {strides = array<i32>} : memref<2048xi32, #tpu.memory_space<vmem>>, vector<16xi32>,
    %and3A_504 = arith.constant 63 : i32
    %and3A_505 = vector.broadcast %and3A_504 : i32 to vector<16xi32>
    %and3A_506 = arith.andi %get3A_503, %and3A_505 : vector<16xi32>
    %shift_right_logical3A_507 = arith.constant 6 : i32
    %shift_right_logical3A_508 = vector.broadcast %shift_right_logical3A_507 : i32 to vector<16xi32>
    %shift_right_logical3A_509 = arith.shrui %get3A_503, %shift_right_logical3A_508 : vector<16xi32>
    %gather3A_510 = tpu.vector_load_idx %arg6[%and3A_506] : memref<64xi32, #tpu.memory_space<vmem>>[vector<16xi32>], vector<16xi32>,
    %add3A_511 = arith.addi %gather3A_510, %shift_right_logical3A_509 : vector<16xi32>
    %swap3A_512 = arith.constant 2 : i32
    %swap3A_513 = arith.index_cast %swap3A_512 : i32 to index
    %swap3A_514 = arith.constant 96 : index
    %swap3A_515 = tpu.vector_load %arg7[%swap3A_513, %swap3A_514] {strides = array<i32>} : memref<16x128xi32, #tpu.memory_space<vmem>>, vector<16xi32>,
    tpu.vector_store %arg7[%swap3A_513, %swap3A_514], %add3A_511 {strides = array<i32>} : memref<16x128xi32, #tpu.memory_space<vmem>>, vector<16xi32>,
    %iota3A_516 = tpu.iota {dimensions = array<i32: 0>} : vector<16xi32>
    %add3A_517 = arith.constant 352 : i32
    %add3A_518 = arith.addi %mul3A_0, %add3A_517 : i32
    %add3A_519 = vector.broadcast %add3A_518 : i32 to vector<16xi32>
    %add3A_520 = arith.addi %iota3A_516, %add3A_519 : vector<16xi32>
    %swap3A_521 = arith.constant 2 : i32
    %swap3A_522 = arith.index_cast %swap3A_521 : i32 to index
    %swap3A_523 = arith.constant 96 : index
    %swap3A_524 = tpu.vector_load %arg8[%swap3A_522, %swap3A_523] {strides = array<i32>} : memref<16x128xi32, #tpu.memory_space<vmem>>, vector<16xi32>,
    tpu.vector_store %arg8[%swap3A_522, %swap3A_523], %add3A_520 {strides = array<i32>} : memref<16x128xi32, #tpu.memory_space<vmem>>, vector<16xi32>,
    %get3A_525 = arith.constant 368 : index
    %get3A_526 = tpu.vector_load %arg5[%get3A_525] {strides = array<i32>} : memref<2048xi32, #tpu.memory_space<vmem>>, vector<16xi32>,
    %and3A_527 = arith.constant 63 : i32
    %and3A_528 = vector.broadcast %and3A_527 : i32 to vector<16xi32>
    %and3A_529 = arith.andi %get3A_526, %and3A_528 : vector<16xi32>
    %shift_right_logical3A_530 = arith.constant 6 : i32
    %shift_right_logical3A_531 = vector.broadcast %shift_right_logical3A_530 : i32 to vector<16xi32>
    %shift_right_logical3A_532 = arith.shrui %get3A_526, %shift_right_logical3A_531 : vector<16xi32>
    %gather3A_533 = tpu.vector_load_idx %arg6[%and3A_529] : memref<64xi32, #tpu.memory_space<vmem>>[vector<16xi32>], vector<16xi32>,
    %add3A_534 = arith.addi %gather3A_533, %shift_right_logical3A_532 : vector<16xi32>
    %swap3A_535 = arith.constant 2 : i32
    %swap3A_536 = arith.index_cast %swap3A_535 : i32 to index
    %swap3A_537 = arith.constant 112 : index
    %swap3A_538 = tpu.vector_load %arg7[%swap3A_536, %swap3A_537] {strides = array<i32>} : memref<16x128xi32, #tpu.memory_space<vmem>>, vector<16xi32>,
    tpu.vector_store %arg7[%swap3A_536, %swap3A_537], %add3A_534 {strides = array<i32>} : memref<16x128xi32, #tpu.memory_space<vmem>>, vector<16xi32>,
    %iota3A_539 = tpu.iota {dimensions = array<i32: 0>} : vector<16xi32>
    %add3A_540 = arith.constant 368 : i32
    %add3A_541 = arith.addi %mul3A_0, %add3A_540 : i32
    %add3A_542 = vector.broadcast %add3A_541 : i32 to vector<16xi32>
    %add3A_543 = arith.addi %iota3A_539, %add3A_542 : vector<16xi32>
    %swap3A_544 = arith.constant 2 : i32
    %swap3A_545 = arith.index_cast %swap3A_544 : i32 to index
    %swap3A_546 = arith.constant 112 : index
    %swap3A_547 = tpu.vector_load %arg8[%swap3A_545, %swap3A_546] {strides = array<i32>} : memref<16x128xi32, #tpu.memory_space<vmem>>, vector<16xi32>,
    tpu.vector_store %arg8[%swap3A_545, %swap3A_546], %add3A_543 {strides = array<i32>} : memref<16x128xi32, #tpu.memory_space<vmem>>, vector<16xi32>,
    %get3A_548 = arith.constant 384 : index
    %get3A_549 = tpu.vector_load %arg5[%get3A_548] {strides = array<i32>} : memref<2048xi32, #tpu.memory_space<vmem>>, vector<16xi32>,
    %and3A_550 = arith.constant 63 : i32
    %and3A_551 = vector.broadcast %and3A_550 : i32 to vector<16xi32>
    %and3A_552 = arith.andi %get3A_549, %and3A_551 : vector<16xi32>
    %shift_right_logical3A_553 = arith.constant 6 : i32
    %shift_right_logical3A_554 = vector.broadcast %shift_right_logical3A_553 : i32 to vector<16xi32>
    %shift_right_logical3A_555 = arith.shrui %get3A_549, %shift_right_logical3A_554 : vector<16xi32>
    %gather3A_556 = tpu.vector_load_idx %arg6[%and3A_552] : memref<64xi32, #tpu.memory_space<vmem>>[vector<16xi32>], vector<16xi32>,
    %add3A_557 = arith.addi %gather3A_556, %shift_right_logical3A_555 : vector<16xi32>
    %swap3A_558 = arith.constant 3 : i32
    %swap3A_559 = arith.index_cast %swap3A_558 : i32 to index
    %swap3A_560 = arith.constant 0 : index
    %swap3A_561 = tpu.vector_load %arg7[%swap3A_559, %swap3A_560] {strides = array<i32>} : memref<16x128xi32, #tpu.memory_space<vmem>>, vector<16xi32>,
    tpu.vector_store %arg7[%swap3A_559, %swap3A_560], %add3A_557 {strides = array<i32>} : memref<16x128xi32, #tpu.memory_space<vmem>>, vector<16xi32>,
    %iota3A_562 = tpu.iota {dimensions = array<i32: 0>} : vector<16xi32>
    %add3A_563 = arith.constant 384 : i32
    %add3A_564 = arith.addi %mul3A_0, %add3A_563 : i32
    %add3A_565 = vector.broadcast %add3A_564 : i32 to vector<16xi32>
    %add3A_566 = arith.addi %iota3A_562, %add3A_565 : vector<16xi32>
    %swap3A_567 = arith.constant 3 : i32
    %swap3A_568 = arith.index_cast %swap3A_567 : i32 to index
    %swap3A_569 = arith.constant 0 : index
    %swap3A_570 = tpu.vector_load %arg8[%swap3A_568, %swap3A_569] {strides = array<i32>} : memref<16x128xi32, #tpu.memory_space<vmem>>, vector<16xi32>,
    tpu.vector_store %arg8[%swap3A_568, %swap3A_569], %add3A_566 {strides = array<i32>} : memref<16x128xi32, #tpu.memory_space<vmem>>, vector<16xi32>,
    %get3A_571 = arith.constant 400 : index
    %get3A_572 = tpu.vector_load %arg5[%get3A_571] {strides = array<i32>} : memref<2048xi32, #tpu.memory_space<vmem>>, vector<16xi32>,
    %and3A_573 = arith.constant 63 : i32
    %and3A_574 = vector.broadcast %and3A_573 : i32 to vector<16xi32>
    %and3A_575 = arith.andi %get3A_572, %and3A_574 : vector<16xi32>
    %shift_right_logical3A_576 = arith.constant 6 : i32
    %shift_right_logical3A_577 = vector.broadcast %shift_right_logical3A_576 : i32 to vector<16xi32>
    %shift_right_logical3A_578 = arith.shrui %get3A_572, %shift_right_logical3A_577 : vector<16xi32>
    %gather3A_579 = tpu.vector_load_idx %arg6[%and3A_575] : memref<64xi32, #tpu.memory_space<vmem>>[vector<16xi32>], vector<16xi32>,
    %add3A_580 = arith.addi %gather3A_579, %shift_right_logical3A_578 : vector<16xi32>
    %swap3A_581 = arith.constant 3 : i32
    %swap3A_582 = arith.index_cast %swap3A_581 : i32 to index
    %swap3A_583 = arith.constant 16 : index
    %swap3A_584 = tpu.vector_load %arg7[%swap3A_582, %swap3A_583] {strides = array<i32>} : memref<16x128xi32, #tpu.memory_space<vmem>>, vector<16xi32>,
    tpu.vector_store %arg7[%swap3A_582, %swap3A_583], %add3A_580 {strides = array<i32>} : memref<16x128xi32, #tpu.memory_space<vmem>>, vector<16xi32>,
    %iota3A_585 = tpu.iota {dimensions = array<i32: 0>} : vector<16xi32>
    %add3A_586 = arith.constant 400 : i32
    %add3A_587 = arith.addi %mul3A_0, %add3A_586 : i32
    %add3A_588 = vector.broadcast %add3A_587 : i32 to vector<16xi32>
    %add3A_589 = arith.addi %iota3A_585, %add3A_588 : vector<16xi32>
    %swap3A_590 = arith.constant 3 : i32
    %swap3A_591 = arith.index_cast %swap3A_590 : i32 to index
    %swap3A_592 = arith.constant 16 : index
    %swap3A_593 = tpu.vector_load %arg8[%swap3A_591, %swap3A_592] {strides = array<i32>} : memref<16x128xi32, #tpu.memory_space<vmem>>, vector<16xi32>,
    tpu.vector_store %arg8[%swap3A_591, %swap3A_592], %add3A_589 {strides = array<i32>} : memref<16x128xi32, #tpu.memory_space<vmem>>, vector<16xi32>,
    %get3A_594 = arith.constant 416 : index
    %get3A_595 = tpu.vector_load %arg5[%get3A_594] {strides = array<i32>} : memref<2048xi32, #tpu.memory_space<vmem>>, vector<16xi32>,
    %and3A_596 = arith.constant 63 : i32
    %and3A_597 = vector.broadcast %and3A_596 : i32 to vector<16xi32>
    %and3A_598 = arith.andi %get3A_595, %and3A_597 : vector<16xi32>
    %shift_right_logical3A_599 = arith.constant 6 : i32
    %shift_right_logical3A_600 = vector.broadcast %shift_right_logical3A_599 : i32 to vector<16xi32>
    %shift_right_logical3A_601 = arith.shrui %get3A_595, %shift_right_logical3A_600 : vector<16xi32>
    %gather3A_602 = tpu.vector_load_idx %arg6[%and3A_598] : memref<64xi32, #tpu.memory_space<vmem>>[vector<16xi32>], vector<16xi32>,
    %add3A_603 = arith.addi %gather3A_602, %shift_right_logical3A_601 : vector<16xi32>
    %swap3A_604 = arith.constant 3 : i32
    %swap3A_605 = arith.index_cast %swap3A_604 : i32 to index
    %swap3A_606 = arith.constant 32 : index
    %swap3A_607 = tpu.vector_load %arg7[%swap3A_605, %swap3A_606] {strides = array<i32>} : memref<16x128xi32, #tpu.memory_space<vmem>>, vector<16xi32>,
    tpu.vector_store %arg7[%swap3A_605, %swap3A_606], %add3A_603 {strides = array<i32>} : memref<16x128xi32, #tpu.memory_space<vmem>>, vector<16xi32>,
    %iota3A_608 = tpu.iota {dimensions = array<i32: 0>} : vector<16xi32>
    %add3A_609 = arith.constant 416 : i32
    %add3A_610 = arith.addi %mul3A_0, %add3A_609 : i32
    %add3A_611 = vector.broadcast %add3A_610 : i32 to vector<16xi32>
    %add3A_612 = arith.addi %iota3A_608, %add3A_611 : vector<16xi32>
    %swap3A_613 = arith.constant 3 : i32
    %swap3A_614 = arith.index_cast %swap3A_613 : i32 to index
    %swap3A_615 = arith.constant 32 : index
    %swap3A_616 = tpu.vector_load %arg8[%swap3A_614, %swap3A_615] {strides = array<i32>} : memref<16x128xi32, #tpu.memory_space<vmem>>, vector<16xi32>,
    tpu.vector_store %arg8[%swap3A_614, %swap3A_615], %add3A_612 {strides = array<i32>} : memref<16x128xi32, #tpu.memory_space<vmem>>, vector<16xi32>,
    %get3A_617 = arith.constant 432 : index
    %get3A_618 = tpu.vector_load %arg5[%get3A_617] {strides = array<i32>} : memref<2048xi32, #tpu.memory_space<vmem>>, vector<16xi32>,
    %and3A_619 = arith.constant 63 : i32
    %and3A_620 = vector.broadcast %and3A_619 : i32 to vector<16xi32>
    %and3A_621 = arith.andi %get3A_618, %and3A_620 : vector<16xi32>
    %shift_right_logical3A_622 = arith.constant 6 : i32
    %shift_right_logical3A_623 = vector.broadcast %shift_right_logical3A_622 : i32 to vector<16xi32>
    %shift_right_logical3A_624 = arith.shrui %get3A_618, %shift_right_logical3A_623 : vector<16xi32>
    %gather3A_625 = tpu.vector_load_idx %arg6[%and3A_621] : memref<64xi32, #tpu.memory_space<vmem>>[vector<16xi32>], vector<16xi32>,
    %add3A_626 = arith.addi %gather3A_625, %shift_right_logical3A_624 : vector<16xi32>
    %swap3A_627 = arith.constant 3 : i32
    %swap3A_628 = arith.index_cast %swap3A_627 : i32 to index
    %swap3A_629 = arith.constant 48 : index
    %swap3A_630 = tpu.vector_load %arg7[%swap3A_628, %swap3A_629] {strides = array<i32>} : memref<16x128xi32, #tpu.memory_space<vmem>>, vector<16xi32>,
    tpu.vector_store %arg7[%swap3A_628, %swap3A_629], %add3A_626 {strides = array<i32>} : memref<16x128xi32, #tpu.memory_space<vmem>>, vector<16xi32>,
    %iota3A_631 = tpu.iota {dimensions = array<i32: 0>} : vector<16xi32>
    %add3A_632 = arith.constant 432 : i32
    %add3A_633 = arith.addi %mul3A_0, %add3A_632 : i32
    %add3A_634 = vector.broadcast %add3A_633 : i32 to vector<16xi32>
    %add3A_635 = arith.addi %iota3A_631, %add3A_634 : vector<16xi32>
    %swap3A_636 = arith.constant 3 : i32
    %swap3A_637 = arith.index_cast %swap3A_636 : i32 to index
    %swap3A_638 = arith.constant 48 : index
    %swap3A_639 = tpu.vector_load %arg8[%swap3A_637, %swap3A_638] {strides = array<i32>} : memref<16x128xi32, #tpu.memory_space<vmem>>, vector<16xi32>,
    tpu.vector_store %arg8[%swap3A_637, %swap3A_638], %add3A_635 {strides = array<i32>} : memref<16x128xi32, #tpu.memory_space<vmem>>, vector<16xi32>,
    %get3A_640 = arith.constant 448 : index
    %get3A_641 = tpu.vector_load %arg5[%get3A_640] {strides = array<i32>} : memref<2048xi32, #tpu.memory_space<vmem>>, vector<16xi32>,
    %and3A_642 = arith.constant 63 : i32
    %and3A_643 = vector.broadcast %and3A_642 : i32 to vector<16xi32>
    %and3A_644 = arith.andi %get3A_641, %and3A_643 : vector<16xi32>
    %shift_right_logical3A_645 = arith.constant 6 : i32
    %shift_right_logical3A_646 = vector.broadcast %shift_right_logical3A_645 : i32 to vector<16xi32>
    %shift_right_logical3A_647 = arith.shrui %get3A_641, %shift_right_logical3A_646 : vector<16xi32>
    %gather3A_648 = tpu.vector_load_idx %arg6[%and3A_644] : memref<64xi32, #tpu.memory_space<vmem>>[vector<16xi32>], vector<16xi32>,
    %add3A_649 = arith.addi %gather3A_648, %shift_right_logical3A_647 : vector<16xi32>
    %swap3A_650 = arith.constant 3 : i32
    %swap3A_651 = arith.index_cast %swap3A_650 : i32 to index
    %swap3A_652 = arith.constant 64 : index
    %swap3A_653 = tpu.vector_load %arg7[%swap3A_651, %swap3A_652] {strides = array<i32>} : memref<16x128xi32, #tpu.memory_space<vmem>>, vector<16xi32>,
    tpu.vector_store %arg7[%swap3A_651, %swap3A_652], %add3A_649 {strides = array<i32>} : memref<16x128xi32, #tpu.memory_space<vmem>>, vector<16xi32>,
    %iota3A_654 = tpu.iota {dimensions = array<i32: 0>} : vector<16xi32>
    %add3A_655 = arith.constant 448 : i32
    %add3A_656 = arith.addi %mul3A_0, %add3A_655 : i32
    %add3A_657 = vector.broadcast %add3A_656 : i32 to vector<16xi32>
    %add3A_658 = arith.addi %iota3A_654, %add3A_657 : vector<16xi32>
    %swap3A_659 = arith.constant 3 : i32
    %swap3A_660 = arith.index_cast %swap3A_659 : i32 to index
    %swap3A_661 = arith.constant 64 : index
    %swap3A_662 = tpu.vector_load %arg8[%swap3A_660, %swap3A_661] {strides = array<i32>} : memref<16x128xi32, #tpu.memory_space<vmem>>, vector<16xi32>,
    tpu.vector_store %arg8[%swap3A_660, %swap3A_661], %add3A_658 {strides = array<i32>} : memref<16x128xi32, #tpu.memory_space<vmem>>, vector<16xi32>,
    %get3A_663 = arith.constant 464 : index
    %get3A_664 = tpu.vector_load %arg5[%get3A_663] {strides = array<i32>} : memref<2048xi32, #tpu.memory_space<vmem>>, vector<16xi32>,
    %and3A_665 = arith.constant 63 : i32
    %and3A_666 = vector.broadcast %and3A_665 : i32 to vector<16xi32>
    %and3A_667 = arith.andi %get3A_664, %and3A_666 : vector<16xi32>
    %shift_right_logical3A_668 = arith.constant 6 : i32
    %shift_right_logical3A_669 = vector.broadcast %shift_right_logical3A_668 : i32 to vector<16xi32>
    %shift_right_logical3A_670 = arith.shrui %get3A_664, %shift_right_logical3A_669 : vector<16xi32>
    %gather3A_671 = tpu.vector_load_idx %arg6[%and3A_667] : memref<64xi32, #tpu.memory_space<vmem>>[vector<16xi32>], vector<16xi32>,
    %add3A_672 = arith.addi %gather3A_671, %shift_right_logical3A_670 : vector<16xi32>
    %swap3A_673 = arith.constant 3 : i32
    %swap3A_674 = arith.index_cast %swap3A_673 : i32 to index
    %swap3A_675 = arith.constant 80 : index
    %swap3A_676 = tpu.vector_load %arg7[%swap3A_674, %swap3A_675] {strides = array<i32>} : memref<16x128xi32, #tpu.memory_space<vmem>>, vector<16xi32>,
    tpu.vector_store %arg7[%swap3A_674, %swap3A_675], %add3A_672 {strides = array<i32>} : memref<16x128xi32, #tpu.memory_space<vmem>>, vector<16xi32>,
    %iota3A_677 = tpu.iota {dimensions = array<i32: 0>} : vector<16xi32>
    %add3A_678 = arith.constant 464 : i32
    %add3A_679 = arith.addi %mul3A_0, %add3A_678 : i32
    %add3A_680 = vector.broadcast %add3A_679 : i32 to vector<16xi32>
    %add3A_681 = arith.addi %iota3A_677, %add3A_680 : vector<16xi32>
    %swap3A_682 = arith.constant 3 : i32
    %swap3A_683 = arith.index_cast %swap3A_682 : i32 to index
    %swap3A_684 = arith.constant 80 : index
    %swap3A_685 = tpu.vector_load %arg8[%swap3A_683, %swap3A_684] {strides = array<i32>} : memref<16x128xi32, #tpu.memory_space<vmem>>, vector<16xi32>,
    tpu.vector_store %arg8[%swap3A_683, %swap3A_684], %add3A_681 {strides = array<i32>} : memref<16x128xi32, #tpu.memory_space<vmem>>, vector<16xi32>,
    %get3A_686 = arith.constant 480 : index
    %get3A_687 = tpu.vector_load %arg5[%get3A_686] {strides = array<i32>} : memref<2048xi32, #tpu.memory_space<vmem>>, vector<16xi32>,
    %and3A_688 = arith.constant 63 : i32
    %and3A_689 = vector.broadcast %and3A_688 : i32 to vector<16xi32>
    %and3A_690 = arith.andi %get3A_687, %and3A_689 : vector<16xi32>
    %shift_right_logical3A_691 = arith.constant 6 : i32
    %shift_right_logical3A_692 = vector.broadcast %shift_right_logical3A_691 : i32 to vector<16xi32>
    %shift_right_logical3A_693 = arith.shrui %get3A_687, %shift_right_logical3A_692 : vector<16xi32>
    %gather3A_694 = tpu.vector_load_idx %arg6[%and3A_690] : memref<64xi32, #tpu.memory_space<vmem>>[vector<16xi32>], vector<16xi32>,
    %add3A_695 = arith.addi %gather3A_694, %shift_right_logical3A_693 : vector<16xi32>
    %swap3A_696 = arith.constant 3 : i32
    %swap3A_697 = arith.index_cast %swap3A_696 : i32 to index
    %swap3A_698 = arith.constant 96 : index
    %swap3A_699 = tpu.vector_load %arg7[%swap3A_697, %swap3A_698] {strides = array<i32>} : memref<16x128xi32, #tpu.memory_space<vmem>>, vector<16xi32>,
    tpu.vector_store %arg7[%swap3A_697, %swap3A_698], %add3A_695 {strides = array<i32>} : memref<16x128xi32, #tpu.memory_space<vmem>>, vector<16xi32>,
    %iota3A_700 = tpu.iota {dimensions = array<i32: 0>} : vector<16xi32>
    %add3A_701 = arith.constant 480 : i32
    %add3A_702 = arith.addi %mul3A_0, %add3A_701 : i32
    %add3A_703 = vector.broadcast %add3A_702 : i32 to vector<16xi32>
    %add3A_704 = arith.addi %iota3A_700, %add3A_703 : vector<16xi32>
    %swap3A_705 = arith.constant 3 : i32
    %swap3A_706 = arith.index_cast %swap3A_705 : i32 to index
    %swap3A_707 = arith.constant 96 : index
    %swap3A_708 = tpu.vector_load %arg8[%swap3A_706, %swap3A_707] {strides = array<i32>} : memref<16x128xi32, #tpu.memory_space<vmem>>, vector<16xi32>,
    tpu.vector_store %arg8[%swap3A_706, %swap3A_707], %add3A_704 {strides = array<i32>} : memref<16x128xi32, #tpu.memory_space<vmem>>, vector<16xi32>,
    %get3A_709 = arith.constant 496 : index
    %get3A_710 = tpu.vector_load %arg5[%get3A_709] {strides = array<i32>} : memref<2048xi32, #tpu.memory_space<vmem>>, vector<16xi32>,
    %and3A_711 = arith.constant 63 : i32
    %and3A_712 = vector.broadcast %and3A_711 : i32 to vector<16xi32>
    %and3A_713 = arith.andi %get3A_710, %and3A_712 : vector<16xi32>
    %shift_right_logical3A_714 = arith.constant 6 : i32
    %shift_right_logical3A_715 = vector.broadcast %shift_right_logical3A_714 : i32 to vector<16xi32>
    %shift_right_logical3A_716 = arith.shrui %get3A_710, %shift_right_logical3A_715 : vector<16xi32>
    %gather3A_717 = tpu.vector_load_idx %arg6[%and3A_713] : memref<64xi32, #tpu.memory_space<vmem>>[vector<16xi32>], vector<16xi32>,
    %add3A_718 = arith.addi %gather3A_717, %shift_right_logical3A_716 : vector<16xi32>
    %swap3A_719 = arith.constant 3 : i32
    %swap3A_720 = arith.index_cast %swap3A_719 : i32 to index
    %swap3A_721 = arith.constant 112 : index
    %swap3A_722 = tpu.vector_load %arg7[%swap3A_720, %swap3A_721] {strides = array<i32>} : memref<16x128xi32, #tpu.memory_space<vmem>>, vector<16xi32>,
    tpu.vector_store %arg7[%swap3A_720, %swap3A_721], %add3A_718 {strides = array<i32>} : memref<16x128xi32, #tpu.memory_space<vmem>>, vector<16xi32>,
    %iota3A_723 = tpu.iota {dimensions = array<i32: 0>} : vector<16xi32>
    %add3A_724 = arith.constant 496 : i32
    %add3A_725 = arith.addi %mul3A_0, %add3A_724 : i32
    %add3A_726 = vector.broadcast %add3A_725 : i32 to vector<16xi32>
    %add3A_727 = arith.addi %iota3A_723, %add3A_726 : vector<16xi32>
    %swap3A_728 = arith.constant 3 : i32
    %swap3A_729 = arith.index_cast %swap3A_728 : i32 to index
    %swap3A_730 = arith.constant 112 : index
    %swap3A_731 = tpu.vector_load %arg8[%swap3A_729, %swap3A_730] {strides = array<i32>} : memref<16x128xi32, #tpu.memory_space<vmem>>, vector<16xi32>,
    tpu.vector_store %arg8[%swap3A_729, %swap3A_730], %add3A_727 {strides = array<i32>} : memref<16x128xi32, #tpu.memory_space<vmem>>, vector<16xi32>,
    %get3A_732 = arith.constant 512 : index
    %get3A_733 = tpu.vector_load %arg5[%get3A_732] {strides = array<i32>} : memref<2048xi32, #tpu.memory_space<vmem>>, vector<16xi32>,
    %and3A_734 = arith.constant 63 : i32
    %and3A_735 = vector.broadcast %and3A_734 : i32 to vector<16xi32>
    %and3A_736 = arith.andi %get3A_733, %and3A_735 : vector<16xi32>
    %shift_right_logical3A_737 = arith.constant 6 : i32
    %shift_right_logical3A_738 = vector.broadcast %shift_right_logical3A_737 : i32 to vector<16xi32>
    %shift_right_logical3A_739 = arith.shrui %get3A_733, %shift_right_logical3A_738 : vector<16xi32>
    %gather3A_740 = tpu.vector_load_idx %arg6[%and3A_736] : memref<64xi32, #tpu.memory_space<vmem>>[vector<16xi32>], vector<16xi32>,
    %add3A_741 = arith.addi %gather3A_740, %shift_right_logical3A_739 : vector<16xi32>
    %swap3A_742 = arith.constant 4 : i32
    %swap3A_743 = arith.index_cast %swap3A_742 : i32 to index
    %swap3A_744 = arith.constant 0 : index
    %swap3A_745 = tpu.vector_load %arg7[%swap3A_743, %swap3A_744] {strides = array<i32>} : memref<16x128xi32, #tpu.memory_space<vmem>>, vector<16xi32>,
    tpu.vector_store %arg7[%swap3A_743, %swap3A_744], %add3A_741 {strides = array<i32>} : memref<16x128xi32, #tpu.memory_space<vmem>>, vector<16xi32>,
    %iota3A_746 = tpu.iota {dimensions = array<i32: 0>} : vector<16xi32>
    %add3A_747 = arith.constant 512 : i32
    %add3A_748 = arith.addi %mul3A_0, %add3A_747 : i32
    %add3A_749 = vector.broadcast %add3A_748 : i32 to vector<16xi32>
    %add3A_750 = arith.addi %iota3A_746, %add3A_749 : vector<16xi32>
    %swap3A_751 = arith.constant 4 : i32
    %swap3A_752 = arith.index_cast %swap3A_751 : i32 to index
    %swap3A_753 = arith.constant 0 : index
    %swap3A_754 = tpu.vector_load %arg8[%swap3A_752, %swap3A_753] {strides = array<i32>} : memref<16x128xi32, #tpu.memory_space<vmem>>, vector<16xi32>,
    tpu.vector_store %arg8[%swap3A_752, %swap3A_753], %add3A_750 {strides = array<i32>} : memref<16x128xi32, #tpu.memory_space<vmem>>, vector<16xi32>,
    %get3A_755 = arith.constant 528 : index
    %get3A_756 = tpu.vector_load %arg5[%get3A_755] {strides = array<i32>} : memref<2048xi32, #tpu.memory_space<vmem>>, vector<16xi32>,
    %and3A_757 = arith.constant 63 : i32
    %and3A_758 = vector.broadcast %and3A_757 : i32 to vector<16xi32>
    %and3A_759 = arith.andi %get3A_756, %and3A_758 : vector<16xi32>
    %shift_right_logical3A_760 = arith.constant 6 : i32
    %shift_right_logical3A_761 = vector.broadcast %shift_right_logical3A_760 : i32 to vector<16xi32>
    %shift_right_logical3A_762 = arith.shrui %get3A_756, %shift_right_logical3A_761 : vector<16xi32>
    %gather3A_763 = tpu.vector_load_idx %arg6[%and3A_759] : memref<64xi32, #tpu.memory_space<vmem>>[vector<16xi32>], vector<16xi32>,
    %add3A_764 = arith.addi %gather3A_763, %shift_right_logical3A_762 : vector<16xi32>
    %swap3A_765 = arith.constant 4 : i32
    %swap3A_766 = arith.index_cast %swap3A_765 : i32 to index
    %swap3A_767 = arith.constant 16 : index
    %swap3A_768 = tpu.vector_load %arg7[%swap3A_766, %swap3A_767] {strides = array<i32>} : memref<16x128xi32, #tpu.memory_space<vmem>>, vector<16xi32>,
    tpu.vector_store %arg7[%swap3A_766, %swap3A_767], %add3A_764 {strides = array<i32>} : memref<16x128xi32, #tpu.memory_space<vmem>>, vector<16xi32>,
    %iota3A_769 = tpu.iota {dimensions = array<i32: 0>} : vector<16xi32>
    %add3A_770 = arith.constant 528 : i32
    %add3A_771 = arith.addi %mul3A_0, %add3A_770 : i32
    %add3A_772 = vector.broadcast %add3A_771 : i32 to vector<16xi32>
    %add3A_773 = arith.addi %iota3A_769, %add3A_772 : vector<16xi32>
    %swap3A_774 = arith.constant 4 : i32
    %swap3A_775 = arith.index_cast %swap3A_774 : i32 to index
    %swap3A_776 = arith.constant 16 : index
    %swap3A_777 = tpu.vector_load %arg8[%swap3A_775, %swap3A_776] {strides = array<i32>} : memref<16x128xi32, #tpu.memory_space<vmem>>, vector<16xi32>,
    tpu.vector_store %arg8[%swap3A_775, %swap3A_776], %add3A_773 {strides = array<i32>} : memref<16x128xi32, #tpu.memory_space<vmem>>, vector<16xi32>,
    %get3A_778 = arith.constant 544 : index
    %get3A_779 = tpu.vector_load %arg5[%get3A_778] {strides = array<i32>} : memref<2048xi32, #tpu.memory_space<vmem>>, vector<16xi32>,
    %and3A_780 = arith.constant 63 : i32
    %and3A_781 = vector.broadcast %and3A_780 : i32 to vector<16xi32>
    %and3A_782 = arith.andi %get3A_779, %and3A_781 : vector<16xi32>
    %shift_right_logical3A_783 = arith.constant 6 : i32
    %shift_right_logical3A_784 = vector.broadcast %shift_right_logical3A_783 : i32 to vector<16xi32>
    %shift_right_logical3A_785 = arith.shrui %get3A_779, %shift_right_logical3A_784 : vector<16xi32>
    %gather3A_786 = tpu.vector_load_idx %arg6[%and3A_782] : memref<64xi32, #tpu.memory_space<vmem>>[vector<16xi32>], vector<16xi32>,
    %add3A_787 = arith.addi %gather3A_786, %shift_right_logical3A_785 : vector<16xi32>
    %swap3A_788 = arith.constant 4 : i32
    %swap3A_789 = arith.index_cast %swap3A_788 : i32 to index
    %swap3A_790 = arith.constant 32 : index
    %swap3A_791 = tpu.vector_load %arg7[%swap3A_789, %swap3A_790] {strides = array<i32>} : memref<16x128xi32, #tpu.memory_space<vmem>>, vector<16xi32>,
    tpu.vector_store %arg7[%swap3A_789, %swap3A_790], %add3A_787 {strides = array<i32>} : memref<16x128xi32, #tpu.memory_space<vmem>>, vector<16xi32>,
    %iota3A_792 = tpu.iota {dimensions = array<i32: 0>} : vector<16xi32>
    %add3A_793 = arith.constant 544 : i32
    %add3A_794 = arith.addi %mul3A_0, %add3A_793 : i32
    %add3A_795 = vector.broadcast %add3A_794 : i32 to vector<16xi32>
    %add3A_796 = arith.addi %iota3A_792, %add3A_795 : vector<16xi32>
    %swap3A_797 = arith.constant 4 : i32
    %swap3A_798 = arith.index_cast %swap3A_797 : i32 to index
    %swap3A_799 = arith.constant 32 : index
    %swap3A_800 = tpu.vector_load %arg8[%swap3A_798, %swap3A_799] {strides = array<i32>} : memref<16x128xi32, #tpu.memory_space<vmem>>, vector<16xi32>,
    tpu.vector_store %arg8[%swap3A_798, %swap3A_799], %add3A_796 {strides = array<i32>} : memref<16x128xi32, #tpu.memory_space<vmem>>, vector<16xi32>,
    %get3A_801 = arith.constant 560 : index
    %get3A_802 = tpu.vector_load %arg5[%get3A_801] {strides = array<i32>} : memref<2048xi32, #tpu.memory_space<vmem>>, vector<16xi32>,
    %and3A_803 = arith.constant 63 : i32
    %and3A_804 = vector.broadcast %and3A_803 : i32 to vector<16xi32>
    %and3A_805 = arith.andi %get3A_802, %and3A_804 : vector<16xi32>
    %shift_right_logical3A_806 = arith.constant 6 : i32
    %shift_right_logical3A_807 = vector.broadcast %shift_right_logical3A_806 : i32 to vector<16xi32>
    %shift_right_logical3A_808 = arith.shrui %get3A_802, %shift_right_logical3A_807 : vector<16xi32>
    %gather3A_809 = tpu.vector_load_idx %arg6[%and3A_805] : memref<64xi32, #tpu.memory_space<vmem>>[vector<16xi32>], vector<16xi32>,
    %add3A_810 = arith.addi %gather3A_809, %shift_right_logical3A_808 : vector<16xi32>
    %swap3A_811 = arith.constant 4 : i32
    %swap3A_812 = arith.index_cast %swap3A_811 : i32 to index
    %swap3A_813 = arith.constant 48 : index
    %swap3A_814 = tpu.vector_load %arg7[%swap3A_812, %swap3A_813] {strides = array<i32>} : memref<16x128xi32, #tpu.memory_space<vmem>>, vector<16xi32>,
    tpu.vector_store %arg7[%swap3A_812, %swap3A_813], %add3A_810 {strides = array<i32>} : memref<16x128xi32, #tpu.memory_space<vmem>>, vector<16xi32>,
    %iota3A_815 = tpu.iota {dimensions = array<i32: 0>} : vector<16xi32>
    %add3A_816 = arith.constant 560 : i32
    %add3A_817 = arith.addi %mul3A_0, %add3A_816 : i32
    %add3A_818 = vector.broadcast %add3A_817 : i32 to vector<16xi32>
    %add3A_819 = arith.addi %iota3A_815, %add3A_818 : vector<16xi32>
    %swap3A_820 = arith.constant 4 : i32
    %swap3A_821 = arith.index_cast %swap3A_820 : i32 to index
    %swap3A_822 = arith.constant 48 : index
    %swap3A_823 = tpu.vector_load %arg8[%swap3A_821, %swap3A_822] {strides = array<i32>} : memref<16x128xi32, #tpu.memory_space<vmem>>, vector<16xi32>,
    tpu.vector_store %arg8[%swap3A_821, %swap3A_822], %add3A_819 {strides = array<i32>} : memref<16x128xi32, #tpu.memory_space<vmem>>, vector<16xi32>,
    %get3A_824 = arith.constant 576 : index
    %get3A_825 = tpu.vector_load %arg5[%get3A_824] {strides = array<i32>} : memref<2048xi32, #tpu.memory_space<vmem>>, vector<16xi32>,
    %and3A_826 = arith.constant 63 : i32
    %and3A_827 = vector.broadcast %and3A_826 : i32 to vector<16xi32>
    %and3A_828 = arith.andi %get3A_825, %and3A_827 : vector<16xi32>
    %shift_right_logical3A_829 = arith.constant 6 : i32
    %shift_right_logical3A_830 = vector.broadcast %shift_right_logical3A_829 : i32 to vector<16xi32>
    %shift_right_logical3A_831 = arith.shrui %get3A_825, %shift_right_logical3A_830 : vector<16xi32>
    %gather3A_832 = tpu.vector_load_idx %arg6[%and3A_828] : memref<64xi32, #tpu.memory_space<vmem>>[vector<16xi32>], vector<16xi32>,
    %add3A_833 = arith.addi %gather3A_832, %shift_right_logical3A_831 : vector<16xi32>
    %swap3A_834 = arith.constant 4 : i32
    %swap3A_835 = arith.index_cast %swap3A_834 : i32 to index
    %swap3A_836 = arith.constant 64 : index
    %swap3A_837 = tpu.vector_load %arg7[%swap3A_835, %swap3A_836] {strides = array<i32>} : memref<16x128xi32, #tpu.memory_space<vmem>>, vector<16xi32>,
    tpu.vector_store %arg7[%swap3A_835, %swap3A_836], %add3A_833 {strides = array<i32>} : memref<16x128xi32, #tpu.memory_space<vmem>>, vector<16xi32>,
    %iota3A_838 = tpu.iota {dimensions = array<i32: 0>} : vector<16xi32>
    %add3A_839 = arith.constant 576 : i32
    %add3A_840 = arith.addi %mul3A_0, %add3A_839 : i32
    %add3A_841 = vector.broadcast %add3A_840 : i32 to vector<16xi32>
    %add3A_842 = arith.addi %iota3A_838, %add3A_841 : vector<16xi32>
    %swap3A_843 = arith.constant 4 : i32
    %swap3A_844 = arith.index_cast %swap3A_843 : i32 to index
    %swap3A_845 = arith.constant 64 : index
    %swap3A_846 = tpu.vector_load %arg8[%swap3A_844, %swap3A_845] {strides = array<i32>} : memref<16x128xi32, #tpu.memory_space<vmem>>, vector<16xi32>,
    tpu.vector_store %arg8[%swap3A_844, %swap3A_845], %add3A_842 {strides = array<i32>} : memref<16x128xi32, #tpu.memory_space<vmem>>, vector<16xi32>,
    %get3A_847 = arith.constant 592 : index
    %get3A_848 = tpu.vector_load %arg5[%get3A_847] {strides = array<i32>} : memref<2048xi32, #tpu.memory_space<vmem>>, vector<16xi32>,
    %and3A_849 = arith.constant 63 : i32
    %and3A_850 = vector.broadcast %and3A_849 : i32 to vector<16xi32>
    %and3A_851 = arith.andi %get3A_848, %and3A_850 : vector<16xi32>
    %shift_right_logical3A_852 = arith.constant 6 : i32
    %shift_right_logical3A_853 = vector.broadcast %shift_right_logical3A_852 : i32 to vector<16xi32>
    %shift_right_logical3A_854 = arith.shrui %get3A_848, %shift_right_logical3A_853 : vector<16xi32>
    %gather3A_855 = tpu.vector_load_idx %arg6[%and3A_851] : memref<64xi32, #tpu.memory_space<vmem>>[vector<16xi32>], vector<16xi32>,
    %add3A_856 = arith.addi %gather3A_855, %shift_right_logical3A_854 : vector<16xi32>
    %swap3A_857 = arith.constant 4 : i32
    %swap3A_858 = arith.index_cast %swap3A_857 : i32 to index
    %swap3A_859 = arith.constant 80 : index
    %swap3A_860 = tpu.vector_load %arg7[%swap3A_858, %swap3A_859] {strides = array<i32>} : memref<16x128xi32, #tpu.memory_space<vmem>>, vector<16xi32>,
    tpu.vector_store %arg7[%swap3A_858, %swap3A_859], %add3A_856 {strides = array<i32>} : memref<16x128xi32, #tpu.memory_space<vmem>>, vector<16xi32>,
    %iota3A_861 = tpu.iota {dimensions = array<i32: 0>} : vector<16xi32>
    %add3A_862 = arith.constant 592 : i32
    %add3A_863 = arith.addi %mul3A_0, %add3A_862 : i32
    %add3A_864 = vector.broadcast %add3A_863 : i32 to vector<16xi32>
    %add3A_865 = arith.addi %iota3A_861, %add3A_864 : vector<16xi32>
    %swap3A_866 = arith.constant 4 : i32
    %swap3A_867 = arith.index_cast %swap3A_866 : i32 to index
    %swap3A_868 = arith.constant 80 : index
    %swap3A_869 = tpu.vector_load %arg8[%swap3A_867, %swap3A_868] {strides = array<i32>} : memref<16x128xi32, #tpu.memory_space<vmem>>, vector<16xi32>,
    tpu.vector_store %arg8[%swap3A_867, %swap3A_868], %add3A_865 {strides = array<i32>} : memref<16x128xi32, #tpu.memory_space<vmem>>, vector<16xi32>,
    %get3A_870 = arith.constant 608 : index
    %get3A_871 = tpu.vector_load %arg5[%get3A_870] {strides = array<i32>} : memref<2048xi32, #tpu.memory_space<vmem>>, vector<16xi32>,
    %and3A_872 = arith.constant 63 : i32
    %and3A_873 = vector.broadcast %and3A_872 : i32 to vector<16xi32>
    %and3A_874 = arith.andi %get3A_871, %and3A_873 : vector<16xi32>
    %shift_right_logical3A_875 = arith.constant 6 : i32
    %shift_right_logical3A_876 = vector.broadcast %shift_right_logical3A_875 : i32 to vector<16xi32>
    %shift_right_logical3A_877 = arith.shrui %get3A_871, %shift_right_logical3A_876 : vector<16xi32>
    %gather3A_878 = tpu.vector_load_idx %arg6[%and3A_874] : memref<64xi32, #tpu.memory_space<vmem>>[vector<16xi32>], vector<16xi32>,
    %add3A_879 = arith.addi %gather3A_878, %shift_right_logical3A_877 : vector<16xi32>
    %swap3A_880 = arith.constant 4 : i32
    %swap3A_881 = arith.index_cast %swap3A_880 : i32 to index
    %swap3A_882 = arith.constant 96 : index
    %swap3A_883 = tpu.vector_load %arg7[%swap3A_881, %swap3A_882] {strides = array<i32>} : memref<16x128xi32, #tpu.memory_space<vmem>>, vector<16xi32>,
    tpu.vector_store %arg7[%swap3A_881, %swap3A_882], %add3A_879 {strides = array<i32>} : memref<16x128xi32, #tpu.memory_space<vmem>>, vector<16xi32>,
    %iota3A_884 = tpu.iota {dimensions = array<i32: 0>} : vector<16xi32>
    %add3A_885 = arith.constant 608 : i32
    %add3A_886 = arith.addi %mul3A_0, %add3A_885 : i32
    %add3A_887 = vector.broadcast %add3A_886 : i32 to vector<16xi32>
    %add3A_888 = arith.addi %iota3A_884, %add3A_887 : vector<16xi32>
    %swap3A_889 = arith.constant 4 : i32
    %swap3A_890 = arith.index_cast %swap3A_889 : i32 to index
    %swap3A_891 = arith.constant 96 : index
    %swap3A_892 = tpu.vector_load %arg8[%swap3A_890, %swap3A_891] {strides = array<i32>} : memref<16x128xi32, #tpu.memory_space<vmem>>, vector<16xi32>,
    tpu.vector_store %arg8[%swap3A_890, %swap3A_891], %add3A_888 {strides = array<i32>} : memref<16x128xi32, #tpu.memory_space<vmem>>, vector<16xi32>,
    %get3A_893 = arith.constant 624 : index
    %get3A_894 = tpu.vector_load %arg5[%get3A_893] {strides = array<i32>} : memref<2048xi32, #tpu.memory_space<vmem>>, vector<16xi32>,
    %and3A_895 = arith.constant 63 : i32
    %and3A_896 = vector.broadcast %and3A_895 : i32 to vector<16xi32>
    %and3A_897 = arith.andi %get3A_894, %and3A_896 : vector<16xi32>
    %shift_right_logical3A_898 = arith.constant 6 : i32
    %shift_right_logical3A_899 = vector.broadcast %shift_right_logical3A_898 : i32 to vector<16xi32>
    %shift_right_logical3A_900 = arith.shrui %get3A_894, %shift_right_logical3A_899 : vector<16xi32>
    %gather3A_901 = tpu.vector_load_idx %arg6[%and3A_897] : memref<64xi32, #tpu.memory_space<vmem>>[vector<16xi32>], vector<16xi32>,
    %add3A_902 = arith.addi %gather3A_901, %shift_right_logical3A_900 : vector<16xi32>
    %swap3A_903 = arith.constant 4 : i32
    %swap3A_904 = arith.index_cast %swap3A_903 : i32 to index
    %swap3A_905 = arith.constant 112 : index
    %swap3A_906 = tpu.vector_load %arg7[%swap3A_904, %swap3A_905] {strides = array<i32>} : memref<16x128xi32, #tpu.memory_space<vmem>>, vector<16xi32>,
    tpu.vector_store %arg7[%swap3A_904, %swap3A_905], %add3A_902 {strides = array<i32>} : memref<16x128xi32, #tpu.memory_space<vmem>>, vector<16xi32>,
    %iota3A_907 = tpu.iota {dimensions = array<i32: 0>} : vector<16xi32>
    %add3A_908 = arith.constant 624 : i32
    %add3A_909 = arith.addi %mul3A_0, %add3A_908 : i32
    %add3A_910 = vector.broadcast %add3A_909 : i32 to vector<16xi32>
    %add3A_911 = arith.addi %iota3A_907, %add3A_910 : vector<16xi32>
    %swap3A_912 = arith.constant 4 : i32
    %swap3A_913 = arith.index_cast %swap3A_912 : i32 to index
    %swap3A_914 = arith.constant 112 : index
    %swap3A_915 = tpu.vector_load %arg8[%swap3A_913, %swap3A_914] {strides = array<i32>} : memref<16x128xi32, #tpu.memory_space<vmem>>, vector<16xi32>,
    tpu.vector_store %arg8[%swap3A_913, %swap3A_914], %add3A_911 {strides = array<i32>} : memref<16x128xi32, #tpu.memory_space<vmem>>, vector<16xi32>,
    %get3A_916 = arith.constant 640 : index
    %get3A_917 = tpu.vector_load %arg5[%get3A_916] {strides = array<i32>} : memref<2048xi32, #tpu.memory_space<vmem>>, vector<16xi32>,
    %and3A_918 = arith.constant 63 : i32
    %and3A_919 = vector.broadcast %and3A_918 : i32 to vector<16xi32>
    %and3A_920 = arith.andi %get3A_917, %and3A_919 : vector<16xi32>
    %shift_right_logical3A_921 = arith.constant 6 : i32
    %shift_right_logical3A_922 = vector.broadcast %shift_right_logical3A_921 : i32 to vector<16xi32>
    %shift_right_logical3A_923 = arith.shrui %get3A_917, %shift_right_logical3A_922 : vector<16xi32>
    %gather3A_924 = tpu.vector_load_idx %arg6[%and3A_920] : memref<64xi32, #tpu.memory_space<vmem>>[vector<16xi32>], vector<16xi32>,
    %add3A_925 = arith.addi %gather3A_924, %shift_right_logical3A_923 : vector<16xi32>
    %swap3A_926 = arith.constant 5 : i32
    %swap3A_927 = arith.index_cast %swap3A_926 : i32 to index
    %swap3A_928 = arith.constant 0 : index
    %swap3A_929 = tpu.vector_load %arg7[%swap3A_927, %swap3A_928] {strides = array<i32>} : memref<16x128xi32, #tpu.memory_space<vmem>>, vector<16xi32>,
    tpu.vector_store %arg7[%swap3A_927, %swap3A_928], %add3A_925 {strides = array<i32>} : memref<16x128xi32, #tpu.memory_space<vmem>>, vector<16xi32>,
    %iota3A_930 = tpu.iota {dimensions = array<i32: 0>} : vector<16xi32>
    %add3A_931 = arith.constant 640 : i32
    %add3A_932 = arith.addi %mul3A_0, %add3A_931 : i32
    %add3A_933 = vector.broadcast %add3A_932 : i32 to vector<16xi32>
    %add3A_934 = arith.addi %iota3A_930, %add3A_933 : vector<16xi32>
    %swap3A_935 = arith.constant 5 : i32
    %swap3A_936 = arith.index_cast %swap3A_935 : i32 to index
    %swap3A_937 = arith.constant 0 : index
    %swap3A_938 = tpu.vector_load %arg8[%swap3A_936, %swap3A_937] {strides = array<i32>} : memref<16x128xi32, #tpu.memory_space<vmem>>, vector<16xi32>,
    tpu.vector_store %arg8[%swap3A_936, %swap3A_937], %add3A_934 {strides = array<i32>} : memref<16x128xi32, #tpu.memory_space<vmem>>, vector<16xi32>,
    %get3A_939 = arith.constant 656 : index
    %get3A_940 = tpu.vector_load %arg5[%get3A_939] {strides = array<i32>} : memref<2048xi32, #tpu.memory_space<vmem>>, vector<16xi32>,
    %and3A_941 = arith.constant 63 : i32
    %and3A_942 = vector.broadcast %and3A_941 : i32 to vector<16xi32>
    %and3A_943 = arith.andi %get3A_940, %and3A_942 : vector<16xi32>
    %shift_right_logical3A_944 = arith.constant 6 : i32
    %shift_right_logical3A_945 = vector.broadcast %shift_right_logical3A_944 : i32 to vector<16xi32>
    %shift_right_logical3A_946 = arith.shrui %get3A_940, %shift_right_logical3A_945 : vector<16xi32>
    %gather3A_947 = tpu.vector_load_idx %arg6[%and3A_943] : memref<64xi32, #tpu.memory_space<vmem>>[vector<16xi32>], vector<16xi32>,
    %add3A_948 = arith.addi %gather3A_947, %shift_right_logical3A_946 : vector<16xi32>
    %swap3A_949 = arith.constant 5 : i32
    %swap3A_950 = arith.index_cast %swap3A_949 : i32 to index
    %swap3A_951 = arith.constant 16 : index
    %swap3A_952 = tpu.vector_load %arg7[%swap3A_950, %swap3A_951] {strides = array<i32>} : memref<16x128xi32, #tpu.memory_space<vmem>>, vector<16xi32>,
    tpu.vector_store %arg7[%swap3A_950, %swap3A_951], %add3A_948 {strides = array<i32>} : memref<16x128xi32, #tpu.memory_space<vmem>>, vector<16xi32>,
    %iota3A_953 = tpu.iota {dimensions = array<i32: 0>} : vector<16xi32>
    %add3A_954 = arith.constant 656 : i32
    %add3A_955 = arith.addi %mul3A_0, %add3A_954 : i32
    %add3A_956 = vector.broadcast %add3A_955 : i32 to vector<16xi32>
    %add3A_957 = arith.addi %iota3A_953, %add3A_956 : vector<16xi32>
    %swap3A_958 = arith.constant 5 : i32
    %swap3A_959 = arith.index_cast %swap3A_958 : i32 to index
    %swap3A_960 = arith.constant 16 : index
    %swap3A_961 = tpu.vector_load %arg8[%swap3A_959, %swap3A_960] {strides = array<i32>} : memref<16x128xi32, #tpu.memory_space<vmem>>, vector<16xi32>,
    tpu.vector_store %arg8[%swap3A_959, %swap3A_960], %add3A_957 {strides = array<i32>} : memref<16x128xi32, #tpu.memory_space<vmem>>, vector<16xi32>,
    %get3A_962 = arith.constant 672 : index
    %get3A_963 = tpu.vector_load %arg5[%get3A_962] {strides = array<i32>} : memref<2048xi32, #tpu.memory_space<vmem>>, vector<16xi32>,
    %and3A_964 = arith.constant 63 : i32
    %and3A_965 = vector.broadcast %and3A_964 : i32 to vector<16xi32>
    %and3A_966 = arith.andi %get3A_963, %and3A_965 : vector<16xi32>
    %shift_right_logical3A_967 = arith.constant 6 : i32
    %shift_right_logical3A_968 = vector.broadcast %shift_right_logical3A_967 : i32 to vector<16xi32>
    %shift_right_logical3A_969 = arith.shrui %get3A_963, %shift_right_logical3A_968 : vector<16xi32>
    %gather3A_970 = tpu.vector_load_idx %arg6[%and3A_966] : memref<64xi32, #tpu.memory_space<vmem>>[vector<16xi32>], vector<16xi32>,
    %add3A_971 = arith.addi %gather3A_970, %shift_right_logical3A_969 : vector<16xi32>
    %swap3A_972 = arith.constant 5 : i32
    %swap3A_973 = arith.index_cast %swap3A_972 : i32 to index
    %swap3A_974 = arith.constant 32 : index
    %swap3A_975 = tpu.vector_load %arg7[%swap3A_973, %swap3A_974] {strides = array<i32>} : memref<16x128xi32, #tpu.memory_space<vmem>>, vector<16xi32>,
    tpu.vector_store %arg7[%swap3A_973, %swap3A_974], %add3A_971 {strides = array<i32>} : memref<16x128xi32, #tpu.memory_space<vmem>>, vector<16xi32>,
    %iota3A_976 = tpu.iota {dimensions = array<i32: 0>} : vector<16xi32>
    %add3A_977 = arith.constant 672 : i32
    %add3A_978 = arith.addi %mul3A_0, %add3A_977 : i32
    %add3A_979 = vector.broadcast %add3A_978 : i32 to vector<16xi32>
    %add3A_980 = arith.addi %iota3A_976, %add3A_979 : vector<16xi32>
    %swap3A_981 = arith.constant 5 : i32
    %swap3A_982 = arith.index_cast %swap3A_981 : i32 to index
    %swap3A_983 = arith.constant 32 : index
    %swap3A_984 = tpu.vector_load %arg8[%swap3A_982, %swap3A_983] {strides = array<i32>} : memref<16x128xi32, #tpu.memory_space<vmem>>, vector<16xi32>,
    tpu.vector_store %arg8[%swap3A_982, %swap3A_983], %add3A_980 {strides = array<i32>} : memref<16x128xi32, #tpu.memory_space<vmem>>, vector<16xi32>,
    %get3A_985 = arith.constant 688 : index
    %get3A_986 = tpu.vector_load %arg5[%get3A_985] {strides = array<i32>} : memref<2048xi32, #tpu.memory_space<vmem>>, vector<16xi32>,
    %and3A_987 = arith.constant 63 : i32
    %and3A_988 = vector.broadcast %and3A_987 : i32 to vector<16xi32>
    %and3A_989 = arith.andi %get3A_986, %and3A_988 : vector<16xi32>
    %shift_right_logical3A_990 = arith.constant 6 : i32
    %shift_right_logical3A_991 = vector.broadcast %shift_right_logical3A_990 : i32 to vector<16xi32>
    %shift_right_logical3A_992 = arith.shrui %get3A_986, %shift_right_logical3A_991 : vector<16xi32>
    %gather3A_993 = tpu.vector_load_idx %arg6[%and3A_989] : memref<64xi32, #tpu.memory_space<vmem>>[vector<16xi32>], vector<16xi32>,
    %add3A_994 = arith.addi %gather3A_993, %shift_right_logical3A_992 : vector<16xi32>
    %swap3A_995 = arith.constant 5 : i32
    %swap3A_996 = arith.index_cast %swap3A_995 : i32 to index
    %swap3A_997 = arith.constant 48 : index
    %swap3A_998 = tpu.vector_load %arg7[%swap3A_996, %swap3A_997] {strides = array<i32>} : memref<16x128xi32, #tpu.memory_space<vmem>>, vector<16xi32>,
    tpu.vector_store %arg7[%swap3A_996, %swap3A_997], %add3A_994 {strides = array<i32>} : memref<16x128xi32, #tpu.memory_space<vmem>>, vector<16xi32>,
    %iota3A_999 = tpu.iota {dimensions = array<i32: 0>} : vector<16xi32>
    %add3A_1000 = arith.constant 688 : i32
    %add3A_1001 = arith.addi %mul3A_0, %add3A_1000 : i32
    %add3A_1002 = vector.broadcast %add3A_1001 : i32 to vector<16xi32>
    %add3A_1003 = arith.addi %iota3A_999, %add3A_1002 : vector<16xi32>
    %swap3A_1004 = arith.constant 5 : i32
    %swap3A_1005 = arith.index_cast %swap3A_1004 : i32 to index
    %swap3A_1006 = arith.constant 48 : index
    %swap3A_1007 = tpu.vector_load %arg8[%swap3A_1005, %swap3A_1006] {strides = array<i32>} : memref<16x128xi32, #tpu.memory_space<vmem>>, vector<16xi32>,
    tpu.vector_store %arg8[%swap3A_1005, %swap3A_1006], %add3A_1003 {strides = array<i32>} : memref<16x128xi32, #tpu.memory_space<vmem>>, vector<16xi32>,
    %get3A_1008 = arith.constant 704 : index
    %get3A_1009 = tpu.vector_load %arg5[%get3A_1008] {strides = array<i32>} : memref<2048xi32, #tpu.memory_space<vmem>>, vector<16xi32>,
    %and3A_1010 = arith.constant 63 : i32
    %and3A_1011 = vector.broadcast %and3A_1010 : i32 to vector<16xi32>
    %and3A_1012 = arith.andi %get3A_1009, %and3A_1011 : vector<16xi32>
    %shift_right_logical3A_1013 = arith.constant 6 : i32
    %shift_right_logical3A_1014 = vector.broadcast %shift_right_logical3A_1013 : i32 to vector<16xi32>
    %shift_right_logical3A_1015 = arith.shrui %get3A_1009, %shift_right_logical3A_1014 : vector<16xi32>
    %gather3A_1016 = tpu.vector_load_idx %arg6[%and3A_1012] : memref<64xi32, #tpu.memory_space<vmem>>[vector<16xi32>], vector<16xi32>,
    %add3A_1017 = arith.addi %gather3A_1016, %shift_right_logical3A_1015 : vector<16xi32>
    %swap3A_1018 = arith.constant 5 : i32
    %swap3A_1019 = arith.index_cast %swap3A_1018 : i32 to index
    %swap3A_1020 = arith.constant 64 : index
    %swap3A_1021 = tpu.vector_load %arg7[%swap3A_1019, %swap3A_1020] {strides = array<i32>} : memref<16x128xi32, #tpu.memory_space<vmem>>, vector<16xi32>,
    tpu.vector_store %arg7[%swap3A_1019, %swap3A_1020], %add3A_1017 {strides = array<i32>} : memref<16x128xi32, #tpu.memory_space<vmem>>, vector<16xi32>,
    %iota3A_1022 = tpu.iota {dimensions = array<i32: 0>} : vector<16xi32>
    %add3A_1023 = arith.constant 704 : i32
    %add3A_1024 = arith.addi %mul3A_0, %add3A_1023 : i32
    %add3A_1025 = vector.broadcast %add3A_1024 : i32 to vector<16xi32>
    %add3A_1026 = arith.addi %iota3A_1022, %add3A_1025 : vector<16xi32>
    %swap3A_1027 = arith.constant 5 : i32
    %swap3A_1028 = arith.index_cast %swap3A_1027 : i32 to index
    %swap3A_1029 = arith.constant 64 : index
    %swap3A_1030 = tpu.vector_load %arg8[%swap3A_1028, %swap3A_1029] {strides = array<i32>} : memref<16x128xi32, #tpu.memory_space<vmem>>, vector<16xi32>,
    tpu.vector_store %arg8[%swap3A_1028, %swap3A_1029], %add3A_1026 {strides = array<i32>} : memref<16x128xi32, #tpu.memory_space<vmem>>, vector<16xi32>,
    %get3A_1031 = arith.constant 720 : index
    %get3A_1032 = tpu.vector_load %arg5[%get3A_1031] {strides = array<i32>} : memref<2048xi32, #tpu.memory_space<vmem>>, vector<16xi32>,
    %and3A_1033 = arith.constant 63 : i32
    %and3A_1034 = vector.broadcast %and3A_1033 : i32 to vector<16xi32>
    %and3A_1035 = arith.andi %get3A_1032, %and3A_1034 : vector<16xi32>
    %shift_right_logical3A_1036 = arith.constant 6 : i32
    %shift_right_logical3A_1037 = vector.broadcast %shift_right_logical3A_1036 : i32 to vector<16xi32>
    %shift_right_logical3A_1038 = arith.shrui %get3A_1032, %shift_right_logical3A_1037 : vector<16xi32>
    %gather3A_1039 = tpu.vector_load_idx %arg6[%and3A_1035] : memref<64xi32, #tpu.memory_space<vmem>>[vector<16xi32>], vector<16xi32>,
    %add3A_1040 = arith.addi %gather3A_1039, %shift_right_logical3A_1038 : vector<16xi32>
    %swap3A_1041 = arith.constant 5 : i32
    %swap3A_1042 = arith.index_cast %swap3A_1041 : i32 to index
    %swap3A_1043 = arith.constant 80 : index
    %swap3A_1044 = tpu.vector_load %arg7[%swap3A_1042, %swap3A_1043] {strides = array<i32>} : memref<16x128xi32, #tpu.memory_space<vmem>>, vector<16xi32>,
    tpu.vector_store %arg7[%swap3A_1042, %swap3A_1043], %add3A_1040 {strides = array<i32>} : memref<16x128xi32, #tpu.memory_space<vmem>>, vector<16xi32>,
    %iota3A_1045 = tpu.iota {dimensions = array<i32: 0>} : vector<16xi32>
    %add3A_1046 = arith.constant 720 : i32
    %add3A_1047 = arith.addi %mul3A_0, %add3A_1046 : i32
    %add3A_1048 = vector.broadcast %add3A_1047 : i32 to vector<16xi32>
    %add3A_1049 = arith.addi %iota3A_1045, %add3A_1048 : vector<16xi32>
    %swap3A_1050 = arith.constant 5 : i32
    %swap3A_1051 = arith.index_cast %swap3A_1050 : i32 to index
    %swap3A_1052 = arith.constant 80 : index
    %swap3A_1053 = tpu.vector_load %arg8[%swap3A_1051, %swap3A_1052] {strides = array<i32>} : memref<16x128xi32, #tpu.memory_space<vmem>>, vector<16xi32>,
    tpu.vector_store %arg8[%swap3A_1051, %swap3A_1052], %add3A_1049 {strides = array<i32>} : memref<16x128xi32, #tpu.memory_space<vmem>>, vector<16xi32>,
    %get3A_1054 = arith.constant 736 : index
    %get3A_1055 = tpu.vector_load %arg5[%get3A_1054] {strides = array<i32>} : memref<2048xi32, #tpu.memory_space<vmem>>, vector<16xi32>,
    %and3A_1056 = arith.constant 63 : i32
    %and3A_1057 = vector.broadcast %and3A_1056 : i32 to vector<16xi32>
    %and3A_1058 = arith.andi %get3A_1055, %and3A_1057 : vector<16xi32>
    %shift_right_logical3A_1059 = arith.constant 6 : i32
    %shift_right_logical3A_1060 = vector.broadcast %shift_right_logical3A_1059 : i32 to vector<16xi32>
    %shift_right_logical3A_1061 = arith.shrui %get3A_1055, %shift_right_logical3A_1060 : vector<16xi32>
    %gather3A_1062 = tpu.vector_load_idx %arg6[%and3A_1058] : memref<64xi32, #tpu.memory_space<vmem>>[vector<16xi32>], vector<16xi32>,
    %add3A_1063 = arith.addi %gather3A_1062, %shift_right_logical3A_1061 : vector<16xi32>
    %swap3A_1064 = arith.constant 5 : i32
    %swap3A_1065 = arith.index_cast %swap3A_1064 : i32 to index
    %swap3A_1066 = arith.constant 96 : index
    %swap3A_1067 = tpu.vector_load %arg7[%swap3A_1065, %swap3A_1066] {strides = array<i32>} : memref<16x128xi32, #tpu.memory_space<vmem>>, vector<16xi32>,
    tpu.vector_store %arg7[%swap3A_1065, %swap3A_1066], %add3A_1063 {strides = array<i32>} : memref<16x128xi32, #tpu.memory_space<vmem>>, vector<16xi32>,
    %iota3A_1068 = tpu.iota {dimensions = array<i32: 0>} : vector<16xi32>
    %add3A_1069 = arith.constant 736 : i32
    %add3A_1070 = arith.addi %mul3A_0, %add3A_1069 : i32
    %add3A_1071 = vector.broadcast %add3A_1070 : i32 to vector<16xi32>
    %add3A_1072 = arith.addi %iota3A_1068, %add3A_1071 : vector<16xi32>
    %swap3A_1073 = arith.constant 5 : i32
    %swap3A_1074 = arith.index_cast %swap3A_1073 : i32 to index
    %swap3A_1075 = arith.constant 96 : index
    %swap3A_1076 = tpu.vector_load %arg8[%swap3A_1074, %swap3A_1075] {strides = array<i32>} : memref<16x128xi32, #tpu.memory_space<vmem>>, vector<16xi32>,
    tpu.vector_store %arg8[%swap3A_1074, %swap3A_1075], %add3A_1072 {strides = array<i32>} : memref<16x128xi32, #tpu.memory_space<vmem>>, vector<16xi32>,
    %get3A_1077 = arith.constant 752 : index
    %get3A_1078 = tpu.vector_load %arg5[%get3A_1077] {strides = array<i32>} : memref<2048xi32, #tpu.memory_space<vmem>>, vector<16xi32>,
    %and3A_1079 = arith.constant 63 : i32
    %and3A_1080 = vector.broadcast %and3A_1079 : i32 to vector<16xi32>
    %and3A_1081 = arith.andi %get3A_1078, %and3A_1080 : vector<16xi32>
    %shift_right_logical3A_1082 = arith.constant 6 : i32
    %shift_right_logical3A_1083 = vector.broadcast %shift_right_logical3A_1082 : i32 to vector<16xi32>
    %shift_right_logical3A_1084 = arith.shrui %get3A_1078, %shift_right_logical3A_1083 : vector<16xi32>
    %gather3A_1085 = tpu.vector_load_idx %arg6[%and3A_1081] : memref<64xi32, #tpu.memory_space<vmem>>[vector<16xi32>], vector<16xi32>,
    %add3A_1086 = arith.addi %gather3A_1085, %shift_right_logical3A_1084 : vector<16xi32>
    %swap3A_1087 = arith.constant 5 : i32
    %swap3A_1088 = arith.index_cast %swap3A_1087 : i32 to index
    %swap3A_1089 = arith.constant 112 : index
    %swap3A_1090 = tpu.vector_load %arg7[%swap3A_1088, %swap3A_1089] {strides = array<i32>} : memref<16x128xi32, #tpu.memory_space<vmem>>, vector<16xi32>,
    tpu.vector_store %arg7[%swap3A_1088, %swap3A_1089], %add3A_1086 {strides = array<i32>} : memref<16x128xi32, #tpu.memory_space<vmem>>, vector<16xi32>,
    %iota3A_1091 = tpu.iota {dimensions = array<i32: 0>} : vector<16xi32>
    %add3A_1092 = arith.constant 752 : i32
    %add3A_1093 = arith.addi %mul3A_0, %add3A_1092 : i32
    %add3A_1094 = vector.broadcast %add3A_1093 : i32 to vector<16xi32>
    %add3A_1095 = arith.addi %iota3A_1091, %add3A_1094 : vector<16xi32>
    %swap3A_1096 = arith.constant 5 : i32
    %swap3A_1097 = arith.index_cast %swap3A_1096 : i32 to index
    %swap3A_1098 = arith.constant 112 : index
    %swap3A_1099 = tpu.vector_load %arg8[%swap3A_1097, %swap3A_1098] {strides = array<i32>} : memref<16x128xi32, #tpu.memory_space<vmem>>, vector<16xi32>,
    tpu.vector_store %arg8[%swap3A_1097, %swap3A_1098], %add3A_1095 {strides = array<i32>} : memref<16x128xi32, #tpu.memory_space<vmem>>, vector<16xi32>,
    %get3A_1100 = arith.constant 768 : index
    %get3A_1101 = tpu.vector_load %arg5[%get3A_1100] {strides = array<i32>} : memref<2048xi32, #tpu.memory_space<vmem>>, vector<16xi32>,
    %and3A_1102 = arith.constant 63 : i32
    %and3A_1103 = vector.broadcast %and3A_1102 : i32 to vector<16xi32>
    %and3A_1104 = arith.andi %get3A_1101, %and3A_1103 : vector<16xi32>
    %shift_right_logical3A_1105 = arith.constant 6 : i32
    %shift_right_logical3A_1106 = vector.broadcast %shift_right_logical3A_1105 : i32 to vector<16xi32>
    %shift_right_logical3A_1107 = arith.shrui %get3A_1101, %shift_right_logical3A_1106 : vector<16xi32>
    %gather3A_1108 = tpu.vector_load_idx %arg6[%and3A_1104] : memref<64xi32, #tpu.memory_space<vmem>>[vector<16xi32>], vector<16xi32>,
    %add3A_1109 = arith.addi %gather3A_1108, %shift_right_logical3A_1107 : vector<16xi32>
    %swap3A_1110 = arith.constant 6 : i32
    %swap3A_1111 = arith.index_cast %swap3A_1110 : i32 to index
    %swap3A_1112 = arith.constant 0 : index
    %swap3A_1113 = tpu.vector_load %arg7[%swap3A_1111, %swap3A_1112] {strides = array<i32>} : memref<16x128xi32, #tpu.memory_space<vmem>>, vector<16xi32>,
    tpu.vector_store %arg7[%swap3A_1111, %swap3A_1112], %add3A_1109 {strides = array<i32>} : memref<16x128xi32, #tpu.memory_space<vmem>>, vector<16xi32>,
    %iota3A_1114 = tpu.iota {dimensions = array<i32: 0>} : vector<16xi32>
    %add3A_1115 = arith.constant 768 : i32
    %add3A_1116 = arith.addi %mul3A_0, %add3A_1115 : i32
    %add3A_1117 = vector.broadcast %add3A_1116 : i32 to vector<16xi32>
    %add3A_1118 = arith.addi %iota3A_1114, %add3A_1117 : vector<16xi32>
    %swap3A_1119 = arith.constant 6 : i32
    %swap3A_1120 = arith.index_cast %swap3A_1119 : i32 to index
    %swap3A_1121 = arith.constant 0 : index
    %swap3A_1122 = tpu.vector_load %arg8[%swap3A_1120, %swap3A_1121] {strides = array<i32>} : memref<16x128xi32, #tpu.memory_space<vmem>>, vector<16xi32>,
    tpu.vector_store %arg8[%swap3A_1120, %swap3A_1121], %add3A_1118 {strides = array<i32>} : memref<16x128xi32, #tpu.memory_space<vmem>>, vector<16xi32>,
    %get3A_1123 = arith.constant 784 : index
    %get3A_1124 = tpu.vector_load %arg5[%get3A_1123] {strides = array<i32>} : memref<2048xi32, #tpu.memory_space<vmem>>, vector<16xi32>,
    %and3A_1125 = arith.constant 63 : i32
    %and3A_1126 = vector.broadcast %and3A_1125 : i32 to vector<16xi32>
    %and3A_1127 = arith.andi %get3A_1124, %and3A_1126 : vector<16xi32>
    %shift_right_logical3A_1128 = arith.constant 6 : i32
    %shift_right_logical3A_1129 = vector.broadcast %shift_right_logical3A_1128 : i32 to vector<16xi32>
    %shift_right_logical3A_1130 = arith.shrui %get3A_1124, %shift_right_logical3A_1129 : vector<16xi32>
    %gather3A_1131 = tpu.vector_load_idx %arg6[%and3A_1127] : memref<64xi32, #tpu.memory_space<vmem>>[vector<16xi32>], vector<16xi32>,
    %add3A_1132 = arith.addi %gather3A_1131, %shift_right_logical3A_1130 : vector<16xi32>
    %swap3A_1133 = arith.constant 6 : i32
    %swap3A_1134 = arith.index_cast %swap3A_1133 : i32 to index
    %swap3A_1135 = arith.constant 16 : index
    %swap3A_1136 = tpu.vector_load %arg7[%swap3A_1134, %swap3A_1135] {strides = array<i32>} : memref<16x128xi32, #tpu.memory_space<vmem>>, vector<16xi32>,
    tpu.vector_store %arg7[%swap3A_1134, %swap3A_1135], %add3A_1132 {strides = array<i32>} : memref<16x128xi32, #tpu.memory_space<vmem>>, vector<16xi32>,
    %iota3A_1137 = tpu.iota {dimensions = array<i32: 0>} : vector<16xi32>
    %add3A_1138 = arith.constant 784 : i32
    %add3A_1139 = arith.addi %mul3A_0, %add3A_1138 : i32
    %add3A_1140 = vector.broadcast %add3A_1139 : i32 to vector<16xi32>
    %add3A_1141 = arith.addi %iota3A_1137, %add3A_1140 : vector<16xi32>
    %swap3A_1142 = arith.constant 6 : i32
    %swap3A_1143 = arith.index_cast %swap3A_1142 : i32 to index
    %swap3A_1144 = arith.constant 16 : index
    %swap3A_1145 = tpu.vector_load %arg8[%swap3A_1143, %swap3A_1144] {strides = array<i32>} : memref<16x128xi32, #tpu.memory_space<vmem>>, vector<16xi32>,
    tpu.vector_store %arg8[%swap3A_1143, %swap3A_1144], %add3A_1141 {strides = array<i32>} : memref<16x128xi32, #tpu.memory_space<vmem>>, vector<16xi32>,
    %get3A_1146 = arith.constant 800 : index
    %get3A_1147 = tpu.vector_load %arg5[%get3A_1146] {strides = array<i32>} : memref<2048xi32, #tpu.memory_space<vmem>>, vector<16xi32>,
    %and3A_1148 = arith.constant 63 : i32
    %and3A_1149 = vector.broadcast %and3A_1148 : i32 to vector<16xi32>
    %and3A_1150 = arith.andi %get3A_1147, %and3A_1149 : vector<16xi32>
    %shift_right_logical3A_1151 = arith.constant 6 : i32
    %shift_right_logical3A_1152 = vector.broadcast %shift_right_logical3A_1151 : i32 to vector<16xi32>
    %shift_right_logical3A_1153 = arith.shrui %get3A_1147, %shift_right_logical3A_1152 : vector<16xi32>
    %gather3A_1154 = tpu.vector_load_idx %arg6[%and3A_1150] : memref<64xi32, #tpu.memory_space<vmem>>[vector<16xi32>], vector<16xi32>,
    %add3A_1155 = arith.addi %gather3A_1154, %shift_right_logical3A_1153 : vector<16xi32>
    %swap3A_1156 = arith.constant 6 : i32
    %swap3A_1157 = arith.index_cast %swap3A_1156 : i32 to index
    %swap3A_1158 = arith.constant 32 : index
    %swap3A_1159 = tpu.vector_load %arg7[%swap3A_1157, %swap3A_1158] {strides = array<i32>} : memref<16x128xi32, #tpu.memory_space<vmem>>, vector<16xi32>,
    tpu.vector_store %arg7[%swap3A_1157, %swap3A_1158], %add3A_1155 {strides = array<i32>} : memref<16x128xi32, #tpu.memory_space<vmem>>, vector<16xi32>,
    %iota3A_1160 = tpu.iota {dimensions = array<i32: 0>} : vector<16xi32>
    %add3A_1161 = arith.constant 800 : i32
    %add3A_1162 = arith.addi %mul3A_0, %add3A_1161 : i32
    %add3A_1163 = vector.broadcast %add3A_1162 : i32 to vector<16xi32>
    %add3A_1164 = arith.addi %iota3A_1160, %add3A_1163 : vector<16xi32>
    %swap3A_1165 = arith.constant 6 : i32
    %swap3A_1166 = arith.index_cast %swap3A_1165 : i32 to index
    %swap3A_1167 = arith.constant 32 : index
    %swap3A_1168 = tpu.vector_load %arg8[%swap3A_1166, %swap3A_1167] {strides = array<i32>} : memref<16x128xi32, #tpu.memory_space<vmem>>, vector<16xi32>,
    tpu.vector_store %arg8[%swap3A_1166, %swap3A_1167], %add3A_1164 {strides = array<i32>} : memref<16x128xi32, #tpu.memory_space<vmem>>, vector<16xi32>,
    %get3A_1169 = arith.constant 816 : index
    %get3A_1170 = tpu.vector_load %arg5[%get3A_1169] {strides = array<i32>} : memref<2048xi32, #tpu.memory_space<vmem>>, vector<16xi32>,
    %and3A_1171 = arith.constant 63 : i32
    %and3A_1172 = vector.broadcast %and3A_1171 : i32 to vector<16xi32>
    %and3A_1173 = arith.andi %get3A_1170, %and3A_1172 : vector<16xi32>
    %shift_right_logical3A_1174 = arith.constant 6 : i32
    %shift_right_logical3A_1175 = vector.broadcast %shift_right_logical3A_1174 : i32 to vector<16xi32>
    %shift_right_logical3A_1176 = arith.shrui %get3A_1170, %shift_right_logical3A_1175 : vector<16xi32>
    %gather3A_1177 = tpu.vector_load_idx %arg6[%and3A_1173] : memref<64xi32, #tpu.memory_space<vmem>>[vector<16xi32>], vector<16xi32>,
    %add3A_1178 = arith.addi %gather3A_1177, %shift_right_logical3A_1176 : vector<16xi32>
    %swap3A_1179 = arith.constant 6 : i32
    %swap3A_1180 = arith.index_cast %swap3A_1179 : i32 to index
    %swap3A_1181 = arith.constant 48 : index
    %swap3A_1182 = tpu.vector_load %arg7[%swap3A_1180, %swap3A_1181] {strides = array<i32>} : memref<16x128xi32, #tpu.memory_space<vmem>>, vector<16xi32>,
    tpu.vector_store %arg7[%swap3A_1180, %swap3A_1181], %add3A_1178 {strides = array<i32>} : memref<16x128xi32, #tpu.memory_space<vmem>>, vector<16xi32>,
    %iota3A_1183 = tpu.iota {dimensions = array<i32: 0>} : vector<16xi32>
    %add3A_1184 = arith.constant 816 : i32
    %add3A_1185 = arith.addi %mul3A_0, %add3A_1184 : i32
    %add3A_1186 = vector.broadcast %add3A_1185 : i32 to vector<16xi32>
    %add3A_1187 = arith.addi %iota3A_1183, %add3A_1186 : vector<16xi32>
    %swap3A_1188 = arith.constant 6 : i32
    %swap3A_1189 = arith.index_cast %swap3A_1188 : i32 to index
    %swap3A_1190 = arith.constant 48 : index
    %swap3A_1191 = tpu.vector_load %arg8[%swap3A_1189, %swap3A_1190] {strides = array<i32>} : memref<16x128xi32, #tpu.memory_space<vmem>>, vector<16xi32>,
    tpu.vector_store %arg8[%swap3A_1189, %swap3A_1190], %add3A_1187 {strides = array<i32>} : memref<16x128xi32, #tpu.memory_space<vmem>>, vector<16xi32>,
    %get3A_1192 = arith.constant 832 : index
    %get3A_1193 = tpu.vector_load %arg5[%get3A_1192] {strides = array<i32>} : memref<2048xi32, #tpu.memory_space<vmem>>, vector<16xi32>,
    %and3A_1194 = arith.constant 63 : i32
    %and3A_1195 = vector.broadcast %and3A_1194 : i32 to vector<16xi32>
    %and3A_1196 = arith.andi %get3A_1193, %and3A_1195 : vector<16xi32>
    %shift_right_logical3A_1197 = arith.constant 6 : i32
    %shift_right_logical3A_1198 = vector.broadcast %shift_right_logical3A_1197 : i32 to vector<16xi32>
    %shift_right_logical3A_1199 = arith.shrui %get3A_1193, %shift_right_logical3A_1198 : vector<16xi32>
    %gather3A_1200 = tpu.vector_load_idx %arg6[%and3A_1196] : memref<64xi32, #tpu.memory_space<vmem>>[vector<16xi32>], vector<16xi32>,
    %add3A_1201 = arith.addi %gather3A_1200, %shift_right_logical3A_1199 : vector<16xi32>
    %swap3A_1202 = arith.constant 6 : i32
    %swap3A_1203 = arith.index_cast %swap3A_1202 : i32 to index
    %swap3A_1204 = arith.constant 64 : index
    %swap3A_1205 = tpu.vector_load %arg7[%swap3A_1203, %swap3A_1204] {strides = array<i32>} : memref<16x128xi32, #tpu.memory_space<vmem>>, vector<16xi32>,
    tpu.vector_store %arg7[%swap3A_1203, %swap3A_1204], %add3A_1201 {strides = array<i32>} : memref<16x128xi32, #tpu.memory_space<vmem>>, vector<16xi32>,
    %iota3A_1206 = tpu.iota {dimensions = array<i32: 0>} : vector<16xi32>
    %add3A_1207 = arith.constant 832 : i32
    %add3A_1208 = arith.addi %mul3A_0, %add3A_1207 : i32
    %add3A_1209 = vector.broadcast %add3A_1208 : i32 to vector<16xi32>
    %add3A_1210 = arith.addi %iota3A_1206, %add3A_1209 : vector<16xi32>
    %swap3A_1211 = arith.constant 6 : i32
    %swap3A_1212 = arith.index_cast %swap3A_1211 : i32 to index
    %swap3A_1213 = arith.constant 64 : index
    %swap3A_1214 = tpu.vector_load %arg8[%swap3A_1212, %swap3A_1213] {strides = array<i32>} : memref<16x128xi32, #tpu.memory_space<vmem>>, vector<16xi32>,
    tpu.vector_store %arg8[%swap3A_1212, %swap3A_1213], %add3A_1210 {strides = array<i32>} : memref<16x128xi32, #tpu.memory_space<vmem>>, vector<16xi32>,
    %get3A_1215 = arith.constant 848 : index
    %get3A_1216 = tpu.vector_load %arg5[%get3A_1215] {strides = array<i32>} : memref<2048xi32, #tpu.memory_space<vmem>>, vector<16xi32>,
    %and3A_1217 = arith.constant 63 : i32
    %and3A_1218 = vector.broadcast %and3A_1217 : i32 to vector<16xi32>
    %and3A_1219 = arith.andi %get3A_1216, %and3A_1218 : vector<16xi32>
    %shift_right_logical3A_1220 = arith.constant 6 : i32
    %shift_right_logical3A_1221 = vector.broadcast %shift_right_logical3A_1220 : i32 to vector<16xi32>
    %shift_right_logical3A_1222 = arith.shrui %get3A_1216, %shift_right_logical3A_1221 : vector<16xi32>
    %gather3A_1223 = tpu.vector_load_idx %arg6[%and3A_1219] : memref<64xi32, #tpu.memory_space<vmem>>[vector<16xi32>], vector<16xi32>,
    %add3A_1224 = arith.addi %gather3A_1223, %shift_right_logical3A_1222 : vector<16xi32>
    %swap3A_1225 = arith.constant 6 : i32
    %swap3A_1226 = arith.index_cast %swap3A_1225 : i32 to index
    %swap3A_1227 = arith.constant 80 : index
    %swap3A_1228 = tpu.vector_load %arg7[%swap3A_1226, %swap3A_1227] {strides = array<i32>} : memref<16x128xi32, #tpu.memory_space<vmem>>, vector<16xi32>,
    tpu.vector_store %arg7[%swap3A_1226, %swap3A_1227], %add3A_1224 {strides = array<i32>} : memref<16x128xi32, #tpu.memory_space<vmem>>, vector<16xi32>,
    %iota3A_1229 = tpu.iota {dimensions = array<i32: 0>} : vector<16xi32>
    %add3A_1230 = arith.constant 848 : i32
    %add3A_1231 = arith.addi %mul3A_0, %add3A_1230 : i32
    %add3A_1232 = vector.broadcast %add3A_1231 : i32 to vector<16xi32>
    %add3A_1233 = arith.addi %iota3A_1229, %add3A_1232 : vector<16xi32>
    %swap3A_1234 = arith.constant 6 : i32
    %swap3A_1235 = arith.index_cast %swap3A_1234 : i32 to index
    %swap3A_1236 = arith.constant 80 : index
    %swap3A_1237 = tpu.vector_load %arg8[%swap3A_1235, %swap3A_1236] {strides = array<i32>} : memref<16x128xi32, #tpu.memory_space<vmem>>, vector<16xi32>,
    tpu.vector_store %arg8[%swap3A_1235, %swap3A_1236], %add3A_1233 {strides = array<i32>} : memref<16x128xi32, #tpu.memory_space<vmem>>, vector<16xi32>,
    %get3A_1238 = arith.constant 864 : index
    %get3A_1239 = tpu.vector_load %arg5[%get3A_1238] {strides = array<i32>} : memref<2048xi32, #tpu.memory_space<vmem>>, vector<16xi32>,
    %and3A_1240 = arith.constant 63 : i32
    %and3A_1241 = vector.broadcast %and3A_1240 : i32 to vector<16xi32>
    %and3A_1242 = arith.andi %get3A_1239, %and3A_1241 : vector<16xi32>
    %shift_right_logical3A_1243 = arith.constant 6 : i32
    %shift_right_logical3A_1244 = vector.broadcast %shift_right_logical3A_1243 : i32 to vector<16xi32>
    %shift_right_logical3A_1245 = arith.shrui %get3A_1239, %shift_right_logical3A_1244 : vector<16xi32>
    %gather3A_1246 = tpu.vector_load_idx %arg6[%and3A_1242] : memref<64xi32, #tpu.memory_space<vmem>>[vector<16xi32>], vector<16xi32>,
    %add3A_1247 = arith.addi %gather3A_1246, %shift_right_logical3A_1245 : vector<16xi32>
    %swap3A_1248 = arith.constant 6 : i32
    %swap3A_1249 = arith.index_cast %swap3A_1248 : i32 to index
    %swap3A_1250 = arith.constant 96 : index
    %swap3A_1251 = tpu.vector_load %arg7[%swap3A_1249, %swap3A_1250] {strides = array<i32>} : memref<16x128xi32, #tpu.memory_space<vmem>>, vector<16xi32>,
    tpu.vector_store %arg7[%swap3A_1249, %swap3A_1250], %add3A_1247 {strides = array<i32>} : memref<16x128xi32, #tpu.memory_space<vmem>>, vector<16xi32>,
    %iota3A_1252 = tpu.iota {dimensions = array<i32: 0>} : vector<16xi32>
    %add3A_1253 = arith.constant 864 : i32
    %add3A_1254 = arith.addi %mul3A_0, %add3A_1253 : i32
    %add3A_1255 = vector.broadcast %add3A_1254 : i32 to vector<16xi32>
    %add3A_1256 = arith.addi %iota3A_1252, %add3A_1255 : vector<16xi32>
    %swap3A_1257 = arith.constant 6 : i32
    %swap3A_1258 = arith.index_cast %swap3A_1257 : i32 to index
    %swap3A_1259 = arith.constant 96 : index
    %swap3A_1260 = tpu.vector_load %arg8[%swap3A_1258, %swap3A_1259] {strides = array<i32>} : memref<16x128xi32, #tpu.memory_space<vmem>>, vector<16xi32>,
    tpu.vector_store %arg8[%swap3A_1258, %swap3A_1259], %add3A_1256 {strides = array<i32>} : memref<16x128xi32, #tpu.memory_space<vmem>>, vector<16xi32>,
    %get3A_1261 = arith.constant 880 : index
    %get3A_1262 = tpu.vector_load %arg5[%get3A_1261] {strides = array<i32>} : memref<2048xi32, #tpu.memory_space<vmem>>, vector<16xi32>,
    %and3A_1263 = arith.constant 63 : i32
    %and3A_1264 = vector.broadcast %and3A_1263 : i32 to vector<16xi32>
    %and3A_1265 = arith.andi %get3A_1262, %and3A_1264 : vector<16xi32>
    %shift_right_logical3A_1266 = arith.constant 6 : i32
    %shift_right_logical3A_1267 = vector.broadcast %shift_right_logical3A_1266 : i32 to vector<16xi32>
    %shift_right_logical3A_1268 = arith.shrui %get3A_1262, %shift_right_logical3A_1267 : vector<16xi32>
    %gather3A_1269 = tpu.vector_load_idx %arg6[%and3A_1265] : memref<64xi32, #tpu.memory_space<vmem>>[vector<16xi32>], vector<16xi32>,
    %add3A_1270 = arith.addi %gather3A_1269, %shift_right_logical3A_1268 : vector<16xi32>
    %swap3A_1271 = arith.constant 6 : i32
    %swap3A_1272 = arith.index_cast %swap3A_1271 : i32 to index
    %swap3A_1273 = arith.constant 112 : index
    %swap3A_1274 = tpu.vector_load %arg7[%swap3A_1272, %swap3A_1273] {strides = array<i32>} : memref<16x128xi32, #tpu.memory_space<vmem>>, vector<16xi32>,
    tpu.vector_store %arg7[%swap3A_1272, %swap3A_1273], %add3A_1270 {strides = array<i32>} : memref<16x128xi32, #tpu.memory_space<vmem>>, vector<16xi32>,
    %iota3A_1275 = tpu.iota {dimensions = array<i32: 0>} : vector<16xi32>
    %add3A_1276 = arith.constant 880 : i32
    %add3A_1277 = arith.addi %mul3A_0, %add3A_1276 : i32
    %add3A_1278 = vector.broadcast %add3A_1277 : i32 to vector<16xi32>
    %add3A_1279 = arith.addi %iota3A_1275, %add3A_1278 : vector<16xi32>
    %swap3A_1280 = arith.constant 6 : i32
    %swap3A_1281 = arith.index_cast %swap3A_1280 : i32 to index
    %swap3A_1282 = arith.constant 112 : index
    %swap3A_1283 = tpu.vector_load %arg8[%swap3A_1281, %swap3A_1282] {strides = array<i32>} : memref<16x128xi32, #tpu.memory_space<vmem>>, vector<16xi32>,
    tpu.vector_store %arg8[%swap3A_1281, %swap3A_1282], %add3A_1279 {strides = array<i32>} : memref<16x128xi32, #tpu.memory_space<vmem>>, vector<16xi32>,
    %get3A_1284 = arith.constant 896 : index
    %get3A_1285 = tpu.vector_load %arg5[%get3A_1284] {strides = array<i32>} : memref<2048xi32, #tpu.memory_space<vmem>>, vector<16xi32>,
    %and3A_1286 = arith.constant 63 : i32
    %and3A_1287 = vector.broadcast %and3A_1286 : i32 to vector<16xi32>
    %and3A_1288 = arith.andi %get3A_1285, %and3A_1287 : vector<16xi32>
    %shift_right_logical3A_1289 = arith.constant 6 : i32
    %shift_right_logical3A_1290 = vector.broadcast %shift_right_logical3A_1289 : i32 to vector<16xi32>
    %shift_right_logical3A_1291 = arith.shrui %get3A_1285, %shift_right_logical3A_1290 : vector<16xi32>
    %gather3A_1292 = tpu.vector_load_idx %arg6[%and3A_1288] : memref<64xi32, #tpu.memory_space<vmem>>[vector<16xi32>], vector<16xi32>,
    %add3A_1293 = arith.addi %gather3A_1292, %shift_right_logical3A_1291 : vector<16xi32>
    %swap3A_1294 = arith.constant 7 : i32
    %swap3A_1295 = arith.index_cast %swap3A_1294 : i32 to index
    %swap3A_1296 = arith.constant 0 : index
    %swap3A_1297 = tpu.vector_load %arg7[%swap3A_1295, %swap3A_1296] {strides = array<i32>} : memref<16x128xi32, #tpu.memory_space<vmem>>, vector<16xi32>,
    tpu.vector_store %arg7[%swap3A_1295, %swap3A_1296], %add3A_1293 {strides = array<i32>} : memref<16x128xi32, #tpu.memory_space<vmem>>, vector<16xi32>,
    %iota3A_1298 = tpu.iota {dimensions = array<i32: 0>} : vector<16xi32>
    %add3A_1299 = arith.constant 896 : i32
    %add3A_1300 = arith.addi %mul3A_0, %add3A_1299 : i32
    %add3A_1301 = vector.broadcast %add3A_1300 : i32 to vector<16xi32>
    %add3A_1302 = arith.addi %iota3A_1298, %add3A_1301 : vector<16xi32>
    %swap3A_1303 = arith.constant 7 : i32
    %swap3A_1304 = arith.index_cast %swap3A_1303 : i32 to index
    %swap3A_1305 = arith.constant 0 : index
    %swap3A_1306 = tpu.vector_load %arg8[%swap3A_1304, %swap3A_1305] {strides = array<i32>} : memref<16x128xi32, #tpu.memory_space<vmem>>, vector<16xi32>,
    tpu.vector_store %arg8[%swap3A_1304, %swap3A_1305], %add3A_1302 {strides = array<i32>} : memref<16x128xi32, #tpu.memory_space<vmem>>, vector<16xi32>,
    %get3A_1307 = arith.constant 912 : index
    %get3A_1308 = tpu.vector_load %arg5[%get3A_1307] {strides = array<i32>} : memref<2048xi32, #tpu.memory_space<vmem>>, vector<16xi32>,
    %and3A_1309 = arith.constant 63 : i32
    %and3A_1310 = vector.broadcast %and3A_1309 : i32 to vector<16xi32>
    %and3A_1311 = arith.andi %get3A_1308, %and3A_1310 : vector<16xi32>
    %shift_right_logical3A_1312 = arith.constant 6 : i32
    %shift_right_logical3A_1313 = vector.broadcast %shift_right_logical3A_1312 : i32 to vector<16xi32>
    %shift_right_logical3A_1314 = arith.shrui %get3A_1308, %shift_right_logical3A_1313 : vector<16xi32>
    %gather3A_1315 = tpu.vector_load_idx %arg6[%and3A_1311] : memref<64xi32, #tpu.memory_space<vmem>>[vector<16xi32>], vector<16xi32>,
    %add3A_1316 = arith.addi %gather3A_1315, %shift_right_logical3A_1314 : vector<16xi32>
    %swap3A_1317 = arith.constant 7 : i32
    %swap3A_1318 = arith.index_cast %swap3A_1317 : i32 to index
    %swap3A_1319 = arith.constant 16 : index
    %swap3A_1320 = tpu.vector_load %arg7[%swap3A_1318, %swap3A_1319] {strides = array<i32>} : memref<16x128xi32, #tpu.memory_space<vmem>>, vector<16xi32>,
    tpu.vector_store %arg7[%swap3A_1318, %swap3A_1319], %add3A_1316 {strides = array<i32>} : memref<16x128xi32, #tpu.memory_space<vmem>>, vector<16xi32>,
    %iota3A_1321 = tpu.iota {dimensions = array<i32: 0>} : vector<16xi32>
    %add3A_1322 = arith.constant 912 : i32
    %add3A_1323 = arith.addi %mul3A_0, %add3A_1322 : i32
    %add3A_1324 = vector.broadcast %add3A_1323 : i32 to vector<16xi32>
    %add3A_1325 = arith.addi %iota3A_1321, %add3A_1324 : vector<16xi32>
    %swap3A_1326 = arith.constant 7 : i32
    %swap3A_1327 = arith.index_cast %swap3A_1326 : i32 to index
    %swap3A_1328 = arith.constant 16 : index
    %swap3A_1329 = tpu.vector_load %arg8[%swap3A_1327, %swap3A_1328] {strides = array<i32>} : memref<16x128xi32, #tpu.memory_space<vmem>>, vector<16xi32>,
    tpu.vector_store %arg8[%swap3A_1327, %swap3A_1328], %add3A_1325 {strides = array<i32>} : memref<16x128xi32, #tpu.memory_space<vmem>>, vector<16xi32>,
    %get3A_1330 = arith.constant 928 : index
    %get3A_1331 = tpu.vector_load %arg5[%get3A_1330] {strides = array<i32>} : memref<2048xi32, #tpu.memory_space<vmem>>, vector<16xi32>,
    %and3A_1332 = arith.constant 63 : i32
    %and3A_1333 = vector.broadcast %and3A_1332 : i32 to vector<16xi32>
    %and3A_1334 = arith.andi %get3A_1331, %and3A_1333 : vector<16xi32>
    %shift_right_logical3A_1335 = arith.constant 6 : i32
    %shift_right_logical3A_1336 = vector.broadcast %shift_right_logical3A_1335 : i32 to vector<16xi32>
    %shift_right_logical3A_1337 = arith.shrui %get3A_1331, %shift_right_logical3A_1336 : vector<16xi32>
    %gather3A_1338 = tpu.vector_load_idx %arg6[%and3A_1334] : memref<64xi32, #tpu.memory_space<vmem>>[vector<16xi32>], vector<16xi32>,
    %add3A_1339 = arith.addi %gather3A_1338, %shift_right_logical3A_1337 : vector<16xi32>
    %swap3A_1340 = arith.constant 7 : i32
    %swap3A_1341 = arith.index_cast %swap3A_1340 : i32 to index
    %swap3A_1342 = arith.constant 32 : index
    %swap3A_1343 = tpu.vector_load %arg7[%swap3A_1341, %swap3A_1342] {strides = array<i32>} : memref<16x128xi32, #tpu.memory_space<vmem>>, vector<16xi32>,
    tpu.vector_store %arg7[%swap3A_1341, %swap3A_1342], %add3A_1339 {strides = array<i32>} : memref<16x128xi32, #tpu.memory_space<vmem>>, vector<16xi32>,
    %iota3A_1344 = tpu.iota {dimensions = array<i32: 0>} : vector<16xi32>
    %add3A_1345 = arith.constant 928 : i32
    %add3A_1346 = arith.addi %mul3A_0, %add3A_1345 : i32
    %add3A_1347 = vector.broadcast %add3A_1346 : i32 to vector<16xi32>
    %add3A_1348 = arith.addi %iota3A_1344, %add3A_1347 : vector<16xi32>
    %swap3A_1349 = arith.constant 7 : i32
    %swap3A_1350 = arith.index_cast %swap3A_1349 : i32 to index
    %swap3A_1351 = arith.constant 32 : index
    %swap3A_1352 = tpu.vector_load %arg8[%swap3A_1350, %swap3A_1351] {strides = array<i32>} : memref<16x128xi32, #tpu.memory_space<vmem>>, vector<16xi32>,
    tpu.vector_store %arg8[%swap3A_1350, %swap3A_1351], %add3A_1348 {strides = array<i32>} : memref<16x128xi32, #tpu.memory_space<vmem>>, vector<16xi32>,
    %get3A_1353 = arith.constant 944 : index
    %get3A_1354 = tpu.vector_load %arg5[%get3A_1353] {strides = array<i32>} : memref<2048xi32, #tpu.memory_space<vmem>>, vector<16xi32>,
    %and3A_1355 = arith.constant 63 : i32
    %and3A_1356 = vector.broadcast %and3A_1355 : i32 to vector<16xi32>
    %and3A_1357 = arith.andi %get3A_1354, %and3A_1356 : vector<16xi32>
    %shift_right_logical3A_1358 = arith.constant 6 : i32
    %shift_right_logical3A_1359 = vector.broadcast %shift_right_logical3A_1358 : i32 to vector<16xi32>
    %shift_right_logical3A_1360 = arith.shrui %get3A_1354, %shift_right_logical3A_1359 : vector<16xi32>
    %gather3A_1361 = tpu.vector_load_idx %arg6[%and3A_1357] : memref<64xi32, #tpu.memory_space<vmem>>[vector<16xi32>], vector<16xi32>,
    %add3A_1362 = arith.addi %gather3A_1361, %shift_right_logical3A_1360 : vector<16xi32>
    %swap3A_1363 = arith.constant 7 : i32
    %swap3A_1364 = arith.index_cast %swap3A_1363 : i32 to index
    %swap3A_1365 = arith.constant 48 : index
    %swap3A_1366 = tpu.vector_load %arg7[%swap3A_1364, %swap3A_1365] {strides = array<i32>} : memref<16x128xi32, #tpu.memory_space<vmem>>, vector<16xi32>,
    tpu.vector_store %arg7[%swap3A_1364, %swap3A_1365], %add3A_1362 {strides = array<i32>} : memref<16x128xi32, #tpu.memory_space<vmem>>, vector<16xi32>,
    %iota3A_1367 = tpu.iota {dimensions = array<i32: 0>} : vector<16xi32>
    %add3A_1368 = arith.constant 944 : i32
    %add3A_1369 = arith.addi %mul3A_0, %add3A_1368 : i32
    %add3A_1370 = vector.broadcast %add3A_1369 : i32 to vector<16xi32>
    %add3A_1371 = arith.addi %iota3A_1367, %add3A_1370 : vector<16xi32>
    %swap3A_1372 = arith.constant 7 : i32
    %swap3A_1373 = arith.index_cast %swap3A_1372 : i32 to index
    %swap3A_1374 = arith.constant 48 : index
    %swap3A_1375 = tpu.vector_load %arg8[%swap3A_1373, %swap3A_1374] {strides = array<i32>} : memref<16x128xi32, #tpu.memory_space<vmem>>, vector<16xi32>,
    tpu.vector_store %arg8[%swap3A_1373, %swap3A_1374], %add3A_1371 {strides = array<i32>} : memref<16x128xi32, #tpu.memory_space<vmem>>, vector<16xi32>,
    %get3A_1376 = arith.constant 960 : index
    %get3A_1377 = tpu.vector_load %arg5[%get3A_1376] {strides = array<i32>} : memref<2048xi32, #tpu.memory_space<vmem>>, vector<16xi32>,
    %and3A_1378 = arith.constant 63 : i32
    %and3A_1379 = vector.broadcast %and3A_1378 : i32 to vector<16xi32>
    %and3A_1380 = arith.andi %get3A_1377, %and3A_1379 : vector<16xi32>
    %shift_right_logical3A_1381 = arith.constant 6 : i32
    %shift_right_logical3A_1382 = vector.broadcast %shift_right_logical3A_1381 : i32 to vector<16xi32>
    %shift_right_logical3A_1383 = arith.shrui %get3A_1377, %shift_right_logical3A_1382 : vector<16xi32>
    %gather3A_1384 = tpu.vector_load_idx %arg6[%and3A_1380] : memref<64xi32, #tpu.memory_space<vmem>>[vector<16xi32>], vector<16xi32>,
    %add3A_1385 = arith.addi %gather3A_1384, %shift_right_logical3A_1383 : vector<16xi32>
    %swap3A_1386 = arith.constant 7 : i32
    %swap3A_1387 = arith.index_cast %swap3A_1386 : i32 to index
    %swap3A_1388 = arith.constant 64 : index
    %swap3A_1389 = tpu.vector_load %arg7[%swap3A_1387, %swap3A_1388] {strides = array<i32>} : memref<16x128xi32, #tpu.memory_space<vmem>>, vector<16xi32>,
    tpu.vector_store %arg7[%swap3A_1387, %swap3A_1388], %add3A_1385 {strides = array<i32>} : memref<16x128xi32, #tpu.memory_space<vmem>>, vector<16xi32>,
    %iota3A_1390 = tpu.iota {dimensions = array<i32: 0>} : vector<16xi32>
    %add3A_1391 = arith.constant 960 : i32
    %add3A_1392 = arith.addi %mul3A_0, %add3A_1391 : i32
    %add3A_1393 = vector.broadcast %add3A_1392 : i32 to vector<16xi32>
    %add3A_1394 = arith.addi %iota3A_1390, %add3A_1393 : vector<16xi32>
    %swap3A_1395 = arith.constant 7 : i32
    %swap3A_1396 = arith.index_cast %swap3A_1395 : i32 to index
    %swap3A_1397 = arith.constant 64 : index
    %swap3A_1398 = tpu.vector_load %arg8[%swap3A_1396, %swap3A_1397] {strides = array<i32>} : memref<16x128xi32, #tpu.memory_space<vmem>>, vector<16xi32>,
    tpu.vector_store %arg8[%swap3A_1396, %swap3A_1397], %add3A_1394 {strides = array<i32>} : memref<16x128xi32, #tpu.memory_space<vmem>>, vector<16xi32>,
    %get3A_1399 = arith.constant 976 : index
    %get3A_1400 = tpu.vector_load %arg5[%get3A_1399] {strides = array<i32>} : memref<2048xi32, #tpu.memory_space<vmem>>, vector<16xi32>,
    %and3A_1401 = arith.constant 63 : i32
    %and3A_1402 = vector.broadcast %and3A_1401 : i32 to vector<16xi32>
    %and3A_1403 = arith.andi %get3A_1400, %and3A_1402 : vector<16xi32>
    %shift_right_logical3A_1404 = arith.constant 6 : i32
    %shift_right_logical3A_1405 = vector.broadcast %shift_right_logical3A_1404 : i32 to vector<16xi32>
    %shift_right_logical3A_1406 = arith.shrui %get3A_1400, %shift_right_logical3A_1405 : vector<16xi32>
    %gather3A_1407 = tpu.vector_load_idx %arg6[%and3A_1403] : memref<64xi32, #tpu.memory_space<vmem>>[vector<16xi32>], vector<16xi32>,
    %add3A_1408 = arith.addi %gather3A_1407, %shift_right_logical3A_1406 : vector<16xi32>
    %swap3A_1409 = arith.constant 7 : i32
    %swap3A_1410 = arith.index_cast %swap3A_1409 : i32 to index
    %swap3A_1411 = arith.constant 80 : index
    %swap3A_1412 = tpu.vector_load %arg7[%swap3A_1410, %swap3A_1411] {strides = array<i32>} : memref<16x128xi32, #tpu.memory_space<vmem>>, vector<16xi32>,
    tpu.vector_store %arg7[%swap3A_1410, %swap3A_1411], %add3A_1408 {strides = array<i32>} : memref<16x128xi32, #tpu.memory_space<vmem>>, vector<16xi32>,
    %iota3A_1413 = tpu.iota {dimensions = array<i32: 0>} : vector<16xi32>
    %add3A_1414 = arith.constant 976 : i32
    %add3A_1415 = arith.addi %mul3A_0, %add3A_1414 : i32
    %add3A_1416 = vector.broadcast %add3A_1415 : i32 to vector<16xi32>
    %add3A_1417 = arith.addi %iota3A_1413, %add3A_1416 : vector<16xi32>
    %swap3A_1418 = arith.constant 7 : i32
    %swap3A_1419 = arith.index_cast %swap3A_1418 : i32 to index
    %swap3A_1420 = arith.constant 80 : index
    %swap3A_1421 = tpu.vector_load %arg8[%swap3A_1419, %swap3A_1420] {strides = array<i32>} : memref<16x128xi32, #tpu.memory_space<vmem>>, vector<16xi32>,
    tpu.vector_store %arg8[%swap3A_1419, %swap3A_1420], %add3A_1417 {strides = array<i32>} : memref<16x128xi32, #tpu.memory_space<vmem>>, vector<16xi32>,
    %get3A_1422 = arith.constant 992 : index
    %get3A_1423 = tpu.vector_load %arg5[%get3A_1422] {strides = array<i32>} : memref<2048xi32, #tpu.memory_space<vmem>>, vector<16xi32>,
    %and3A_1424 = arith.constant 63 : i32
    %and3A_1425 = vector.broadcast %and3A_1424 : i32 to vector<16xi32>
    %and3A_1426 = arith.andi %get3A_1423, %and3A_1425 : vector<16xi32>
    %shift_right_logical3A_1427 = arith.constant 6 : i32
    %shift_right_logical3A_1428 = vector.broadcast %shift_right_logical3A_1427 : i32 to vector<16xi32>
    %shift_right_logical3A_1429 = arith.shrui %get3A_1423, %shift_right_logical3A_1428 : vector<16xi32>
    %gather3A_1430 = tpu.vector_load_idx %arg6[%and3A_1426] : memref<64xi32, #tpu.memory_space<vmem>>[vector<16xi32>], vector<16xi32>,
    %add3A_1431 = arith.addi %gather3A_1430, %shift_right_logical3A_1429 : vector<16xi32>
    %swap3A_1432 = arith.constant 7 : i32
    %swap3A_1433 = arith.index_cast %swap3A_1432 : i32 to index
    %swap3A_1434 = arith.constant 96 : index
    %swap3A_1435 = tpu.vector_load %arg7[%swap3A_1433, %swap3A_1434] {strides = array<i32>} : memref<16x128xi32, #tpu.memory_space<vmem>>, vector<16xi32>,
    tpu.vector_store %arg7[%swap3A_1433, %swap3A_1434], %add3A_1431 {strides = array<i32>} : memref<16x128xi32, #tpu.memory_space<vmem>>, vector<16xi32>,
    %iota3A_1436 = tpu.iota {dimensions = array<i32: 0>} : vector<16xi32>
    %add3A_1437 = arith.constant 992 : i32
    %add3A_1438 = arith.addi %mul3A_0, %add3A_1437 : i32
    %add3A_1439 = vector.broadcast %add3A_1438 : i32 to vector<16xi32>
    %add3A_1440 = arith.addi %iota3A_1436, %add3A_1439 : vector<16xi32>
    %swap3A_1441 = arith.constant 7 : i32
    %swap3A_1442 = arith.index_cast %swap3A_1441 : i32 to index
    %swap3A_1443 = arith.constant 96 : index
    %swap3A_1444 = tpu.vector_load %arg8[%swap3A_1442, %swap3A_1443] {strides = array<i32>} : memref<16x128xi32, #tpu.memory_space<vmem>>, vector<16xi32>,
    tpu.vector_store %arg8[%swap3A_1442, %swap3A_1443], %add3A_1440 {strides = array<i32>} : memref<16x128xi32, #tpu.memory_space<vmem>>, vector<16xi32>,
    %get3A_1445 = arith.constant 1008 : index
    %get3A_1446 = tpu.vector_load %arg5[%get3A_1445] {strides = array<i32>} : memref<2048xi32, #tpu.memory_space<vmem>>, vector<16xi32>,
    %and3A_1447 = arith.constant 63 : i32
    %and3A_1448 = vector.broadcast %and3A_1447 : i32 to vector<16xi32>
    %and3A_1449 = arith.andi %get3A_1446, %and3A_1448 : vector<16xi32>
    %shift_right_logical3A_1450 = arith.constant 6 : i32
    %shift_right_logical3A_1451 = vector.broadcast %shift_right_logical3A_1450 : i32 to vector<16xi32>
    %shift_right_logical3A_1452 = arith.shrui %get3A_1446, %shift_right_logical3A_1451 : vector<16xi32>
    %gather3A_1453 = tpu.vector_load_idx %arg6[%and3A_1449] : memref<64xi32, #tpu.memory_space<vmem>>[vector<16xi32>], vector<16xi32>,
    %add3A_1454 = arith.addi %gather3A_1453, %shift_right_logical3A_1452 : vector<16xi32>
    %swap3A_1455 = arith.constant 7 : i32
    %swap3A_1456 = arith.index_cast %swap3A_1455 : i32 to index
    %swap3A_1457 = arith.constant 112 : index
    %swap3A_1458 = tpu.vector_load %arg7[%swap3A_1456, %swap3A_1457] {strides = array<i32>} : memref<16x128xi32, #tpu.memory_space<vmem>>, vector<16xi32>,
    tpu.vector_store %arg7[%swap3A_1456, %swap3A_1457], %add3A_1454 {strides = array<i32>} : memref<16x128xi32, #tpu.memory_space<vmem>>, vector<16xi32>,
    %iota3A_1459 = tpu.iota {dimensions = array<i32: 0>} : vector<16xi32>
    %add3A_1460 = arith.constant 1008 : i32
    %add3A_1461 = arith.addi %mul3A_0, %add3A_1460 : i32
    %add3A_1462 = vector.broadcast %add3A_1461 : i32 to vector<16xi32>
    %add3A_1463 = arith.addi %iota3A_1459, %add3A_1462 : vector<16xi32>
    %swap3A_1464 = arith.constant 7 : i32
    %swap3A_1465 = arith.index_cast %swap3A_1464 : i32 to index
    %swap3A_1466 = arith.constant 112 : index
    %swap3A_1467 = tpu.vector_load %arg8[%swap3A_1465, %swap3A_1466] {strides = array<i32>} : memref<16x128xi32, #tpu.memory_space<vmem>>, vector<16xi32>,
    tpu.vector_store %arg8[%swap3A_1465, %swap3A_1466], %add3A_1463 {strides = array<i32>} : memref<16x128xi32, #tpu.memory_space<vmem>>, vector<16xi32>,
    %get3A_1468 = arith.constant 1024 : index
    %get3A_1469 = tpu.vector_load %arg5[%get3A_1468] {strides = array<i32>} : memref<2048xi32, #tpu.memory_space<vmem>>, vector<16xi32>,
    %and3A_1470 = arith.constant 63 : i32
    %and3A_1471 = vector.broadcast %and3A_1470 : i32 to vector<16xi32>
    %and3A_1472 = arith.andi %get3A_1469, %and3A_1471 : vector<16xi32>
    %shift_right_logical3A_1473 = arith.constant 6 : i32
    %shift_right_logical3A_1474 = vector.broadcast %shift_right_logical3A_1473 : i32 to vector<16xi32>
    %shift_right_logical3A_1475 = arith.shrui %get3A_1469, %shift_right_logical3A_1474 : vector<16xi32>
    %gather3A_1476 = tpu.vector_load_idx %arg6[%and3A_1472] : memref<64xi32, #tpu.memory_space<vmem>>[vector<16xi32>], vector<16xi32>,
    %add3A_1477 = arith.addi %gather3A_1476, %shift_right_logical3A_1475 : vector<16xi32>
    %swap3A_1478 = arith.constant 8 : i32
    %swap3A_1479 = arith.index_cast %swap3A_1478 : i32 to index
    %swap3A_1480 = arith.constant 0 : index
    %swap3A_1481 = tpu.vector_load %arg7[%swap3A_1479, %swap3A_1480] {strides = array<i32>} : memref<16x128xi32, #tpu.memory_space<vmem>>, vector<16xi32>,
    tpu.vector_store %arg7[%swap3A_1479, %swap3A_1480], %add3A_1477 {strides = array<i32>} : memref<16x128xi32, #tpu.memory_space<vmem>>, vector<16xi32>,
    %iota3A_1482 = tpu.iota {dimensions = array<i32: 0>} : vector<16xi32>
    %add3A_1483 = arith.constant 1024 : i32
    %add3A_1484 = arith.addi %mul3A_0, %add3A_1483 : i32
    %add3A_1485 = vector.broadcast %add3A_1484 : i32 to vector<16xi32>
    %add3A_1486 = arith.addi %iota3A_1482, %add3A_1485 : vector<16xi32>
    %swap3A_1487 = arith.constant 8 : i32
    %swap3A_1488 = arith.index_cast %swap3A_1487 : i32 to index
    %swap3A_1489 = arith.constant 0 : index
    %swap3A_1490 = tpu.vector_load %arg8[%swap3A_1488, %swap3A_1489] {strides = array<i32>} : memref<16x128xi32, #tpu.memory_space<vmem>>, vector<16xi32>,
    tpu.vector_store %arg8[%swap3A_1488, %swap3A_1489], %add3A_1486 {strides = array<i32>} : memref<16x128xi32, #tpu.memory_space<vmem>>, vector<16xi32>,
    %get3A_1491 = arith.constant 1040 : index
    %get3A_1492 = tpu.vector_load %arg5[%get3A_1491] {strides = array<i32>} : memref<2048xi32, #tpu.memory_space<vmem>>, vector<16xi32>,
    %and3A_1493 = arith.constant 63 : i32
    %and3A_1494 = vector.broadcast %and3A_1493 : i32 to vector<16xi32>
    %and3A_1495 = arith.andi %get3A_1492, %and3A_1494 : vector<16xi32>
    %shift_right_logical3A_1496 = arith.constant 6 : i32
    %shift_right_logical3A_1497 = vector.broadcast %shift_right_logical3A_1496 : i32 to vector<16xi32>
    %shift_right_logical3A_1498 = arith.shrui %get3A_1492, %shift_right_logical3A_1497 : vector<16xi32>
    %gather3A_1499 = tpu.vector_load_idx %arg6[%and3A_1495] : memref<64xi32, #tpu.memory_space<vmem>>[vector<16xi32>], vector<16xi32>,
    %add3A_1500 = arith.addi %gather3A_1499, %shift_right_logical3A_1498 : vector<16xi32>
    %swap3A_1501 = arith.constant 8 : i32
    %swap3A_1502 = arith.index_cast %swap3A_1501 : i32 to index
    %swap3A_1503 = arith.constant 16 : index
    %swap3A_1504 = tpu.vector_load %arg7[%swap3A_1502, %swap3A_1503] {strides = array<i32>} : memref<16x128xi32, #tpu.memory_space<vmem>>, vector<16xi32>,
    tpu.vector_store %arg7[%swap3A_1502, %swap3A_1503], %add3A_1500 {strides = array<i32>} : memref<16x128xi32, #tpu.memory_space<vmem>>, vector<16xi32>,
    %iota3A_1505 = tpu.iota {dimensions = array<i32: 0>} : vector<16xi32>
    %add3A_1506 = arith.constant 1040 : i32
    %add3A_1507 = arith.addi %mul3A_0, %add3A_1506 : i32
    %add3A_1508 = vector.broadcast %add3A_1507 : i32 to vector<16xi32>
    %add3A_1509 = arith.addi %iota3A_1505, %add3A_1508 : vector<16xi32>
    %swap3A_1510 = arith.constant 8 : i32
    %swap3A_1511 = arith.index_cast %swap3A_1510 : i32 to index
    %swap3A_1512 = arith.constant 16 : index
    %swap3A_1513 = tpu.vector_load %arg8[%swap3A_1511, %swap3A_1512] {strides = array<i32>} : memref<16x128xi32, #tpu.memory_space<vmem>>, vector<16xi32>,
    tpu.vector_store %arg8[%swap3A_1511, %swap3A_1512], %add3A_1509 {strides = array<i32>} : memref<16x128xi32, #tpu.memory_space<vmem>>, vector<16xi32>,
    %get3A_1514 = arith.constant 1056 : index
    %get3A_1515 = tpu.vector_load %arg5[%get3A_1514] {strides = array<i32>} : memref<2048xi32, #tpu.memory_space<vmem>>, vector<16xi32>,
    %and3A_1516 = arith.constant 63 : i32
    %and3A_1517 = vector.broadcast %and3A_1516 : i32 to vector<16xi32>
    %and3A_1518 = arith.andi %get3A_1515, %and3A_1517 : vector<16xi32>
    %shift_right_logical3A_1519 = arith.constant 6 : i32
    %shift_right_logical3A_1520 = vector.broadcast %shift_right_logical3A_1519 : i32 to vector<16xi32>
    %shift_right_logical3A_1521 = arith.shrui %get3A_1515, %shift_right_logical3A_1520 : vector<16xi32>
    %gather3A_1522 = tpu.vector_load_idx %arg6[%and3A_1518] : memref<64xi32, #tpu.memory_space<vmem>>[vector<16xi32>], vector<16xi32>,
    %add3A_1523 = arith.addi %gather3A_1522, %shift_right_logical3A_1521 : vector<16xi32>
    %swap3A_1524 = arith.constant 8 : i32
    %swap3A_1525 = arith.index_cast %swap3A_1524 : i32 to index
    %swap3A_1526 = arith.constant 32 : index
    %swap3A_1527 = tpu.vector_load %arg7[%swap3A_1525, %swap3A_1526] {strides = array<i32>} : memref<16x128xi32, #tpu.memory_space<vmem>>, vector<16xi32>,
    tpu.vector_store %arg7[%swap3A_1525, %swap3A_1526], %add3A_1523 {strides = array<i32>} : memref<16x128xi32, #tpu.memory_space<vmem>>, vector<16xi32>,
    %iota3A_1528 = tpu.iota {dimensions = array<i32: 0>} : vector<16xi32>
    %add3A_1529 = arith.constant 1056 : i32
    %add3A_1530 = arith.addi %mul3A_0, %add3A_1529 : i32
    %add3A_1531 = vector.broadcast %add3A_1530 : i32 to vector<16xi32>
    %add3A_1532 = arith.addi %iota3A_1528, %add3A_1531 : vector<16xi32>
    %swap3A_1533 = arith.constant 8 : i32
    %swap3A_1534 = arith.index_cast %swap3A_1533 : i32 to index
    %swap3A_1535 = arith.constant 32 : index
    %swap3A_1536 = tpu.vector_load %arg8[%swap3A_1534, %swap3A_1535] {strides = array<i32>} : memref<16x128xi32, #tpu.memory_space<vmem>>, vector<16xi32>,
    tpu.vector_store %arg8[%swap3A_1534, %swap3A_1535], %add3A_1532 {strides = array<i32>} : memref<16x128xi32, #tpu.memory_space<vmem>>, vector<16xi32>,
    %get3A_1537 = arith.constant 1072 : index
    %get3A_1538 = tpu.vector_load %arg5[%get3A_1537] {strides = array<i32>} : memref<2048xi32, #tpu.memory_space<vmem>>, vector<16xi32>,
    %and3A_1539 = arith.constant 63 : i32
    %and3A_1540 = vector.broadcast %and3A_1539 : i32 to vector<16xi32>
    %and3A_1541 = arith.andi %get3A_1538, %and3A_1540 : vector<16xi32>
    %shift_right_logical3A_1542 = arith.constant 6 : i32
    %shift_right_logical3A_1543 = vector.broadcast %shift_right_logical3A_1542 : i32 to vector<16xi32>
    %shift_right_logical3A_1544 = arith.shrui %get3A_1538, %shift_right_logical3A_1543 : vector<16xi32>
    %gather3A_1545 = tpu.vector_load_idx %arg6[%and3A_1541] : memref<64xi32, #tpu.memory_space<vmem>>[vector<16xi32>], vector<16xi32>,
    %add3A_1546 = arith.addi %gather3A_1545, %shift_right_logical3A_1544 : vector<16xi32>
    %swap3A_1547 = arith.constant 8 : i32
    %swap3A_1548 = arith.index_cast %swap3A_1547 : i32 to index
    %swap3A_1549 = arith.constant 48 : index
    %swap3A_1550 = tpu.vector_load %arg7[%swap3A_1548, %swap3A_1549] {strides = array<i32>} : memref<16x128xi32, #tpu.memory_space<vmem>>, vector<16xi32>,
    tpu.vector_store %arg7[%swap3A_1548, %swap3A_1549], %add3A_1546 {strides = array<i32>} : memref<16x128xi32, #tpu.memory_space<vmem>>, vector<16xi32>,
    %iota3A_1551 = tpu.iota {dimensions = array<i32: 0>} : vector<16xi32>
    %add3A_1552 = arith.constant 1072 : i32
    %add3A_1553 = arith.addi %mul3A_0, %add3A_1552 : i32
    %add3A_1554 = vector.broadcast %add3A_1553 : i32 to vector<16xi32>
    %add3A_1555 = arith.addi %iota3A_1551, %add3A_1554 : vector<16xi32>
    %swap3A_1556 = arith.constant 8 : i32
    %swap3A_1557 = arith.index_cast %swap3A_1556 : i32 to index
    %swap3A_1558 = arith.constant 48 : index
    %swap3A_1559 = tpu.vector_load %arg8[%swap3A_1557, %swap3A_1558] {strides = array<i32>} : memref<16x128xi32, #tpu.memory_space<vmem>>, vector<16xi32>,
    tpu.vector_store %arg8[%swap3A_1557, %swap3A_1558], %add3A_1555 {strides = array<i32>} : memref<16x128xi32, #tpu.memory_space<vmem>>, vector<16xi32>,
    %get3A_1560 = arith.constant 1088 : index
    %get3A_1561 = tpu.vector_load %arg5[%get3A_1560] {strides = array<i32>} : memref<2048xi32, #tpu.memory_space<vmem>>, vector<16xi32>,
    %and3A_1562 = arith.constant 63 : i32
    %and3A_1563 = vector.broadcast %and3A_1562 : i32 to vector<16xi32>
    %and3A_1564 = arith.andi %get3A_1561, %and3A_1563 : vector<16xi32>
    %shift_right_logical3A_1565 = arith.constant 6 : i32
    %shift_right_logical3A_1566 = vector.broadcast %shift_right_logical3A_1565 : i32 to vector<16xi32>
    %shift_right_logical3A_1567 = arith.shrui %get3A_1561, %shift_right_logical3A_1566 : vector<16xi32>
    %gather3A_1568 = tpu.vector_load_idx %arg6[%and3A_1564] : memref<64xi32, #tpu.memory_space<vmem>>[vector<16xi32>], vector<16xi32>,
    %add3A_1569 = arith.addi %gather3A_1568, %shift_right_logical3A_1567 : vector<16xi32>
    %swap3A_1570 = arith.constant 8 : i32
    %swap3A_1571 = arith.index_cast %swap3A_1570 : i32 to index
    %swap3A_1572 = arith.constant 64 : index
    %swap3A_1573 = tpu.vector_load %arg7[%swap3A_1571, %swap3A_1572] {strides = array<i32>} : memref<16x128xi32, #tpu.memory_space<vmem>>, vector<16xi32>,
    tpu.vector_store %arg7[%swap3A_1571, %swap3A_1572], %add3A_1569 {strides = array<i32>} : memref<16x128xi32, #tpu.memory_space<vmem>>, vector<16xi32>,
    %iota3A_1574 = tpu.iota {dimensions = array<i32: 0>} : vector<16xi32>
    %add3A_1575 = arith.constant 1088 : i32
    %add3A_1576 = arith.addi %mul3A_0, %add3A_1575 : i32
    %add3A_1577 = vector.broadcast %add3A_1576 : i32 to vector<16xi32>
    %add3A_1578 = arith.addi %iota3A_1574, %add3A_1577 : vector<16xi32>
    %swap3A_1579 = arith.constant 8 : i32
    %swap3A_1580 = arith.index_cast %swap3A_1579 : i32 to index
    %swap3A_1581 = arith.constant 64 : index
    %swap3A_1582 = tpu.vector_load %arg8[%swap3A_1580, %swap3A_1581] {strides = array<i32>} : memref<16x128xi32, #tpu.memory_space<vmem>>, vector<16xi32>,
    tpu.vector_store %arg8[%swap3A_1580, %swap3A_1581], %add3A_1578 {strides = array<i32>} : memref<16x128xi32, #tpu.memory_space<vmem>>, vector<16xi32>,
    %get3A_1583 = arith.constant 1104 : index
    %get3A_1584 = tpu.vector_load %arg5[%get3A_1583] {strides = array<i32>} : memref<2048xi32, #tpu.memory_space<vmem>>, vector<16xi32>,
    %and3A_1585 = arith.constant 63 : i32
    %and3A_1586 = vector.broadcast %and3A_1585 : i32 to vector<16xi32>
    %and3A_1587 = arith.andi %get3A_1584, %and3A_1586 : vector<16xi32>
    %shift_right_logical3A_1588 = arith.constant 6 : i32
    %shift_right_logical3A_1589 = vector.broadcast %shift_right_logical3A_1588 : i32 to vector<16xi32>
    %shift_right_logical3A_1590 = arith.shrui %get3A_1584, %shift_right_logical3A_1589 : vector<16xi32>
    %gather3A_1591 = tpu.vector_load_idx %arg6[%and3A_1587] : memref<64xi32, #tpu.memory_space<vmem>>[vector<16xi32>], vector<16xi32>,
    %add3A_1592 = arith.addi %gather3A_1591, %shift_right_logical3A_1590 : vector<16xi32>
    %swap3A_1593 = arith.constant 8 : i32
    %swap3A_1594 = arith.index_cast %swap3A_1593 : i32 to index
    %swap3A_1595 = arith.constant 80 : index
    %swap3A_1596 = tpu.vector_load %arg7[%swap3A_1594, %swap3A_1595] {strides = array<i32>} : memref<16x128xi32, #tpu.memory_space<vmem>>, vector<16xi32>,
    tpu.vector_store %arg7[%swap3A_1594, %swap3A_1595], %add3A_1592 {strides = array<i32>} : memref<16x128xi32, #tpu.memory_space<vmem>>, vector<16xi32>,
    %iota3A_1597 = tpu.iota {dimensions = array<i32: 0>} : vector<16xi32>
    %add3A_1598 = arith.constant 1104 : i32
    %add3A_1599 = arith.addi %mul3A_0, %add3A_1598 : i32
    %add3A_1600 = vector.broadcast %add3A_1599 : i32 to vector<16xi32>
    %add3A_1601 = arith.addi %iota3A_1597, %add3A_1600 : vector<16xi32>
    %swap3A_1602 = arith.constant 8 : i32
    %swap3A_1603 = arith.index_cast %swap3A_1602 : i32 to index
    %swap3A_1604 = arith.constant 80 : index
    %swap3A_1605 = tpu.vector_load %arg8[%swap3A_1603, %swap3A_1604] {strides = array<i32>} : memref<16x128xi32, #tpu.memory_space<vmem>>, vector<16xi32>,
    tpu.vector_store %arg8[%swap3A_1603, %swap3A_1604], %add3A_1601 {strides = array<i32>} : memref<16x128xi32, #tpu.memory_space<vmem>>, vector<16xi32>,
    %get3A_1606 = arith.constant 1120 : index
    %get3A_1607 = tpu.vector_load %arg5[%get3A_1606] {strides = array<i32>} : memref<2048xi32, #tpu.memory_space<vmem>>, vector<16xi32>,
    %and3A_1608 = arith.constant 63 : i32
    %and3A_1609 = vector.broadcast %and3A_1608 : i32 to vector<16xi32>
    %and3A_1610 = arith.andi %get3A_1607, %and3A_1609 : vector<16xi32>
    %shift_right_logical3A_1611 = arith.constant 6 : i32
    %shift_right_logical3A_1612 = vector.broadcast %shift_right_logical3A_1611 : i32 to vector<16xi32>
    %shift_right_logical3A_1613 = arith.shrui %get3A_1607, %shift_right_logical3A_1612 : vector<16xi32>
    %gather3A_1614 = tpu.vector_load_idx %arg6[%and3A_1610] : memref<64xi32, #tpu.memory_space<vmem>>[vector<16xi32>], vector<16xi32>,
    %add3A_1615 = arith.addi %gather3A_1614, %shift_right_logical3A_1613 : vector<16xi32>
    %swap3A_1616 = arith.constant 8 : i32
    %swap3A_1617 = arith.index_cast %swap3A_1616 : i32 to index
    %swap3A_1618 = arith.constant 96 : index
    %swap3A_1619 = tpu.vector_load %arg7[%swap3A_1617, %swap3A_1618] {strides = array<i32>} : memref<16x128xi32, #tpu.memory_space<vmem>>, vector<16xi32>,
    tpu.vector_store %arg7[%swap3A_1617, %swap3A_1618], %add3A_1615 {strides = array<i32>} : memref<16x128xi32, #tpu.memory_space<vmem>>, vector<16xi32>,
    %iota3A_1620 = tpu.iota {dimensions = array<i32: 0>} : vector<16xi32>
    %add3A_1621 = arith.constant 1120 : i32
    %add3A_1622 = arith.addi %mul3A_0, %add3A_1621 : i32
    %add3A_1623 = vector.broadcast %add3A_1622 : i32 to vector<16xi32>
    %add3A_1624 = arith.addi %iota3A_1620, %add3A_1623 : vector<16xi32>
    %swap3A_1625 = arith.constant 8 : i32
    %swap3A_1626 = arith.index_cast %swap3A_1625 : i32 to index
    %swap3A_1627 = arith.constant 96 : index
    %swap3A_1628 = tpu.vector_load %arg8[%swap3A_1626, %swap3A_1627] {strides = array<i32>} : memref<16x128xi32, #tpu.memory_space<vmem>>, vector<16xi32>,
    tpu.vector_store %arg8[%swap3A_1626, %swap3A_1627], %add3A_1624 {strides = array<i32>} : memref<16x128xi32, #tpu.memory_space<vmem>>, vector<16xi32>,
    %get3A_1629 = arith.constant 1136 : index
    %get3A_1630 = tpu.vector_load %arg5[%get3A_1629] {strides = array<i32>} : memref<2048xi32, #tpu.memory_space<vmem>>, vector<16xi32>,
    %and3A_1631 = arith.constant 63 : i32
    %and3A_1632 = vector.broadcast %and3A_1631 : i32 to vector<16xi32>
    %and3A_1633 = arith.andi %get3A_1630, %and3A_1632 : vector<16xi32>
    %shift_right_logical3A_1634 = arith.constant 6 : i32
    %shift_right_logical3A_1635 = vector.broadcast %shift_right_logical3A_1634 : i32 to vector<16xi32>
    %shift_right_logical3A_1636 = arith.shrui %get3A_1630, %shift_right_logical3A_1635 : vector<16xi32>
    %gather3A_1637 = tpu.vector_load_idx %arg6[%and3A_1633] : memref<64xi32, #tpu.memory_space<vmem>>[vector<16xi32>], vector<16xi32>,
    %add3A_1638 = arith.addi %gather3A_1637, %shift_right_logical3A_1636 : vector<16xi32>
    %swap3A_1639 = arith.constant 8 : i32
    %swap3A_1640 = arith.index_cast %swap3A_1639 : i32 to index
    %swap3A_1641 = arith.constant 112 : index
    %swap3A_1642 = tpu.vector_load %arg7[%swap3A_1640, %swap3A_1641] {strides = array<i32>} : memref<16x128xi32, #tpu.memory_space<vmem>>, vector<16xi32>,
    tpu.vector_store %arg7[%swap3A_1640, %swap3A_1641], %add3A_1638 {strides = array<i32>} : memref<16x128xi32, #tpu.memory_space<vmem>>, vector<16xi32>,
    %iota3A_1643 = tpu.iota {dimensions = array<i32: 0>} : vector<16xi32>
    %add3A_1644 = arith.constant 1136 : i32
    %add3A_1645 = arith.addi %mul3A_0, %add3A_1644 : i32
    %add3A_1646 = vector.broadcast %add3A_1645 : i32 to vector<16xi32>
    %add3A_1647 = arith.addi %iota3A_1643, %add3A_1646 : vector<16xi32>
    %swap3A_1648 = arith.constant 8 : i32
    %swap3A_1649 = arith.index_cast %swap3A_1648 : i32 to index
    %swap3A_1650 = arith.constant 112 : index
    %swap3A_1651 = tpu.vector_load %arg8[%swap3A_1649, %swap3A_1650] {strides = array<i32>} : memref<16x128xi32, #tpu.memory_space<vmem>>, vector<16xi32>,
    tpu.vector_store %arg8[%swap3A_1649, %swap3A_1650], %add3A_1647 {strides = array<i32>} : memref<16x128xi32, #tpu.memory_space<vmem>>, vector<16xi32>,
    %get3A_1652 = arith.constant 1152 : index
    %get3A_1653 = tpu.vector_load %arg5[%get3A_1652] {strides = array<i32>} : memref<2048xi32, #tpu.memory_space<vmem>>, vector<16xi32>,
    %and3A_1654 = arith.constant 63 : i32
    %and3A_1655 = vector.broadcast %and3A_1654 : i32 to vector<16xi32>
    %and3A_1656 = arith.andi %get3A_1653, %and3A_1655 : vector<16xi32>
    %shift_right_logical3A_1657 = arith.constant 6 : i32
    %shift_right_logical3A_1658 = vector.broadcast %shift_right_logical3A_1657 : i32 to vector<16xi32>
    %shift_right_logical3A_1659 = arith.shrui %get3A_1653, %shift_right_logical3A_1658 : vector<16xi32>
    %gather3A_1660 = tpu.vector_load_idx %arg6[%and3A_1656] : memref<64xi32, #tpu.memory_space<vmem>>[vector<16xi32>], vector<16xi32>,
    %add3A_1661 = arith.addi %gather3A_1660, %shift_right_logical3A_1659 : vector<16xi32>
    %swap3A_1662 = arith.constant 9 : i32
    %swap3A_1663 = arith.index_cast %swap3A_1662 : i32 to index
    %swap3A_1664 = arith.constant 0 : index
    %swap3A_1665 = tpu.vector_load %arg7[%swap3A_1663, %swap3A_1664] {strides = array<i32>} : memref<16x128xi32, #tpu.memory_space<vmem>>, vector<16xi32>,
    tpu.vector_store %arg7[%swap3A_1663, %swap3A_1664], %add3A_1661 {strides = array<i32>} : memref<16x128xi32, #tpu.memory_space<vmem>>, vector<16xi32>,
    %iota3A_1666 = tpu.iota {dimensions = array<i32: 0>} : vector<16xi32>
    %add3A_1667 = arith.constant 1152 : i32
    %add3A_1668 = arith.addi %mul3A_0, %add3A_1667 : i32
    %add3A_1669 = vector.broadcast %add3A_1668 : i32 to vector<16xi32>
    %add3A_1670 = arith.addi %iota3A_1666, %add3A_1669 : vector<16xi32>
    %swap3A_1671 = arith.constant 9 : i32
    %swap3A_1672 = arith.index_cast %swap3A_1671 : i32 to index
    %swap3A_1673 = arith.constant 0 : index
    %swap3A_1674 = tpu.vector_load %arg8[%swap3A_1672, %swap3A_1673] {strides = array<i32>} : memref<16x128xi32, #tpu.memory_space<vmem>>, vector<16xi32>,
    tpu.vector_store %arg8[%swap3A_1672, %swap3A_1673], %add3A_1670 {strides = array<i32>} : memref<16x128xi32, #tpu.memory_space<vmem>>, vector<16xi32>,
    %get3A_1675 = arith.constant 1168 : index
    %get3A_1676 = tpu.vector_load %arg5[%get3A_1675] {strides = array<i32>} : memref<2048xi32, #tpu.memory_space<vmem>>, vector<16xi32>,
    %and3A_1677 = arith.constant 63 : i32
    %and3A_1678 = vector.broadcast %and3A_1677 : i32 to vector<16xi32>
    %and3A_1679 = arith.andi %get3A_1676, %and3A_1678 : vector<16xi32>
    %shift_right_logical3A_1680 = arith.constant 6 : i32
    %shift_right_logical3A_1681 = vector.broadcast %shift_right_logical3A_1680 : i32 to vector<16xi32>
    %shift_right_logical3A_1682 = arith.shrui %get3A_1676, %shift_right_logical3A_1681 : vector<16xi32>
    %gather3A_1683 = tpu.vector_load_idx %arg6[%and3A_1679] : memref<64xi32, #tpu.memory_space<vmem>>[vector<16xi32>], vector<16xi32>,
    %add3A_1684 = arith.addi %gather3A_1683, %shift_right_logical3A_1682 : vector<16xi32>
    %swap3A_1685 = arith.constant 9 : i32
    %swap3A_1686 = arith.index_cast %swap3A_1685 : i32 to index
    %swap3A_1687 = arith.constant 16 : index
    %swap3A_1688 = tpu.vector_load %arg7[%swap3A_1686, %swap3A_1687] {strides = array<i32>} : memref<16x128xi32, #tpu.memory_space<vmem>>, vector<16xi32>,
    tpu.vector_store %arg7[%swap3A_1686, %swap3A_1687], %add3A_1684 {strides = array<i32>} : memref<16x128xi32, #tpu.memory_space<vmem>>, vector<16xi32>,
    %iota3A_1689 = tpu.iota {dimensions = array<i32: 0>} : vector<16xi32>
    %add3A_1690 = arith.constant 1168 : i32
    %add3A_1691 = arith.addi %mul3A_0, %add3A_1690 : i32
    %add3A_1692 = vector.broadcast %add3A_1691 : i32 to vector<16xi32>
    %add3A_1693 = arith.addi %iota3A_1689, %add3A_1692 : vector<16xi32>
    %swap3A_1694 = arith.constant 9 : i32
    %swap3A_1695 = arith.index_cast %swap3A_1694 : i32 to index
    %swap3A_1696 = arith.constant 16 : index
    %swap3A_1697 = tpu.vector_load %arg8[%swap3A_1695, %swap3A_1696] {strides = array<i32>} : memref<16x128xi32, #tpu.memory_space<vmem>>, vector<16xi32>,
    tpu.vector_store %arg8[%swap3A_1695, %swap3A_1696], %add3A_1693 {strides = array<i32>} : memref<16x128xi32, #tpu.memory_space<vmem>>, vector<16xi32>,
    %get3A_1698 = arith.constant 1184 : index
    %get3A_1699 = tpu.vector_load %arg5[%get3A_1698] {strides = array<i32>} : memref<2048xi32, #tpu.memory_space<vmem>>, vector<16xi32>,
    %and3A_1700 = arith.constant 63 : i32
    %and3A_1701 = vector.broadcast %and3A_1700 : i32 to vector<16xi32>
    %and3A_1702 = arith.andi %get3A_1699, %and3A_1701 : vector<16xi32>
    %shift_right_logical3A_1703 = arith.constant 6 : i32
    %shift_right_logical3A_1704 = vector.broadcast %shift_right_logical3A_1703 : i32 to vector<16xi32>
    %shift_right_logical3A_1705 = arith.shrui %get3A_1699, %shift_right_logical3A_1704 : vector<16xi32>
    %gather3A_1706 = tpu.vector_load_idx %arg6[%and3A_1702] : memref<64xi32, #tpu.memory_space<vmem>>[vector<16xi32>], vector<16xi32>,
    %add3A_1707 = arith.addi %gather3A_1706, %shift_right_logical3A_1705 : vector<16xi32>
    %swap3A_1708 = arith.constant 9 : i32
    %swap3A_1709 = arith.index_cast %swap3A_1708 : i32 to index
    %swap3A_1710 = arith.constant 32 : index
    %swap3A_1711 = tpu.vector_load %arg7[%swap3A_1709, %swap3A_1710] {strides = array<i32>} : memref<16x128xi32, #tpu.memory_space<vmem>>, vector<16xi32>,
    tpu.vector_store %arg7[%swap3A_1709, %swap3A_1710], %add3A_1707 {strides = array<i32>} : memref<16x128xi32, #tpu.memory_space<vmem>>, vector<16xi32>,
    %iota3A_1712 = tpu.iota {dimensions = array<i32: 0>} : vector<16xi32>
    %add3A_1713 = arith.constant 1184 : i32
    %add3A_1714 = arith.addi %mul3A_0, %add3A_1713 : i32
    %add3A_1715 = vector.broadcast %add3A_1714 : i32 to vector<16xi32>
    %add3A_1716 = arith.addi %iota3A_1712, %add3A_1715 : vector<16xi32>
    %swap3A_1717 = arith.constant 9 : i32
    %swap3A_1718 = arith.index_cast %swap3A_1717 : i32 to index
    %swap3A_1719 = arith.constant 32 : index
    %swap3A_1720 = tpu.vector_load %arg8[%swap3A_1718, %swap3A_1719] {strides = array<i32>} : memref<16x128xi32, #tpu.memory_space<vmem>>, vector<16xi32>,
    tpu.vector_store %arg8[%swap3A_1718, %swap3A_1719], %add3A_1716 {strides = array<i32>} : memref<16x128xi32, #tpu.memory_space<vmem>>, vector<16xi32>,
    %get3A_1721 = arith.constant 1200 : index
    %get3A_1722 = tpu.vector_load %arg5[%get3A_1721] {strides = array<i32>} : memref<2048xi32, #tpu.memory_space<vmem>>, vector<16xi32>,
    %and3A_1723 = arith.constant 63 : i32
    %and3A_1724 = vector.broadcast %and3A_1723 : i32 to vector<16xi32>
    %and3A_1725 = arith.andi %get3A_1722, %and3A_1724 : vector<16xi32>
    %shift_right_logical3A_1726 = arith.constant 6 : i32
    %shift_right_logical3A_1727 = vector.broadcast %shift_right_logical3A_1726 : i32 to vector<16xi32>
    %shift_right_logical3A_1728 = arith.shrui %get3A_1722, %shift_right_logical3A_1727 : vector<16xi32>
    %gather3A_1729 = tpu.vector_load_idx %arg6[%and3A_1725] : memref<64xi32, #tpu.memory_space<vmem>>[vector<16xi32>], vector<16xi32>,
    %add3A_1730 = arith.addi %gather3A_1729, %shift_right_logical3A_1728 : vector<16xi32>
    %swap3A_1731 = arith.constant 9 : i32
    %swap3A_1732 = arith.index_cast %swap3A_1731 : i32 to index
    %swap3A_1733 = arith.constant 48 : index
    %swap3A_1734 = tpu.vector_load %arg7[%swap3A_1732, %swap3A_1733] {strides = array<i32>} : memref<16x128xi32, #tpu.memory_space<vmem>>, vector<16xi32>,
    tpu.vector_store %arg7[%swap3A_1732, %swap3A_1733], %add3A_1730 {strides = array<i32>} : memref<16x128xi32, #tpu.memory_space<vmem>>, vector<16xi32>,
    %iota3A_1735 = tpu.iota {dimensions = array<i32: 0>} : vector<16xi32>
    %add3A_1736 = arith.constant 1200 : i32
    %add3A_1737 = arith.addi %mul3A_0, %add3A_1736 : i32
    %add3A_1738 = vector.broadcast %add3A_1737 : i32 to vector<16xi32>
    %add3A_1739 = arith.addi %iota3A_1735, %add3A_1738 : vector<16xi32>
    %swap3A_1740 = arith.constant 9 : i32
    %swap3A_1741 = arith.index_cast %swap3A_1740 : i32 to index
    %swap3A_1742 = arith.constant 48 : index
    %swap3A_1743 = tpu.vector_load %arg8[%swap3A_1741, %swap3A_1742] {strides = array<i32>} : memref<16x128xi32, #tpu.memory_space<vmem>>, vector<16xi32>,
    tpu.vector_store %arg8[%swap3A_1741, %swap3A_1742], %add3A_1739 {strides = array<i32>} : memref<16x128xi32, #tpu.memory_space<vmem>>, vector<16xi32>,
    %get3A_1744 = arith.constant 1216 : index
    %get3A_1745 = tpu.vector_load %arg5[%get3A_1744] {strides = array<i32>} : memref<2048xi32, #tpu.memory_space<vmem>>, vector<16xi32>,
    %and3A_1746 = arith.constant 63 : i32
    %and3A_1747 = vector.broadcast %and3A_1746 : i32 to vector<16xi32>
    %and3A_1748 = arith.andi %get3A_1745, %and3A_1747 : vector<16xi32>
    %shift_right_logical3A_1749 = arith.constant 6 : i32
    %shift_right_logical3A_1750 = vector.broadcast %shift_right_logical3A_1749 : i32 to vector<16xi32>
    %shift_right_logical3A_1751 = arith.shrui %get3A_1745, %shift_right_logical3A_1750 : vector<16xi32>
    %gather3A_1752 = tpu.vector_load_idx %arg6[%and3A_1748] : memref<64xi32, #tpu.memory_space<vmem>>[vector<16xi32>], vector<16xi32>,
    %add3A_1753 = arith.addi %gather3A_1752, %shift_right_logical3A_1751 : vector<16xi32>
    %swap3A_1754 = arith.constant 9 : i32
    %swap3A_1755 = arith.index_cast %swap3A_1754 : i32 to index
    %swap3A_1756 = arith.constant 64 : index
    %swap3A_1757 = tpu.vector_load %arg7[%swap3A_1755, %swap3A_1756] {strides = array<i32>} : memref<16x128xi32, #tpu.memory_space<vmem>>, vector<16xi32>,
    tpu.vector_store %arg7[%swap3A_1755, %swap3A_1756], %add3A_1753 {strides = array<i32>} : memref<16x128xi32, #tpu.memory_space<vmem>>, vector<16xi32>,
    %iota3A_1758 = tpu.iota {dimensions = array<i32: 0>} : vector<16xi32>
    %add3A_1759 = arith.constant 1216 : i32
    %add3A_1760 = arith.addi %mul3A_0, %add3A_1759 : i32
    %add3A_1761 = vector.broadcast %add3A_1760 : i32 to vector<16xi32>
    %add3A_1762 = arith.addi %iota3A_1758, %add3A_1761 : vector<16xi32>
    %swap3A_1763 = arith.constant 9 : i32
    %swap3A_1764 = arith.index_cast %swap3A_1763 : i32 to index
    %swap3A_1765 = arith.constant 64 : index
    %swap3A_1766 = tpu.vector_load %arg8[%swap3A_1764, %swap3A_1765] {strides = array<i32>} : memref<16x128xi32, #tpu.memory_space<vmem>>, vector<16xi32>,
    tpu.vector_store %arg8[%swap3A_1764, %swap3A_1765], %add3A_1762 {strides = array<i32>} : memref<16x128xi32, #tpu.memory_space<vmem>>, vector<16xi32>,
    %get3A_1767 = arith.constant 1232 : index
    %get3A_1768 = tpu.vector_load %arg5[%get3A_1767] {strides = array<i32>} : memref<2048xi32, #tpu.memory_space<vmem>>, vector<16xi32>,
    %and3A_1769 = arith.constant 63 : i32
    %and3A_1770 = vector.broadcast %and3A_1769 : i32 to vector<16xi32>
    %and3A_1771 = arith.andi %get3A_1768, %and3A_1770 : vector<16xi32>
    %shift_right_logical3A_1772 = arith.constant 6 : i32
    %shift_right_logical3A_1773 = vector.broadcast %shift_right_logical3A_1772 : i32 to vector<16xi32>
    %shift_right_logical3A_1774 = arith.shrui %get3A_1768, %shift_right_logical3A_1773 : vector<16xi32>
    %gather3A_1775 = tpu.vector_load_idx %arg6[%and3A_1771] : memref<64xi32, #tpu.memory_space<vmem>>[vector<16xi32>], vector<16xi32>,
    %add3A_1776 = arith.addi %gather3A_1775, %shift_right_logical3A_1774 : vector<16xi32>
    %swap3A_1777 = arith.constant 9 : i32
    %swap3A_1778 = arith.index_cast %swap3A_1777 : i32 to index
    %swap3A_1779 = arith.constant 80 : index
    %swap3A_1780 = tpu.vector_load %arg7[%swap3A_1778, %swap3A_1779] {strides = array<i32>} : memref<16x128xi32, #tpu.memory_space<vmem>>, vector<16xi32>,
    tpu.vector_store %arg7[%swap3A_1778, %swap3A_1779], %add3A_1776 {strides = array<i32>} : memref<16x128xi32, #tpu.memory_space<vmem>>, vector<16xi32>,
    %iota3A_1781 = tpu.iota {dimensions = array<i32: 0>} : vector<16xi32>
    %add3A_1782 = arith.constant 1232 : i32
    %add3A_1783 = arith.addi %mul3A_0, %add3A_1782 : i32
    %add3A_1784 = vector.broadcast %add3A_1783 : i32 to vector<16xi32>
    %add3A_1785 = arith.addi %iota3A_1781, %add3A_1784 : vector<16xi32>
    %swap3A_1786 = arith.constant 9 : i32
    %swap3A_1787 = arith.index_cast %swap3A_1786 : i32 to index
    %swap3A_1788 = arith.constant 80 : index
    %swap3A_1789 = tpu.vector_load %arg8[%swap3A_1787, %swap3A_1788] {strides = array<i32>} : memref<16x128xi32, #tpu.memory_space<vmem>>, vector<16xi32>,
    tpu.vector_store %arg8[%swap3A_1787, %swap3A_1788], %add3A_1785 {strides = array<i32>} : memref<16x128xi32, #tpu.memory_space<vmem>>, vector<16xi32>,
    %get3A_1790 = arith.constant 1248 : index
    %get3A_1791 = tpu.vector_load %arg5[%get3A_1790] {strides = array<i32>} : memref<2048xi32, #tpu.memory_space<vmem>>, vector<16xi32>,
    %and3A_1792 = arith.constant 63 : i32
    %and3A_1793 = vector.broadcast %and3A_1792 : i32 to vector<16xi32>
    %and3A_1794 = arith.andi %get3A_1791, %and3A_1793 : vector<16xi32>
    %shift_right_logical3A_1795 = arith.constant 6 : i32
    %shift_right_logical3A_1796 = vector.broadcast %shift_right_logical3A_1795 : i32 to vector<16xi32>
    %shift_right_logical3A_1797 = arith.shrui %get3A_1791, %shift_right_logical3A_1796 : vector<16xi32>
    %gather3A_1798 = tpu.vector_load_idx %arg6[%and3A_1794] : memref<64xi32, #tpu.memory_space<vmem>>[vector<16xi32>], vector<16xi32>,
    %add3A_1799 = arith.addi %gather3A_1798, %shift_right_logical3A_1797 : vector<16xi32>
    %swap3A_1800 = arith.constant 9 : i32
    %swap3A_1801 = arith.index_cast %swap3A_1800 : i32 to index
    %swap3A_1802 = arith.constant 96 : index
    %swap3A_1803 = tpu.vector_load %arg7[%swap3A_1801, %swap3A_1802] {strides = array<i32>} : memref<16x128xi32, #tpu.memory_space<vmem>>, vector<16xi32>,
    tpu.vector_store %arg7[%swap3A_1801, %swap3A_1802], %add3A_1799 {strides = array<i32>} : memref<16x128xi32, #tpu.memory_space<vmem>>, vector<16xi32>,
    %iota3A_1804 = tpu.iota {dimensions = array<i32: 0>} : vector<16xi32>
    %add3A_1805 = arith.constant 1248 : i32
    %add3A_1806 = arith.addi %mul3A_0, %add3A_1805 : i32
    %add3A_1807 = vector.broadcast %add3A_1806 : i32 to vector<16xi32>
    %add3A_1808 = arith.addi %iota3A_1804, %add3A_1807 : vector<16xi32>
    %swap3A_1809 = arith.constant 9 : i32
    %swap3A_1810 = arith.index_cast %swap3A_1809 : i32 to index
    %swap3A_1811 = arith.constant 96 : index
    %swap3A_1812 = tpu.vector_load %arg8[%swap3A_1810, %swap3A_1811] {strides = array<i32>} : memref<16x128xi32, #tpu.memory_space<vmem>>, vector<16xi32>,
    tpu.vector_store %arg8[%swap3A_1810, %swap3A_1811], %add3A_1808 {strides = array<i32>} : memref<16x128xi32, #tpu.memory_space<vmem>>, vector<16xi32>,
    %get3A_1813 = arith.constant 1264 : index
    %get3A_1814 = tpu.vector_load %arg5[%get3A_1813] {strides = array<i32>} : memref<2048xi32, #tpu.memory_space<vmem>>, vector<16xi32>,
    %and3A_1815 = arith.constant 63 : i32
    %and3A_1816 = vector.broadcast %and3A_1815 : i32 to vector<16xi32>
    %and3A_1817 = arith.andi %get3A_1814, %and3A_1816 : vector<16xi32>
    %shift_right_logical3A_1818 = arith.constant 6 : i32
    %shift_right_logical3A_1819 = vector.broadcast %shift_right_logical3A_1818 : i32 to vector<16xi32>
    %shift_right_logical3A_1820 = arith.shrui %get3A_1814, %shift_right_logical3A_1819 : vector<16xi32>
    %gather3A_1821 = tpu.vector_load_idx %arg6[%and3A_1817] : memref<64xi32, #tpu.memory_space<vmem>>[vector<16xi32>], vector<16xi32>,
    %add3A_1822 = arith.addi %gather3A_1821, %shift_right_logical3A_1820 : vector<16xi32>
    %swap3A_1823 = arith.constant 9 : i32
    %swap3A_1824 = arith.index_cast %swap3A_1823 : i32 to index
    %swap3A_1825 = arith.constant 112 : index
    %swap3A_1826 = tpu.vector_load %arg7[%swap3A_1824, %swap3A_1825] {strides = array<i32>} : memref<16x128xi32, #tpu.memory_space<vmem>>, vector<16xi32>,
    tpu.vector_store %arg7[%swap3A_1824, %swap3A_1825], %add3A_1822 {strides = array<i32>} : memref<16x128xi32, #tpu.memory_space<vmem>>, vector<16xi32>,
    %iota3A_1827 = tpu.iota {dimensions = array<i32: 0>} : vector<16xi32>
    %add3A_1828 = arith.constant 1264 : i32
    %add3A_1829 = arith.addi %mul3A_0, %add3A_1828 : i32
    %add3A_1830 = vector.broadcast %add3A_1829 : i32 to vector<16xi32>
    %add3A_1831 = arith.addi %iota3A_1827, %add3A_1830 : vector<16xi32>
    %swap3A_1832 = arith.constant 9 : i32
    %swap3A_1833 = arith.index_cast %swap3A_1832 : i32 to index
    %swap3A_1834 = arith.constant 112 : index
    %swap3A_1835 = tpu.vector_load %arg8[%swap3A_1833, %swap3A_1834] {strides = array<i32>} : memref<16x128xi32, #tpu.memory_space<vmem>>, vector<16xi32>,
    tpu.vector_store %arg8[%swap3A_1833, %swap3A_1834], %add3A_1831 {strides = array<i32>} : memref<16x128xi32, #tpu.memory_space<vmem>>, vector<16xi32>,
    %get3A_1836 = arith.constant 1280 : index
    %get3A_1837 = tpu.vector_load %arg5[%get3A_1836] {strides = array<i32>} : memref<2048xi32, #tpu.memory_space<vmem>>, vector<16xi32>,
    %and3A_1838 = arith.constant 63 : i32
    %and3A_1839 = vector.broadcast %and3A_1838 : i32 to vector<16xi32>
    %and3A_1840 = arith.andi %get3A_1837, %and3A_1839 : vector<16xi32>
    %shift_right_logical3A_1841 = arith.constant 6 : i32
    %shift_right_logical3A_1842 = vector.broadcast %shift_right_logical3A_1841 : i32 to vector<16xi32>
    %shift_right_logical3A_1843 = arith.shrui %get3A_1837, %shift_right_logical3A_1842 : vector<16xi32>
    %gather3A_1844 = tpu.vector_load_idx %arg6[%and3A_1840] : memref<64xi32, #tpu.memory_space<vmem>>[vector<16xi32>], vector<16xi32>,
    %add3A_1845 = arith.addi %gather3A_1844, %shift_right_logical3A_1843 : vector<16xi32>
    %swap3A_1846 = arith.constant 10 : i32
    %swap3A_1847 = arith.index_cast %swap3A_1846 : i32 to index
    %swap3A_1848 = arith.constant 0 : index
    %swap3A_1849 = tpu.vector_load %arg7[%swap3A_1847, %swap3A_1848] {strides = array<i32>} : memref<16x128xi32, #tpu.memory_space<vmem>>, vector<16xi32>,
    tpu.vector_store %arg7[%swap3A_1847, %swap3A_1848], %add3A_1845 {strides = array<i32>} : memref<16x128xi32, #tpu.memory_space<vmem>>, vector<16xi32>,
    %iota3A_1850 = tpu.iota {dimensions = array<i32: 0>} : vector<16xi32>
    %add3A_1851 = arith.constant 1280 : i32
    %add3A_1852 = arith.addi %mul3A_0, %add3A_1851 : i32
    %add3A_1853 = vector.broadcast %add3A_1852 : i32 to vector<16xi32>
    %add3A_1854 = arith.addi %iota3A_1850, %add3A_1853 : vector<16xi32>
    %swap3A_1855 = arith.constant 10 : i32
    %swap3A_1856 = arith.index_cast %swap3A_1855 : i32 to index
    %swap3A_1857 = arith.constant 0 : index
    %swap3A_1858 = tpu.vector_load %arg8[%swap3A_1856, %swap3A_1857] {strides = array<i32>} : memref<16x128xi32, #tpu.memory_space<vmem>>, vector<16xi32>,
    tpu.vector_store %arg8[%swap3A_1856, %swap3A_1857], %add3A_1854 {strides = array<i32>} : memref<16x128xi32, #tpu.memory_space<vmem>>, vector<16xi32>,
    %get3A_1859 = arith.constant 1296 : index
    %get3A_1860 = tpu.vector_load %arg5[%get3A_1859] {strides = array<i32>} : memref<2048xi32, #tpu.memory_space<vmem>>, vector<16xi32>,
    %and3A_1861 = arith.constant 63 : i32
    %and3A_1862 = vector.broadcast %and3A_1861 : i32 to vector<16xi32>
    %and3A_1863 = arith.andi %get3A_1860, %and3A_1862 : vector<16xi32>
    %shift_right_logical3A_1864 = arith.constant 6 : i32
    %shift_right_logical3A_1865 = vector.broadcast %shift_right_logical3A_1864 : i32 to vector<16xi32>
    %shift_right_logical3A_1866 = arith.shrui %get3A_1860, %shift_right_logical3A_1865 : vector<16xi32>
    %gather3A_1867 = tpu.vector_load_idx %arg6[%and3A_1863] : memref<64xi32, #tpu.memory_space<vmem>>[vector<16xi32>], vector<16xi32>,
    %add3A_1868 = arith.addi %gather3A_1867, %shift_right_logical3A_1866 : vector<16xi32>
    %swap3A_1869 = arith.constant 10 : i32
    %swap3A_1870 = arith.index_cast %swap3A_1869 : i32 to index
    %swap3A_1871 = arith.constant 16 : index
    %swap3A_1872 = tpu.vector_load %arg7[%swap3A_1870, %swap3A_1871] {strides = array<i32>} : memref<16x128xi32, #tpu.memory_space<vmem>>, vector<16xi32>,
    tpu.vector_store %arg7[%swap3A_1870, %swap3A_1871], %add3A_1868 {strides = array<i32>} : memref<16x128xi32, #tpu.memory_space<vmem>>, vector<16xi32>,
    %iota3A_1873 = tpu.iota {dimensions = array<i32: 0>} : vector<16xi32>
    %add3A_1874 = arith.constant 1296 : i32
    %add3A_1875 = arith.addi %mul3A_0, %add3A_1874 : i32
    %add3A_1876 = vector.broadcast %add3A_1875 : i32 to vector<16xi32>
    %add3A_1877 = arith.addi %iota3A_1873, %add3A_1876 : vector<16xi32>
    %swap3A_1878 = arith.constant 10 : i32
    %swap3A_1879 = arith.index_cast %swap3A_1878 : i32 to index
    %swap3A_1880 = arith.constant 16 : index
    %swap3A_1881 = tpu.vector_load %arg8[%swap3A_1879, %swap3A_1880] {strides = array<i32>} : memref<16x128xi32, #tpu.memory_space<vmem>>, vector<16xi32>,
    tpu.vector_store %arg8[%swap3A_1879, %swap3A_1880], %add3A_1877 {strides = array<i32>} : memref<16x128xi32, #tpu.memory_space<vmem>>, vector<16xi32>,
    %get3A_1882 = arith.constant 1312 : index
    %get3A_1883 = tpu.vector_load %arg5[%get3A_1882] {strides = array<i32>} : memref<2048xi32, #tpu.memory_space<vmem>>, vector<16xi32>,
    %and3A_1884 = arith.constant 63 : i32
    %and3A_1885 = vector.broadcast %and3A_1884 : i32 to vector<16xi32>
    %and3A_1886 = arith.andi %get3A_1883, %and3A_1885 : vector<16xi32>
    %shift_right_logical3A_1887 = arith.constant 6 : i32
    %shift_right_logical3A_1888 = vector.broadcast %shift_right_logical3A_1887 : i32 to vector<16xi32>
    %shift_right_logical3A_1889 = arith.shrui %get3A_1883, %shift_right_logical3A_1888 : vector<16xi32>
    %gather3A_1890 = tpu.vector_load_idx %arg6[%and3A_1886] : memref<64xi32, #tpu.memory_space<vmem>>[vector<16xi32>], vector<16xi32>,
    %add3A_1891 = arith.addi %gather3A_1890, %shift_right_logical3A_1889 : vector<16xi32>
    %swap3A_1892 = arith.constant 10 : i32
    %swap3A_1893 = arith.index_cast %swap3A_1892 : i32 to index
    %swap3A_1894 = arith.constant 32 : index
    %swap3A_1895 = tpu.vector_load %arg7[%swap3A_1893, %swap3A_1894] {strides = array<i32>} : memref<16x128xi32, #tpu.memory_space<vmem>>, vector<16xi32>,
    tpu.vector_store %arg7[%swap3A_1893, %swap3A_1894], %add3A_1891 {strides = array<i32>} : memref<16x128xi32, #tpu.memory_space<vmem>>, vector<16xi32>,
    %iota3A_1896 = tpu.iota {dimensions = array<i32: 0>} : vector<16xi32>
    %add3A_1897 = arith.constant 1312 : i32
    %add3A_1898 = arith.addi %mul3A_0, %add3A_1897 : i32
    %add3A_1899 = vector.broadcast %add3A_1898 : i32 to vector<16xi32>
    %add3A_1900 = arith.addi %iota3A_1896, %add3A_1899 : vector<16xi32>
    %swap3A_1901 = arith.constant 10 : i32
    %swap3A_1902 = arith.index_cast %swap3A_1901 : i32 to index
    %swap3A_1903 = arith.constant 32 : index
    %swap3A_1904 = tpu.vector_load %arg8[%swap3A_1902, %swap3A_1903] {strides = array<i32>} : memref<16x128xi32, #tpu.memory_space<vmem>>, vector<16xi32>,
    tpu.vector_store %arg8[%swap3A_1902, %swap3A_1903], %add3A_1900 {strides = array<i32>} : memref<16x128xi32, #tpu.memory_space<vmem>>, vector<16xi32>,
    %get3A_1905 = arith.constant 1328 : index
    %get3A_1906 = tpu.vector_load %arg5[%get3A_1905] {strides = array<i32>} : memref<2048xi32, #tpu.memory_space<vmem>>, vector<16xi32>,
    %and3A_1907 = arith.constant 63 : i32
    %and3A_1908 = vector.broadcast %and3A_1907 : i32 to vector<16xi32>
    %and3A_1909 = arith.andi %get3A_1906, %and3A_1908 : vector<16xi32>
    %shift_right_logical3A_1910 = arith.constant 6 : i32
    %shift_right_logical3A_1911 = vector.broadcast %shift_right_logical3A_1910 : i32 to vector<16xi32>
    %shift_right_logical3A_1912 = arith.shrui %get3A_1906, %shift_right_logical3A_1911 : vector<16xi32>
    %gather3A_1913 = tpu.vector_load_idx %arg6[%and3A_1909] : memref<64xi32, #tpu.memory_space<vmem>>[vector<16xi32>], vector<16xi32>,
    %add3A_1914 = arith.addi %gather3A_1913, %shift_right_logical3A_1912 : vector<16xi32>
    %swap3A_1915 = arith.constant 10 : i32
    %swap3A_1916 = arith.index_cast %swap3A_1915 : i32 to index
    %swap3A_1917 = arith.constant 48 : index
    %swap3A_1918 = tpu.vector_load %arg7[%swap3A_1916, %swap3A_1917] {strides = array<i32>} : memref<16x128xi32, #tpu.memory_space<vmem>>, vector<16xi32>,
    tpu.vector_store %arg7[%swap3A_1916, %swap3A_1917], %add3A_1914 {strides = array<i32>} : memref<16x128xi32, #tpu.memory_space<vmem>>, vector<16xi32>,
    %iota3A_1919 = tpu.iota {dimensions = array<i32: 0>} : vector<16xi32>
    %add3A_1920 = arith.constant 1328 : i32
    %add3A_1921 = arith.addi %mul3A_0, %add3A_1920 : i32
    %add3A_1922 = vector.broadcast %add3A_1921 : i32 to vector<16xi32>
    %add3A_1923 = arith.addi %iota3A_1919, %add3A_1922 : vector<16xi32>
    %swap3A_1924 = arith.constant 10 : i32
    %swap3A_1925 = arith.index_cast %swap3A_1924 : i32 to index
    %swap3A_1926 = arith.constant 48 : index
    %swap3A_1927 = tpu.vector_load %arg8[%swap3A_1925, %swap3A_1926] {strides = array<i32>} : memref<16x128xi32, #tpu.memory_space<vmem>>, vector<16xi32>,
    tpu.vector_store %arg8[%swap3A_1925, %swap3A_1926], %add3A_1923 {strides = array<i32>} : memref<16x128xi32, #tpu.memory_space<vmem>>, vector<16xi32>,
    %get3A_1928 = arith.constant 1344 : index
    %get3A_1929 = tpu.vector_load %arg5[%get3A_1928] {strides = array<i32>} : memref<2048xi32, #tpu.memory_space<vmem>>, vector<16xi32>,
    %and3A_1930 = arith.constant 63 : i32
    %and3A_1931 = vector.broadcast %and3A_1930 : i32 to vector<16xi32>
    %and3A_1932 = arith.andi %get3A_1929, %and3A_1931 : vector<16xi32>
    %shift_right_logical3A_1933 = arith.constant 6 : i32
    %shift_right_logical3A_1934 = vector.broadcast %shift_right_logical3A_1933 : i32 to vector<16xi32>
    %shift_right_logical3A_1935 = arith.shrui %get3A_1929, %shift_right_logical3A_1934 : vector<16xi32>
    %gather3A_1936 = tpu.vector_load_idx %arg6[%and3A_1932] : memref<64xi32, #tpu.memory_space<vmem>>[vector<16xi32>], vector<16xi32>,
    %add3A_1937 = arith.addi %gather3A_1936, %shift_right_logical3A_1935 : vector<16xi32>
    %swap3A_1938 = arith.constant 10 : i32
    %swap3A_1939 = arith.index_cast %swap3A_1938 : i32 to index
    %swap3A_1940 = arith.constant 64 : index
    %swap3A_1941 = tpu.vector_load %arg7[%swap3A_1939, %swap3A_1940] {strides = array<i32>} : memref<16x128xi32, #tpu.memory_space<vmem>>, vector<16xi32>,
    tpu.vector_store %arg7[%swap3A_1939, %swap3A_1940], %add3A_1937 {strides = array<i32>} : memref<16x128xi32, #tpu.memory_space<vmem>>, vector<16xi32>,
    %iota3A_1942 = tpu.iota {dimensions = array<i32: 0>} : vector<16xi32>
    %add3A_1943 = arith.constant 1344 : i32
    %add3A_1944 = arith.addi %mul3A_0, %add3A_1943 : i32
    %add3A_1945 = vector.broadcast %add3A_1944 : i32 to vector<16xi32>
    %add3A_1946 = arith.addi %iota3A_1942, %add3A_1945 : vector<16xi32>
    %swap3A_1947 = arith.constant 10 : i32
    %swap3A_1948 = arith.index_cast %swap3A_1947 : i32 to index
    %swap3A_1949 = arith.constant 64 : index
    %swap3A_1950 = tpu.vector_load %arg8[%swap3A_1948, %swap3A_1949] {strides = array<i32>} : memref<16x128xi32, #tpu.memory_space<vmem>>, vector<16xi32>,
    tpu.vector_store %arg8[%swap3A_1948, %swap3A_1949], %add3A_1946 {strides = array<i32>} : memref<16x128xi32, #tpu.memory_space<vmem>>, vector<16xi32>,
    %get3A_1951 = arith.constant 1360 : index
    %get3A_1952 = tpu.vector_load %arg5[%get3A_1951] {strides = array<i32>} : memref<2048xi32, #tpu.memory_space<vmem>>, vector<16xi32>,
    %and3A_1953 = arith.constant 63 : i32
    %and3A_1954 = vector.broadcast %and3A_1953 : i32 to vector<16xi32>
    %and3A_1955 = arith.andi %get3A_1952, %and3A_1954 : vector<16xi32>
    %shift_right_logical3A_1956 = arith.constant 6 : i32
    %shift_right_logical3A_1957 = vector.broadcast %shift_right_logical3A_1956 : i32 to vector<16xi32>
    %shift_right_logical3A_1958 = arith.shrui %get3A_1952, %shift_right_logical3A_1957 : vector<16xi32>
    %gather3A_1959 = tpu.vector_load_idx %arg6[%and3A_1955] : memref<64xi32, #tpu.memory_space<vmem>>[vector<16xi32>], vector<16xi32>,
    %add3A_1960 = arith.addi %gather3A_1959, %shift_right_logical3A_1958 : vector<16xi32>
    %swap3A_1961 = arith.constant 10 : i32
    %swap3A_1962 = arith.index_cast %swap3A_1961 : i32 to index
    %swap3A_1963 = arith.constant 80 : index
    %swap3A_1964 = tpu.vector_load %arg7[%swap3A_1962, %swap3A_1963] {strides = array<i32>} : memref<16x128xi32, #tpu.memory_space<vmem>>, vector<16xi32>,
    tpu.vector_store %arg7[%swap3A_1962, %swap3A_1963], %add3A_1960 {strides = array<i32>} : memref<16x128xi32, #tpu.memory_space<vmem>>, vector<16xi32>,
    %iota3A_1965 = tpu.iota {dimensions = array<i32: 0>} : vector<16xi32>
    %add3A_1966 = arith.constant 1360 : i32
    %add3A_1967 = arith.addi %mul3A_0, %add3A_1966 : i32
    %add3A_1968 = vector.broadcast %add3A_1967 : i32 to vector<16xi32>
    %add3A_1969 = arith.addi %iota3A_1965, %add3A_1968 : vector<16xi32>
    %swap3A_1970 = arith.constant 10 : i32
    %swap3A_1971 = arith.index_cast %swap3A_1970 : i32 to index
    %swap3A_1972 = arith.constant 80 : index
    %swap3A_1973 = tpu.vector_load %arg8[%swap3A_1971, %swap3A_1972] {strides = array<i32>} : memref<16x128xi32, #tpu.memory_space<vmem>>, vector<16xi32>,
    tpu.vector_store %arg8[%swap3A_1971, %swap3A_1972], %add3A_1969 {strides = array<i32>} : memref<16x128xi32, #tpu.memory_space<vmem>>, vector<16xi32>,
    %get3A_1974 = arith.constant 1376 : index
    %get3A_1975 = tpu.vector_load %arg5[%get3A_1974] {strides = array<i32>} : memref<2048xi32, #tpu.memory_space<vmem>>, vector<16xi32>,
    %and3A_1976 = arith.constant 63 : i32
    %and3A_1977 = vector.broadcast %and3A_1976 : i32 to vector<16xi32>
    %and3A_1978 = arith.andi %get3A_1975, %and3A_1977 : vector<16xi32>
    %shift_right_logical3A_1979 = arith.constant 6 : i32
    %shift_right_logical3A_1980 = vector.broadcast %shift_right_logical3A_1979 : i32 to vector<16xi32>
    %shift_right_logical3A_1981 = arith.shrui %get3A_1975, %shift_right_logical3A_1980 : vector<16xi32>
    %gather3A_1982 = tpu.vector_load_idx %arg6[%and3A_1978] : memref<64xi32, #tpu.memory_space<vmem>>[vector<16xi32>], vector<16xi32>,
    %add3A_1983 = arith.addi %gather3A_1982, %shift_right_logical3A_1981 : vector<16xi32>
    %swap3A_1984 = arith.constant 10 : i32
    %swap3A_1985 = arith.index_cast %swap3A_1984 : i32 to index
    %swap3A_1986 = arith.constant 96 : index
    %swap3A_1987 = tpu.vector_load %arg7[%swap3A_1985, %swap3A_1986] {strides = array<i32>} : memref<16x128xi32, #tpu.memory_space<vmem>>, vector<16xi32>,
    tpu.vector_store %arg7[%swap3A_1985, %swap3A_1986], %add3A_1983 {strides = array<i32>} : memref<16x128xi32, #tpu.memory_space<vmem>>, vector<16xi32>,
    %iota3A_1988 = tpu.iota {dimensions = array<i32: 0>} : vector<16xi32>
    %add3A_1989 = arith.constant 1376 : i32
    %add3A_1990 = arith.addi %mul3A_0, %add3A_1989 : i32
    %add3A_1991 = vector.broadcast %add3A_1990 : i32 to vector<16xi32>
    %add3A_1992 = arith.addi %iota3A_1988, %add3A_1991 : vector<16xi32>
    %swap3A_1993 = arith.constant 10 : i32
    %swap3A_1994 = arith.index_cast %swap3A_1993 : i32 to index
    %swap3A_1995 = arith.constant 96 : index
    %swap3A_1996 = tpu.vector_load %arg8[%swap3A_1994, %swap3A_1995] {strides = array<i32>} : memref<16x128xi32, #tpu.memory_space<vmem>>, vector<16xi32>,
    tpu.vector_store %arg8[%swap3A_1994, %swap3A_1995], %add3A_1992 {strides = array<i32>} : memref<16x128xi32, #tpu.memory_space<vmem>>, vector<16xi32>,
    %get3A_1997 = arith.constant 1392 : index
    %get3A_1998 = tpu.vector_load %arg5[%get3A_1997] {strides = array<i32>} : memref<2048xi32, #tpu.memory_space<vmem>>, vector<16xi32>,
    %and3A_1999 = arith.constant 63 : i32
    %and3A_2000 = vector.broadcast %and3A_1999 : i32 to vector<16xi32>
    %and3A_2001 = arith.andi %get3A_1998, %and3A_2000 : vector<16xi32>
    %shift_right_logical3A_2002 = arith.constant 6 : i32
    %shift_right_logical3A_2003 = vector.broadcast %shift_right_logical3A_2002 : i32 to vector<16xi32>
    %shift_right_logical3A_2004 = arith.shrui %get3A_1998, %shift_right_logical3A_2003 : vector<16xi32>
    %gather3A_2005 = tpu.vector_load_idx %arg6[%and3A_2001] : memref<64xi32, #tpu.memory_space<vmem>>[vector<16xi32>], vector<16xi32>,
    %add3A_2006 = arith.addi %gather3A_2005, %shift_right_logical3A_2004 : vector<16xi32>
    %swap3A_2007 = arith.constant 10 : i32
    %swap3A_2008 = arith.index_cast %swap3A_2007 : i32 to index
    %swap3A_2009 = arith.constant 112 : index
    %swap3A_2010 = tpu.vector_load %arg7[%swap3A_2008, %swap3A_2009] {strides = array<i32>} : memref<16x128xi32, #tpu.memory_space<vmem>>, vector<16xi32>,
    tpu.vector_store %arg7[%swap3A_2008, %swap3A_2009], %add3A_2006 {strides = array<i32>} : memref<16x128xi32, #tpu.memory_space<vmem>>, vector<16xi32>,
    %iota3A_2011 = tpu.iota {dimensions = array<i32: 0>} : vector<16xi32>
    %add3A_2012 = arith.constant 1392 : i32
    %add3A_2013 = arith.addi %mul3A_0, %add3A_2012 : i32
    %add3A_2014 = vector.broadcast %add3A_2013 : i32 to vector<16xi32>
    %add3A_2015 = arith.addi %iota3A_2011, %add3A_2014 : vector<16xi32>
    %swap3A_2016 = arith.constant 10 : i32
    %swap3A_2017 = arith.index_cast %swap3A_2016 : i32 to index
    %swap3A_2018 = arith.constant 112 : index
    %swap3A_2019 = tpu.vector_load %arg8[%swap3A_2017, %swap3A_2018] {strides = array<i32>} : memref<16x128xi32, #tpu.memory_space<vmem>>, vector<16xi32>,
    tpu.vector_store %arg8[%swap3A_2017, %swap3A_2018], %add3A_2015 {strides = array<i32>} : memref<16x128xi32, #tpu.memory_space<vmem>>, vector<16xi32>,
    %get3A_2020 = arith.constant 1408 : index
    %get3A_2021 = tpu.vector_load %arg5[%get3A_2020] {strides = array<i32>} : memref<2048xi32, #tpu.memory_space<vmem>>, vector<16xi32>,
    %and3A_2022 = arith.constant 63 : i32
    %and3A_2023 = vector.broadcast %and3A_2022 : i32 to vector<16xi32>
    %and3A_2024 = arith.andi %get3A_2021, %and3A_2023 : vector<16xi32>
    %shift_right_logical3A_2025 = arith.constant 6 : i32
    %shift_right_logical3A_2026 = vector.broadcast %shift_right_logical3A_2025 : i32 to vector<16xi32>
    %shift_right_logical3A_2027 = arith.shrui %get3A_2021, %shift_right_logical3A_2026 : vector<16xi32>
    %gather3A_2028 = tpu.vector_load_idx %arg6[%and3A_2024] : memref<64xi32, #tpu.memory_space<vmem>>[vector<16xi32>], vector<16xi32>,
    %add3A_2029 = arith.addi %gather3A_2028, %shift_right_logical3A_2027 : vector<16xi32>
    %swap3A_2030 = arith.constant 11 : i32
    %swap3A_2031 = arith.index_cast %swap3A_2030 : i32 to index
    %swap3A_2032 = arith.constant 0 : index
    %swap3A_2033 = tpu.vector_load %arg7[%swap3A_2031, %swap3A_2032] {strides = array<i32>} : memref<16x128xi32, #tpu.memory_space<vmem>>, vector<16xi32>,
    tpu.vector_store %arg7[%swap3A_2031, %swap3A_2032], %add3A_2029 {strides = array<i32>} : memref<16x128xi32, #tpu.memory_space<vmem>>, vector<16xi32>,
    %iota3A_2034 = tpu.iota {dimensions = array<i32: 0>} : vector<16xi32>
    %add3A_2035 = arith.constant 1408 : i32
    %add3A_2036 = arith.addi %mul3A_0, %add3A_2035 : i32
    %add3A_2037 = vector.broadcast %add3A_2036 : i32 to vector<16xi32>
    %add3A_2038 = arith.addi %iota3A_2034, %add3A_2037 : vector<16xi32>
    %swap3A_2039 = arith.constant 11 : i32
    %swap3A_2040 = arith.index_cast %swap3A_2039 : i32 to index
    %swap3A_2041 = arith.constant 0 : index
    %swap3A_2042 = tpu.vector_load %arg8[%swap3A_2040, %swap3A_2041] {strides = array<i32>} : memref<16x128xi32, #tpu.memory_space<vmem>>, vector<16xi32>,
    tpu.vector_store %arg8[%swap3A_2040, %swap3A_2041], %add3A_2038 {strides = array<i32>} : memref<16x128xi32, #tpu.memory_space<vmem>>, vector<16xi32>,
    %get3A_2043 = arith.constant 1424 : index
    %get3A_2044 = tpu.vector_load %arg5[%get3A_2043] {strides = array<i32>} : memref<2048xi32, #tpu.memory_space<vmem>>, vector<16xi32>,
    %and3A_2045 = arith.constant 63 : i32
    %and3A_2046 = vector.broadcast %and3A_2045 : i32 to vector<16xi32>
    %and3A_2047 = arith.andi %get3A_2044, %and3A_2046 : vector<16xi32>
    %shift_right_logical3A_2048 = arith.constant 6 : i32
    %shift_right_logical3A_2049 = vector.broadcast %shift_right_logical3A_2048 : i32 to vector<16xi32>
    %shift_right_logical3A_2050 = arith.shrui %get3A_2044, %shift_right_logical3A_2049 : vector<16xi32>
    %gather3A_2051 = tpu.vector_load_idx %arg6[%and3A_2047] : memref<64xi32, #tpu.memory_space<vmem>>[vector<16xi32>], vector<16xi32>,
    %add3A_2052 = arith.addi %gather3A_2051, %shift_right_logical3A_2050 : vector<16xi32>
    %swap3A_2053 = arith.constant 11 : i32
    %swap3A_2054 = arith.index_cast %swap3A_2053 : i32 to index
    %swap3A_2055 = arith.constant 16 : index
    %swap3A_2056 = tpu.vector_load %arg7[%swap3A_2054, %swap3A_2055] {strides = array<i32>} : memref<16x128xi32, #tpu.memory_space<vmem>>, vector<16xi32>,
    tpu.vector_store %arg7[%swap3A_2054, %swap3A_2055], %add3A_2052 {strides = array<i32>} : memref<16x128xi32, #tpu.memory_space<vmem>>, vector<16xi32>,
    %iota3A_2057 = tpu.iota {dimensions = array<i32: 0>} : vector<16xi32>
    %add3A_2058 = arith.constant 1424 : i32
    %add3A_2059 = arith.addi %mul3A_0, %add3A_2058 : i32
    %add3A_2060 = vector.broadcast %add3A_2059 : i32 to vector<16xi32>
    %add3A_2061 = arith.addi %iota3A_2057, %add3A_2060 : vector<16xi32>
    %swap3A_2062 = arith.constant 11 : i32
    %swap3A_2063 = arith.index_cast %swap3A_2062 : i32 to index
    %swap3A_2064 = arith.constant 16 : index
    %swap3A_2065 = tpu.vector_load %arg8[%swap3A_2063, %swap3A_2064] {strides = array<i32>} : memref<16x128xi32, #tpu.memory_space<vmem>>, vector<16xi32>,
    tpu.vector_store %arg8[%swap3A_2063, %swap3A_2064], %add3A_2061 {strides = array<i32>} : memref<16x128xi32, #tpu.memory_space<vmem>>, vector<16xi32>,
    %get3A_2066 = arith.constant 1440 : index
    %get3A_2067 = tpu.vector_load %arg5[%get3A_2066] {strides = array<i32>} : memref<2048xi32, #tpu.memory_space<vmem>>, vector<16xi32>,
    %and3A_2068 = arith.constant 63 : i32
    %and3A_2069 = vector.broadcast %and3A_2068 : i32 to vector<16xi32>
    %and3A_2070 = arith.andi %get3A_2067, %and3A_2069 : vector<16xi32>
    %shift_right_logical3A_2071 = arith.constant 6 : i32
    %shift_right_logical3A_2072 = vector.broadcast %shift_right_logical3A_2071 : i32 to vector<16xi32>
    %shift_right_logical3A_2073 = arith.shrui %get3A_2067, %shift_right_logical3A_2072 : vector<16xi32>
    %gather3A_2074 = tpu.vector_load_idx %arg6[%and3A_2070] : memref<64xi32, #tpu.memory_space<vmem>>[vector<16xi32>], vector<16xi32>,
    %add3A_2075 = arith.addi %gather3A_2074, %shift_right_logical3A_2073 : vector<16xi32>
    %swap3A_2076 = arith.constant 11 : i32
    %swap3A_2077 = arith.index_cast %swap3A_2076 : i32 to index
    %swap3A_2078 = arith.constant 32 : index
    %swap3A_2079 = tpu.vector_load %arg7[%swap3A_2077, %swap3A_2078] {strides = array<i32>} : memref<16x128xi32, #tpu.memory_space<vmem>>, vector<16xi32>,
    tpu.vector_store %arg7[%swap3A_2077, %swap3A_2078], %add3A_2075 {strides = array<i32>} : memref<16x128xi32, #tpu.memory_space<vmem>>, vector<16xi32>,
    %iota3A_2080 = tpu.iota {dimensions = array<i32: 0>} : vector<16xi32>
    %add3A_2081 = arith.constant 1440 : i32
    %add3A_2082 = arith.addi %mul3A_0, %add3A_2081 : i32
    %add3A_2083 = vector.broadcast %add3A_2082 : i32 to vector<16xi32>
    %add3A_2084 = arith.addi %iota3A_2080, %add3A_2083 : vector<16xi32>
    %swap3A_2085 = arith.constant 11 : i32
    %swap3A_2086 = arith.index_cast %swap3A_2085 : i32 to index
    %swap3A_2087 = arith.constant 32 : index
    %swap3A_2088 = tpu.vector_load %arg8[%swap3A_2086, %swap3A_2087] {strides = array<i32>} : memref<16x128xi32, #tpu.memory_space<vmem>>, vector<16xi32>,
    tpu.vector_store %arg8[%swap3A_2086, %swap3A_2087], %add3A_2084 {strides = array<i32>} : memref<16x128xi32, #tpu.memory_space<vmem>>, vector<16xi32>,
    %get3A_2089 = arith.constant 1456 : index
    %get3A_2090 = tpu.vector_load %arg5[%get3A_2089] {strides = array<i32>} : memref<2048xi32, #tpu.memory_space<vmem>>, vector<16xi32>,
    %and3A_2091 = arith.constant 63 : i32
    %and3A_2092 = vector.broadcast %and3A_2091 : i32 to vector<16xi32>
    %and3A_2093 = arith.andi %get3A_2090, %and3A_2092 : vector<16xi32>
    %shift_right_logical3A_2094 = arith.constant 6 : i32
    %shift_right_logical3A_2095 = vector.broadcast %shift_right_logical3A_2094 : i32 to vector<16xi32>
    %shift_right_logical3A_2096 = arith.shrui %get3A_2090, %shift_right_logical3A_2095 : vector<16xi32>
    %gather3A_2097 = tpu.vector_load_idx %arg6[%and3A_2093] : memref<64xi32, #tpu.memory_space<vmem>>[vector<16xi32>], vector<16xi32>,
    %add3A_2098 = arith.addi %gather3A_2097, %shift_right_logical3A_2096 : vector<16xi32>
    %swap3A_2099 = arith.constant 11 : i32
    %swap3A_2100 = arith.index_cast %swap3A_2099 : i32 to index
    %swap3A_2101 = arith.constant 48 : index
    %swap3A_2102 = tpu.vector_load %arg7[%swap3A_2100, %swap3A_2101] {strides = array<i32>} : memref<16x128xi32, #tpu.memory_space<vmem>>, vector<16xi32>,
    tpu.vector_store %arg7[%swap3A_2100, %swap3A_2101], %add3A_2098 {strides = array<i32>} : memref<16x128xi32, #tpu.memory_space<vmem>>, vector<16xi32>,
    %iota3A_2103 = tpu.iota {dimensions = array<i32: 0>} : vector<16xi32>
    %add3A_2104 = arith.constant 1456 : i32
    %add3A_2105 = arith.addi %mul3A_0, %add3A_2104 : i32
    %add3A_2106 = vector.broadcast %add3A_2105 : i32 to vector<16xi32>
    %add3A_2107 = arith.addi %iota3A_2103, %add3A_2106 : vector<16xi32>
    %swap3A_2108 = arith.constant 11 : i32
    %swap3A_2109 = arith.index_cast %swap3A_2108 : i32 to index
    %swap3A_2110 = arith.constant 48 : index
    %swap3A_2111 = tpu.vector_load %arg8[%swap3A_2109, %swap3A_2110] {strides = array<i32>} : memref<16x128xi32, #tpu.memory_space<vmem>>, vector<16xi32>,
    tpu.vector_store %arg8[%swap3A_2109, %swap3A_2110], %add3A_2107 {strides = array<i32>} : memref<16x128xi32, #tpu.memory_space<vmem>>, vector<16xi32>,
    %get3A_2112 = arith.constant 1472 : index
    %get3A_2113 = tpu.vector_load %arg5[%get3A_2112] {strides = array<i32>} : memref<2048xi32, #tpu.memory_space<vmem>>, vector<16xi32>,
    %and3A_2114 = arith.constant 63 : i32
    %and3A_2115 = vector.broadcast %and3A_2114 : i32 to vector<16xi32>
    %and3A_2116 = arith.andi %get3A_2113, %and3A_2115 : vector<16xi32>
    %shift_right_logical3A_2117 = arith.constant 6 : i32
    %shift_right_logical3A_2118 = vector.broadcast %shift_right_logical3A_2117 : i32 to vector<16xi32>
    %shift_right_logical3A_2119 = arith.shrui %get3A_2113, %shift_right_logical3A_2118 : vector<16xi32>
    %gather3A_2120 = tpu.vector_load_idx %arg6[%and3A_2116] : memref<64xi32, #tpu.memory_space<vmem>>[vector<16xi32>], vector<16xi32>,
    %add3A_2121 = arith.addi %gather3A_2120, %shift_right_logical3A_2119 : vector<16xi32>
    %swap3A_2122 = arith.constant 11 : i32
    %swap3A_2123 = arith.index_cast %swap3A_2122 : i32 to index
    %swap3A_2124 = arith.constant 64 : index
    %swap3A_2125 = tpu.vector_load %arg7[%swap3A_2123, %swap3A_2124] {strides = array<i32>} : memref<16x128xi32, #tpu.memory_space<vmem>>, vector<16xi32>,
    tpu.vector_store %arg7[%swap3A_2123, %swap3A_2124], %add3A_2121 {strides = array<i32>} : memref<16x128xi32, #tpu.memory_space<vmem>>, vector<16xi32>,
    %iota3A_2126 = tpu.iota {dimensions = array<i32: 0>} : vector<16xi32>
    %add3A_2127 = arith.constant 1472 : i32
    %add3A_2128 = arith.addi %mul3A_0, %add3A_2127 : i32
    %add3A_2129 = vector.broadcast %add3A_2128 : i32 to vector<16xi32>
    %add3A_2130 = arith.addi %iota3A_2126, %add3A_2129 : vector<16xi32>
    %swap3A_2131 = arith.constant 11 : i32
    %swap3A_2132 = arith.index_cast %swap3A_2131 : i32 to index
    %swap3A_2133 = arith.constant 64 : index
    %swap3A_2134 = tpu.vector_load %arg8[%swap3A_2132, %swap3A_2133] {strides = array<i32>} : memref<16x128xi32, #tpu.memory_space<vmem>>, vector<16xi32>,
    tpu.vector_store %arg8[%swap3A_2132, %swap3A_2133], %add3A_2130 {strides = array<i32>} : memref<16x128xi32, #tpu.memory_space<vmem>>, vector<16xi32>,
    %get3A_2135 = arith.constant 1488 : index
    %get3A_2136 = tpu.vector_load %arg5[%get3A_2135] {strides = array<i32>} : memref<2048xi32, #tpu.memory_space<vmem>>, vector<16xi32>,
    %and3A_2137 = arith.constant 63 : i32
    %and3A_2138 = vector.broadcast %and3A_2137 : i32 to vector<16xi32>
    %and3A_2139 = arith.andi %get3A_2136, %and3A_2138 : vector<16xi32>
    %shift_right_logical3A_2140 = arith.constant 6 : i32
    %shift_right_logical3A_2141 = vector.broadcast %shift_right_logical3A_2140 : i32 to vector<16xi32>
    %shift_right_logical3A_2142 = arith.shrui %get3A_2136, %shift_right_logical3A_2141 : vector<16xi32>
    %gather3A_2143 = tpu.vector_load_idx %arg6[%and3A_2139] : memref<64xi32, #tpu.memory_space<vmem>>[vector<16xi32>], vector<16xi32>,
    %add3A_2144 = arith.addi %gather3A_2143, %shift_right_logical3A_2142 : vector<16xi32>
    %swap3A_2145 = arith.constant 11 : i32
    %swap3A_2146 = arith.index_cast %swap3A_2145 : i32 to index
    %swap3A_2147 = arith.constant 80 : index
    %swap3A_2148 = tpu.vector_load %arg7[%swap3A_2146, %swap3A_2147] {strides = array<i32>} : memref<16x128xi32, #tpu.memory_space<vmem>>, vector<16xi32>,
    tpu.vector_store %arg7[%swap3A_2146, %swap3A_2147], %add3A_2144 {strides = array<i32>} : memref<16x128xi32, #tpu.memory_space<vmem>>, vector<16xi32>,
    %iota3A_2149 = tpu.iota {dimensions = array<i32: 0>} : vector<16xi32>
    %add3A_2150 = arith.constant 1488 : i32
    %add3A_2151 = arith.addi %mul3A_0, %add3A_2150 : i32
    %add3A_2152 = vector.broadcast %add3A_2151 : i32 to vector<16xi32>
    %add3A_2153 = arith.addi %iota3A_2149, %add3A_2152 : vector<16xi32>
    %swap3A_2154 = arith.constant 11 : i32
    %swap3A_2155 = arith.index_cast %swap3A_2154 : i32 to index
    %swap3A_2156 = arith.constant 80 : index
    %swap3A_2157 = tpu.vector_load %arg8[%swap3A_2155, %swap3A_2156] {strides = array<i32>} : memref<16x128xi32, #tpu.memory_space<vmem>>, vector<16xi32>,
    tpu.vector_store %arg8[%swap3A_2155, %swap3A_2156], %add3A_2153 {strides = array<i32>} : memref<16x128xi32, #tpu.memory_space<vmem>>, vector<16xi32>,
    %get3A_2158 = arith.constant 1504 : index
    %get3A_2159 = tpu.vector_load %arg5[%get3A_2158] {strides = array<i32>} : memref<2048xi32, #tpu.memory_space<vmem>>, vector<16xi32>,
    %and3A_2160 = arith.constant 63 : i32
    %and3A_2161 = vector.broadcast %and3A_2160 : i32 to vector<16xi32>
    %and3A_2162 = arith.andi %get3A_2159, %and3A_2161 : vector<16xi32>
    %shift_right_logical3A_2163 = arith.constant 6 : i32
    %shift_right_logical3A_2164 = vector.broadcast %shift_right_logical3A_2163 : i32 to vector<16xi32>
    %shift_right_logical3A_2165 = arith.shrui %get3A_2159, %shift_right_logical3A_2164 : vector<16xi32>
    %gather3A_2166 = tpu.vector_load_idx %arg6[%and3A_2162] : memref<64xi32, #tpu.memory_space<vmem>>[vector<16xi32>], vector<16xi32>,
    %add3A_2167 = arith.addi %gather3A_2166, %shift_right_logical3A_2165 : vector<16xi32>
    %swap3A_2168 = arith.constant 11 : i32
    %swap3A_2169 = arith.index_cast %swap3A_2168 : i32 to index
    %swap3A_2170 = arith.constant 96 : index
    %swap3A_2171 = tpu.vector_load %arg7[%swap3A_2169, %swap3A_2170] {strides = array<i32>} : memref<16x128xi32, #tpu.memory_space<vmem>>, vector<16xi32>,
    tpu.vector_store %arg7[%swap3A_2169, %swap3A_2170], %add3A_2167 {strides = array<i32>} : memref<16x128xi32, #tpu.memory_space<vmem>>, vector<16xi32>,
    %iota3A_2172 = tpu.iota {dimensions = array<i32: 0>} : vector<16xi32>
    %add3A_2173 = arith.constant 1504 : i32
    %add3A_2174 = arith.addi %mul3A_0, %add3A_2173 : i32
    %add3A_2175 = vector.broadcast %add3A_2174 : i32 to vector<16xi32>
    %add3A_2176 = arith.addi %iota3A_2172, %add3A_2175 : vector<16xi32>
    %swap3A_2177 = arith.constant 11 : i32
    %swap3A_2178 = arith.index_cast %swap3A_2177 : i32 to index
    %swap3A_2179 = arith.constant 96 : index
    %swap3A_2180 = tpu.vector_load %arg8[%swap3A_2178, %swap3A_2179] {strides = array<i32>} : memref<16x128xi32, #tpu.memory_space<vmem>>, vector<16xi32>,
    tpu.vector_store %arg8[%swap3A_2178, %swap3A_2179], %add3A_2176 {strides = array<i32>} : memref<16x128xi32, #tpu.memory_space<vmem>>, vector<16xi32>,
    %get3A_2181 = arith.constant 1520 : index
    %get3A_2182 = tpu.vector_load %arg5[%get3A_2181] {strides = array<i32>} : memref<2048xi32, #tpu.memory_space<vmem>>, vector<16xi32>,
    %and3A_2183 = arith.constant 63 : i32
    %and3A_2184 = vector.broadcast %and3A_2183 : i32 to vector<16xi32>
    %and3A_2185 = arith.andi %get3A_2182, %and3A_2184 : vector<16xi32>
    %shift_right_logical3A_2186 = arith.constant 6 : i32
    %shift_right_logical3A_2187 = vector.broadcast %shift_right_logical3A_2186 : i32 to vector<16xi32>
    %shift_right_logical3A_2188 = arith.shrui %get3A_2182, %shift_right_logical3A_2187 : vector<16xi32>
    %gather3A_2189 = tpu.vector_load_idx %arg6[%and3A_2185] : memref<64xi32, #tpu.memory_space<vmem>>[vector<16xi32>], vector<16xi32>,
    %add3A_2190 = arith.addi %gather3A_2189, %shift_right_logical3A_2188 : vector<16xi32>
    %swap3A_2191 = arith.constant 11 : i32
    %swap3A_2192 = arith.index_cast %swap3A_2191 : i32 to index
    %swap3A_2193 = arith.constant 112 : index
    %swap3A_2194 = tpu.vector_load %arg7[%swap3A_2192, %swap3A_2193] {strides = array<i32>} : memref<16x128xi32, #tpu.memory_space<vmem>>, vector<16xi32>,
    tpu.vector_store %arg7[%swap3A_2192, %swap3A_2193], %add3A_2190 {strides = array<i32>} : memref<16x128xi32, #tpu.memory_space<vmem>>, vector<16xi32>,
    %iota3A_2195 = tpu.iota {dimensions = array<i32: 0>} : vector<16xi32>
    %add3A_2196 = arith.constant 1520 : i32
    %add3A_2197 = arith.addi %mul3A_0, %add3A_2196 : i32
    %add3A_2198 = vector.broadcast %add3A_2197 : i32 to vector<16xi32>
    %add3A_2199 = arith.addi %iota3A_2195, %add3A_2198 : vector<16xi32>
    %swap3A_2200 = arith.constant 11 : i32
    %swap3A_2201 = arith.index_cast %swap3A_2200 : i32 to index
    %swap3A_2202 = arith.constant 112 : index
    %swap3A_2203 = tpu.vector_load %arg8[%swap3A_2201, %swap3A_2202] {strides = array<i32>} : memref<16x128xi32, #tpu.memory_space<vmem>>, vector<16xi32>,
    tpu.vector_store %arg8[%swap3A_2201, %swap3A_2202], %add3A_2199 {strides = array<i32>} : memref<16x128xi32, #tpu.memory_space<vmem>>, vector<16xi32>,
    %get3A_2204 = arith.constant 1536 : index
    %get3A_2205 = tpu.vector_load %arg5[%get3A_2204] {strides = array<i32>} : memref<2048xi32, #tpu.memory_space<vmem>>, vector<16xi32>,
    %and3A_2206 = arith.constant 63 : i32
    %and3A_2207 = vector.broadcast %and3A_2206 : i32 to vector<16xi32>
    %and3A_2208 = arith.andi %get3A_2205, %and3A_2207 : vector<16xi32>
    %shift_right_logical3A_2209 = arith.constant 6 : i32
    %shift_right_logical3A_2210 = vector.broadcast %shift_right_logical3A_2209 : i32 to vector<16xi32>
    %shift_right_logical3A_2211 = arith.shrui %get3A_2205, %shift_right_logical3A_2210 : vector<16xi32>
    %gather3A_2212 = tpu.vector_load_idx %arg6[%and3A_2208] : memref<64xi32, #tpu.memory_space<vmem>>[vector<16xi32>], vector<16xi32>,
    %add3A_2213 = arith.addi %gather3A_2212, %shift_right_logical3A_2211 : vector<16xi32>
    %swap3A_2214 = arith.constant 12 : i32
    %swap3A_2215 = arith.index_cast %swap3A_2214 : i32 to index
    %swap3A_2216 = arith.constant 0 : index
    %swap3A_2217 = tpu.vector_load %arg7[%swap3A_2215, %swap3A_2216] {strides = array<i32>} : memref<16x128xi32, #tpu.memory_space<vmem>>, vector<16xi32>,
    tpu.vector_store %arg7[%swap3A_2215, %swap3A_2216], %add3A_2213 {strides = array<i32>} : memref<16x128xi32, #tpu.memory_space<vmem>>, vector<16xi32>,
    %iota3A_2218 = tpu.iota {dimensions = array<i32: 0>} : vector<16xi32>
    %add3A_2219 = arith.constant 1536 : i32
    %add3A_2220 = arith.addi %mul3A_0, %add3A_2219 : i32
    %add3A_2221 = vector.broadcast %add3A_2220 : i32 to vector<16xi32>
    %add3A_2222 = arith.addi %iota3A_2218, %add3A_2221 : vector<16xi32>
    %swap3A_2223 = arith.constant 12 : i32
    %swap3A_2224 = arith.index_cast %swap3A_2223 : i32 to index
    %swap3A_2225 = arith.constant 0 : index
    %swap3A_2226 = tpu.vector_load %arg8[%swap3A_2224, %swap3A_2225] {strides = array<i32>} : memref<16x128xi32, #tpu.memory_space<vmem>>, vector<16xi32>,
    tpu.vector_store %arg8[%swap3A_2224, %swap3A_2225], %add3A_2222 {strides = array<i32>} : memref<16x128xi32, #tpu.memory_space<vmem>>, vector<16xi32>,
    %get3A_2227 = arith.constant 1552 : index
    %get3A_2228 = tpu.vector_load %arg5[%get3A_2227] {strides = array<i32>} : memref<2048xi32, #tpu.memory_space<vmem>>, vector<16xi32>,
    %and3A_2229 = arith.constant 63 : i32
    %and3A_2230 = vector.broadcast %and3A_2229 : i32 to vector<16xi32>
    %and3A_2231 = arith.andi %get3A_2228, %and3A_2230 : vector<16xi32>
    %shift_right_logical3A_2232 = arith.constant 6 : i32
    %shift_right_logical3A_2233 = vector.broadcast %shift_right_logical3A_2232 : i32 to vector<16xi32>
    %shift_right_logical3A_2234 = arith.shrui %get3A_2228, %shift_right_logical3A_2233 : vector<16xi32>
    %gather3A_2235 = tpu.vector_load_idx %arg6[%and3A_2231] : memref<64xi32, #tpu.memory_space<vmem>>[vector<16xi32>], vector<16xi32>,
    %add3A_2236 = arith.addi %gather3A_2235, %shift_right_logical3A_2234 : vector<16xi32>
    %swap3A_2237 = arith.constant 12 : i32
    %swap3A_2238 = arith.index_cast %swap3A_2237 : i32 to index
    %swap3A_2239 = arith.constant 16 : index
    %swap3A_2240 = tpu.vector_load %arg7[%swap3A_2238, %swap3A_2239] {strides = array<i32>} : memref<16x128xi32, #tpu.memory_space<vmem>>, vector<16xi32>,
    tpu.vector_store %arg7[%swap3A_2238, %swap3A_2239], %add3A_2236 {strides = array<i32>} : memref<16x128xi32, #tpu.memory_space<vmem>>, vector<16xi32>,
    %iota3A_2241 = tpu.iota {dimensions = array<i32: 0>} : vector<16xi32>
    %add3A_2242 = arith.constant 1552 : i32
    %add3A_2243 = arith.addi %mul3A_0, %add3A_2242 : i32
    %add3A_2244 = vector.broadcast %add3A_2243 : i32 to vector<16xi32>
    %add3A_2245 = arith.addi %iota3A_2241, %add3A_2244 : vector<16xi32>
    %swap3A_2246 = arith.constant 12 : i32
    %swap3A_2247 = arith.index_cast %swap3A_2246 : i32 to index
    %swap3A_2248 = arith.constant 16 : index
    %swap3A_2249 = tpu.vector_load %arg8[%swap3A_2247, %swap3A_2248] {strides = array<i32>} : memref<16x128xi32, #tpu.memory_space<vmem>>, vector<16xi32>,
    tpu.vector_store %arg8[%swap3A_2247, %swap3A_2248], %add3A_2245 {strides = array<i32>} : memref<16x128xi32, #tpu.memory_space<vmem>>, vector<16xi32>,
    %get3A_2250 = arith.constant 1568 : index
    %get3A_2251 = tpu.vector_load %arg5[%get3A_2250] {strides = array<i32>} : memref<2048xi32, #tpu.memory_space<vmem>>, vector<16xi32>,
    %and3A_2252 = arith.constant 63 : i32
    %and3A_2253 = vector.broadcast %and3A_2252 : i32 to vector<16xi32>
    %and3A_2254 = arith.andi %get3A_2251, %and3A_2253 : vector<16xi32>
    %shift_right_logical3A_2255 = arith.constant 6 : i32
    %shift_right_logical3A_2256 = vector.broadcast %shift_right_logical3A_2255 : i32 to vector<16xi32>
    %shift_right_logical3A_2257 = arith.shrui %get3A_2251, %shift_right_logical3A_2256 : vector<16xi32>
    %gather3A_2258 = tpu.vector_load_idx %arg6[%and3A_2254] : memref<64xi32, #tpu.memory_space<vmem>>[vector<16xi32>], vector<16xi32>,
    %add3A_2259 = arith.addi %gather3A_2258, %shift_right_logical3A_2257 : vector<16xi32>
    %swap3A_2260 = arith.constant 12 : i32
    %swap3A_2261 = arith.index_cast %swap3A_2260 : i32 to index
    %swap3A_2262 = arith.constant 32 : index
    %swap3A_2263 = tpu.vector_load %arg7[%swap3A_2261, %swap3A_2262] {strides = array<i32>} : memref<16x128xi32, #tpu.memory_space<vmem>>, vector<16xi32>,
    tpu.vector_store %arg7[%swap3A_2261, %swap3A_2262], %add3A_2259 {strides = array<i32>} : memref<16x128xi32, #tpu.memory_space<vmem>>, vector<16xi32>,
    %iota3A_2264 = tpu.iota {dimensions = array<i32: 0>} : vector<16xi32>
    %add3A_2265 = arith.constant 1568 : i32
    %add3A_2266 = arith.addi %mul3A_0, %add3A_2265 : i32
    %add3A_2267 = vector.broadcast %add3A_2266 : i32 to vector<16xi32>
    %add3A_2268 = arith.addi %iota3A_2264, %add3A_2267 : vector<16xi32>
    %swap3A_2269 = arith.constant 12 : i32
    %swap3A_2270 = arith.index_cast %swap3A_2269 : i32 to index
    %swap3A_2271 = arith.constant 32 : index
    %swap3A_2272 = tpu.vector_load %arg8[%swap3A_2270, %swap3A_2271] {strides = array<i32>} : memref<16x128xi32, #tpu.memory_space<vmem>>, vector<16xi32>,
    tpu.vector_store %arg8[%swap3A_2270, %swap3A_2271], %add3A_2268 {strides = array<i32>} : memref<16x128xi32, #tpu.memory_space<vmem>>, vector<16xi32>,
    %get3A_2273 = arith.constant 1584 : index
    %get3A_2274 = tpu.vector_load %arg5[%get3A_2273] {strides = array<i32>} : memref<2048xi32, #tpu.memory_space<vmem>>, vector<16xi32>,
    %and3A_2275 = arith.constant 63 : i32
    %and3A_2276 = vector.broadcast %and3A_2275 : i32 to vector<16xi32>
    %and3A_2277 = arith.andi %get3A_2274, %and3A_2276 : vector<16xi32>
    %shift_right_logical3A_2278 = arith.constant 6 : i32
    %shift_right_logical3A_2279 = vector.broadcast %shift_right_logical3A_2278 : i32 to vector<16xi32>
    %shift_right_logical3A_2280 = arith.shrui %get3A_2274, %shift_right_logical3A_2279 : vector<16xi32>
    %gather3A_2281 = tpu.vector_load_idx %arg6[%and3A_2277] : memref<64xi32, #tpu.memory_space<vmem>>[vector<16xi32>], vector<16xi32>,
    %add3A_2282 = arith.addi %gather3A_2281, %shift_right_logical3A_2280 : vector<16xi32>
    %swap3A_2283 = arith.constant 12 : i32
    %swap3A_2284 = arith.index_cast %swap3A_2283 : i32 to index
    %swap3A_2285 = arith.constant 48 : index
    %swap3A_2286 = tpu.vector_load %arg7[%swap3A_2284, %swap3A_2285] {strides = array<i32>} : memref<16x128xi32, #tpu.memory_space<vmem>>, vector<16xi32>,
    tpu.vector_store %arg7[%swap3A_2284, %swap3A_2285], %add3A_2282 {strides = array<i32>} : memref<16x128xi32, #tpu.memory_space<vmem>>, vector<16xi32>,
    %iota3A_2287 = tpu.iota {dimensions = array<i32: 0>} : vector<16xi32>
    %add3A_2288 = arith.constant 1584 : i32
    %add3A_2289 = arith.addi %mul3A_0, %add3A_2288 : i32
    %add3A_2290 = vector.broadcast %add3A_2289 : i32 to vector<16xi32>
    %add3A_2291 = arith.addi %iota3A_2287, %add3A_2290 : vector<16xi32>
    %swap3A_2292 = arith.constant 12 : i32
    %swap3A_2293 = arith.index_cast %swap3A_2292 : i32 to index
    %swap3A_2294 = arith.constant 48 : index
    %swap3A_2295 = tpu.vector_load %arg8[%swap3A_2293, %swap3A_2294] {strides = array<i32>} : memref<16x128xi32, #tpu.memory_space<vmem>>, vector<16xi32>,
    tpu.vector_store %arg8[%swap3A_2293, %swap3A_2294], %add3A_2291 {strides = array<i32>} : memref<16x128xi32, #tpu.memory_space<vmem>>, vector<16xi32>,
    %get3A_2296 = arith.constant 1600 : index
    %get3A_2297 = tpu.vector_load %arg5[%get3A_2296] {strides = array<i32>} : memref<2048xi32, #tpu.memory_space<vmem>>, vector<16xi32>,
    %and3A_2298 = arith.constant 63 : i32
    %and3A_2299 = vector.broadcast %and3A_2298 : i32 to vector<16xi32>
    %and3A_2300 = arith.andi %get3A_2297, %and3A_2299 : vector<16xi32>
    %shift_right_logical3A_2301 = arith.constant 6 : i32
    %shift_right_logical3A_2302 = vector.broadcast %shift_right_logical3A_2301 : i32 to vector<16xi32>
    %shift_right_logical3A_2303 = arith.shrui %get3A_2297, %shift_right_logical3A_2302 : vector<16xi32>
    %gather3A_2304 = tpu.vector_load_idx %arg6[%and3A_2300] : memref<64xi32, #tpu.memory_space<vmem>>[vector<16xi32>], vector<16xi32>,
    %add3A_2305 = arith.addi %gather3A_2304, %shift_right_logical3A_2303 : vector<16xi32>
    %swap3A_2306 = arith.constant 12 : i32
    %swap3A_2307 = arith.index_cast %swap3A_2306 : i32 to index
    %swap3A_2308 = arith.constant 64 : index
    %swap3A_2309 = tpu.vector_load %arg7[%swap3A_2307, %swap3A_2308] {strides = array<i32>} : memref<16x128xi32, #tpu.memory_space<vmem>>, vector<16xi32>,
    tpu.vector_store %arg7[%swap3A_2307, %swap3A_2308], %add3A_2305 {strides = array<i32>} : memref<16x128xi32, #tpu.memory_space<vmem>>, vector<16xi32>,
    %iota3A_2310 = tpu.iota {dimensions = array<i32: 0>} : vector<16xi32>
    %add3A_2311 = arith.constant 1600 : i32
    %add3A_2312 = arith.addi %mul3A_0, %add3A_2311 : i32
    %add3A_2313 = vector.broadcast %add3A_2312 : i32 to vector<16xi32>
    %add3A_2314 = arith.addi %iota3A_2310, %add3A_2313 : vector<16xi32>
    %swap3A_2315 = arith.constant 12 : i32
    %swap3A_2316 = arith.index_cast %swap3A_2315 : i32 to index
    %swap3A_2317 = arith.constant 64 : index
    %swap3A_2318 = tpu.vector_load %arg8[%swap3A_2316, %swap3A_2317] {strides = array<i32>} : memref<16x128xi32, #tpu.memory_space<vmem>>, vector<16xi32>,
    tpu.vector_store %arg8[%swap3A_2316, %swap3A_2317], %add3A_2314 {strides = array<i32>} : memref<16x128xi32, #tpu.memory_space<vmem>>, vector<16xi32>,
    %get3A_2319 = arith.constant 1616 : index
    %get3A_2320 = tpu.vector_load %arg5[%get3A_2319] {strides = array<i32>} : memref<2048xi32, #tpu.memory_space<vmem>>, vector<16xi32>,
    %and3A_2321 = arith.constant 63 : i32
    %and3A_2322 = vector.broadcast %and3A_2321 : i32 to vector<16xi32>
    %and3A_2323 = arith.andi %get3A_2320, %and3A_2322 : vector<16xi32>
    %shift_right_logical3A_2324 = arith.constant 6 : i32
    %shift_right_logical3A_2325 = vector.broadcast %shift_right_logical3A_2324 : i32 to vector<16xi32>
    %shift_right_logical3A_2326 = arith.shrui %get3A_2320, %shift_right_logical3A_2325 : vector<16xi32>
    %gather3A_2327 = tpu.vector_load_idx %arg6[%and3A_2323] : memref<64xi32, #tpu.memory_space<vmem>>[vector<16xi32>], vector<16xi32>,
    %add3A_2328 = arith.addi %gather3A_2327, %shift_right_logical3A_2326 : vector<16xi32>
    %swap3A_2329 = arith.constant 12 : i32
    %swap3A_2330 = arith.index_cast %swap3A_2329 : i32 to index
    %swap3A_2331 = arith.constant 80 : index
    %swap3A_2332 = tpu.vector_load %arg7[%swap3A_2330, %swap3A_2331] {strides = array<i32>} : memref<16x128xi32, #tpu.memory_space<vmem>>, vector<16xi32>,
    tpu.vector_store %arg7[%swap3A_2330, %swap3A_2331], %add3A_2328 {strides = array<i32>} : memref<16x128xi32, #tpu.memory_space<vmem>>, vector<16xi32>,
    %iota3A_2333 = tpu.iota {dimensions = array<i32: 0>} : vector<16xi32>
    %add3A_2334 = arith.constant 1616 : i32
    %add3A_2335 = arith.addi %mul3A_0, %add3A_2334 : i32
    %add3A_2336 = vector.broadcast %add3A_2335 : i32 to vector<16xi32>
    %add3A_2337 = arith.addi %iota3A_2333, %add3A_2336 : vector<16xi32>
    %swap3A_2338 = arith.constant 12 : i32
    %swap3A_2339 = arith.index_cast %swap3A_2338 : i32 to index
    %swap3A_2340 = arith.constant 80 : index
    %swap3A_2341 = tpu.vector_load %arg8[%swap3A_2339, %swap3A_2340] {strides = array<i32>} : memref<16x128xi32, #tpu.memory_space<vmem>>, vector<16xi32>,
    tpu.vector_store %arg8[%swap3A_2339, %swap3A_2340], %add3A_2337 {strides = array<i32>} : memref<16x128xi32, #tpu.memory_space<vmem>>, vector<16xi32>,
    %get3A_2342 = arith.constant 1632 : index
    %get3A_2343 = tpu.vector_load %arg5[%get3A_2342] {strides = array<i32>} : memref<2048xi32, #tpu.memory_space<vmem>>, vector<16xi32>,
    %and3A_2344 = arith.constant 63 : i32
    %and3A_2345 = vector.broadcast %and3A_2344 : i32 to vector<16xi32>
    %and3A_2346 = arith.andi %get3A_2343, %and3A_2345 : vector<16xi32>
    %shift_right_logical3A_2347 = arith.constant 6 : i32
    %shift_right_logical3A_2348 = vector.broadcast %shift_right_logical3A_2347 : i32 to vector<16xi32>
    %shift_right_logical3A_2349 = arith.shrui %get3A_2343, %shift_right_logical3A_2348 : vector<16xi32>
    %gather3A_2350 = tpu.vector_load_idx %arg6[%and3A_2346] : memref<64xi32, #tpu.memory_space<vmem>>[vector<16xi32>], vector<16xi32>,
    %add3A_2351 = arith.addi %gather3A_2350, %shift_right_logical3A_2349 : vector<16xi32>
    %swap3A_2352 = arith.constant 12 : i32
    %swap3A_2353 = arith.index_cast %swap3A_2352 : i32 to index
    %swap3A_2354 = arith.constant 96 : index
    %swap3A_2355 = tpu.vector_load %arg7[%swap3A_2353, %swap3A_2354] {strides = array<i32>} : memref<16x128xi32, #tpu.memory_space<vmem>>, vector<16xi32>,
    tpu.vector_store %arg7[%swap3A_2353, %swap3A_2354], %add3A_2351 {strides = array<i32>} : memref<16x128xi32, #tpu.memory_space<vmem>>, vector<16xi32>,
    %iota3A_2356 = tpu.iota {dimensions = array<i32: 0>} : vector<16xi32>
    %add3A_2357 = arith.constant 1632 : i32
    %add3A_2358 = arith.addi %mul3A_0, %add3A_2357 : i32
    %add3A_2359 = vector.broadcast %add3A_2358 : i32 to vector<16xi32>
    %add3A_2360 = arith.addi %iota3A_2356, %add3A_2359 : vector<16xi32>
    %swap3A_2361 = arith.constant 12 : i32
    %swap3A_2362 = arith.index_cast %swap3A_2361 : i32 to index
    %swap3A_2363 = arith.constant 96 : index
    %swap3A_2364 = tpu.vector_load %arg8[%swap3A_2362, %swap3A_2363] {strides = array<i32>} : memref<16x128xi32, #tpu.memory_space<vmem>>, vector<16xi32>,
    tpu.vector_store %arg8[%swap3A_2362, %swap3A_2363], %add3A_2360 {strides = array<i32>} : memref<16x128xi32, #tpu.memory_space<vmem>>, vector<16xi32>,
    %get3A_2365 = arith.constant 1648 : index
    %get3A_2366 = tpu.vector_load %arg5[%get3A_2365] {strides = array<i32>} : memref<2048xi32, #tpu.memory_space<vmem>>, vector<16xi32>,
    %and3A_2367 = arith.constant 63 : i32
    %and3A_2368 = vector.broadcast %and3A_2367 : i32 to vector<16xi32>
    %and3A_2369 = arith.andi %get3A_2366, %and3A_2368 : vector<16xi32>
    %shift_right_logical3A_2370 = arith.constant 6 : i32
    %shift_right_logical3A_2371 = vector.broadcast %shift_right_logical3A_2370 : i32 to vector<16xi32>
    %shift_right_logical3A_2372 = arith.shrui %get3A_2366, %shift_right_logical3A_2371 : vector<16xi32>
    %gather3A_2373 = tpu.vector_load_idx %arg6[%and3A_2369] : memref<64xi32, #tpu.memory_space<vmem>>[vector<16xi32>], vector<16xi32>,
    %add3A_2374 = arith.addi %gather3A_2373, %shift_right_logical3A_2372 : vector<16xi32>
    %swap3A_2375 = arith.constant 12 : i32
    %swap3A_2376 = arith.index_cast %swap3A_2375 : i32 to index
    %swap3A_2377 = arith.constant 112 : index
    %swap3A_2378 = tpu.vector_load %arg7[%swap3A_2376, %swap3A_2377] {strides = array<i32>} : memref<16x128xi32, #tpu.memory_space<vmem>>, vector<16xi32>,
    tpu.vector_store %arg7[%swap3A_2376, %swap3A_2377], %add3A_2374 {strides = array<i32>} : memref<16x128xi32, #tpu.memory_space<vmem>>, vector<16xi32>,
    %iota3A_2379 = tpu.iota {dimensions = array<i32: 0>} : vector<16xi32>
    %add3A_2380 = arith.constant 1648 : i32
    %add3A_2381 = arith.addi %mul3A_0, %add3A_2380 : i32
    %add3A_2382 = vector.broadcast %add3A_2381 : i32 to vector<16xi32>
    %add3A_2383 = arith.addi %iota3A_2379, %add3A_2382 : vector<16xi32>
    %swap3A_2384 = arith.constant 12 : i32
    %swap3A_2385 = arith.index_cast %swap3A_2384 : i32 to index
    %swap3A_2386 = arith.constant 112 : index
    %swap3A_2387 = tpu.vector_load %arg8[%swap3A_2385, %swap3A_2386] {strides = array<i32>} : memref<16x128xi32, #tpu.memory_space<vmem>>, vector<16xi32>,
    tpu.vector_store %arg8[%swap3A_2385, %swap3A_2386], %add3A_2383 {strides = array<i32>} : memref<16x128xi32, #tpu.memory_space<vmem>>, vector<16xi32>,
    %get3A_2388 = arith.constant 1664 : index
    %get3A_2389 = tpu.vector_load %arg5[%get3A_2388] {strides = array<i32>} : memref<2048xi32, #tpu.memory_space<vmem>>, vector<16xi32>,
    %and3A_2390 = arith.constant 63 : i32
    %and3A_2391 = vector.broadcast %and3A_2390 : i32 to vector<16xi32>
    %and3A_2392 = arith.andi %get3A_2389, %and3A_2391 : vector<16xi32>
    %shift_right_logical3A_2393 = arith.constant 6 : i32
    %shift_right_logical3A_2394 = vector.broadcast %shift_right_logical3A_2393 : i32 to vector<16xi32>
    %shift_right_logical3A_2395 = arith.shrui %get3A_2389, %shift_right_logical3A_2394 : vector<16xi32>
    %gather3A_2396 = tpu.vector_load_idx %arg6[%and3A_2392] : memref<64xi32, #tpu.memory_space<vmem>>[vector<16xi32>], vector<16xi32>,
    %add3A_2397 = arith.addi %gather3A_2396, %shift_right_logical3A_2395 : vector<16xi32>
    %swap3A_2398 = arith.constant 13 : i32
    %swap3A_2399 = arith.index_cast %swap3A_2398 : i32 to index
    %swap3A_2400 = arith.constant 0 : index
    %swap3A_2401 = tpu.vector_load %arg7[%swap3A_2399, %swap3A_2400] {strides = array<i32>} : memref<16x128xi32, #tpu.memory_space<vmem>>, vector<16xi32>,
    tpu.vector_store %arg7[%swap3A_2399, %swap3A_2400], %add3A_2397 {strides = array<i32>} : memref<16x128xi32, #tpu.memory_space<vmem>>, vector<16xi32>,
    %iota3A_2402 = tpu.iota {dimensions = array<i32: 0>} : vector<16xi32>
    %add3A_2403 = arith.constant 1664 : i32
    %add3A_2404 = arith.addi %mul3A_0, %add3A_2403 : i32
    %add3A_2405 = vector.broadcast %add3A_2404 : i32 to vector<16xi32>
    %add3A_2406 = arith.addi %iota3A_2402, %add3A_2405 : vector<16xi32>
    %swap3A_2407 = arith.constant 13 : i32
    %swap3A_2408 = arith.index_cast %swap3A_2407 : i32 to index
    %swap3A_2409 = arith.constant 0 : index
    %swap3A_2410 = tpu.vector_load %arg8[%swap3A_2408, %swap3A_2409] {strides = array<i32>} : memref<16x128xi32, #tpu.memory_space<vmem>>, vector<16xi32>,
    tpu.vector_store %arg8[%swap3A_2408, %swap3A_2409], %add3A_2406 {strides = array<i32>} : memref<16x128xi32, #tpu.memory_space<vmem>>, vector<16xi32>,
    %get3A_2411 = arith.constant 1680 : index
    %get3A_2412 = tpu.vector_load %arg5[%get3A_2411] {strides = array<i32>} : memref<2048xi32, #tpu.memory_space<vmem>>, vector<16xi32>,
    %and3A_2413 = arith.constant 63 : i32
    %and3A_2414 = vector.broadcast %and3A_2413 : i32 to vector<16xi32>
    %and3A_2415 = arith.andi %get3A_2412, %and3A_2414 : vector<16xi32>
    %shift_right_logical3A_2416 = arith.constant 6 : i32
    %shift_right_logical3A_2417 = vector.broadcast %shift_right_logical3A_2416 : i32 to vector<16xi32>
    %shift_right_logical3A_2418 = arith.shrui %get3A_2412, %shift_right_logical3A_2417 : vector<16xi32>
    %gather3A_2419 = tpu.vector_load_idx %arg6[%and3A_2415] : memref<64xi32, #tpu.memory_space<vmem>>[vector<16xi32>], vector<16xi32>,
    %add3A_2420 = arith.addi %gather3A_2419, %shift_right_logical3A_2418 : vector<16xi32>
    %swap3A_2421 = arith.constant 13 : i32
    %swap3A_2422 = arith.index_cast %swap3A_2421 : i32 to index
    %swap3A_2423 = arith.constant 16 : index
    %swap3A_2424 = tpu.vector_load %arg7[%swap3A_2422, %swap3A_2423] {strides = array<i32>} : memref<16x128xi32, #tpu.memory_space<vmem>>, vector<16xi32>,
    tpu.vector_store %arg7[%swap3A_2422, %swap3A_2423], %add3A_2420 {strides = array<i32>} : memref<16x128xi32, #tpu.memory_space<vmem>>, vector<16xi32>,
    %iota3A_2425 = tpu.iota {dimensions = array<i32: 0>} : vector<16xi32>
    %add3A_2426 = arith.constant 1680 : i32
    %add3A_2427 = arith.addi %mul3A_0, %add3A_2426 : i32
    %add3A_2428 = vector.broadcast %add3A_2427 : i32 to vector<16xi32>
    %add3A_2429 = arith.addi %iota3A_2425, %add3A_2428 : vector<16xi32>
    %swap3A_2430 = arith.constant 13 : i32
    %swap3A_2431 = arith.index_cast %swap3A_2430 : i32 to index
    %swap3A_2432 = arith.constant 16 : index
    %swap3A_2433 = tpu.vector_load %arg8[%swap3A_2431, %swap3A_2432] {strides = array<i32>} : memref<16x128xi32, #tpu.memory_space<vmem>>, vector<16xi32>,
    tpu.vector_store %arg8[%swap3A_2431, %swap3A_2432], %add3A_2429 {strides = array<i32>} : memref<16x128xi32, #tpu.memory_space<vmem>>, vector<16xi32>,
    %get3A_2434 = arith.constant 1696 : index
    %get3A_2435 = tpu.vector_load %arg5[%get3A_2434] {strides = array<i32>} : memref<2048xi32, #tpu.memory_space<vmem>>, vector<16xi32>,
    %and3A_2436 = arith.constant 63 : i32
    %and3A_2437 = vector.broadcast %and3A_2436 : i32 to vector<16xi32>
    %and3A_2438 = arith.andi %get3A_2435, %and3A_2437 : vector<16xi32>
    %shift_right_logical3A_2439 = arith.constant 6 : i32
    %shift_right_logical3A_2440 = vector.broadcast %shift_right_logical3A_2439 : i32 to vector<16xi32>
    %shift_right_logical3A_2441 = arith.shrui %get3A_2435, %shift_right_logical3A_2440 : vector<16xi32>
    %gather3A_2442 = tpu.vector_load_idx %arg6[%and3A_2438] : memref<64xi32, #tpu.memory_space<vmem>>[vector<16xi32>], vector<16xi32>,
    %add3A_2443 = arith.addi %gather3A_2442, %shift_right_logical3A_2441 : vector<16xi32>
    %swap3A_2444 = arith.constant 13 : i32
    %swap3A_2445 = arith.index_cast %swap3A_2444 : i32 to index
    %swap3A_2446 = arith.constant 32 : index
    %swap3A_2447 = tpu.vector_load %arg7[%swap3A_2445, %swap3A_2446] {strides = array<i32>} : memref<16x128xi32, #tpu.memory_space<vmem>>, vector<16xi32>,
    tpu.vector_store %arg7[%swap3A_2445, %swap3A_2446], %add3A_2443 {strides = array<i32>} : memref<16x128xi32, #tpu.memory_space<vmem>>, vector<16xi32>,
    %iota3A_2448 = tpu.iota {dimensions = array<i32: 0>} : vector<16xi32>
    %add3A_2449 = arith.constant 1696 : i32
    %add3A_2450 = arith.addi %mul3A_0, %add3A_2449 : i32
    %add3A_2451 = vector.broadcast %add3A_2450 : i32 to vector<16xi32>
    %add3A_2452 = arith.addi %iota3A_2448, %add3A_2451 : vector<16xi32>
    %swap3A_2453 = arith.constant 13 : i32
    %swap3A_2454 = arith.index_cast %swap3A_2453 : i32 to index
    %swap3A_2455 = arith.constant 32 : index
    %swap3A_2456 = tpu.vector_load %arg8[%swap3A_2454, %swap3A_2455] {strides = array<i32>} : memref<16x128xi32, #tpu.memory_space<vmem>>, vector<16xi32>,
    tpu.vector_store %arg8[%swap3A_2454, %swap3A_2455], %add3A_2452 {strides = array<i32>} : memref<16x128xi32, #tpu.memory_space<vmem>>, vector<16xi32>,
    %get3A_2457 = arith.constant 1712 : index
    %get3A_2458 = tpu.vector_load %arg5[%get3A_2457] {strides = array<i32>} : memref<2048xi32, #tpu.memory_space<vmem>>, vector<16xi32>,
    %and3A_2459 = arith.constant 63 : i32
    %and3A_2460 = vector.broadcast %and3A_2459 : i32 to vector<16xi32>
    %and3A_2461 = arith.andi %get3A_2458, %and3A_2460 : vector<16xi32>
    %shift_right_logical3A_2462 = arith.constant 6 : i32
    %shift_right_logical3A_2463 = vector.broadcast %shift_right_logical3A_2462 : i32 to vector<16xi32>
    %shift_right_logical3A_2464 = arith.shrui %get3A_2458, %shift_right_logical3A_2463 : vector<16xi32>
    %gather3A_2465 = tpu.vector_load_idx %arg6[%and3A_2461] : memref<64xi32, #tpu.memory_space<vmem>>[vector<16xi32>], vector<16xi32>,
    %add3A_2466 = arith.addi %gather3A_2465, %shift_right_logical3A_2464 : vector<16xi32>
    %swap3A_2467 = arith.constant 13 : i32
    %swap3A_2468 = arith.index_cast %swap3A_2467 : i32 to index
    %swap3A_2469 = arith.constant 48 : index
    %swap3A_2470 = tpu.vector_load %arg7[%swap3A_2468, %swap3A_2469] {strides = array<i32>} : memref<16x128xi32, #tpu.memory_space<vmem>>, vector<16xi32>,
    tpu.vector_store %arg7[%swap3A_2468, %swap3A_2469], %add3A_2466 {strides = array<i32>} : memref<16x128xi32, #tpu.memory_space<vmem>>, vector<16xi32>,
    %iota3A_2471 = tpu.iota {dimensions = array<i32: 0>} : vector<16xi32>
    %add3A_2472 = arith.constant 1712 : i32
    %add3A_2473 = arith.addi %mul3A_0, %add3A_2472 : i32
    %add3A_2474 = vector.broadcast %add3A_2473 : i32 to vector<16xi32>
    %add3A_2475 = arith.addi %iota3A_2471, %add3A_2474 : vector<16xi32>
    %swap3A_2476 = arith.constant 13 : i32
    %swap3A_2477 = arith.index_cast %swap3A_2476 : i32 to index
    %swap3A_2478 = arith.constant 48 : index
    %swap3A_2479 = tpu.vector_load %arg8[%swap3A_2477, %swap3A_2478] {strides = array<i32>} : memref<16x128xi32, #tpu.memory_space<vmem>>, vector<16xi32>,
    tpu.vector_store %arg8[%swap3A_2477, %swap3A_2478], %add3A_2475 {strides = array<i32>} : memref<16x128xi32, #tpu.memory_space<vmem>>, vector<16xi32>,
    %get3A_2480 = arith.constant 1728 : index
    %get3A_2481 = tpu.vector_load %arg5[%get3A_2480] {strides = array<i32>} : memref<2048xi32, #tpu.memory_space<vmem>>, vector<16xi32>,
    %and3A_2482 = arith.constant 63 : i32
    %and3A_2483 = vector.broadcast %and3A_2482 : i32 to vector<16xi32>
    %and3A_2484 = arith.andi %get3A_2481, %and3A_2483 : vector<16xi32>
    %shift_right_logical3A_2485 = arith.constant 6 : i32
    %shift_right_logical3A_2486 = vector.broadcast %shift_right_logical3A_2485 : i32 to vector<16xi32>
    %shift_right_logical3A_2487 = arith.shrui %get3A_2481, %shift_right_logical3A_2486 : vector<16xi32>
    %gather3A_2488 = tpu.vector_load_idx %arg6[%and3A_2484] : memref<64xi32, #tpu.memory_space<vmem>>[vector<16xi32>], vector<16xi32>,
    %add3A_2489 = arith.addi %gather3A_2488, %shift_right_logical3A_2487 : vector<16xi32>
    %swap3A_2490 = arith.constant 13 : i32
    %swap3A_2491 = arith.index_cast %swap3A_2490 : i32 to index
    %swap3A_2492 = arith.constant 64 : index
    %swap3A_2493 = tpu.vector_load %arg7[%swap3A_2491, %swap3A_2492] {strides = array<i32>} : memref<16x128xi32, #tpu.memory_space<vmem>>, vector<16xi32>,
    tpu.vector_store %arg7[%swap3A_2491, %swap3A_2492], %add3A_2489 {strides = array<i32>} : memref<16x128xi32, #tpu.memory_space<vmem>>, vector<16xi32>,
    %iota3A_2494 = tpu.iota {dimensions = array<i32: 0>} : vector<16xi32>
    %add3A_2495 = arith.constant 1728 : i32
    %add3A_2496 = arith.addi %mul3A_0, %add3A_2495 : i32
    %add3A_2497 = vector.broadcast %add3A_2496 : i32 to vector<16xi32>
    %add3A_2498 = arith.addi %iota3A_2494, %add3A_2497 : vector<16xi32>
    %swap3A_2499 = arith.constant 13 : i32
    %swap3A_2500 = arith.index_cast %swap3A_2499 : i32 to index
    %swap3A_2501 = arith.constant 64 : index
    %swap3A_2502 = tpu.vector_load %arg8[%swap3A_2500, %swap3A_2501] {strides = array<i32>} : memref<16x128xi32, #tpu.memory_space<vmem>>, vector<16xi32>,
    tpu.vector_store %arg8[%swap3A_2500, %swap3A_2501], %add3A_2498 {strides = array<i32>} : memref<16x128xi32, #tpu.memory_space<vmem>>, vector<16xi32>,
    %get3A_2503 = arith.constant 1744 : index
    %get3A_2504 = tpu.vector_load %arg5[%get3A_2503] {strides = array<i32>} : memref<2048xi32, #tpu.memory_space<vmem>>, vector<16xi32>,
    %and3A_2505 = arith.constant 63 : i32
    %and3A_2506 = vector.broadcast %and3A_2505 : i32 to vector<16xi32>
    %and3A_2507 = arith.andi %get3A_2504, %and3A_2506 : vector<16xi32>
    %shift_right_logical3A_2508 = arith.constant 6 : i32
    %shift_right_logical3A_2509 = vector.broadcast %shift_right_logical3A_2508 : i32 to vector<16xi32>
    %shift_right_logical3A_2510 = arith.shrui %get3A_2504, %shift_right_logical3A_2509 : vector<16xi32>
    %gather3A_2511 = tpu.vector_load_idx %arg6[%and3A_2507] : memref<64xi32, #tpu.memory_space<vmem>>[vector<16xi32>], vector<16xi32>,
    %add3A_2512 = arith.addi %gather3A_2511, %shift_right_logical3A_2510 : vector<16xi32>
    %swap3A_2513 = arith.constant 13 : i32
    %swap3A_2514 = arith.index_cast %swap3A_2513 : i32 to index
    %swap3A_2515 = arith.constant 80 : index
    %swap3A_2516 = tpu.vector_load %arg7[%swap3A_2514, %swap3A_2515] {strides = array<i32>} : memref<16x128xi32, #tpu.memory_space<vmem>>, vector<16xi32>,
    tpu.vector_store %arg7[%swap3A_2514, %swap3A_2515], %add3A_2512 {strides = array<i32>} : memref<16x128xi32, #tpu.memory_space<vmem>>, vector<16xi32>,
    %iota3A_2517 = tpu.iota {dimensions = array<i32: 0>} : vector<16xi32>
    %add3A_2518 = arith.constant 1744 : i32
    %add3A_2519 = arith.addi %mul3A_0, %add3A_2518 : i32
    %add3A_2520 = vector.broadcast %add3A_2519 : i32 to vector<16xi32>
    %add3A_2521 = arith.addi %iota3A_2517, %add3A_2520 : vector<16xi32>
    %swap3A_2522 = arith.constant 13 : i32
    %swap3A_2523 = arith.index_cast %swap3A_2522 : i32 to index
    %swap3A_2524 = arith.constant 80 : index
    %swap3A_2525 = tpu.vector_load %arg8[%swap3A_2523, %swap3A_2524] {strides = array<i32>} : memref<16x128xi32, #tpu.memory_space<vmem>>, vector<16xi32>,
    tpu.vector_store %arg8[%swap3A_2523, %swap3A_2524], %add3A_2521 {strides = array<i32>} : memref<16x128xi32, #tpu.memory_space<vmem>>, vector<16xi32>,
    %get3A_2526 = arith.constant 1760 : index
    %get3A_2527 = tpu.vector_load %arg5[%get3A_2526] {strides = array<i32>} : memref<2048xi32, #tpu.memory_space<vmem>>, vector<16xi32>,
    %and3A_2528 = arith.constant 63 : i32
    %and3A_2529 = vector.broadcast %and3A_2528 : i32 to vector<16xi32>
    %and3A_2530 = arith.andi %get3A_2527, %and3A_2529 : vector<16xi32>
    %shift_right_logical3A_2531 = arith.constant 6 : i32
    %shift_right_logical3A_2532 = vector.broadcast %shift_right_logical3A_2531 : i32 to vector<16xi32>
    %shift_right_logical3A_2533 = arith.shrui %get3A_2527, %shift_right_logical3A_2532 : vector<16xi32>
    %gather3A_2534 = tpu.vector_load_idx %arg6[%and3A_2530] : memref<64xi32, #tpu.memory_space<vmem>>[vector<16xi32>], vector<16xi32>,
    %add3A_2535 = arith.addi %gather3A_2534, %shift_right_logical3A_2533 : vector<16xi32>
    %swap3A_2536 = arith.constant 13 : i32
    %swap3A_2537 = arith.index_cast %swap3A_2536 : i32 to index
    %swap3A_2538 = arith.constant 96 : index
    %swap3A_2539 = tpu.vector_load %arg7[%swap3A_2537, %swap3A_2538] {strides = array<i32>} : memref<16x128xi32, #tpu.memory_space<vmem>>, vector<16xi32>,
    tpu.vector_store %arg7[%swap3A_2537, %swap3A_2538], %add3A_2535 {strides = array<i32>} : memref<16x128xi32, #tpu.memory_space<vmem>>, vector<16xi32>,
    %iota3A_2540 = tpu.iota {dimensions = array<i32: 0>} : vector<16xi32>
    %add3A_2541 = arith.constant 1760 : i32
    %add3A_2542 = arith.addi %mul3A_0, %add3A_2541 : i32
    %add3A_2543 = vector.broadcast %add3A_2542 : i32 to vector<16xi32>
    %add3A_2544 = arith.addi %iota3A_2540, %add3A_2543 : vector<16xi32>
    %swap3A_2545 = arith.constant 13 : i32
    %swap3A_2546 = arith.index_cast %swap3A_2545 : i32 to index
    %swap3A_2547 = arith.constant 96 : index
    %swap3A_2548 = tpu.vector_load %arg8[%swap3A_2546, %swap3A_2547] {strides = array<i32>} : memref<16x128xi32, #tpu.memory_space<vmem>>, vector<16xi32>,
    tpu.vector_store %arg8[%swap3A_2546, %swap3A_2547], %add3A_2544 {strides = array<i32>} : memref<16x128xi32, #tpu.memory_space<vmem>>, vector<16xi32>,
    %get3A_2549 = arith.constant 1776 : index
    %get3A_2550 = tpu.vector_load %arg5[%get3A_2549] {strides = array<i32>} : memref<2048xi32, #tpu.memory_space<vmem>>, vector<16xi32>,
    %and3A_2551 = arith.constant 63 : i32
    %and3A_2552 = vector.broadcast %and3A_2551 : i32 to vector<16xi32>
    %and3A_2553 = arith.andi %get3A_2550, %and3A_2552 : vector<16xi32>
    %shift_right_logical3A_2554 = arith.constant 6 : i32
    %shift_right_logical3A_2555 = vector.broadcast %shift_right_logical3A_2554 : i32 to vector<16xi32>
    %shift_right_logical3A_2556 = arith.shrui %get3A_2550, %shift_right_logical3A_2555 : vector<16xi32>
    %gather3A_2557 = tpu.vector_load_idx %arg6[%and3A_2553] : memref<64xi32, #tpu.memory_space<vmem>>[vector<16xi32>], vector<16xi32>,
    %add3A_2558 = arith.addi %gather3A_2557, %shift_right_logical3A_2556 : vector<16xi32>
    %swap3A_2559 = arith.constant 13 : i32
    %swap3A_2560 = arith.index_cast %swap3A_2559 : i32 to index
    %swap3A_2561 = arith.constant 112 : index
    %swap3A_2562 = tpu.vector_load %arg7[%swap3A_2560, %swap3A_2561] {strides = array<i32>} : memref<16x128xi32, #tpu.memory_space<vmem>>, vector<16xi32>,
    tpu.vector_store %arg7[%swap3A_2560, %swap3A_2561], %add3A_2558 {strides = array<i32>} : memref<16x128xi32, #tpu.memory_space<vmem>>, vector<16xi32>,
    %iota3A_2563 = tpu.iota {dimensions = array<i32: 0>} : vector<16xi32>
    %add3A_2564 = arith.constant 1776 : i32
    %add3A_2565 = arith.addi %mul3A_0, %add3A_2564 : i32
    %add3A_2566 = vector.broadcast %add3A_2565 : i32 to vector<16xi32>
    %add3A_2567 = arith.addi %iota3A_2563, %add3A_2566 : vector<16xi32>
    %swap3A_2568 = arith.constant 13 : i32
    %swap3A_2569 = arith.index_cast %swap3A_2568 : i32 to index
    %swap3A_2570 = arith.constant 112 : index
    %swap3A_2571 = tpu.vector_load %arg8[%swap3A_2569, %swap3A_2570] {strides = array<i32>} : memref<16x128xi32, #tpu.memory_space<vmem>>, vector<16xi32>,
    tpu.vector_store %arg8[%swap3A_2569, %swap3A_2570], %add3A_2567 {strides = array<i32>} : memref<16x128xi32, #tpu.memory_space<vmem>>, vector<16xi32>,
    %get3A_2572 = arith.constant 1792 : index
    %get3A_2573 = tpu.vector_load %arg5[%get3A_2572] {strides = array<i32>} : memref<2048xi32, #tpu.memory_space<vmem>>, vector<16xi32>,
    %and3A_2574 = arith.constant 63 : i32
    %and3A_2575 = vector.broadcast %and3A_2574 : i32 to vector<16xi32>
    %and3A_2576 = arith.andi %get3A_2573, %and3A_2575 : vector<16xi32>
    %shift_right_logical3A_2577 = arith.constant 6 : i32
    %shift_right_logical3A_2578 = vector.broadcast %shift_right_logical3A_2577 : i32 to vector<16xi32>
    %shift_right_logical3A_2579 = arith.shrui %get3A_2573, %shift_right_logical3A_2578 : vector<16xi32>
    %gather3A_2580 = tpu.vector_load_idx %arg6[%and3A_2576] : memref<64xi32, #tpu.memory_space<vmem>>[vector<16xi32>], vector<16xi32>,
    %add3A_2581 = arith.addi %gather3A_2580, %shift_right_logical3A_2579 : vector<16xi32>
    %swap3A_2582 = arith.constant 14 : i32
    %swap3A_2583 = arith.index_cast %swap3A_2582 : i32 to index
    %swap3A_2584 = arith.constant 0 : index
    %swap3A_2585 = tpu.vector_load %arg7[%swap3A_2583, %swap3A_2584] {strides = array<i32>} : memref<16x128xi32, #tpu.memory_space<vmem>>, vector<16xi32>,
    tpu.vector_store %arg7[%swap3A_2583, %swap3A_2584], %add3A_2581 {strides = array<i32>} : memref<16x128xi32, #tpu.memory_space<vmem>>, vector<16xi32>,
    %iota3A_2586 = tpu.iota {dimensions = array<i32: 0>} : vector<16xi32>
    %add3A_2587 = arith.constant 1792 : i32
    %add3A_2588 = arith.addi %mul3A_0, %add3A_2587 : i32
    %add3A_2589 = vector.broadcast %add3A_2588 : i32 to vector<16xi32>
    %add3A_2590 = arith.addi %iota3A_2586, %add3A_2589 : vector<16xi32>
    %swap3A_2591 = arith.constant 14 : i32
    %swap3A_2592 = arith.index_cast %swap3A_2591 : i32 to index
    %swap3A_2593 = arith.constant 0 : index
    %swap3A_2594 = tpu.vector_load %arg8[%swap3A_2592, %swap3A_2593] {strides = array<i32>} : memref<16x128xi32, #tpu.memory_space<vmem>>, vector<16xi32>,
    tpu.vector_store %arg8[%swap3A_2592, %swap3A_2593], %add3A_2590 {strides = array<i32>} : memref<16x128xi32, #tpu.memory_space<vmem>>, vector<16xi32>,
    %get3A_2595 = arith.constant 1808 : index
    %get3A_2596 = tpu.vector_load %arg5[%get3A_2595] {strides = array<i32>} : memref<2048xi32, #tpu.memory_space<vmem>>, vector<16xi32>,
    %and3A_2597 = arith.constant 63 : i32
    %and3A_2598 = vector.broadcast %and3A_2597 : i32 to vector<16xi32>
    %and3A_2599 = arith.andi %get3A_2596, %and3A_2598 : vector<16xi32>
    %shift_right_logical3A_2600 = arith.constant 6 : i32
    %shift_right_logical3A_2601 = vector.broadcast %shift_right_logical3A_2600 : i32 to vector<16xi32>
    %shift_right_logical3A_2602 = arith.shrui %get3A_2596, %shift_right_logical3A_2601 : vector<16xi32>
    %gather3A_2603 = tpu.vector_load_idx %arg6[%and3A_2599] : memref<64xi32, #tpu.memory_space<vmem>>[vector<16xi32>], vector<16xi32>,
    %add3A_2604 = arith.addi %gather3A_2603, %shift_right_logical3A_2602 : vector<16xi32>
    %swap3A_2605 = arith.constant 14 : i32
    %swap3A_2606 = arith.index_cast %swap3A_2605 : i32 to index
    %swap3A_2607 = arith.constant 16 : index
    %swap3A_2608 = tpu.vector_load %arg7[%swap3A_2606, %swap3A_2607] {strides = array<i32>} : memref<16x128xi32, #tpu.memory_space<vmem>>, vector<16xi32>,
    tpu.vector_store %arg7[%swap3A_2606, %swap3A_2607], %add3A_2604 {strides = array<i32>} : memref<16x128xi32, #tpu.memory_space<vmem>>, vector<16xi32>,
    %iota3A_2609 = tpu.iota {dimensions = array<i32: 0>} : vector<16xi32>
    %add3A_2610 = arith.constant 1808 : i32
    %add3A_2611 = arith.addi %mul3A_0, %add3A_2610 : i32
    %add3A_2612 = vector.broadcast %add3A_2611 : i32 to vector<16xi32>
    %add3A_2613 = arith.addi %iota3A_2609, %add3A_2612 : vector<16xi32>
    %swap3A_2614 = arith.constant 14 : i32
    %swap3A_2615 = arith.index_cast %swap3A_2614 : i32 to index
    %swap3A_2616 = arith.constant 16 : index
    %swap3A_2617 = tpu.vector_load %arg8[%swap3A_2615, %swap3A_2616] {strides = array<i32>} : memref<16x128xi32, #tpu.memory_space<vmem>>, vector<16xi32>,
    tpu.vector_store %arg8[%swap3A_2615, %swap3A_2616], %add3A_2613 {strides = array<i32>} : memref<16x128xi32, #tpu.memory_space<vmem>>, vector<16xi32>,
    %get3A_2618 = arith.constant 1824 : index
    %get3A_2619 = tpu.vector_load %arg5[%get3A_2618] {strides = array<i32>} : memref<2048xi32, #tpu.memory_space<vmem>>, vector<16xi32>,
    %and3A_2620 = arith.constant 63 : i32
    %and3A_2621 = vector.broadcast %and3A_2620 : i32 to vector<16xi32>
    %and3A_2622 = arith.andi %get3A_2619, %and3A_2621 : vector<16xi32>
    %shift_right_logical3A_2623 = arith.constant 6 : i32
    %shift_right_logical3A_2624 = vector.broadcast %shift_right_logical3A_2623 : i32 to vector<16xi32>
    %shift_right_logical3A_2625 = arith.shrui %get3A_2619, %shift_right_logical3A_2624 : vector<16xi32>
    %gather3A_2626 = tpu.vector_load_idx %arg6[%and3A_2622] : memref<64xi32, #tpu.memory_space<vmem>>[vector<16xi32>], vector<16xi32>,
    %add3A_2627 = arith.addi %gather3A_2626, %shift_right_logical3A_2625 : vector<16xi32>
    %swap3A_2628 = arith.constant 14 : i32
    %swap3A_2629 = arith.index_cast %swap3A_2628 : i32 to index
    %swap3A_2630 = arith.constant 32 : index
    %swap3A_2631 = tpu.vector_load %arg7[%swap3A_2629, %swap3A_2630] {strides = array<i32>} : memref<16x128xi32, #tpu.memory_space<vmem>>, vector<16xi32>,
    tpu.vector_store %arg7[%swap3A_2629, %swap3A_2630], %add3A_2627 {strides = array<i32>} : memref<16x128xi32, #tpu.memory_space<vmem>>, vector<16xi32>,
    %iota3A_2632 = tpu.iota {dimensions = array<i32: 0>} : vector<16xi32>
    %add3A_2633 = arith.constant 1824 : i32
    %add3A_2634 = arith.addi %mul3A_0, %add3A_2633 : i32
    %add3A_2635 = vector.broadcast %add3A_2634 : i32 to vector<16xi32>
    %add3A_2636 = arith.addi %iota3A_2632, %add3A_2635 : vector<16xi32>
    %swap3A_2637 = arith.constant 14 : i32
    %swap3A_2638 = arith.index_cast %swap3A_2637 : i32 to index
    %swap3A_2639 = arith.constant 32 : index
    %swap3A_2640 = tpu.vector_load %arg8[%swap3A_2638, %swap3A_2639] {strides = array<i32>} : memref<16x128xi32, #tpu.memory_space<vmem>>, vector<16xi32>,
    tpu.vector_store %arg8[%swap3A_2638, %swap3A_2639], %add3A_2636 {strides = array<i32>} : memref<16x128xi32, #tpu.memory_space<vmem>>, vector<16xi32>,
    %get3A_2641 = arith.constant 1840 : index
    %get3A_2642 = tpu.vector_load %arg5[%get3A_2641] {strides = array<i32>} : memref<2048xi32, #tpu.memory_space<vmem>>, vector<16xi32>,
    %and3A_2643 = arith.constant 63 : i32
    %and3A_2644 = vector.broadcast %and3A_2643 : i32 to vector<16xi32>
    %and3A_2645 = arith.andi %get3A_2642, %and3A_2644 : vector<16xi32>
    %shift_right_logical3A_2646 = arith.constant 6 : i32
    %shift_right_logical3A_2647 = vector.broadcast %shift_right_logical3A_2646 : i32 to vector<16xi32>
    %shift_right_logical3A_2648 = arith.shrui %get3A_2642, %shift_right_logical3A_2647 : vector<16xi32>
    %gather3A_2649 = tpu.vector_load_idx %arg6[%and3A_2645] : memref<64xi32, #tpu.memory_space<vmem>>[vector<16xi32>], vector<16xi32>,
    %add3A_2650 = arith.addi %gather3A_2649, %shift_right_logical3A_2648 : vector<16xi32>
    %swap3A_2651 = arith.constant 14 : i32
    %swap3A_2652 = arith.index_cast %swap3A_2651 : i32 to index
    %swap3A_2653 = arith.constant 48 : index
    %swap3A_2654 = tpu.vector_load %arg7[%swap3A_2652, %swap3A_2653] {strides = array<i32>} : memref<16x128xi32, #tpu.memory_space<vmem>>, vector<16xi32>,
    tpu.vector_store %arg7[%swap3A_2652, %swap3A_2653], %add3A_2650 {strides = array<i32>} : memref<16x128xi32, #tpu.memory_space<vmem>>, vector<16xi32>,
    %iota3A_2655 = tpu.iota {dimensions = array<i32: 0>} : vector<16xi32>
    %add3A_2656 = arith.constant 1840 : i32
    %add3A_2657 = arith.addi %mul3A_0, %add3A_2656 : i32
    %add3A_2658 = vector.broadcast %add3A_2657 : i32 to vector<16xi32>
    %add3A_2659 = arith.addi %iota3A_2655, %add3A_2658 : vector<16xi32>
    %swap3A_2660 = arith.constant 14 : i32
    %swap3A_2661 = arith.index_cast %swap3A_2660 : i32 to index
    %swap3A_2662 = arith.constant 48 : index
    %swap3A_2663 = tpu.vector_load %arg8[%swap3A_2661, %swap3A_2662] {strides = array<i32>} : memref<16x128xi32, #tpu.memory_space<vmem>>, vector<16xi32>,
    tpu.vector_store %arg8[%swap3A_2661, %swap3A_2662], %add3A_2659 {strides = array<i32>} : memref<16x128xi32, #tpu.memory_space<vmem>>, vector<16xi32>,
    %get3A_2664 = arith.constant 1856 : index
    %get3A_2665 = tpu.vector_load %arg5[%get3A_2664] {strides = array<i32>} : memref<2048xi32, #tpu.memory_space<vmem>>, vector<16xi32>,
    %and3A_2666 = arith.constant 63 : i32
    %and3A_2667 = vector.broadcast %and3A_2666 : i32 to vector<16xi32>
    %and3A_2668 = arith.andi %get3A_2665, %and3A_2667 : vector<16xi32>
    %shift_right_logical3A_2669 = arith.constant 6 : i32
    %shift_right_logical3A_2670 = vector.broadcast %shift_right_logical3A_2669 : i32 to vector<16xi32>
    %shift_right_logical3A_2671 = arith.shrui %get3A_2665, %shift_right_logical3A_2670 : vector<16xi32>
    %gather3A_2672 = tpu.vector_load_idx %arg6[%and3A_2668] : memref<64xi32, #tpu.memory_space<vmem>>[vector<16xi32>], vector<16xi32>,
    %add3A_2673 = arith.addi %gather3A_2672, %shift_right_logical3A_2671 : vector<16xi32>
    %swap3A_2674 = arith.constant 14 : i32
    %swap3A_2675 = arith.index_cast %swap3A_2674 : i32 to index
    %swap3A_2676 = arith.constant 64 : index
    %swap3A_2677 = tpu.vector_load %arg7[%swap3A_2675, %swap3A_2676] {strides = array<i32>} : memref<16x128xi32, #tpu.memory_space<vmem>>, vector<16xi32>,
    tpu.vector_store %arg7[%swap3A_2675, %swap3A_2676], %add3A_2673 {strides = array<i32>} : memref<16x128xi32, #tpu.memory_space<vmem>>, vector<16xi32>,
    %iota3A_2678 = tpu.iota {dimensions = array<i32: 0>} : vector<16xi32>
    %add3A_2679 = arith.constant 1856 : i32
    %add3A_2680 = arith.addi %mul3A_0, %add3A_2679 : i32
    %add3A_2681 = vector.broadcast %add3A_2680 : i32 to vector<16xi32>
    %add3A_2682 = arith.addi %iota3A_2678, %add3A_2681 : vector<16xi32>
    %swap3A_2683 = arith.constant 14 : i32
    %swap3A_2684 = arith.index_cast %swap3A_2683 : i32 to index
    %swap3A_2685 = arith.constant 64 : index
    %swap3A_2686 = tpu.vector_load %arg8[%swap3A_2684, %swap3A_2685] {strides = array<i32>} : memref<16x128xi32, #tpu.memory_space<vmem>>, vector<16xi32>,
    tpu.vector_store %arg8[%swap3A_2684, %swap3A_2685], %add3A_2682 {strides = array<i32>} : memref<16x128xi32, #tpu.memory_space<vmem>>, vector<16xi32>,
    %get3A_2687 = arith.constant 1872 : index
    %get3A_2688 = tpu.vector_load %arg5[%get3A_2687] {strides = array<i32>} : memref<2048xi32, #tpu.memory_space<vmem>>, vector<16xi32>,
    %and3A_2689 = arith.constant 63 : i32
    %and3A_2690 = vector.broadcast %and3A_2689 : i32 to vector<16xi32>
    %and3A_2691 = arith.andi %get3A_2688, %and3A_2690 : vector<16xi32>
    %shift_right_logical3A_2692 = arith.constant 6 : i32
    %shift_right_logical3A_2693 = vector.broadcast %shift_right_logical3A_2692 : i32 to vector<16xi32>
    %shift_right_logical3A_2694 = arith.shrui %get3A_2688, %shift_right_logical3A_2693 : vector<16xi32>
    %gather3A_2695 = tpu.vector_load_idx %arg6[%and3A_2691] : memref<64xi32, #tpu.memory_space<vmem>>[vector<16xi32>], vector<16xi32>,
    %add3A_2696 = arith.addi %gather3A_2695, %shift_right_logical3A_2694 : vector<16xi32>
    %swap3A_2697 = arith.constant 14 : i32
    %swap3A_2698 = arith.index_cast %swap3A_2697 : i32 to index
    %swap3A_2699 = arith.constant 80 : index
    %swap3A_2700 = tpu.vector_load %arg7[%swap3A_2698, %swap3A_2699] {strides = array<i32>} : memref<16x128xi32, #tpu.memory_space<vmem>>, vector<16xi32>,
    tpu.vector_store %arg7[%swap3A_2698, %swap3A_2699], %add3A_2696 {strides = array<i32>} : memref<16x128xi32, #tpu.memory_space<vmem>>, vector<16xi32>,
    %iota3A_2701 = tpu.iota {dimensions = array<i32: 0>} : vector<16xi32>
    %add3A_2702 = arith.constant 1872 : i32
    %add3A_2703 = arith.addi %mul3A_0, %add3A_2702 : i32
    %add3A_2704 = vector.broadcast %add3A_2703 : i32 to vector<16xi32>
    %add3A_2705 = arith.addi %iota3A_2701, %add3A_2704 : vector<16xi32>
    %swap3A_2706 = arith.constant 14 : i32
    %swap3A_2707 = arith.index_cast %swap3A_2706 : i32 to index
    %swap3A_2708 = arith.constant 80 : index
    %swap3A_2709 = tpu.vector_load %arg8[%swap3A_2707, %swap3A_2708] {strides = array<i32>} : memref<16x128xi32, #tpu.memory_space<vmem>>, vector<16xi32>,
    tpu.vector_store %arg8[%swap3A_2707, %swap3A_2708], %add3A_2705 {strides = array<i32>} : memref<16x128xi32, #tpu.memory_space<vmem>>, vector<16xi32>,
    %get3A_2710 = arith.constant 1888 : index
    %get3A_2711 = tpu.vector_load %arg5[%get3A_2710] {strides = array<i32>} : memref<2048xi32, #tpu.memory_space<vmem>>, vector<16xi32>,
    %and3A_2712 = arith.constant 63 : i32
    %and3A_2713 = vector.broadcast %and3A_2712 : i32 to vector<16xi32>
    %and3A_2714 = arith.andi %get3A_2711, %and3A_2713 : vector<16xi32>
    %shift_right_logical3A_2715 = arith.constant 6 : i32
    %shift_right_logical3A_2716 = vector.broadcast %shift_right_logical3A_2715 : i32 to vector<16xi32>
    %shift_right_logical3A_2717 = arith.shrui %get3A_2711, %shift_right_logical3A_2716 : vector<16xi32>
    %gather3A_2718 = tpu.vector_load_idx %arg6[%and3A_2714] : memref<64xi32, #tpu.memory_space<vmem>>[vector<16xi32>], vector<16xi32>,
    %add3A_2719 = arith.addi %gather3A_2718, %shift_right_logical3A_2717 : vector<16xi32>
    %swap3A_2720 = arith.constant 14 : i32
    %swap3A_2721 = arith.index_cast %swap3A_2720 : i32 to index
    %swap3A_2722 = arith.constant 96 : index
    %swap3A_2723 = tpu.vector_load %arg7[%swap3A_2721, %swap3A_2722] {strides = array<i32>} : memref<16x128xi32, #tpu.memory_space<vmem>>, vector<16xi32>,
    tpu.vector_store %arg7[%swap3A_2721, %swap3A_2722], %add3A_2719 {strides = array<i32>} : memref<16x128xi32, #tpu.memory_space<vmem>>, vector<16xi32>,
    %iota3A_2724 = tpu.iota {dimensions = array<i32: 0>} : vector<16xi32>
    %add3A_2725 = arith.constant 1888 : i32
    %add3A_2726 = arith.addi %mul3A_0, %add3A_2725 : i32
    %add3A_2727 = vector.broadcast %add3A_2726 : i32 to vector<16xi32>
    %add3A_2728 = arith.addi %iota3A_2724, %add3A_2727 : vector<16xi32>
    %swap3A_2729 = arith.constant 14 : i32
    %swap3A_2730 = arith.index_cast %swap3A_2729 : i32 to index
    %swap3A_2731 = arith.constant 96 : index
    %swap3A_2732 = tpu.vector_load %arg8[%swap3A_2730, %swap3A_2731] {strides = array<i32>} : memref<16x128xi32, #tpu.memory_space<vmem>>, vector<16xi32>,
    tpu.vector_store %arg8[%swap3A_2730, %swap3A_2731], %add3A_2728 {strides = array<i32>} : memref<16x128xi32, #tpu.memory_space<vmem>>, vector<16xi32>,
    %get3A_2733 = arith.constant 1904 : index
    %get3A_2734 = tpu.vector_load %arg5[%get3A_2733] {strides = array<i32>} : memref<2048xi32, #tpu.memory_space<vmem>>, vector<16xi32>,
    %and3A_2735 = arith.constant 63 : i32
    %and3A_2736 = vector.broadcast %and3A_2735 : i32 to vector<16xi32>
    %and3A_2737 = arith.andi %get3A_2734, %and3A_2736 : vector<16xi32>
    %shift_right_logical3A_2738 = arith.constant 6 : i32
    %shift_right_logical3A_2739 = vector.broadcast %shift_right_logical3A_2738 : i32 to vector<16xi32>
    %shift_right_logical3A_2740 = arith.shrui %get3A_2734, %shift_right_logical3A_2739 : vector<16xi32>
    %gather3A_2741 = tpu.vector_load_idx %arg6[%and3A_2737] : memref<64xi32, #tpu.memory_space<vmem>>[vector<16xi32>], vector<16xi32>,
    %add3A_2742 = arith.addi %gather3A_2741, %shift_right_logical3A_2740 : vector<16xi32>
    %swap3A_2743 = arith.constant 14 : i32
    %swap3A_2744 = arith.index_cast %swap3A_2743 : i32 to index
    %swap3A_2745 = arith.constant 112 : index
    %swap3A_2746 = tpu.vector_load %arg7[%swap3A_2744, %swap3A_2745] {strides = array<i32>} : memref<16x128xi32, #tpu.memory_space<vmem>>, vector<16xi32>,
    tpu.vector_store %arg7[%swap3A_2744, %swap3A_2745], %add3A_2742 {strides = array<i32>} : memref<16x128xi32, #tpu.memory_space<vmem>>, vector<16xi32>,
    %iota3A_2747 = tpu.iota {dimensions = array<i32: 0>} : vector<16xi32>
    %add3A_2748 = arith.constant 1904 : i32
    %add3A_2749 = arith.addi %mul3A_0, %add3A_2748 : i32
    %add3A_2750 = vector.broadcast %add3A_2749 : i32 to vector<16xi32>
    %add3A_2751 = arith.addi %iota3A_2747, %add3A_2750 : vector<16xi32>
    %swap3A_2752 = arith.constant 14 : i32
    %swap3A_2753 = arith.index_cast %swap3A_2752 : i32 to index
    %swap3A_2754 = arith.constant 112 : index
    %swap3A_2755 = tpu.vector_load %arg8[%swap3A_2753, %swap3A_2754] {strides = array<i32>} : memref<16x128xi32, #tpu.memory_space<vmem>>, vector<16xi32>,
    tpu.vector_store %arg8[%swap3A_2753, %swap3A_2754], %add3A_2751 {strides = array<i32>} : memref<16x128xi32, #tpu.memory_space<vmem>>, vector<16xi32>,
    %get3A_2756 = arith.constant 1920 : index
    %get3A_2757 = tpu.vector_load %arg5[%get3A_2756] {strides = array<i32>} : memref<2048xi32, #tpu.memory_space<vmem>>, vector<16xi32>,
    %and3A_2758 = arith.constant 63 : i32
    %and3A_2759 = vector.broadcast %and3A_2758 : i32 to vector<16xi32>
    %and3A_2760 = arith.andi %get3A_2757, %and3A_2759 : vector<16xi32>
    %shift_right_logical3A_2761 = arith.constant 6 : i32
    %shift_right_logical3A_2762 = vector.broadcast %shift_right_logical3A_2761 : i32 to vector<16xi32>
    %shift_right_logical3A_2763 = arith.shrui %get3A_2757, %shift_right_logical3A_2762 : vector<16xi32>
    %gather3A_2764 = tpu.vector_load_idx %arg6[%and3A_2760] : memref<64xi32, #tpu.memory_space<vmem>>[vector<16xi32>], vector<16xi32>,
    %add3A_2765 = arith.addi %gather3A_2764, %shift_right_logical3A_2763 : vector<16xi32>
    %swap3A_2766 = arith.constant 15 : i32
    %swap3A_2767 = arith.index_cast %swap3A_2766 : i32 to index
    %swap3A_2768 = arith.constant 0 : index
    %swap3A_2769 = tpu.vector_load %arg7[%swap3A_2767, %swap3A_2768] {strides = array<i32>} : memref<16x128xi32, #tpu.memory_space<vmem>>, vector<16xi32>,
    tpu.vector_store %arg7[%swap3A_2767, %swap3A_2768], %add3A_2765 {strides = array<i32>} : memref<16x128xi32, #tpu.memory_space<vmem>>, vector<16xi32>,
    %iota3A_2770 = tpu.iota {dimensions = array<i32: 0>} : vector<16xi32>
    %add3A_2771 = arith.constant 1920 : i32
    %add3A_2772 = arith.addi %mul3A_0, %add3A_2771 : i32
    %add3A_2773 = vector.broadcast %add3A_2772 : i32 to vector<16xi32>
    %add3A_2774 = arith.addi %iota3A_2770, %add3A_2773 : vector<16xi32>
    %swap3A_2775 = arith.constant 15 : i32
    %swap3A_2776 = arith.index_cast %swap3A_2775 : i32 to index
    %swap3A_2777 = arith.constant 0 : index
    %swap3A_2778 = tpu.vector_load %arg8[%swap3A_2776, %swap3A_2777] {strides = array<i32>} : memref<16x128xi32, #tpu.memory_space<vmem>>, vector<16xi32>,
    tpu.vector_store %arg8[%swap3A_2776, %swap3A_2777], %add3A_2774 {strides = array<i32>} : memref<16x128xi32, #tpu.memory_space<vmem>>, vector<16xi32>,
    %get3A_2779 = arith.constant 1936 : index
    %get3A_2780 = tpu.vector_load %arg5[%get3A_2779] {strides = array<i32>} : memref<2048xi32, #tpu.memory_space<vmem>>, vector<16xi32>,
    %and3A_2781 = arith.constant 63 : i32
    %and3A_2782 = vector.broadcast %and3A_2781 : i32 to vector<16xi32>
    %and3A_2783 = arith.andi %get3A_2780, %and3A_2782 : vector<16xi32>
    %shift_right_logical3A_2784 = arith.constant 6 : i32
    %shift_right_logical3A_2785 = vector.broadcast %shift_right_logical3A_2784 : i32 to vector<16xi32>
    %shift_right_logical3A_2786 = arith.shrui %get3A_2780, %shift_right_logical3A_2785 : vector<16xi32>
    %gather3A_2787 = tpu.vector_load_idx %arg6[%and3A_2783] : memref<64xi32, #tpu.memory_space<vmem>>[vector<16xi32>], vector<16xi32>,
    %add3A_2788 = arith.addi %gather3A_2787, %shift_right_logical3A_2786 : vector<16xi32>
    %swap3A_2789 = arith.constant 15 : i32
    %swap3A_2790 = arith.index_cast %swap3A_2789 : i32 to index
    %swap3A_2791 = arith.constant 16 : index
    %swap3A_2792 = tpu.vector_load %arg7[%swap3A_2790, %swap3A_2791] {strides = array<i32>} : memref<16x128xi32, #tpu.memory_space<vmem>>, vector<16xi32>,
    tpu.vector_store %arg7[%swap3A_2790, %swap3A_2791], %add3A_2788 {strides = array<i32>} : memref<16x128xi32, #tpu.memory_space<vmem>>, vector<16xi32>,
    %iota3A_2793 = tpu.iota {dimensions = array<i32: 0>} : vector<16xi32>
    %add3A_2794 = arith.constant 1936 : i32
    %add3A_2795 = arith.addi %mul3A_0, %add3A_2794 : i32
    %add3A_2796 = vector.broadcast %add3A_2795 : i32 to vector<16xi32>
    %add3A_2797 = arith.addi %iota3A_2793, %add3A_2796 : vector<16xi32>
    %swap3A_2798 = arith.constant 15 : i32
    %swap3A_2799 = arith.index_cast %swap3A_2798 : i32 to index
    %swap3A_2800 = arith.constant 16 : index
    %swap3A_2801 = tpu.vector_load %arg8[%swap3A_2799, %swap3A_2800] {strides = array<i32>} : memref<16x128xi32, #tpu.memory_space<vmem>>, vector<16xi32>,
    tpu.vector_store %arg8[%swap3A_2799, %swap3A_2800], %add3A_2797 {strides = array<i32>} : memref<16x128xi32, #tpu.memory_space<vmem>>, vector<16xi32>,
    %get3A_2802 = arith.constant 1952 : index
    %get3A_2803 = tpu.vector_load %arg5[%get3A_2802] {strides = array<i32>} : memref<2048xi32, #tpu.memory_space<vmem>>, vector<16xi32>,
    %and3A_2804 = arith.constant 63 : i32
    %and3A_2805 = vector.broadcast %and3A_2804 : i32 to vector<16xi32>
    %and3A_2806 = arith.andi %get3A_2803, %and3A_2805 : vector<16xi32>
    %shift_right_logical3A_2807 = arith.constant 6 : i32
    %shift_right_logical3A_2808 = vector.broadcast %shift_right_logical3A_2807 : i32 to vector<16xi32>
    %shift_right_logical3A_2809 = arith.shrui %get3A_2803, %shift_right_logical3A_2808 : vector<16xi32>
    %gather3A_2810 = tpu.vector_load_idx %arg6[%and3A_2806] : memref<64xi32, #tpu.memory_space<vmem>>[vector<16xi32>], vector<16xi32>,
    %add3A_2811 = arith.addi %gather3A_2810, %shift_right_logical3A_2809 : vector<16xi32>
    %swap3A_2812 = arith.constant 15 : i32
    %swap3A_2813 = arith.index_cast %swap3A_2812 : i32 to index
    %swap3A_2814 = arith.constant 32 : index
    %swap3A_2815 = tpu.vector_load %arg7[%swap3A_2813, %swap3A_2814] {strides = array<i32>} : memref<16x128xi32, #tpu.memory_space<vmem>>, vector<16xi32>,
    tpu.vector_store %arg7[%swap3A_2813, %swap3A_2814], %add3A_2811 {strides = array<i32>} : memref<16x128xi32, #tpu.memory_space<vmem>>, vector<16xi32>,
    %iota3A_2816 = tpu.iota {dimensions = array<i32: 0>} : vector<16xi32>
    %add3A_2817 = arith.constant 1952 : i32
    %add3A_2818 = arith.addi %mul3A_0, %add3A_2817 : i32
    %add3A_2819 = vector.broadcast %add3A_2818 : i32 to vector<16xi32>
    %add3A_2820 = arith.addi %iota3A_2816, %add3A_2819 : vector<16xi32>
    %swap3A_2821 = arith.constant 15 : i32
    %swap3A_2822 = arith.index_cast %swap3A_2821 : i32 to index
    %swap3A_2823 = arith.constant 32 : index
    %swap3A_2824 = tpu.vector_load %arg8[%swap3A_2822, %swap3A_2823] {strides = array<i32>} : memref<16x128xi32, #tpu.memory_space<vmem>>, vector<16xi32>,
    tpu.vector_store %arg8[%swap3A_2822, %swap3A_2823], %add3A_2820 {strides = array<i32>} : memref<16x128xi32, #tpu.memory_space<vmem>>, vector<16xi32>,
    %get3A_2825 = arith.constant 1968 : index
    %get3A_2826 = tpu.vector_load %arg5[%get3A_2825] {strides = array<i32>} : memref<2048xi32, #tpu.memory_space<vmem>>, vector<16xi32>,
    %and3A_2827 = arith.constant 63 : i32
    %and3A_2828 = vector.broadcast %and3A_2827 : i32 to vector<16xi32>
    %and3A_2829 = arith.andi %get3A_2826, %and3A_2828 : vector<16xi32>
    %shift_right_logical3A_2830 = arith.constant 6 : i32
    %shift_right_logical3A_2831 = vector.broadcast %shift_right_logical3A_2830 : i32 to vector<16xi32>
    %shift_right_logical3A_2832 = arith.shrui %get3A_2826, %shift_right_logical3A_2831 : vector<16xi32>
    %gather3A_2833 = tpu.vector_load_idx %arg6[%and3A_2829] : memref<64xi32, #tpu.memory_space<vmem>>[vector<16xi32>], vector<16xi32>,
    %add3A_2834 = arith.addi %gather3A_2833, %shift_right_logical3A_2832 : vector<16xi32>
    %swap3A_2835 = arith.constant 15 : i32
    %swap3A_2836 = arith.index_cast %swap3A_2835 : i32 to index
    %swap3A_2837 = arith.constant 48 : index
    %swap3A_2838 = tpu.vector_load %arg7[%swap3A_2836, %swap3A_2837] {strides = array<i32>} : memref<16x128xi32, #tpu.memory_space<vmem>>, vector<16xi32>,
    tpu.vector_store %arg7[%swap3A_2836, %swap3A_2837], %add3A_2834 {strides = array<i32>} : memref<16x128xi32, #tpu.memory_space<vmem>>, vector<16xi32>,
    %iota3A_2839 = tpu.iota {dimensions = array<i32: 0>} : vector<16xi32>
    %add3A_2840 = arith.constant 1968 : i32
    %add3A_2841 = arith.addi %mul3A_0, %add3A_2840 : i32
    %add3A_2842 = vector.broadcast %add3A_2841 : i32 to vector<16xi32>
    %add3A_2843 = arith.addi %iota3A_2839, %add3A_2842 : vector<16xi32>
    %swap3A_2844 = arith.constant 15 : i32
    %swap3A_2845 = arith.index_cast %swap3A_2844 : i32 to index
    %swap3A_2846 = arith.constant 48 : index
    %swap3A_2847 = tpu.vector_load %arg8[%swap3A_2845, %swap3A_2846] {strides = array<i32>} : memref<16x128xi32, #tpu.memory_space<vmem>>, vector<16xi32>,
    tpu.vector_store %arg8[%swap3A_2845, %swap3A_2846], %add3A_2843 {strides = array<i32>} : memref<16x128xi32, #tpu.memory_space<vmem>>, vector<16xi32>,
    %get3A_2848 = arith.constant 1984 : index
    %get3A_2849 = tpu.vector_load %arg5[%get3A_2848] {strides = array<i32>} : memref<2048xi32, #tpu.memory_space<vmem>>, vector<16xi32>,
    %and3A_2850 = arith.constant 63 : i32
    %and3A_2851 = vector.broadcast %and3A_2850 : i32 to vector<16xi32>
    %and3A_2852 = arith.andi %get3A_2849, %and3A_2851 : vector<16xi32>
    %shift_right_logical3A_2853 = arith.constant 6 : i32
    %shift_right_logical3A_2854 = vector.broadcast %shift_right_logical3A_2853 : i32 to vector<16xi32>
    %shift_right_logical3A_2855 = arith.shrui %get3A_2849, %shift_right_logical3A_2854 : vector<16xi32>
    %gather3A_2856 = tpu.vector_load_idx %arg6[%and3A_2852] : memref<64xi32, #tpu.memory_space<vmem>>[vector<16xi32>], vector<16xi32>,
    %add3A_2857 = arith.addi %gather3A_2856, %shift_right_logical3A_2855 : vector<16xi32>
    %swap3A_2858 = arith.constant 15 : i32
    %swap3A_2859 = arith.index_cast %swap3A_2858 : i32 to index
    %swap3A_2860 = arith.constant 64 : index
    %swap3A_2861 = tpu.vector_load %arg7[%swap3A_2859, %swap3A_2860] {strides = array<i32>} : memref<16x128xi32, #tpu.memory_space<vmem>>, vector<16xi32>,
    tpu.vector_store %arg7[%swap3A_2859, %swap3A_2860], %add3A_2857 {strides = array<i32>} : memref<16x128xi32, #tpu.memory_space<vmem>>, vector<16xi32>,
    %iota3A_2862 = tpu.iota {dimensions = array<i32: 0>} : vector<16xi32>
    %add3A_2863 = arith.constant 1984 : i32
    %add3A_2864 = arith.addi %mul3A_0, %add3A_2863 : i32
    %add3A_2865 = vector.broadcast %add3A_2864 : i32 to vector<16xi32>
    %add3A_2866 = arith.addi %iota3A_2862, %add3A_2865 : vector<16xi32>
    %swap3A_2867 = arith.constant 15 : i32
    %swap3A_2868 = arith.index_cast %swap3A_2867 : i32 to index
    %swap3A_2869 = arith.constant 64 : index
    %swap3A_2870 = tpu.vector_load %arg8[%swap3A_2868, %swap3A_2869] {strides = array<i32>} : memref<16x128xi32, #tpu.memory_space<vmem>>, vector<16xi32>,
    tpu.vector_store %arg8[%swap3A_2868, %swap3A_2869], %add3A_2866 {strides = array<i32>} : memref<16x128xi32, #tpu.memory_space<vmem>>, vector<16xi32>,
    %get3A_2871 = arith.constant 2000 : index
    %get3A_2872 = tpu.vector_load %arg5[%get3A_2871] {strides = array<i32>} : memref<2048xi32, #tpu.memory_space<vmem>>, vector<16xi32>,
    %and3A_2873 = arith.constant 63 : i32
    %and3A_2874 = vector.broadcast %and3A_2873 : i32 to vector<16xi32>
    %and3A_2875 = arith.andi %get3A_2872, %and3A_2874 : vector<16xi32>
    %shift_right_logical3A_2876 = arith.constant 6 : i32
    %shift_right_logical3A_2877 = vector.broadcast %shift_right_logical3A_2876 : i32 to vector<16xi32>
    %shift_right_logical3A_2878 = arith.shrui %get3A_2872, %shift_right_logical3A_2877 : vector<16xi32>
    %gather3A_2879 = tpu.vector_load_idx %arg6[%and3A_2875] : memref<64xi32, #tpu.memory_space<vmem>>[vector<16xi32>], vector<16xi32>,
    %add3A_2880 = arith.addi %gather3A_2879, %shift_right_logical3A_2878 : vector<16xi32>
    %swap3A_2881 = arith.constant 15 : i32
    %swap3A_2882 = arith.index_cast %swap3A_2881 : i32 to index
    %swap3A_2883 = arith.constant 80 : index
    %swap3A_2884 = tpu.vector_load %arg7[%swap3A_2882, %swap3A_2883] {strides = array<i32>} : memref<16x128xi32, #tpu.memory_space<vmem>>, vector<16xi32>,
    tpu.vector_store %arg7[%swap3A_2882, %swap3A_2883], %add3A_2880 {strides = array<i32>} : memref<16x128xi32, #tpu.memory_space<vmem>>, vector<16xi32>,
    %iota3A_2885 = tpu.iota {dimensions = array<i32: 0>} : vector<16xi32>
    %add3A_2886 = arith.constant 2000 : i32
    %add3A_2887 = arith.addi %mul3A_0, %add3A_2886 : i32
    %add3A_2888 = vector.broadcast %add3A_2887 : i32 to vector<16xi32>
    %add3A_2889 = arith.addi %iota3A_2885, %add3A_2888 : vector<16xi32>
    %swap3A_2890 = arith.constant 15 : i32
    %swap3A_2891 = arith.index_cast %swap3A_2890 : i32 to index
    %swap3A_2892 = arith.constant 80 : index
    %swap3A_2893 = tpu.vector_load %arg8[%swap3A_2891, %swap3A_2892] {strides = array<i32>} : memref<16x128xi32, #tpu.memory_space<vmem>>, vector<16xi32>,
    tpu.vector_store %arg8[%swap3A_2891, %swap3A_2892], %add3A_2889 {strides = array<i32>} : memref<16x128xi32, #tpu.memory_space<vmem>>, vector<16xi32>,
    %get3A_2894 = arith.constant 2016 : index
    %get3A_2895 = tpu.vector_load %arg5[%get3A_2894] {strides = array<i32>} : memref<2048xi32, #tpu.memory_space<vmem>>, vector<16xi32>,
    %and3A_2896 = arith.constant 63 : i32
    %and3A_2897 = vector.broadcast %and3A_2896 : i32 to vector<16xi32>
    %and3A_2898 = arith.andi %get3A_2895, %and3A_2897 : vector<16xi32>
    %shift_right_logical3A_2899 = arith.constant 6 : i32
    %shift_right_logical3A_2900 = vector.broadcast %shift_right_logical3A_2899 : i32 to vector<16xi32>
    %shift_right_logical3A_2901 = arith.shrui %get3A_2895, %shift_right_logical3A_2900 : vector<16xi32>
    %gather3A_2902 = tpu.vector_load_idx %arg6[%and3A_2898] : memref<64xi32, #tpu.memory_space<vmem>>[vector<16xi32>], vector<16xi32>,
    %add3A_2903 = arith.addi %gather3A_2902, %shift_right_logical3A_2901 : vector<16xi32>
    %swap3A_2904 = arith.constant 15 : i32
    %swap3A_2905 = arith.index_cast %swap3A_2904 : i32 to index
    %swap3A_2906 = arith.constant 96 : index
    %swap3A_2907 = tpu.vector_load %arg7[%swap3A_2905, %swap3A_2906] {strides = array<i32>} : memref<16x128xi32, #tpu.memory_space<vmem>>, vector<16xi32>,
    tpu.vector_store %arg7[%swap3A_2905, %swap3A_2906], %add3A_2903 {strides = array<i32>} : memref<16x128xi32, #tpu.memory_space<vmem>>, vector<16xi32>,
    %iota3A_2908 = tpu.iota {dimensions = array<i32: 0>} : vector<16xi32>
    %add3A_2909 = arith.constant 2016 : i32
    %add3A_2910 = arith.addi %mul3A_0, %add3A_2909 : i32
    %add3A_2911 = vector.broadcast %add3A_2910 : i32 to vector<16xi32>
    %add3A_2912 = arith.addi %iota3A_2908, %add3A_2911 : vector<16xi32>
    %swap3A_2913 = arith.constant 15 : i32
    %swap3A_2914 = arith.index_cast %swap3A_2913 : i32 to index
    %swap3A_2915 = arith.constant 96 : index
    %swap3A_2916 = tpu.vector_load %arg8[%swap3A_2914, %swap3A_2915] {strides = array<i32>} : memref<16x128xi32, #tpu.memory_space<vmem>>, vector<16xi32>,
    tpu.vector_store %arg8[%swap3A_2914, %swap3A_2915], %add3A_2912 {strides = array<i32>} : memref<16x128xi32, #tpu.memory_space<vmem>>, vector<16xi32>,
    %get3A_2917 = arith.constant 2032 : index
    %get3A_2918 = tpu.vector_load %arg5[%get3A_2917] {strides = array<i32>} : memref<2048xi32, #tpu.memory_space<vmem>>, vector<16xi32>,
    %and3A_2919 = arith.constant 63 : i32
    %and3A_2920 = vector.broadcast %and3A_2919 : i32 to vector<16xi32>
    %and3A_2921 = arith.andi %get3A_2918, %and3A_2920 : vector<16xi32>
    %shift_right_logical3A_2922 = arith.constant 6 : i32
    %shift_right_logical3A_2923 = vector.broadcast %shift_right_logical3A_2922 : i32 to vector<16xi32>
    %shift_right_logical3A_2924 = arith.shrui %get3A_2918, %shift_right_logical3A_2923 : vector<16xi32>
    %gather3A_2925 = tpu.vector_load_idx %arg6[%and3A_2921] : memref<64xi32, #tpu.memory_space<vmem>>[vector<16xi32>], vector<16xi32>,
    %add3A_2926 = arith.addi %gather3A_2925, %shift_right_logical3A_2924 : vector<16xi32>
    %swap3A_2927 = arith.constant 15 : i32
    %swap3A_2928 = arith.index_cast %swap3A_2927 : i32 to index
    %swap3A_2929 = arith.constant 112 : index
    %swap3A_2930 = tpu.vector_load %arg7[%swap3A_2928, %swap3A_2929] {strides = array<i32>} : memref<16x128xi32, #tpu.memory_space<vmem>>, vector<16xi32>,
    tpu.vector_store %arg7[%swap3A_2928, %swap3A_2929], %add3A_2926 {strides = array<i32>} : memref<16x128xi32, #tpu.memory_space<vmem>>, vector<16xi32>,
    %iota3A_2931 = tpu.iota {dimensions = array<i32: 0>} : vector<16xi32>
    %add3A_2932 = arith.constant 2032 : i32
    %add3A_2933 = arith.addi %mul3A_0, %add3A_2932 : i32
    %add3A_2934 = vector.broadcast %add3A_2933 : i32 to vector<16xi32>
    %add3A_2935 = arith.addi %iota3A_2931, %add3A_2934 : vector<16xi32>
    %swap3A_2936 = arith.constant 15 : i32
    %swap3A_2937 = arith.index_cast %swap3A_2936 : i32 to index
    %swap3A_2938 = arith.constant 112 : index
    %swap3A_2939 = tpu.vector_load %arg8[%swap3A_2937, %swap3A_2938] {strides = array<i32>} : memref<16x128xi32, #tpu.memory_space<vmem>>, vector<16xi32>,
    tpu.vector_store %arg8[%swap3A_2937, %swap3A_2938], %add3A_2935 {strides = array<i32>} : memref<16x128xi32, #tpu.memory_space<vmem>>, vector<16xi32>,
    %dma_start3A_2940 = arith.constant 0 : i32
    %dma_start3A_2941 = arith.constant 0 : i32
    %dma_start3A_2942 = arith.constant 0 : i32
    %dma_start3A_2943 = tpu.memref_slice %arg8[%dma_start3A_2940, %dma_start3A_2942] : memref<16x128xi32, #tpu.memory_space<vmem>> -> memref<1x128xi32, #tpu.memory_space<vmem>>
    %dma_start3A_2944 = tpu.memref_squeeze %dma_start3A_2943 : memref<1x128xi32, #tpu.memory_space<vmem>> -> memref<128xi32, #tpu.memory_space<vmem>>
    %dma_start3A_2945 = arith.constant 0 : i32
    %dma_start3A_2946 = tpu.memref_slice %arg7[%dma_start3A_2941, %dma_start3A_2945] : memref<16x128xi32, #tpu.memory_space<vmem>> -> memref<1x128xi32, #tpu.memory_space<vmem>>
    %dma_start3A_2947 = tpu.memref_squeeze %dma_start3A_2946 : memref<1x128xi32, #tpu.memory_space<vmem>> -> memref<128xi32, #tpu.memory_space<vmem>>
    %dma_start3A_2948 = arith.constant 0 : i32
    %dma_start3A_2949 = tpu.memref_slice %arg9[%dma_start3A_2948] : memref<32768xi32, #tpu.memory_space<vmem_shared>> -> memref<32768xi32, #tpu.memory_space<vmem_shared>>
    tpu.enqueue_indirect_dma source(%dma_start3A_2944 : memref<128xi32, #tpu.memory_space<vmem>>) target(%dma_start3A_2949 : memref<32768xi32, #tpu.memory_space<vmem_shared>>) offsets(%dma_start3A_2947 : memref<128xi32, #tpu.memory_space<vmem>>) semaphore(%arg10 : memref<!tpu.dma_semaphore, #tpu.memory_space<semaphore_mem>>)
    %dma_start3A_2950 = arith.constant 1 : i32
    %dma_start3A_2951 = arith.constant 1 : i32
    %dma_start3A_2952 = arith.constant 0 : i32
    %dma_start3A_2953 = tpu.memref_slice %arg8[%dma_start3A_2950, %dma_start3A_2952] : memref<16x128xi32, #tpu.memory_space<vmem>> -> memref<1x128xi32, #tpu.memory_space<vmem>>
    %dma_start3A_2954 = tpu.memref_squeeze %dma_start3A_2953 : memref<1x128xi32, #tpu.memory_space<vmem>> -> memref<128xi32, #tpu.memory_space<vmem>>
    %dma_start3A_2955 = arith.constant 0 : i32
    %dma_start3A_2956 = tpu.memref_slice %arg7[%dma_start3A_2951, %dma_start3A_2955] : memref<16x128xi32, #tpu.memory_space<vmem>> -> memref<1x128xi32, #tpu.memory_space<vmem>>
    %dma_start3A_2957 = tpu.memref_squeeze %dma_start3A_2956 : memref<1x128xi32, #tpu.memory_space<vmem>> -> memref<128xi32, #tpu.memory_space<vmem>>
    %dma_start3A_2958 = arith.constant 0 : i32
    %dma_start3A_2959 = tpu.memref_slice %arg9[%dma_start3A_2958] : memref<32768xi32, #tpu.memory_space<vmem_shared>> -> memref<32768xi32, #tpu.memory_space<vmem_shared>>
    tpu.enqueue_indirect_dma source(%dma_start3A_2954 : memref<128xi32, #tpu.memory_space<vmem>>) target(%dma_start3A_2959 : memref<32768xi32, #tpu.memory_space<vmem_shared>>) offsets(%dma_start3A_2957 : memref<128xi32, #tpu.memory_space<vmem>>) semaphore(%arg10 : memref<!tpu.dma_semaphore, #tpu.memory_space<semaphore_mem>>)
    %dma_start3A_2960 = arith.constant 2 : i32
    %dma_start3A_2961 = arith.constant 2 : i32
    %dma_start3A_2962 = arith.constant 0 : i32
    %dma_start3A_2963 = tpu.memref_slice %arg8[%dma_start3A_2960, %dma_start3A_2962] : memref<16x128xi32, #tpu.memory_space<vmem>> -> memref<1x128xi32, #tpu.memory_space<vmem>>
    %dma_start3A_2964 = tpu.memref_squeeze %dma_start3A_2963 : memref<1x128xi32, #tpu.memory_space<vmem>> -> memref<128xi32, #tpu.memory_space<vmem>>
    %dma_start3A_2965 = arith.constant 0 : i32
    %dma_start3A_2966 = tpu.memref_slice %arg7[%dma_start3A_2961, %dma_start3A_2965] : memref<16x128xi32, #tpu.memory_space<vmem>> -> memref<1x128xi32, #tpu.memory_space<vmem>>
    %dma_start3A_2967 = tpu.memref_squeeze %dma_start3A_2966 : memref<1x128xi32, #tpu.memory_space<vmem>> -> memref<128xi32, #tpu.memory_space<vmem>>
    %dma_start3A_2968 = arith.constant 0 : i32
    %dma_start3A_2969 = tpu.memref_slice %arg9[%dma_start3A_2968] : memref<32768xi32, #tpu.memory_space<vmem_shared>> -> memref<32768xi32, #tpu.memory_space<vmem_shared>>
    tpu.enqueue_indirect_dma source(%dma_start3A_2964 : memref<128xi32, #tpu.memory_space<vmem>>) target(%dma_start3A_2969 : memref<32768xi32, #tpu.memory_space<vmem_shared>>) offsets(%dma_start3A_2967 : memref<128xi32, #tpu.memory_space<vmem>>) semaphore(%arg10 : memref<!tpu.dma_semaphore, #tpu.memory_space<semaphore_mem>>)
    %dma_start3A_2970 = arith.constant 3 : i32
    %dma_start3A_2971 = arith.constant 3 : i32
    %dma_start3A_2972 = arith.constant 0 : i32
    %dma_start3A_2973 = tpu.memref_slice %arg8[%dma_start3A_2970, %dma_start3A_2972] : memref<16x128xi32, #tpu.memory_space<vmem>> -> memref<1x128xi32, #tpu.memory_space<vmem>>
    %dma_start3A_2974 = tpu.memref_squeeze %dma_start3A_2973 : memref<1x128xi32, #tpu.memory_space<vmem>> -> memref<128xi32, #tpu.memory_space<vmem>>
    %dma_start3A_2975 = arith.constant 0 : i32
    %dma_start3A_2976 = tpu.memref_slice %arg7[%dma_start3A_2971, %dma_start3A_2975] : memref<16x128xi32, #tpu.memory_space<vmem>> -> memref<1x128xi32, #tpu.memory_space<vmem>>
    %dma_start3A_2977 = tpu.memref_squeeze %dma_start3A_2976 : memref<1x128xi32, #tpu.memory_space<vmem>> -> memref<128xi32, #tpu.memory_space<vmem>>
    %dma_start3A_2978 = arith.constant 0 : i32
    %dma_start3A_2979 = tpu.memref_slice %arg9[%dma_start3A_2978] : memref<32768xi32, #tpu.memory_space<vmem_shared>> -> memref<32768xi32, #tpu.memory_space<vmem_shared>>
    tpu.enqueue_indirect_dma source(%dma_start3A_2974 : memref<128xi32, #tpu.memory_space<vmem>>) target(%dma_start3A_2979 : memref<32768xi32, #tpu.memory_space<vmem_shared>>) offsets(%dma_start3A_2977 : memref<128xi32, #tpu.memory_space<vmem>>) semaphore(%arg10 : memref<!tpu.dma_semaphore, #tpu.memory_space<semaphore_mem>>)
    %dma_start3A_2980 = arith.constant 4 : i32
    %dma_start3A_2981 = arith.constant 4 : i32
    %dma_start3A_2982 = arith.constant 0 : i32
    %dma_start3A_2983 = tpu.memref_slice %arg8[%dma_start3A_2980, %dma_start3A_2982] : memref<16x128xi32, #tpu.memory_space<vmem>> -> memref<1x128xi32, #tpu.memory_space<vmem>>
    %dma_start3A_2984 = tpu.memref_squeeze %dma_start3A_2983 : memref<1x128xi32, #tpu.memory_space<vmem>> -> memref<128xi32, #tpu.memory_space<vmem>>
    %dma_start3A_2985 = arith.constant 0 : i32
    %dma_start3A_2986 = tpu.memref_slice %arg7[%dma_start3A_2981, %dma_start3A_2985] : memref<16x128xi32, #tpu.memory_space<vmem>> -> memref<1x128xi32, #tpu.memory_space<vmem>>
    %dma_start3A_2987 = tpu.memref_squeeze %dma_start3A_2986 : memref<1x128xi32, #tpu.memory_space<vmem>> -> memref<128xi32, #tpu.memory_space<vmem>>
    %dma_start3A_2988 = arith.constant 0 : i32
    %dma_start3A_2989 = tpu.memref_slice %arg9[%dma_start3A_2988] : memref<32768xi32, #tpu.memory_space<vmem_shared>> -> memref<32768xi32, #tpu.memory_space<vmem_shared>>
    tpu.enqueue_indirect_dma source(%dma_start3A_2984 : memref<128xi32, #tpu.memory_space<vmem>>) target(%dma_start3A_2989 : memref<32768xi32, #tpu.memory_space<vmem_shared>>) offsets(%dma_start3A_2987 : memref<128xi32, #tpu.memory_space<vmem>>) semaphore(%arg10 : memref<!tpu.dma_semaphore, #tpu.memory_space<semaphore_mem>>)
    %dma_start3A_2990 = arith.constant 5 : i32
    %dma_start3A_2991 = arith.constant 5 : i32
    %dma_start3A_2992 = arith.constant 0 : i32
    %dma_start3A_2993 = tpu.memref_slice %arg8[%dma_start3A_2990, %dma_start3A_2992] : memref<16x128xi32, #tpu.memory_space<vmem>> -> memref<1x128xi32, #tpu.memory_space<vmem>>
    %dma_start3A_2994 = tpu.memref_squeeze %dma_start3A_2993 : memref<1x128xi32, #tpu.memory_space<vmem>> -> memref<128xi32, #tpu.memory_space<vmem>>
    %dma_start3A_2995 = arith.constant 0 : i32
    %dma_start3A_2996 = tpu.memref_slice %arg7[%dma_start3A_2991, %dma_start3A_2995] : memref<16x128xi32, #tpu.memory_space<vmem>> -> memref<1x128xi32, #tpu.memory_space<vmem>>
    %dma_start3A_2997 = tpu.memref_squeeze %dma_start3A_2996 : memref<1x128xi32, #tpu.memory_space<vmem>> -> memref<128xi32, #tpu.memory_space<vmem>>
    %dma_start3A_2998 = arith.constant 0 : i32
    %dma_start3A_2999 = tpu.memref_slice %arg9[%dma_start3A_2998] : memref<32768xi32, #tpu.memory_space<vmem_shared>> -> memref<32768xi32, #tpu.memory_space<vmem_shared>>
    tpu.enqueue_indirect_dma source(%dma_start3A_2994 : memref<128xi32, #tpu.memory_space<vmem>>) target(%dma_start3A_2999 : memref<32768xi32, #tpu.memory_space<vmem_shared>>) offsets(%dma_start3A_2997 : memref<128xi32, #tpu.memory_space<vmem>>) semaphore(%arg10 : memref<!tpu.dma_semaphore, #tpu.memory_space<semaphore_mem>>)
    %dma_start3A_3000 = arith.constant 6 : i32
    %dma_start3A_3001 = arith.constant 6 : i32
    %dma_start3A_3002 = arith.constant 0 : i32
    %dma_start3A_3003 = tpu.memref_slice %arg8[%dma_start3A_3000, %dma_start3A_3002] : memref<16x128xi32, #tpu.memory_space<vmem>> -> memref<1x128xi32, #tpu.memory_space<vmem>>
    %dma_start3A_3004 = tpu.memref_squeeze %dma_start3A_3003 : memref<1x128xi32, #tpu.memory_space<vmem>> -> memref<128xi32, #tpu.memory_space<vmem>>
    %dma_start3A_3005 = arith.constant 0 : i32
    %dma_start3A_3006 = tpu.memref_slice %arg7[%dma_start3A_3001, %dma_start3A_3005] : memref<16x128xi32, #tpu.memory_space<vmem>> -> memref<1x128xi32, #tpu.memory_space<vmem>>
    %dma_start3A_3007 = tpu.memref_squeeze %dma_start3A_3006 : memref<1x128xi32, #tpu.memory_space<vmem>> -> memref<128xi32, #tpu.memory_space<vmem>>
    %dma_start3A_3008 = arith.constant 0 : i32
    %dma_start3A_3009 = tpu.memref_slice %arg9[%dma_start3A_3008] : memref<32768xi32, #tpu.memory_space<vmem_shared>> -> memref<32768xi32, #tpu.memory_space<vmem_shared>>
    tpu.enqueue_indirect_dma source(%dma_start3A_3004 : memref<128xi32, #tpu.memory_space<vmem>>) target(%dma_start3A_3009 : memref<32768xi32, #tpu.memory_space<vmem_shared>>) offsets(%dma_start3A_3007 : memref<128xi32, #tpu.memory_space<vmem>>) semaphore(%arg10 : memref<!tpu.dma_semaphore, #tpu.memory_space<semaphore_mem>>)
    %dma_start3A_3010 = arith.constant 7 : i32
    %dma_start3A_3011 = arith.constant 7 : i32
    %dma_start3A_3012 = arith.constant 0 : i32
    %dma_start3A_3013 = tpu.memref_slice %arg8[%dma_start3A_3010, %dma_start3A_3012] : memref<16x128xi32, #tpu.memory_space<vmem>> -> memref<1x128xi32, #tpu.memory_space<vmem>>
    %dma_start3A_3014 = tpu.memref_squeeze %dma_start3A_3013 : memref<1x128xi32, #tpu.memory_space<vmem>> -> memref<128xi32, #tpu.memory_space<vmem>>
    %dma_start3A_3015 = arith.constant 0 : i32
    %dma_start3A_3016 = tpu.memref_slice %arg7[%dma_start3A_3011, %dma_start3A_3015] : memref<16x128xi32, #tpu.memory_space<vmem>> -> memref<1x128xi32, #tpu.memory_space<vmem>>
    %dma_start3A_3017 = tpu.memref_squeeze %dma_start3A_3016 : memref<1x128xi32, #tpu.memory_space<vmem>> -> memref<128xi32, #tpu.memory_space<vmem>>
    %dma_start3A_3018 = arith.constant 0 : i32
    %dma_start3A_3019 = tpu.memref_slice %arg9[%dma_start3A_3018] : memref<32768xi32, #tpu.memory_space<vmem_shared>> -> memref<32768xi32, #tpu.memory_space<vmem_shared>>
    tpu.enqueue_indirect_dma source(%dma_start3A_3014 : memref<128xi32, #tpu.memory_space<vmem>>) target(%dma_start3A_3019 : memref<32768xi32, #tpu.memory_space<vmem_shared>>) offsets(%dma_start3A_3017 : memref<128xi32, #tpu.memory_space<vmem>>) semaphore(%arg10 : memref<!tpu.dma_semaphore, #tpu.memory_space<semaphore_mem>>)
    %dma_start3A_3020 = arith.constant 8 : i32
    %dma_start3A_3021 = arith.constant 8 : i32
    %dma_start3A_3022 = arith.constant 0 : i32
    %dma_start3A_3023 = tpu.memref_slice %arg8[%dma_start3A_3020, %dma_start3A_3022] : memref<16x128xi32, #tpu.memory_space<vmem>> -> memref<1x128xi32, #tpu.memory_space<vmem>>
    %dma_start3A_3024 = tpu.memref_squeeze %dma_start3A_3023 : memref<1x128xi32, #tpu.memory_space<vmem>> -> memref<128xi32, #tpu.memory_space<vmem>>
    %dma_start3A_3025 = arith.constant 0 : i32
    %dma_start3A_3026 = tpu.memref_slice %arg7[%dma_start3A_3021, %dma_start3A_3025] : memref<16x128xi32, #tpu.memory_space<vmem>> -> memref<1x128xi32, #tpu.memory_space<vmem>>
    %dma_start3A_3027 = tpu.memref_squeeze %dma_start3A_3026 : memref<1x128xi32, #tpu.memory_space<vmem>> -> memref<128xi32, #tpu.memory_space<vmem>>
    %dma_start3A_3028 = arith.constant 0 : i32
    %dma_start3A_3029 = tpu.memref_slice %arg9[%dma_start3A_3028] : memref<32768xi32, #tpu.memory_space<vmem_shared>> -> memref<32768xi32, #tpu.memory_space<vmem_shared>>
    tpu.enqueue_indirect_dma source(%dma_start3A_3024 : memref<128xi32, #tpu.memory_space<vmem>>) target(%dma_start3A_3029 : memref<32768xi32, #tpu.memory_space<vmem_shared>>) offsets(%dma_start3A_3027 : memref<128xi32, #tpu.memory_space<vmem>>) semaphore(%arg10 : memref<!tpu.dma_semaphore, #tpu.memory_space<semaphore_mem>>)
    %dma_start3A_3030 = arith.constant 9 : i32
    %dma_start3A_3031 = arith.constant 9 : i32
    %dma_start3A_3032 = arith.constant 0 : i32
    %dma_start3A_3033 = tpu.memref_slice %arg8[%dma_start3A_3030, %dma_start3A_3032] : memref<16x128xi32, #tpu.memory_space<vmem>> -> memref<1x128xi32, #tpu.memory_space<vmem>>
    %dma_start3A_3034 = tpu.memref_squeeze %dma_start3A_3033 : memref<1x128xi32, #tpu.memory_space<vmem>> -> memref<128xi32, #tpu.memory_space<vmem>>
    %dma_start3A_3035 = arith.constant 0 : i32
    %dma_start3A_3036 = tpu.memref_slice %arg7[%dma_start3A_3031, %dma_start3A_3035] : memref<16x128xi32, #tpu.memory_space<vmem>> -> memref<1x128xi32, #tpu.memory_space<vmem>>
    %dma_start3A_3037 = tpu.memref_squeeze %dma_start3A_3036 : memref<1x128xi32, #tpu.memory_space<vmem>> -> memref<128xi32, #tpu.memory_space<vmem>>
    %dma_start3A_3038 = arith.constant 0 : i32
    %dma_start3A_3039 = tpu.memref_slice %arg9[%dma_start3A_3038] : memref<32768xi32, #tpu.memory_space<vmem_shared>> -> memref<32768xi32, #tpu.memory_space<vmem_shared>>
    tpu.enqueue_indirect_dma source(%dma_start3A_3034 : memref<128xi32, #tpu.memory_space<vmem>>) target(%dma_start3A_3039 : memref<32768xi32, #tpu.memory_space<vmem_shared>>) offsets(%dma_start3A_3037 : memref<128xi32, #tpu.memory_space<vmem>>) semaphore(%arg10 : memref<!tpu.dma_semaphore, #tpu.memory_space<semaphore_mem>>)
    %dma_start3A_3040 = arith.constant 10 : i32
    %dma_start3A_3041 = arith.constant 10 : i32
    %dma_start3A_3042 = arith.constant 0 : i32
    %dma_start3A_3043 = tpu.memref_slice %arg8[%dma_start3A_3040, %dma_start3A_3042] : memref<16x128xi32, #tpu.memory_space<vmem>> -> memref<1x128xi32, #tpu.memory_space<vmem>>
    %dma_start3A_3044 = tpu.memref_squeeze %dma_start3A_3043 : memref<1x128xi32, #tpu.memory_space<vmem>> -> memref<128xi32, #tpu.memory_space<vmem>>
    %dma_start3A_3045 = arith.constant 0 : i32
    %dma_start3A_3046 = tpu.memref_slice %arg7[%dma_start3A_3041, %dma_start3A_3045] : memref<16x128xi32, #tpu.memory_space<vmem>> -> memref<1x128xi32, #tpu.memory_space<vmem>>
    %dma_start3A_3047 = tpu.memref_squeeze %dma_start3A_3046 : memref<1x128xi32, #tpu.memory_space<vmem>> -> memref<128xi32, #tpu.memory_space<vmem>>
    %dma_start3A_3048 = arith.constant 0 : i32
    %dma_start3A_3049 = tpu.memref_slice %arg9[%dma_start3A_3048] : memref<32768xi32, #tpu.memory_space<vmem_shared>> -> memref<32768xi32, #tpu.memory_space<vmem_shared>>
    tpu.enqueue_indirect_dma source(%dma_start3A_3044 : memref<128xi32, #tpu.memory_space<vmem>>) target(%dma_start3A_3049 : memref<32768xi32, #tpu.memory_space<vmem_shared>>) offsets(%dma_start3A_3047 : memref<128xi32, #tpu.memory_space<vmem>>) semaphore(%arg10 : memref<!tpu.dma_semaphore, #tpu.memory_space<semaphore_mem>>)
    %dma_start3A_3050 = arith.constant 11 : i32
    %dma_start3A_3051 = arith.constant 11 : i32
    %dma_start3A_3052 = arith.constant 0 : i32
    %dma_start3A_3053 = tpu.memref_slice %arg8[%dma_start3A_3050, %dma_start3A_3052] : memref<16x128xi32, #tpu.memory_space<vmem>> -> memref<1x128xi32, #tpu.memory_space<vmem>>
    %dma_start3A_3054 = tpu.memref_squeeze %dma_start3A_3053 : memref<1x128xi32, #tpu.memory_space<vmem>> -> memref<128xi32, #tpu.memory_space<vmem>>
    %dma_start3A_3055 = arith.constant 0 : i32
    %dma_start3A_3056 = tpu.memref_slice %arg7[%dma_start3A_3051, %dma_start3A_3055] : memref<16x128xi32, #tpu.memory_space<vmem>> -> memref<1x128xi32, #tpu.memory_space<vmem>>
    %dma_start3A_3057 = tpu.memref_squeeze %dma_start3A_3056 : memref<1x128xi32, #tpu.memory_space<vmem>> -> memref<128xi32, #tpu.memory_space<vmem>>
    %dma_start3A_3058 = arith.constant 0 : i32
    %dma_start3A_3059 = tpu.memref_slice %arg9[%dma_start3A_3058] : memref<32768xi32, #tpu.memory_space<vmem_shared>> -> memref<32768xi32, #tpu.memory_space<vmem_shared>>
    tpu.enqueue_indirect_dma source(%dma_start3A_3054 : memref<128xi32, #tpu.memory_space<vmem>>) target(%dma_start3A_3059 : memref<32768xi32, #tpu.memory_space<vmem_shared>>) offsets(%dma_start3A_3057 : memref<128xi32, #tpu.memory_space<vmem>>) semaphore(%arg10 : memref<!tpu.dma_semaphore, #tpu.memory_space<semaphore_mem>>)
    %dma_start3A_3060 = arith.constant 12 : i32
    %dma_start3A_3061 = arith.constant 12 : i32
    %dma_start3A_3062 = arith.constant 0 : i32
    %dma_start3A_3063 = tpu.memref_slice %arg8[%dma_start3A_3060, %dma_start3A_3062] : memref<16x128xi32, #tpu.memory_space<vmem>> -> memref<1x128xi32, #tpu.memory_space<vmem>>
    %dma_start3A_3064 = tpu.memref_squeeze %dma_start3A_3063 : memref<1x128xi32, #tpu.memory_space<vmem>> -> memref<128xi32, #tpu.memory_space<vmem>>
    %dma_start3A_3065 = arith.constant 0 : i32
    %dma_start3A_3066 = tpu.memref_slice %arg7[%dma_start3A_3061, %dma_start3A_3065] : memref<16x128xi32, #tpu.memory_space<vmem>> -> memref<1x128xi32, #tpu.memory_space<vmem>>
    %dma_start3A_3067 = tpu.memref_squeeze %dma_start3A_3066 : memref<1x128xi32, #tpu.memory_space<vmem>> -> memref<128xi32, #tpu.memory_space<vmem>>
    %dma_start3A_3068 = arith.constant 0 : i32
    %dma_start3A_3069 = tpu.memref_slice %arg9[%dma_start3A_3068] : memref<32768xi32, #tpu.memory_space<vmem_shared>> -> memref<32768xi32, #tpu.memory_space<vmem_shared>>
    tpu.enqueue_indirect_dma source(%dma_start3A_3064 : memref<128xi32, #tpu.memory_space<vmem>>) target(%dma_start3A_3069 : memref<32768xi32, #tpu.memory_space<vmem_shared>>) offsets(%dma_start3A_3067 : memref<128xi32, #tpu.memory_space<vmem>>) semaphore(%arg10 : memref<!tpu.dma_semaphore, #tpu.memory_space<semaphore_mem>>)
    %dma_start3A_3070 = arith.constant 13 : i32
    %dma_start3A_3071 = arith.constant 13 : i32
    %dma_start3A_3072 = arith.constant 0 : i32
    %dma_start3A_3073 = tpu.memref_slice %arg8[%dma_start3A_3070, %dma_start3A_3072] : memref<16x128xi32, #tpu.memory_space<vmem>> -> memref<1x128xi32, #tpu.memory_space<vmem>>
    %dma_start3A_3074 = tpu.memref_squeeze %dma_start3A_3073 : memref<1x128xi32, #tpu.memory_space<vmem>> -> memref<128xi32, #tpu.memory_space<vmem>>
    %dma_start3A_3075 = arith.constant 0 : i32
    %dma_start3A_3076 = tpu.memref_slice %arg7[%dma_start3A_3071, %dma_start3A_3075] : memref<16x128xi32, #tpu.memory_space<vmem>> -> memref<1x128xi32, #tpu.memory_space<vmem>>
    %dma_start3A_3077 = tpu.memref_squeeze %dma_start3A_3076 : memref<1x128xi32, #tpu.memory_space<vmem>> -> memref<128xi32, #tpu.memory_space<vmem>>
    %dma_start3A_3078 = arith.constant 0 : i32
    %dma_start3A_3079 = tpu.memref_slice %arg9[%dma_start3A_3078] : memref<32768xi32, #tpu.memory_space<vmem_shared>> -> memref<32768xi32, #tpu.memory_space<vmem_shared>>
    tpu.enqueue_indirect_dma source(%dma_start3A_3074 : memref<128xi32, #tpu.memory_space<vmem>>) target(%dma_start3A_3079 : memref<32768xi32, #tpu.memory_space<vmem_shared>>) offsets(%dma_start3A_3077 : memref<128xi32, #tpu.memory_space<vmem>>) semaphore(%arg10 : memref<!tpu.dma_semaphore, #tpu.memory_space<semaphore_mem>>)
    %dma_start3A_3080 = arith.constant 14 : i32
    %dma_start3A_3081 = arith.constant 14 : i32
    %dma_start3A_3082 = arith.constant 0 : i32
    %dma_start3A_3083 = tpu.memref_slice %arg8[%dma_start3A_3080, %dma_start3A_3082] : memref<16x128xi32, #tpu.memory_space<vmem>> -> memref<1x128xi32, #tpu.memory_space<vmem>>
    %dma_start3A_3084 = tpu.memref_squeeze %dma_start3A_3083 : memref<1x128xi32, #tpu.memory_space<vmem>> -> memref<128xi32, #tpu.memory_space<vmem>>
    %dma_start3A_3085 = arith.constant 0 : i32
    %dma_start3A_3086 = tpu.memref_slice %arg7[%dma_start3A_3081, %dma_start3A_3085] : memref<16x128xi32, #tpu.memory_space<vmem>> -> memref<1x128xi32, #tpu.memory_space<vmem>>
    %dma_start3A_3087 = tpu.memref_squeeze %dma_start3A_3086 : memref<1x128xi32, #tpu.memory_space<vmem>> -> memref<128xi32, #tpu.memory_space<vmem>>
    %dma_start3A_3088 = arith.constant 0 : i32
    %dma_start3A_3089 = tpu.memref_slice %arg9[%dma_start3A_3088] : memref<32768xi32, #tpu.memory_space<vmem_shared>> -> memref<32768xi32, #tpu.memory_space<vmem_shared>>
    tpu.enqueue_indirect_dma source(%dma_start3A_3084 : memref<128xi32, #tpu.memory_space<vmem>>) target(%dma_start3A_3089 : memref<32768xi32, #tpu.memory_space<vmem_shared>>) offsets(%dma_start3A_3087 : memref<128xi32, #tpu.memory_space<vmem>>) semaphore(%arg10 : memref<!tpu.dma_semaphore, #tpu.memory_space<semaphore_mem>>)
    %dma_start3A_3090 = arith.constant 15 : i32
    %dma_start3A_3091 = arith.constant 15 : i32
    %dma_start3A_3092 = arith.constant 0 : i32
    %dma_start3A_3093 = tpu.memref_slice %arg8[%dma_start3A_3090, %dma_start3A_3092] : memref<16x128xi32, #tpu.memory_space<vmem>> -> memref<1x128xi32, #tpu.memory_space<vmem>>
    %dma_start3A_3094 = tpu.memref_squeeze %dma_start3A_3093 : memref<1x128xi32, #tpu.memory_space<vmem>> -> memref<128xi32, #tpu.memory_space<vmem>>
    %dma_start3A_3095 = arith.constant 0 : i32
    %dma_start3A_3096 = tpu.memref_slice %arg7[%dma_start3A_3091, %dma_start3A_3095] : memref<16x128xi32, #tpu.memory_space<vmem>> -> memref<1x128xi32, #tpu.memory_space<vmem>>
    %dma_start3A_3097 = tpu.memref_squeeze %dma_start3A_3096 : memref<1x128xi32, #tpu.memory_space<vmem>> -> memref<128xi32, #tpu.memory_space<vmem>>
    %dma_start3A_3098 = arith.constant 0 : i32
    %dma_start3A_3099 = tpu.memref_slice %arg9[%dma_start3A_3098] : memref<32768xi32, #tpu.memory_space<vmem_shared>> -> memref<32768xi32, #tpu.memory_space<vmem_shared>>
    tpu.enqueue_indirect_dma source(%dma_start3A_3094 : memref<128xi32, #tpu.memory_space<vmem>>) target(%dma_start3A_3099 : memref<32768xi32, #tpu.memory_space<vmem_shared>>) offsets(%dma_start3A_3097 : memref<128xi32, #tpu.memory_space<vmem>>) semaphore(%arg10 : memref<!tpu.dma_semaphore, #tpu.memory_space<semaphore_mem>>)
    %dma_wait3A_3100 = arith.constant 0 : i32
    %dma_wait3A_3101 = arith.constant 0 : i32
    %dma_wait3A_3102 = arith.constant 0 : i32
    %dma_wait3A_3103 = tpu.memref_slice %arg8[%dma_wait3A_3100, %dma_wait3A_3102] : memref<16x128xi32, #tpu.memory_space<vmem>> -> memref<1x128xi32, #tpu.memory_space<vmem>>
    %dma_wait3A_3104 = tpu.memref_squeeze %dma_wait3A_3103 : memref<1x128xi32, #tpu.memory_space<vmem>> -> memref<128xi32, #tpu.memory_space<vmem>>
    %dma_wait3A_3105 = arith.constant 0 : i32
    %dma_wait3A_3106 = tpu.memref_slice %arg7[%dma_wait3A_3101, %dma_wait3A_3105] : memref<16x128xi32, #tpu.memory_space<vmem>> -> memref<1x128xi32, #tpu.memory_space<vmem>>
    %dma_wait3A_3107 = tpu.memref_squeeze %dma_wait3A_3106 : memref<1x128xi32, #tpu.memory_space<vmem>> -> memref<128xi32, #tpu.memory_space<vmem>>
    %dma_wait3A_3108 = arith.constant 0 : i32
    %dma_wait3A_3109 = tpu.memref_slice %arg9[%dma_wait3A_3108] : memref<32768xi32, #tpu.memory_space<vmem_shared>> -> memref<32768xi32, #tpu.memory_space<vmem_shared>>
    tpu.wait_indirect_dma semaphore(%arg10 : memref<!tpu.dma_semaphore, #tpu.memory_space<semaphore_mem>>) src(%dma_wait3A_3104 : memref<128xi32, #tpu.memory_space<vmem>>) dst(%dma_wait3A_3109 : memref<32768xi32, #tpu.memory_space<vmem_shared>>)
    %dma_wait3A_3110 = arith.constant 1 : i32
    %dma_wait3A_3111 = arith.constant 1 : i32
    %dma_wait3A_3112 = arith.constant 0 : i32
    %dma_wait3A_3113 = tpu.memref_slice %arg8[%dma_wait3A_3110, %dma_wait3A_3112] : memref<16x128xi32, #tpu.memory_space<vmem>> -> memref<1x128xi32, #tpu.memory_space<vmem>>
    %dma_wait3A_3114 = tpu.memref_squeeze %dma_wait3A_3113 : memref<1x128xi32, #tpu.memory_space<vmem>> -> memref<128xi32, #tpu.memory_space<vmem>>
    %dma_wait3A_3115 = arith.constant 0 : i32
    %dma_wait3A_3116 = tpu.memref_slice %arg7[%dma_wait3A_3111, %dma_wait3A_3115] : memref<16x128xi32, #tpu.memory_space<vmem>> -> memref<1x128xi32, #tpu.memory_space<vmem>>
    %dma_wait3A_3117 = tpu.memref_squeeze %dma_wait3A_3116 : memref<1x128xi32, #tpu.memory_space<vmem>> -> memref<128xi32, #tpu.memory_space<vmem>>
    %dma_wait3A_3118 = arith.constant 0 : i32
    %dma_wait3A_3119 = tpu.memref_slice %arg9[%dma_wait3A_3118] : memref<32768xi32, #tpu.memory_space<vmem_shared>> -> memref<32768xi32, #tpu.memory_space<vmem_shared>>
    tpu.wait_indirect_dma semaphore(%arg10 : memref<!tpu.dma_semaphore, #tpu.memory_space<semaphore_mem>>) src(%dma_wait3A_3114 : memref<128xi32, #tpu.memory_space<vmem>>) dst(%dma_wait3A_3119 : memref<32768xi32, #tpu.memory_space<vmem_shared>>)
    %dma_wait3A_3120 = arith.constant 2 : i32
    %dma_wait3A_3121 = arith.constant 2 : i32
    %dma_wait3A_3122 = arith.constant 0 : i32
    %dma_wait3A_3123 = tpu.memref_slice %arg8[%dma_wait3A_3120, %dma_wait3A_3122] : memref<16x128xi32, #tpu.memory_space<vmem>> -> memref<1x128xi32, #tpu.memory_space<vmem>>
    %dma_wait3A_3124 = tpu.memref_squeeze %dma_wait3A_3123 : memref<1x128xi32, #tpu.memory_space<vmem>> -> memref<128xi32, #tpu.memory_space<vmem>>
    %dma_wait3A_3125 = arith.constant 0 : i32
    %dma_wait3A_3126 = tpu.memref_slice %arg7[%dma_wait3A_3121, %dma_wait3A_3125] : memref<16x128xi32, #tpu.memory_space<vmem>> -> memref<1x128xi32, #tpu.memory_space<vmem>>
    %dma_wait3A_3127 = tpu.memref_squeeze %dma_wait3A_3126 : memref<1x128xi32, #tpu.memory_space<vmem>> -> memref<128xi32, #tpu.memory_space<vmem>>
    %dma_wait3A_3128 = arith.constant 0 : i32
    %dma_wait3A_3129 = tpu.memref_slice %arg9[%dma_wait3A_3128] : memref<32768xi32, #tpu.memory_space<vmem_shared>> -> memref<32768xi32, #tpu.memory_space<vmem_shared>>
    tpu.wait_indirect_dma semaphore(%arg10 : memref<!tpu.dma_semaphore, #tpu.memory_space<semaphore_mem>>) src(%dma_wait3A_3124 : memref<128xi32, #tpu.memory_space<vmem>>) dst(%dma_wait3A_3129 : memref<32768xi32, #tpu.memory_space<vmem_shared>>)
    %dma_wait3A_3130 = arith.constant 3 : i32
    %dma_wait3A_3131 = arith.constant 3 : i32
    %dma_wait3A_3132 = arith.constant 0 : i32
    %dma_wait3A_3133 = tpu.memref_slice %arg8[%dma_wait3A_3130, %dma_wait3A_3132] : memref<16x128xi32, #tpu.memory_space<vmem>> -> memref<1x128xi32, #tpu.memory_space<vmem>>
    %dma_wait3A_3134 = tpu.memref_squeeze %dma_wait3A_3133 : memref<1x128xi32, #tpu.memory_space<vmem>> -> memref<128xi32, #tpu.memory_space<vmem>>
    %dma_wait3A_3135 = arith.constant 0 : i32
    %dma_wait3A_3136 = tpu.memref_slice %arg7[%dma_wait3A_3131, %dma_wait3A_3135] : memref<16x128xi32, #tpu.memory_space<vmem>> -> memref<1x128xi32, #tpu.memory_space<vmem>>
    %dma_wait3A_3137 = tpu.memref_squeeze %dma_wait3A_3136 : memref<1x128xi32, #tpu.memory_space<vmem>> -> memref<128xi32, #tpu.memory_space<vmem>>
    %dma_wait3A_3138 = arith.constant 0 : i32
    %dma_wait3A_3139 = tpu.memref_slice %arg9[%dma_wait3A_3138] : memref<32768xi32, #tpu.memory_space<vmem_shared>> -> memref<32768xi32, #tpu.memory_space<vmem_shared>>
    tpu.wait_indirect_dma semaphore(%arg10 : memref<!tpu.dma_semaphore, #tpu.memory_space<semaphore_mem>>) src(%dma_wait3A_3134 : memref<128xi32, #tpu.memory_space<vmem>>) dst(%dma_wait3A_3139 : memref<32768xi32, #tpu.memory_space<vmem_shared>>)
    %dma_wait3A_3140 = arith.constant 4 : i32
    %dma_wait3A_3141 = arith.constant 4 : i32
    %dma_wait3A_3142 = arith.constant 0 : i32
    %dma_wait3A_3143 = tpu.memref_slice %arg8[%dma_wait3A_3140, %dma_wait3A_3142] : memref<16x128xi32, #tpu.memory_space<vmem>> -> memref<1x128xi32, #tpu.memory_space<vmem>>
    %dma_wait3A_3144 = tpu.memref_squeeze %dma_wait3A_3143 : memref<1x128xi32, #tpu.memory_space<vmem>> -> memref<128xi32, #tpu.memory_space<vmem>>
    %dma_wait3A_3145 = arith.constant 0 : i32
    %dma_wait3A_3146 = tpu.memref_slice %arg7[%dma_wait3A_3141, %dma_wait3A_3145] : memref<16x128xi32, #tpu.memory_space<vmem>> -> memref<1x128xi32, #tpu.memory_space<vmem>>
    %dma_wait3A_3147 = tpu.memref_squeeze %dma_wait3A_3146 : memref<1x128xi32, #tpu.memory_space<vmem>> -> memref<128xi32, #tpu.memory_space<vmem>>
    %dma_wait3A_3148 = arith.constant 0 : i32
    %dma_wait3A_3149 = tpu.memref_slice %arg9[%dma_wait3A_3148] : memref<32768xi32, #tpu.memory_space<vmem_shared>> -> memref<32768xi32, #tpu.memory_space<vmem_shared>>
    tpu.wait_indirect_dma semaphore(%arg10 : memref<!tpu.dma_semaphore, #tpu.memory_space<semaphore_mem>>) src(%dma_wait3A_3144 : memref<128xi32, #tpu.memory_space<vmem>>) dst(%dma_wait3A_3149 : memref<32768xi32, #tpu.memory_space<vmem_shared>>)
    %dma_wait3A_3150 = arith.constant 5 : i32
    %dma_wait3A_3151 = arith.constant 5 : i32
    %dma_wait3A_3152 = arith.constant 0 : i32
    %dma_wait3A_3153 = tpu.memref_slice %arg8[%dma_wait3A_3150, %dma_wait3A_3152] : memref<16x128xi32, #tpu.memory_space<vmem>> -> memref<1x128xi32, #tpu.memory_space<vmem>>
    %dma_wait3A_3154 = tpu.memref_squeeze %dma_wait3A_3153 : memref<1x128xi32, #tpu.memory_space<vmem>> -> memref<128xi32, #tpu.memory_space<vmem>>
    %dma_wait3A_3155 = arith.constant 0 : i32
    %dma_wait3A_3156 = tpu.memref_slice %arg7[%dma_wait3A_3151, %dma_wait3A_3155] : memref<16x128xi32, #tpu.memory_space<vmem>> -> memref<1x128xi32, #tpu.memory_space<vmem>>
    %dma_wait3A_3157 = tpu.memref_squeeze %dma_wait3A_3156 : memref<1x128xi32, #tpu.memory_space<vmem>> -> memref<128xi32, #tpu.memory_space<vmem>>
    %dma_wait3A_3158 = arith.constant 0 : i32
    %dma_wait3A_3159 = tpu.memref_slice %arg9[%dma_wait3A_3158] : memref<32768xi32, #tpu.memory_space<vmem_shared>> -> memref<32768xi32, #tpu.memory_space<vmem_shared>>
    tpu.wait_indirect_dma semaphore(%arg10 : memref<!tpu.dma_semaphore, #tpu.memory_space<semaphore_mem>>) src(%dma_wait3A_3154 : memref<128xi32, #tpu.memory_space<vmem>>) dst(%dma_wait3A_3159 : memref<32768xi32, #tpu.memory_space<vmem_shared>>)
    %dma_wait3A_3160 = arith.constant 6 : i32
    %dma_wait3A_3161 = arith.constant 6 : i32
    %dma_wait3A_3162 = arith.constant 0 : i32
    %dma_wait3A_3163 = tpu.memref_slice %arg8[%dma_wait3A_3160, %dma_wait3A_3162] : memref<16x128xi32, #tpu.memory_space<vmem>> -> memref<1x128xi32, #tpu.memory_space<vmem>>
    %dma_wait3A_3164 = tpu.memref_squeeze %dma_wait3A_3163 : memref<1x128xi32, #tpu.memory_space<vmem>> -> memref<128xi32, #tpu.memory_space<vmem>>
    %dma_wait3A_3165 = arith.constant 0 : i32
    %dma_wait3A_3166 = tpu.memref_slice %arg7[%dma_wait3A_3161, %dma_wait3A_3165] : memref<16x128xi32, #tpu.memory_space<vmem>> -> memref<1x128xi32, #tpu.memory_space<vmem>>
    %dma_wait3A_3167 = tpu.memref_squeeze %dma_wait3A_3166 : memref<1x128xi32, #tpu.memory_space<vmem>> -> memref<128xi32, #tpu.memory_space<vmem>>
    %dma_wait3A_3168 = arith.constant 0 : i32
    %dma_wait3A_3169 = tpu.memref_slice %arg9[%dma_wait3A_3168] : memref<32768xi32, #tpu.memory_space<vmem_shared>> -> memref<32768xi32, #tpu.memory_space<vmem_shared>>
    tpu.wait_indirect_dma semaphore(%arg10 : memref<!tpu.dma_semaphore, #tpu.memory_space<semaphore_mem>>) src(%dma_wait3A_3164 : memref<128xi32, #tpu.memory_space<vmem>>) dst(%dma_wait3A_3169 : memref<32768xi32, #tpu.memory_space<vmem_shared>>)
    %dma_wait3A_3170 = arith.constant 7 : i32
    %dma_wait3A_3171 = arith.constant 7 : i32
    %dma_wait3A_3172 = arith.constant 0 : i32
    %dma_wait3A_3173 = tpu.memref_slice %arg8[%dma_wait3A_3170, %dma_wait3A_3172] : memref<16x128xi32, #tpu.memory_space<vmem>> -> memref<1x128xi32, #tpu.memory_space<vmem>>
    %dma_wait3A_3174 = tpu.memref_squeeze %dma_wait3A_3173 : memref<1x128xi32, #tpu.memory_space<vmem>> -> memref<128xi32, #tpu.memory_space<vmem>>
    %dma_wait3A_3175 = arith.constant 0 : i32
    %dma_wait3A_3176 = tpu.memref_slice %arg7[%dma_wait3A_3171, %dma_wait3A_3175] : memref<16x128xi32, #tpu.memory_space<vmem>> -> memref<1x128xi32, #tpu.memory_space<vmem>>
    %dma_wait3A_3177 = tpu.memref_squeeze %dma_wait3A_3176 : memref<1x128xi32, #tpu.memory_space<vmem>> -> memref<128xi32, #tpu.memory_space<vmem>>
    %dma_wait3A_3178 = arith.constant 0 : i32
    %dma_wait3A_3179 = tpu.memref_slice %arg9[%dma_wait3A_3178] : memref<32768xi32, #tpu.memory_space<vmem_shared>> -> memref<32768xi32, #tpu.memory_space<vmem_shared>>
    tpu.wait_indirect_dma semaphore(%arg10 : memref<!tpu.dma_semaphore, #tpu.memory_space<semaphore_mem>>) src(%dma_wait3A_3174 : memref<128xi32, #tpu.memory_space<vmem>>) dst(%dma_wait3A_3179 : memref<32768xi32, #tpu.memory_space<vmem_shared>>)
    %dma_wait3A_3180 = arith.constant 8 : i32
    %dma_wait3A_3181 = arith.constant 8 : i32
    %dma_wait3A_3182 = arith.constant 0 : i32
    %dma_wait3A_3183 = tpu.memref_slice %arg8[%dma_wait3A_3180, %dma_wait3A_3182] : memref<16x128xi32, #tpu.memory_space<vmem>> -> memref<1x128xi32, #tpu.memory_space<vmem>>
    %dma_wait3A_3184 = tpu.memref_squeeze %dma_wait3A_3183 : memref<1x128xi32, #tpu.memory_space<vmem>> -> memref<128xi32, #tpu.memory_space<vmem>>
    %dma_wait3A_3185 = arith.constant 0 : i32
    %dma_wait3A_3186 = tpu.memref_slice %arg7[%dma_wait3A_3181, %dma_wait3A_3185] : memref<16x128xi32, #tpu.memory_space<vmem>> -> memref<1x128xi32, #tpu.memory_space<vmem>>
    %dma_wait3A_3187 = tpu.memref_squeeze %dma_wait3A_3186 : memref<1x128xi32, #tpu.memory_space<vmem>> -> memref<128xi32, #tpu.memory_space<vmem>>
    %dma_wait3A_3188 = arith.constant 0 : i32
    %dma_wait3A_3189 = tpu.memref_slice %arg9[%dma_wait3A_3188] : memref<32768xi32, #tpu.memory_space<vmem_shared>> -> memref<32768xi32, #tpu.memory_space<vmem_shared>>
    tpu.wait_indirect_dma semaphore(%arg10 : memref<!tpu.dma_semaphore, #tpu.memory_space<semaphore_mem>>) src(%dma_wait3A_3184 : memref<128xi32, #tpu.memory_space<vmem>>) dst(%dma_wait3A_3189 : memref<32768xi32, #tpu.memory_space<vmem_shared>>)
    %dma_wait3A_3190 = arith.constant 9 : i32
    %dma_wait3A_3191 = arith.constant 9 : i32
    %dma_wait3A_3192 = arith.constant 0 : i32
    %dma_wait3A_3193 = tpu.memref_slice %arg8[%dma_wait3A_3190, %dma_wait3A_3192] : memref<16x128xi32, #tpu.memory_space<vmem>> -> memref<1x128xi32, #tpu.memory_space<vmem>>
    %dma_wait3A_3194 = tpu.memref_squeeze %dma_wait3A_3193 : memref<1x128xi32, #tpu.memory_space<vmem>> -> memref<128xi32, #tpu.memory_space<vmem>>
    %dma_wait3A_3195 = arith.constant 0 : i32
    %dma_wait3A_3196 = tpu.memref_slice %arg7[%dma_wait3A_3191, %dma_wait3A_3195] : memref<16x128xi32, #tpu.memory_space<vmem>> -> memref<1x128xi32, #tpu.memory_space<vmem>>
    %dma_wait3A_3197 = tpu.memref_squeeze %dma_wait3A_3196 : memref<1x128xi32, #tpu.memory_space<vmem>> -> memref<128xi32, #tpu.memory_space<vmem>>
    %dma_wait3A_3198 = arith.constant 0 : i32
    %dma_wait3A_3199 = tpu.memref_slice %arg9[%dma_wait3A_3198] : memref<32768xi32, #tpu.memory_space<vmem_shared>> -> memref<32768xi32, #tpu.memory_space<vmem_shared>>
    tpu.wait_indirect_dma semaphore(%arg10 : memref<!tpu.dma_semaphore, #tpu.memory_space<semaphore_mem>>) src(%dma_wait3A_3194 : memref<128xi32, #tpu.memory_space<vmem>>) dst(%dma_wait3A_3199 : memref<32768xi32, #tpu.memory_space<vmem_shared>>)
    %dma_wait3A_3200 = arith.constant 10 : i32
    %dma_wait3A_3201 = arith.constant 10 : i32
    %dma_wait3A_3202 = arith.constant 0 : i32
    %dma_wait3A_3203 = tpu.memref_slice %arg8[%dma_wait3A_3200, %dma_wait3A_3202] : memref<16x128xi32, #tpu.memory_space<vmem>> -> memref<1x128xi32, #tpu.memory_space<vmem>>
    %dma_wait3A_3204 = tpu.memref_squeeze %dma_wait3A_3203 : memref<1x128xi32, #tpu.memory_space<vmem>> -> memref<128xi32, #tpu.memory_space<vmem>>
    %dma_wait3A_3205 = arith.constant 0 : i32
    %dma_wait3A_3206 = tpu.memref_slice %arg7[%dma_wait3A_3201, %dma_wait3A_3205] : memref<16x128xi32, #tpu.memory_space<vmem>> -> memref<1x128xi32, #tpu.memory_space<vmem>>
    %dma_wait3A_3207 = tpu.memref_squeeze %dma_wait3A_3206 : memref<1x128xi32, #tpu.memory_space<vmem>> -> memref<128xi32, #tpu.memory_space<vmem>>
    %dma_wait3A_3208 = arith.constant 0 : i32
    %dma_wait3A_3209 = tpu.memref_slice %arg9[%dma_wait3A_3208] : memref<32768xi32, #tpu.memory_space<vmem_shared>> -> memref<32768xi32, #tpu.memory_space<vmem_shared>>
    tpu.wait_indirect_dma semaphore(%arg10 : memref<!tpu.dma_semaphore, #tpu.memory_space<semaphore_mem>>) src(%dma_wait3A_3204 : memref<128xi32, #tpu.memory_space<vmem>>) dst(%dma_wait3A_3209 : memref<32768xi32, #tpu.memory_space<vmem_shared>>)
    %dma_wait3A_3210 = arith.constant 11 : i32
    %dma_wait3A_3211 = arith.constant 11 : i32
    %dma_wait3A_3212 = arith.constant 0 : i32
    %dma_wait3A_3213 = tpu.memref_slice %arg8[%dma_wait3A_3210, %dma_wait3A_3212] : memref<16x128xi32, #tpu.memory_space<vmem>> -> memref<1x128xi32, #tpu.memory_space<vmem>>
    %dma_wait3A_3214 = tpu.memref_squeeze %dma_wait3A_3213 : memref<1x128xi32, #tpu.memory_space<vmem>> -> memref<128xi32, #tpu.memory_space<vmem>>
    %dma_wait3A_3215 = arith.constant 0 : i32
    %dma_wait3A_3216 = tpu.memref_slice %arg7[%dma_wait3A_3211, %dma_wait3A_3215] : memref<16x128xi32, #tpu.memory_space<vmem>> -> memref<1x128xi32, #tpu.memory_space<vmem>>
    %dma_wait3A_3217 = tpu.memref_squeeze %dma_wait3A_3216 : memref<1x128xi32, #tpu.memory_space<vmem>> -> memref<128xi32, #tpu.memory_space<vmem>>
    %dma_wait3A_3218 = arith.constant 0 : i32
    %dma_wait3A_3219 = tpu.memref_slice %arg9[%dma_wait3A_3218] : memref<32768xi32, #tpu.memory_space<vmem_shared>> -> memref<32768xi32, #tpu.memory_space<vmem_shared>>
    tpu.wait_indirect_dma semaphore(%arg10 : memref<!tpu.dma_semaphore, #tpu.memory_space<semaphore_mem>>) src(%dma_wait3A_3214 : memref<128xi32, #tpu.memory_space<vmem>>) dst(%dma_wait3A_3219 : memref<32768xi32, #tpu.memory_space<vmem_shared>>)
    %dma_wait3A_3220 = arith.constant 12 : i32
    %dma_wait3A_3221 = arith.constant 12 : i32
    %dma_wait3A_3222 = arith.constant 0 : i32
    %dma_wait3A_3223 = tpu.memref_slice %arg8[%dma_wait3A_3220, %dma_wait3A_3222] : memref<16x128xi32, #tpu.memory_space<vmem>> -> memref<1x128xi32, #tpu.memory_space<vmem>>
    %dma_wait3A_3224 = tpu.memref_squeeze %dma_wait3A_3223 : memref<1x128xi32, #tpu.memory_space<vmem>> -> memref<128xi32, #tpu.memory_space<vmem>>
    %dma_wait3A_3225 = arith.constant 0 : i32
    %dma_wait3A_3226 = tpu.memref_slice %arg7[%dma_wait3A_3221, %dma_wait3A_3225] : memref<16x128xi32, #tpu.memory_space<vmem>> -> memref<1x128xi32, #tpu.memory_space<vmem>>
    %dma_wait3A_3227 = tpu.memref_squeeze %dma_wait3A_3226 : memref<1x128xi32, #tpu.memory_space<vmem>> -> memref<128xi32, #tpu.memory_space<vmem>>
    %dma_wait3A_3228 = arith.constant 0 : i32
    %dma_wait3A_3229 = tpu.memref_slice %arg9[%dma_wait3A_3228] : memref<32768xi32, #tpu.memory_space<vmem_shared>> -> memref<32768xi32, #tpu.memory_space<vmem_shared>>
    tpu.wait_indirect_dma semaphore(%arg10 : memref<!tpu.dma_semaphore, #tpu.memory_space<semaphore_mem>>) src(%dma_wait3A_3224 : memref<128xi32, #tpu.memory_space<vmem>>) dst(%dma_wait3A_3229 : memref<32768xi32, #tpu.memory_space<vmem_shared>>)
    %dma_wait3A_3230 = arith.constant 13 : i32
    %dma_wait3A_3231 = arith.constant 13 : i32
    %dma_wait3A_3232 = arith.constant 0 : i32
    %dma_wait3A_3233 = tpu.memref_slice %arg8[%dma_wait3A_3230, %dma_wait3A_3232] : memref<16x128xi32, #tpu.memory_space<vmem>> -> memref<1x128xi32, #tpu.memory_space<vmem>>
    %dma_wait3A_3234 = tpu.memref_squeeze %dma_wait3A_3233 : memref<1x128xi32, #tpu.memory_space<vmem>> -> memref<128xi32, #tpu.memory_space<vmem>>
    %dma_wait3A_3235 = arith.constant 0 : i32
    %dma_wait3A_3236 = tpu.memref_slice %arg7[%dma_wait3A_3231, %dma_wait3A_3235] : memref<16x128xi32, #tpu.memory_space<vmem>> -> memref<1x128xi32, #tpu.memory_space<vmem>>
    %dma_wait3A_3237 = tpu.memref_squeeze %dma_wait3A_3236 : memref<1x128xi32, #tpu.memory_space<vmem>> -> memref<128xi32, #tpu.memory_space<vmem>>
    %dma_wait3A_3238 = arith.constant 0 : i32
    %dma_wait3A_3239 = tpu.memref_slice %arg9[%dma_wait3A_3238] : memref<32768xi32, #tpu.memory_space<vmem_shared>> -> memref<32768xi32, #tpu.memory_space<vmem_shared>>
    tpu.wait_indirect_dma semaphore(%arg10 : memref<!tpu.dma_semaphore, #tpu.memory_space<semaphore_mem>>) src(%dma_wait3A_3234 : memref<128xi32, #tpu.memory_space<vmem>>) dst(%dma_wait3A_3239 : memref<32768xi32, #tpu.memory_space<vmem_shared>>)
    %dma_wait3A_3240 = arith.constant 14 : i32
    %dma_wait3A_3241 = arith.constant 14 : i32
    %dma_wait3A_3242 = arith.constant 0 : i32
    %dma_wait3A_3243 = tpu.memref_slice %arg8[%dma_wait3A_3240, %dma_wait3A_3242] : memref<16x128xi32, #tpu.memory_space<vmem>> -> memref<1x128xi32, #tpu.memory_space<vmem>>
    %dma_wait3A_3244 = tpu.memref_squeeze %dma_wait3A_3243 : memref<1x128xi32, #tpu.memory_space<vmem>> -> memref<128xi32, #tpu.memory_space<vmem>>
    %dma_wait3A_3245 = arith.constant 0 : i32
    %dma_wait3A_3246 = tpu.memref_slice %arg7[%dma_wait3A_3241, %dma_wait3A_3245] : memref<16x128xi32, #tpu.memory_space<vmem>> -> memref<1x128xi32, #tpu.memory_space<vmem>>
    %dma_wait3A_3247 = tpu.memref_squeeze %dma_wait3A_3246 : memref<1x128xi32, #tpu.memory_space<vmem>> -> memref<128xi32, #tpu.memory_space<vmem>>
    %dma_wait3A_3248 = arith.constant 0 : i32
    %dma_wait3A_3249 = tpu.memref_slice %arg9[%dma_wait3A_3248] : memref<32768xi32, #tpu.memory_space<vmem_shared>> -> memref<32768xi32, #tpu.memory_space<vmem_shared>>
    tpu.wait_indirect_dma semaphore(%arg10 : memref<!tpu.dma_semaphore, #tpu.memory_space<semaphore_mem>>) src(%dma_wait3A_3244 : memref<128xi32, #tpu.memory_space<vmem>>) dst(%dma_wait3A_3249 : memref<32768xi32, #tpu.memory_space<vmem_shared>>)
    %dma_wait3A_3250 = arith.constant 15 : i32
    %dma_wait3A_3251 = arith.constant 15 : i32
    %dma_wait3A_3252 = arith.constant 0 : i32
    %dma_wait3A_3253 = tpu.memref_slice %arg8[%dma_wait3A_3250, %dma_wait3A_3252] : memref<16x128xi32, #tpu.memory_space<vmem>> -> memref<1x128xi32, #tpu.memory_space<vmem>>
    %dma_wait3A_3254 = tpu.memref_squeeze %dma_wait3A_3253 : memref<1x128xi32, #tpu.memory_space<vmem>> -> memref<128xi32, #tpu.memory_space<vmem>>
    %dma_wait3A_3255 = arith.constant 0 : i32
    %dma_wait3A_3256 = tpu.memref_slice %arg7[%dma_wait3A_3251, %dma_wait3A_3255] : memref<16x128xi32, #tpu.memory_space<vmem>> -> memref<1x128xi32, #tpu.memory_space<vmem>>
    %dma_wait3A_3257 = tpu.memref_squeeze %dma_wait3A_3256 : memref<1x128xi32, #tpu.memory_space<vmem>> -> memref<128xi32, #tpu.memory_space<vmem>>
    %dma_wait3A_3258 = arith.constant 0 : i32
    %dma_wait3A_3259 = tpu.memref_slice %arg9[%dma_wait3A_3258] : memref<32768xi32, #tpu.memory_space<vmem_shared>> -> memref<32768xi32, #tpu.memory_space<vmem_shared>>
    tpu.wait_indirect_dma semaphore(%arg10 : memref<!tpu.dma_semaphore, #tpu.memory_space<semaphore_mem>>) src(%dma_wait3A_3254 : memref<128xi32, #tpu.memory_space<vmem>>) dst(%dma_wait3A_3259 : memref<32768xi32, #tpu.memory_space<vmem_shared>>)
    %barrier3A = arith.constant 0 : index
    tpu.barrier barrier_id(%barrier3A)
    %eq3A = arith.constant 0 : i32
    %eq3A_3260 = arith.cmpi eq, %arg1, %eq3A : i32
    %convert_element_type3A = arith.extui %eq3A_3260 : i1 to i32
    %cond3A = arith.constant 0 : i32
    %cond3A_3261 = arith.cmpi ne, %convert_element_type3A, %cond3A : i32
    scf.if %cond3A_3261 {
      "tpu.region"() ({
        %run_scoped3A = tpu.sem_alloc : memref<!tpu.dma_semaphore, #tpu.memory_space<semaphore_mem>>
        tpu.enqueue_dma source(%arg9 : memref<32768xi32, #tpu.memory_space<vmem_shared>>) target(%arg4 : memref<32768xi32, #tpu.memory_space<hbm>>) target_semaphore(%run_scoped3A : memref<!tpu.dma_semaphore, #tpu.memory_space<semaphore_mem>>)
        tpu.wait_dma2 semaphore(%run_scoped3A : memref<!tpu.dma_semaphore, #tpu.memory_space<semaphore_mem>>) src(%arg9 : memref<32768xi32, #tpu.memory_space<vmem_shared>>) dst(%arg4 : memref<32768xi32, #tpu.memory_space<hbm>>)
        tpu.yield
      }) : () -> ()
    } else {
    }
    return
  }
}

module attributes {stable_mosaic.version = 14 : i64} {
  func.func @_tc_body(%arg0: i32, %arg1: memref<1xf32, #tpu.memory_space<smem>>, %arg2: memref<4096x768xf32, #tpu.memory_space<vmem>>, %arg3: memref<768x64xf32, #tpu.memory_space<vmem>>, %arg4: memref<32x128xi32, #tpu.memory_space<vmem>>, %arg5: memref<1x64xi32, #tpu.memory_space<vmem>>, %arg6: memref<1x1xf32, #tpu.memory_space<vmem>>, %arg7: memref<1x64xi32, #tpu.memory_space<vmem>>, %arg8: memref<1x64xf32, #tpu.memory_space<vmem>>, %arg9: memref<1x64xf32, #tpu.memory_space<vmem>>, %arg10: memref<256x256xbf16, #tpu.memory_space<vmem>>) attributes {dimension_semantics = [#tpu.dimension_semantics<arbitrary>], iteration_bounds = array<i64: 8>, scalar_prefetch = 0 : i64, scratch_operands = 3 : i64, tpu.core_type = #tpu.core_type<tc>, window_params = [{transform_indices = @transform_0, window_bounds = array<i64: 1>}, {transform_indices = @transform_1, window_bounds = array<i64: 4096, 768>}, {pipeline_mode = #tpu.pipeline_mode<synchronous>, transform_indices = @transform_2, window_bounds = array<i64: 768, 64>}, {transform_indices = @transform_3, window_bounds = array<i64: 32, 128>}, {pipeline_mode = #tpu.pipeline_mode<synchronous>, transform_indices = @transform_4, window_bounds = array<i64: 1, 64>}, {pipeline_mode = #tpu.pipeline_mode<synchronous>, transform_indices = @transform_5, window_bounds = array<i64: 1, 1>}, {pipeline_mode = #tpu.pipeline_mode<synchronous>, transform_indices = @transform_6, window_bounds = array<i64: 1, 64>}]} {
    %eq3A = arith.constant 0 : i32
    %eq3A_0 = arith.cmpi eq, %arg0, %eq3A : i32
    %convert_element_type3A = arith.extui %eq3A_0 : i1 to i32
    %cond3A = arith.constant 0 : i32
    %cond3A_1 = arith.cmpi ne, %convert_element_type3A, %cond3A : i32
    scf.if %cond3A_1 {
      %broadcast_in_dim3A_282 = arith.constant 0.000000e+00 : f32
      %broadcast_in_dim3A_283 = vector.broadcast %broadcast_in_dim3A_282 : f32 to vector<1x64xf32>
      %swap3A_284 = arith.constant 0 : index
      %swap3A_285 = arith.constant 0 : index
      %swap3A_286 = vector.load %arg8[%swap3A_284, %swap3A_285] : memref<1x64xf32, #tpu.memory_space<vmem>>, vector<1x64xf32>
      tpu.vector_store %arg8[%swap3A_284, %swap3A_285], %broadcast_in_dim3A_283 {strides = array<i32>} : memref<1x64xf32, #tpu.memory_space<vmem>>, vector<1x64xf32>,
      %broadcast_in_dim3A_287 = arith.constant 0.000000e+00 : f32
      %broadcast_in_dim3A_288 = vector.broadcast %broadcast_in_dim3A_287 : f32 to vector<1x64xf32>
      %swap3A_289 = arith.constant 0 : index
      %swap3A_290 = arith.constant 0 : index
      %swap3A_291 = vector.load %arg9[%swap3A_289, %swap3A_290] : memref<1x64xf32, #tpu.memory_space<vmem>>, vector<1x64xf32>
      tpu.vector_store %arg9[%swap3A_289, %swap3A_290], %broadcast_in_dim3A_288 {strides = array<i32>} : memref<1x64xf32, #tpu.memory_space<vmem>>, vector<1x64xf32>,
      %iota3A_292 = tpu.iota {dimensions = array<i32: 0>} : vector<256x256xi32>
      %iota3A_293 = tpu.iota {dimensions = array<i32: 1>} : vector<256x256xi32>
      %lt3A = arith.cmpi slt, %iota3A_293, %iota3A_292 : vector<256x256xi32>
      %convert_element_type3A_294 = arith.extui %lt3A : vector<256x256xi1> to vector<256x256xi32>
      %convert_element_type3A_295 = arith.sitofp %convert_element_type3A_294 : vector<256x256xi32> to vector<256x256xf32>
      %convert_element_type3A_296 = arith.truncf %convert_element_type3A_295 : vector<256x256xf32> to vector<256x256xbf16>
      %swap3A_297 = arith.constant 0 : index
      %swap3A_298 = arith.constant 0 : index
      %swap3A_299 = vector.load %arg10[%swap3A_297, %swap3A_298] : memref<256x256xbf16, #tpu.memory_space<vmem>>, vector<256x256xbf16>
      tpu.vector_store %arg10[%swap3A_297, %swap3A_298], %convert_element_type3A_296 {strides = array<i32>} : memref<256x256xbf16, #tpu.memory_space<vmem>>, vector<256x256xbf16>,
    } else {
    }
    %get3A = arith.constant 0 : index
    %get3A_2 = arith.constant 0 : index
    %get3A_3 = vector.load %arg2[%get3A, %get3A_2] : memref<4096x768xf32, #tpu.memory_space<vmem>>, vector<4096x768xf32>
    %mul3A = arith.mulf %get3A_3, %get3A_3 : vector<4096x768xf32>
    %reduce_sum3A = arith.constant dense<0.000000e+00> : vector<4096xf32>
    %reduce_sum3A_4 = vector.multi_reduction <add>, %mul3A, %reduce_sum3A [1] : vector<4096x768xf32> to vector<4096xf32>
    %broadcast_in_dim3A = vector.shape_cast %reduce_sum3A_4 : vector<4096xf32> to vector<4096x1xf32>
    %sqrt3A = math.sqrt %broadcast_in_dim3A : vector<4096x1xf32>
    %max3A = arith.constant 9.99999974E-5 : f32
    %max3A_5 = vector.broadcast %max3A : f32 to vector<4096x1xf32>
    %max3A_6 = arith.maximumf %sqrt3A, %max3A_5 : vector<4096x1xf32>
    %div3A = vector.broadcast %max3A_6 : vector<4096x1xf32> to vector<4096x768xf32>
    %div3A_7 = arith.divf %get3A_3, %div3A : vector<4096x768xf32>
    %get3A_8 = arith.constant 0 : index
    %get3A_9 = arith.constant 0 : index
    %get3A_10 = vector.load %arg3[%get3A_8, %get3A_9] : memref<768x64xf32, #tpu.memory_space<vmem>>, vector<768x64xf32>
    %dot_general3A = arith.constant dense<0.000000e+00> : vector<4096x64xf32>
    %dot_general3A_11 = tpu.matmul %div3A_7, %get3A_10, %dot_general3A {dimension_numbers = #tpu.dot_dimension_numbers<[1], [0], [0], [1], [0, 0, 1, 1], [], []>, transpose_lhs_hint = false} : vector<4096x768xf32>, vector<768x64xf32>, vector<4096x64xf32> -> vector<4096x64xf32>
    %get3A_12 = arith.constant 0 : index
    %get3A_13 = memref.load %arg1[%get3A_12] : memref<1xf32, #tpu.memory_space<smem>>
    %max3A_14 = arith.constant 9.99999974E-5 : f32
    %max3A_15 = arith.maximumf %get3A_13, %max3A_14 : f32
    %div3A_16 = vector.broadcast %max3A_15 : f32 to vector<4096x64xf32>
    %div3A_17 = arith.divf %dot_general3A_11, %div3A_16 : vector<4096x64xf32>
    %logistic3A = arith.negf %div3A_17 : vector<4096x64xf32>
    %logistic3A_18 = math.exp %logistic3A : vector<4096x64xf32>
    %logistic3A_19 = arith.constant 1.000000e+00 : f32
    %logistic3A_20 = vector.broadcast %logistic3A_19 : f32 to vector<4096x64xf32>
    %logistic3A_21 = arith.addf %logistic3A_20, %logistic3A_18 : vector<4096x64xf32>
    %logistic3A_22 = arith.divf %logistic3A_20, %logistic3A_21 : vector<4096x64xf32>
    %reduce_max3A = arith.constant dense<0xFF800000> : vector<4096xf32>
    %reduce_max3A_23 = vector.multi_reduction <maximumf>, %logistic3A_22, %reduce_max3A [1] : vector<4096x64xf32> to vector<4096xf32>
    %broadcast_in_dim3A_24 = vector.shape_cast %reduce_max3A_23 : vector<4096xf32> to vector<4096x1xf32>
    %iota3A = tpu.iota {dimensions = array<i32: 1>} : vector<4096x64xi32>
    %convert_element_type3A_25 = arith.sitofp %iota3A : vector<4096x64xi32> to vector<4096x64xf32>
    %eq3A_26 = vector.broadcast %broadcast_in_dim3A_24 : vector<4096x1xf32> to vector<4096x64xf32>
    %eq3A_27 = arith.cmpf oeq, %logistic3A_22, %eq3A_26 : vector<4096x64xf32>
    %jit3A = arith.constant 6.400000e+01 : f32
    %broadcast_in_dim3A_28 = vector.broadcast %jit3A : f32 to vector<4096x64xf32>
    %select_n3A = arith.select %eq3A_27, %convert_element_type3A_25, %broadcast_in_dim3A_28 : vector<4096x64xi1>, vector<4096x64xf32>
    %reduce_min3A = arith.constant dense<0x7F800000> : vector<4096xf32>
    %reduce_min3A_29 = vector.multi_reduction <minimumf>, %select_n3A, %reduce_min3A [1] : vector<4096x64xf32> to vector<4096xf32>
    %broadcast_in_dim3A_30 = vector.shape_cast %reduce_min3A_29 : vector<4096xf32> to vector<4096x1xf32>
    %eq3A_31 = vector.broadcast %broadcast_in_dim3A_30 : vector<4096x1xf32> to vector<4096x64xf32>
    %eq3A_32 = arith.cmpf oeq, %convert_element_type3A_25, %eq3A_31 : vector<4096x64xf32>
    %convert_element_type3A_33 = arith.extui %eq3A_32 : vector<4096x64xi1> to vector<4096x64xi32>
    %convert_element_type3A_34 = arith.sitofp %convert_element_type3A_33 : vector<4096x64xi32> to vector<4096x64xf32>
    %get3A_35 = arith.constant 0 : index
    %get3A_36 = arith.constant 0 : index
    %get3A_37 = vector.load %arg8[%get3A_35, %get3A_36] : memref<1x64xf32, #tpu.memory_space<vmem>>, vector<1x64xf32>
    %convert_element_type3A_38 = arith.truncf %convert_element_type3A_34 : vector<4096x64xf32> to vector<4096x64xbf16>
    %slice3A = vector.extract_strided_slice %convert_element_type3A_38 {offsets = [0, 0], sizes = [256, 64], strides = [1, 1]} : vector<4096x64xbf16> to vector<256x64xbf16>
    %get3A_39 = arith.constant 0 : index
    %get3A_40 = arith.constant 0 : index
    %get3A_41 = vector.load %arg10[%get3A_39, %get3A_40] : memref<256x256xbf16, #tpu.memory_space<vmem>>, vector<256x256xbf16>
    %dot_general3A_42 = arith.constant dense<0.000000e+00> : vector<256x64xf32>
    %dot_general3A_43 = tpu.matmul %get3A_41, %slice3A, %dot_general3A_42 {dimension_numbers = #tpu.dot_dimension_numbers<[1], [0], [0], [1], [0, 0, 1, 1], [], []>, transpose_lhs_hint = false} : vector<256x256xbf16>, vector<256x64xbf16>, vector<256x64xf32> -> vector<256x64xf32>
    %add3A = vector.broadcast %get3A_37 : vector<1x64xf32> to vector<256x64xf32>
    %add3A_44 = arith.addf %dot_general3A_43, %add3A : vector<256x64xf32>
    %slice3A_45 = vector.extract_strided_slice %convert_element_type3A_34 {offsets = [0, 0], sizes = [256, 64], strides = [1, 1]} : vector<4096x64xf32> to vector<256x64xf32>
    %reduce_sum3A_46 = arith.constant dense<0.000000e+00> : vector<64xf32>
    %reduce_sum3A_47 = vector.multi_reduction <add>, %slice3A_45, %reduce_sum3A_46 [0] : vector<256x64xf32> to vector<64xf32>
    %broadcast_in_dim3A_48 = vector.shape_cast %reduce_sum3A_47 : vector<64xf32> to vector<1x64xf32>
    %add3A_49 = arith.addf %get3A_37, %broadcast_in_dim3A_48 : vector<1x64xf32>
    %slice3A_50 = vector.extract_strided_slice %convert_element_type3A_38 {offsets = [256, 0], sizes = [256, 64], strides = [1, 1]} : vector<4096x64xbf16> to vector<256x64xbf16>
    %get3A_51 = arith.constant 0 : index
    %get3A_52 = arith.constant 0 : index
    %get3A_53 = vector.load %arg10[%get3A_51, %get3A_52] : memref<256x256xbf16, #tpu.memory_space<vmem>>, vector<256x256xbf16>
    %dot_general3A_54 = arith.constant dense<0.000000e+00> : vector<256x64xf32>
    %dot_general3A_55 = tpu.matmul %get3A_53, %slice3A_50, %dot_general3A_54 {dimension_numbers = #tpu.dot_dimension_numbers<[1], [0], [0], [1], [0, 0, 1, 1], [], []>, transpose_lhs_hint = false} : vector<256x256xbf16>, vector<256x64xbf16>, vector<256x64xf32> -> vector<256x64xf32>
    %add3A_56 = vector.broadcast %add3A_49 : vector<1x64xf32> to vector<256x64xf32>
    %add3A_57 = arith.addf %dot_general3A_55, %add3A_56 : vector<256x64xf32>
    %slice3A_58 = vector.extract_strided_slice %convert_element_type3A_34 {offsets = [256, 0], sizes = [256, 64], strides = [1, 1]} : vector<4096x64xf32> to vector<256x64xf32>
    %reduce_sum3A_59 = arith.constant dense<0.000000e+00> : vector<64xf32>
    %reduce_sum3A_60 = vector.multi_reduction <add>, %slice3A_58, %reduce_sum3A_59 [0] : vector<256x64xf32> to vector<64xf32>
    %broadcast_in_dim3A_61 = vector.shape_cast %reduce_sum3A_60 : vector<64xf32> to vector<1x64xf32>
    %add3A_62 = arith.addf %add3A_49, %broadcast_in_dim3A_61 : vector<1x64xf32>
    %slice3A_63 = vector.extract_strided_slice %convert_element_type3A_38 {offsets = [512, 0], sizes = [256, 64], strides = [1, 1]} : vector<4096x64xbf16> to vector<256x64xbf16>
    %get3A_64 = arith.constant 0 : index
    %get3A_65 = arith.constant 0 : index
    %get3A_66 = vector.load %arg10[%get3A_64, %get3A_65] : memref<256x256xbf16, #tpu.memory_space<vmem>>, vector<256x256xbf16>
    %dot_general3A_67 = arith.constant dense<0.000000e+00> : vector<256x64xf32>
    %dot_general3A_68 = tpu.matmul %get3A_66, %slice3A_63, %dot_general3A_67 {dimension_numbers = #tpu.dot_dimension_numbers<[1], [0], [0], [1], [0, 0, 1, 1], [], []>, transpose_lhs_hint = false} : vector<256x256xbf16>, vector<256x64xbf16>, vector<256x64xf32> -> vector<256x64xf32>
    %add3A_69 = vector.broadcast %add3A_62 : vector<1x64xf32> to vector<256x64xf32>
    %add3A_70 = arith.addf %dot_general3A_68, %add3A_69 : vector<256x64xf32>
    %slice3A_71 = vector.extract_strided_slice %convert_element_type3A_34 {offsets = [512, 0], sizes = [256, 64], strides = [1, 1]} : vector<4096x64xf32> to vector<256x64xf32>
    %reduce_sum3A_72 = arith.constant dense<0.000000e+00> : vector<64xf32>
    %reduce_sum3A_73 = vector.multi_reduction <add>, %slice3A_71, %reduce_sum3A_72 [0] : vector<256x64xf32> to vector<64xf32>
    %broadcast_in_dim3A_74 = vector.shape_cast %reduce_sum3A_73 : vector<64xf32> to vector<1x64xf32>
    %add3A_75 = arith.addf %add3A_62, %broadcast_in_dim3A_74 : vector<1x64xf32>
    %slice3A_76 = vector.extract_strided_slice %convert_element_type3A_38 {offsets = [768, 0], sizes = [256, 64], strides = [1, 1]} : vector<4096x64xbf16> to vector<256x64xbf16>
    %get3A_77 = arith.constant 0 : index
    %get3A_78 = arith.constant 0 : index
    %get3A_79 = vector.load %arg10[%get3A_77, %get3A_78] : memref<256x256xbf16, #tpu.memory_space<vmem>>, vector<256x256xbf16>
    %dot_general3A_80 = arith.constant dense<0.000000e+00> : vector<256x64xf32>
    %dot_general3A_81 = tpu.matmul %get3A_79, %slice3A_76, %dot_general3A_80 {dimension_numbers = #tpu.dot_dimension_numbers<[1], [0], [0], [1], [0, 0, 1, 1], [], []>, transpose_lhs_hint = false} : vector<256x256xbf16>, vector<256x64xbf16>, vector<256x64xf32> -> vector<256x64xf32>
    %add3A_82 = vector.broadcast %add3A_75 : vector<1x64xf32> to vector<256x64xf32>
    %add3A_83 = arith.addf %dot_general3A_81, %add3A_82 : vector<256x64xf32>
    %slice3A_84 = vector.extract_strided_slice %convert_element_type3A_34 {offsets = [768, 0], sizes = [256, 64], strides = [1, 1]} : vector<4096x64xf32> to vector<256x64xf32>
    %reduce_sum3A_85 = arith.constant dense<0.000000e+00> : vector<64xf32>
    %reduce_sum3A_86 = vector.multi_reduction <add>, %slice3A_84, %reduce_sum3A_85 [0] : vector<256x64xf32> to vector<64xf32>
    %broadcast_in_dim3A_87 = vector.shape_cast %reduce_sum3A_86 : vector<64xf32> to vector<1x64xf32>
    %add3A_88 = arith.addf %add3A_75, %broadcast_in_dim3A_87 : vector<1x64xf32>
    %slice3A_89 = vector.extract_strided_slice %convert_element_type3A_38 {offsets = [1024, 0], sizes = [256, 64], strides = [1, 1]} : vector<4096x64xbf16> to vector<256x64xbf16>
    %get3A_90 = arith.constant 0 : index
    %get3A_91 = arith.constant 0 : index
    %get3A_92 = vector.load %arg10[%get3A_90, %get3A_91] : memref<256x256xbf16, #tpu.memory_space<vmem>>, vector<256x256xbf16>
    %dot_general3A_93 = arith.constant dense<0.000000e+00> : vector<256x64xf32>
    %dot_general3A_94 = tpu.matmul %get3A_92, %slice3A_89, %dot_general3A_93 {dimension_numbers = #tpu.dot_dimension_numbers<[1], [0], [0], [1], [0, 0, 1, 1], [], []>, transpose_lhs_hint = false} : vector<256x256xbf16>, vector<256x64xbf16>, vector<256x64xf32> -> vector<256x64xf32>
    %add3A_95 = vector.broadcast %add3A_88 : vector<1x64xf32> to vector<256x64xf32>
    %add3A_96 = arith.addf %dot_general3A_94, %add3A_95 : vector<256x64xf32>
    %slice3A_97 = vector.extract_strided_slice %convert_element_type3A_34 {offsets = [1024, 0], sizes = [256, 64], strides = [1, 1]} : vector<4096x64xf32> to vector<256x64xf32>
    %reduce_sum3A_98 = arith.constant dense<0.000000e+00> : vector<64xf32>
    %reduce_sum3A_99 = vector.multi_reduction <add>, %slice3A_97, %reduce_sum3A_98 [0] : vector<256x64xf32> to vector<64xf32>
    %broadcast_in_dim3A_100 = vector.shape_cast %reduce_sum3A_99 : vector<64xf32> to vector<1x64xf32>
    %add3A_101 = arith.addf %add3A_88, %broadcast_in_dim3A_100 : vector<1x64xf32>
    %slice3A_102 = vector.extract_strided_slice %convert_element_type3A_38 {offsets = [1280, 0], sizes = [256, 64], strides = [1, 1]} : vector<4096x64xbf16> to vector<256x64xbf16>
    %get3A_103 = arith.constant 0 : index
    %get3A_104 = arith.constant 0 : index
    %get3A_105 = vector.load %arg10[%get3A_103, %get3A_104] : memref<256x256xbf16, #tpu.memory_space<vmem>>, vector<256x256xbf16>
    %dot_general3A_106 = arith.constant dense<0.000000e+00> : vector<256x64xf32>
    %dot_general3A_107 = tpu.matmul %get3A_105, %slice3A_102, %dot_general3A_106 {dimension_numbers = #tpu.dot_dimension_numbers<[1], [0], [0], [1], [0, 0, 1, 1], [], []>, transpose_lhs_hint = false} : vector<256x256xbf16>, vector<256x64xbf16>, vector<256x64xf32> -> vector<256x64xf32>
    %add3A_108 = vector.broadcast %add3A_101 : vector<1x64xf32> to vector<256x64xf32>
    %add3A_109 = arith.addf %dot_general3A_107, %add3A_108 : vector<256x64xf32>
    %slice3A_110 = vector.extract_strided_slice %convert_element_type3A_34 {offsets = [1280, 0], sizes = [256, 64], strides = [1, 1]} : vector<4096x64xf32> to vector<256x64xf32>
    %reduce_sum3A_111 = arith.constant dense<0.000000e+00> : vector<64xf32>
    %reduce_sum3A_112 = vector.multi_reduction <add>, %slice3A_110, %reduce_sum3A_111 [0] : vector<256x64xf32> to vector<64xf32>
    %broadcast_in_dim3A_113 = vector.shape_cast %reduce_sum3A_112 : vector<64xf32> to vector<1x64xf32>
    %add3A_114 = arith.addf %add3A_101, %broadcast_in_dim3A_113 : vector<1x64xf32>
    %slice3A_115 = vector.extract_strided_slice %convert_element_type3A_38 {offsets = [1536, 0], sizes = [256, 64], strides = [1, 1]} : vector<4096x64xbf16> to vector<256x64xbf16>
    %get3A_116 = arith.constant 0 : index
    %get3A_117 = arith.constant 0 : index
    %get3A_118 = vector.load %arg10[%get3A_116, %get3A_117] : memref<256x256xbf16, #tpu.memory_space<vmem>>, vector<256x256xbf16>
    %dot_general3A_119 = arith.constant dense<0.000000e+00> : vector<256x64xf32>
    %dot_general3A_120 = tpu.matmul %get3A_118, %slice3A_115, %dot_general3A_119 {dimension_numbers = #tpu.dot_dimension_numbers<[1], [0], [0], [1], [0, 0, 1, 1], [], []>, transpose_lhs_hint = false} : vector<256x256xbf16>, vector<256x64xbf16>, vector<256x64xf32> -> vector<256x64xf32>
    %add3A_121 = vector.broadcast %add3A_114 : vector<1x64xf32> to vector<256x64xf32>
    %add3A_122 = arith.addf %dot_general3A_120, %add3A_121 : vector<256x64xf32>
    %slice3A_123 = vector.extract_strided_slice %convert_element_type3A_34 {offsets = [1536, 0], sizes = [256, 64], strides = [1, 1]} : vector<4096x64xf32> to vector<256x64xf32>
    %reduce_sum3A_124 = arith.constant dense<0.000000e+00> : vector<64xf32>
    %reduce_sum3A_125 = vector.multi_reduction <add>, %slice3A_123, %reduce_sum3A_124 [0] : vector<256x64xf32> to vector<64xf32>
    %broadcast_in_dim3A_126 = vector.shape_cast %reduce_sum3A_125 : vector<64xf32> to vector<1x64xf32>
    %add3A_127 = arith.addf %add3A_114, %broadcast_in_dim3A_126 : vector<1x64xf32>
    %slice3A_128 = vector.extract_strided_slice %convert_element_type3A_38 {offsets = [1792, 0], sizes = [256, 64], strides = [1, 1]} : vector<4096x64xbf16> to vector<256x64xbf16>
    %get3A_129 = arith.constant 0 : index
    %get3A_130 = arith.constant 0 : index
    %get3A_131 = vector.load %arg10[%get3A_129, %get3A_130] : memref<256x256xbf16, #tpu.memory_space<vmem>>, vector<256x256xbf16>
    %dot_general3A_132 = arith.constant dense<0.000000e+00> : vector<256x64xf32>
    %dot_general3A_133 = tpu.matmul %get3A_131, %slice3A_128, %dot_general3A_132 {dimension_numbers = #tpu.dot_dimension_numbers<[1], [0], [0], [1], [0, 0, 1, 1], [], []>, transpose_lhs_hint = false} : vector<256x256xbf16>, vector<256x64xbf16>, vector<256x64xf32> -> vector<256x64xf32>
    %add3A_134 = vector.broadcast %add3A_127 : vector<1x64xf32> to vector<256x64xf32>
    %add3A_135 = arith.addf %dot_general3A_133, %add3A_134 : vector<256x64xf32>
    %slice3A_136 = vector.extract_strided_slice %convert_element_type3A_34 {offsets = [1792, 0], sizes = [256, 64], strides = [1, 1]} : vector<4096x64xf32> to vector<256x64xf32>
    %reduce_sum3A_137 = arith.constant dense<0.000000e+00> : vector<64xf32>
    %reduce_sum3A_138 = vector.multi_reduction <add>, %slice3A_136, %reduce_sum3A_137 [0] : vector<256x64xf32> to vector<64xf32>
    %broadcast_in_dim3A_139 = vector.shape_cast %reduce_sum3A_138 : vector<64xf32> to vector<1x64xf32>
    %add3A_140 = arith.addf %add3A_127, %broadcast_in_dim3A_139 : vector<1x64xf32>
    %slice3A_141 = vector.extract_strided_slice %convert_element_type3A_38 {offsets = [2048, 0], sizes = [256, 64], strides = [1, 1]} : vector<4096x64xbf16> to vector<256x64xbf16>
    %get3A_142 = arith.constant 0 : index
    %get3A_143 = arith.constant 0 : index
    %get3A_144 = vector.load %arg10[%get3A_142, %get3A_143] : memref<256x256xbf16, #tpu.memory_space<vmem>>, vector<256x256xbf16>
    %dot_general3A_145 = arith.constant dense<0.000000e+00> : vector<256x64xf32>
    %dot_general3A_146 = tpu.matmul %get3A_144, %slice3A_141, %dot_general3A_145 {dimension_numbers = #tpu.dot_dimension_numbers<[1], [0], [0], [1], [0, 0, 1, 1], [], []>, transpose_lhs_hint = false} : vector<256x256xbf16>, vector<256x64xbf16>, vector<256x64xf32> -> vector<256x64xf32>
    %add3A_147 = vector.broadcast %add3A_140 : vector<1x64xf32> to vector<256x64xf32>
    %add3A_148 = arith.addf %dot_general3A_146, %add3A_147 : vector<256x64xf32>
    %slice3A_149 = vector.extract_strided_slice %convert_element_type3A_34 {offsets = [2048, 0], sizes = [256, 64], strides = [1, 1]} : vector<4096x64xf32> to vector<256x64xf32>
    %reduce_sum3A_150 = arith.constant dense<0.000000e+00> : vector<64xf32>
    %reduce_sum3A_151 = vector.multi_reduction <add>, %slice3A_149, %reduce_sum3A_150 [0] : vector<256x64xf32> to vector<64xf32>
    %broadcast_in_dim3A_152 = vector.shape_cast %reduce_sum3A_151 : vector<64xf32> to vector<1x64xf32>
    %add3A_153 = arith.addf %add3A_140, %broadcast_in_dim3A_152 : vector<1x64xf32>
    %slice3A_154 = vector.extract_strided_slice %convert_element_type3A_38 {offsets = [2304, 0], sizes = [256, 64], strides = [1, 1]} : vector<4096x64xbf16> to vector<256x64xbf16>
    %get3A_155 = arith.constant 0 : index
    %get3A_156 = arith.constant 0 : index
    %get3A_157 = vector.load %arg10[%get3A_155, %get3A_156] : memref<256x256xbf16, #tpu.memory_space<vmem>>, vector<256x256xbf16>
    %dot_general3A_158 = arith.constant dense<0.000000e+00> : vector<256x64xf32>
    %dot_general3A_159 = tpu.matmul %get3A_157, %slice3A_154, %dot_general3A_158 {dimension_numbers = #tpu.dot_dimension_numbers<[1], [0], [0], [1], [0, 0, 1, 1], [], []>, transpose_lhs_hint = false} : vector<256x256xbf16>, vector<256x64xbf16>, vector<256x64xf32> -> vector<256x64xf32>
    %add3A_160 = vector.broadcast %add3A_153 : vector<1x64xf32> to vector<256x64xf32>
    %add3A_161 = arith.addf %dot_general3A_159, %add3A_160 : vector<256x64xf32>
    %slice3A_162 = vector.extract_strided_slice %convert_element_type3A_34 {offsets = [2304, 0], sizes = [256, 64], strides = [1, 1]} : vector<4096x64xf32> to vector<256x64xf32>
    %reduce_sum3A_163 = arith.constant dense<0.000000e+00> : vector<64xf32>
    %reduce_sum3A_164 = vector.multi_reduction <add>, %slice3A_162, %reduce_sum3A_163 [0] : vector<256x64xf32> to vector<64xf32>
    %broadcast_in_dim3A_165 = vector.shape_cast %reduce_sum3A_164 : vector<64xf32> to vector<1x64xf32>
    %add3A_166 = arith.addf %add3A_153, %broadcast_in_dim3A_165 : vector<1x64xf32>
    %slice3A_167 = vector.extract_strided_slice %convert_element_type3A_38 {offsets = [2560, 0], sizes = [256, 64], strides = [1, 1]} : vector<4096x64xbf16> to vector<256x64xbf16>
    %get3A_168 = arith.constant 0 : index
    %get3A_169 = arith.constant 0 : index
    %get3A_170 = vector.load %arg10[%get3A_168, %get3A_169] : memref<256x256xbf16, #tpu.memory_space<vmem>>, vector<256x256xbf16>
    %dot_general3A_171 = arith.constant dense<0.000000e+00> : vector<256x64xf32>
    %dot_general3A_172 = tpu.matmul %get3A_170, %slice3A_167, %dot_general3A_171 {dimension_numbers = #tpu.dot_dimension_numbers<[1], [0], [0], [1], [0, 0, 1, 1], [], []>, transpose_lhs_hint = false} : vector<256x256xbf16>, vector<256x64xbf16>, vector<256x64xf32> -> vector<256x64xf32>
    %add3A_173 = vector.broadcast %add3A_166 : vector<1x64xf32> to vector<256x64xf32>
    %add3A_174 = arith.addf %dot_general3A_172, %add3A_173 : vector<256x64xf32>
    %slice3A_175 = vector.extract_strided_slice %convert_element_type3A_34 {offsets = [2560, 0], sizes = [256, 64], strides = [1, 1]} : vector<4096x64xf32> to vector<256x64xf32>
    %reduce_sum3A_176 = arith.constant dense<0.000000e+00> : vector<64xf32>
    %reduce_sum3A_177 = vector.multi_reduction <add>, %slice3A_175, %reduce_sum3A_176 [0] : vector<256x64xf32> to vector<64xf32>
    %broadcast_in_dim3A_178 = vector.shape_cast %reduce_sum3A_177 : vector<64xf32> to vector<1x64xf32>
    %add3A_179 = arith.addf %add3A_166, %broadcast_in_dim3A_178 : vector<1x64xf32>
    %slice3A_180 = vector.extract_strided_slice %convert_element_type3A_38 {offsets = [2816, 0], sizes = [256, 64], strides = [1, 1]} : vector<4096x64xbf16> to vector<256x64xbf16>
    %get3A_181 = arith.constant 0 : index
    %get3A_182 = arith.constant 0 : index
    %get3A_183 = vector.load %arg10[%get3A_181, %get3A_182] : memref<256x256xbf16, #tpu.memory_space<vmem>>, vector<256x256xbf16>
    %dot_general3A_184 = arith.constant dense<0.000000e+00> : vector<256x64xf32>
    %dot_general3A_185 = tpu.matmul %get3A_183, %slice3A_180, %dot_general3A_184 {dimension_numbers = #tpu.dot_dimension_numbers<[1], [0], [0], [1], [0, 0, 1, 1], [], []>, transpose_lhs_hint = false} : vector<256x256xbf16>, vector<256x64xbf16>, vector<256x64xf32> -> vector<256x64xf32>
    %add3A_186 = vector.broadcast %add3A_179 : vector<1x64xf32> to vector<256x64xf32>
    %add3A_187 = arith.addf %dot_general3A_185, %add3A_186 : vector<256x64xf32>
    %slice3A_188 = vector.extract_strided_slice %convert_element_type3A_34 {offsets = [2816, 0], sizes = [256, 64], strides = [1, 1]} : vector<4096x64xf32> to vector<256x64xf32>
    %reduce_sum3A_189 = arith.constant dense<0.000000e+00> : vector<64xf32>
    %reduce_sum3A_190 = vector.multi_reduction <add>, %slice3A_188, %reduce_sum3A_189 [0] : vector<256x64xf32> to vector<64xf32>
    %broadcast_in_dim3A_191 = vector.shape_cast %reduce_sum3A_190 : vector<64xf32> to vector<1x64xf32>
    %add3A_192 = arith.addf %add3A_179, %broadcast_in_dim3A_191 : vector<1x64xf32>
    %slice3A_193 = vector.extract_strided_slice %convert_element_type3A_38 {offsets = [3072, 0], sizes = [256, 64], strides = [1, 1]} : vector<4096x64xbf16> to vector<256x64xbf16>
    %get3A_194 = arith.constant 0 : index
    %get3A_195 = arith.constant 0 : index
    %get3A_196 = vector.load %arg10[%get3A_194, %get3A_195] : memref<256x256xbf16, #tpu.memory_space<vmem>>, vector<256x256xbf16>
    %dot_general3A_197 = arith.constant dense<0.000000e+00> : vector<256x64xf32>
    %dot_general3A_198 = tpu.matmul %get3A_196, %slice3A_193, %dot_general3A_197 {dimension_numbers = #tpu.dot_dimension_numbers<[1], [0], [0], [1], [0, 0, 1, 1], [], []>, transpose_lhs_hint = false} : vector<256x256xbf16>, vector<256x64xbf16>, vector<256x64xf32> -> vector<256x64xf32>
    %add3A_199 = vector.broadcast %add3A_192 : vector<1x64xf32> to vector<256x64xf32>
    %add3A_200 = arith.addf %dot_general3A_198, %add3A_199 : vector<256x64xf32>
    %slice3A_201 = vector.extract_strided_slice %convert_element_type3A_34 {offsets = [3072, 0], sizes = [256, 64], strides = [1, 1]} : vector<4096x64xf32> to vector<256x64xf32>
    %reduce_sum3A_202 = arith.constant dense<0.000000e+00> : vector<64xf32>
    %reduce_sum3A_203 = vector.multi_reduction <add>, %slice3A_201, %reduce_sum3A_202 [0] : vector<256x64xf32> to vector<64xf32>
    %broadcast_in_dim3A_204 = vector.shape_cast %reduce_sum3A_203 : vector<64xf32> to vector<1x64xf32>
    %add3A_205 = arith.addf %add3A_192, %broadcast_in_dim3A_204 : vector<1x64xf32>
    %slice3A_206 = vector.extract_strided_slice %convert_element_type3A_38 {offsets = [3328, 0], sizes = [256, 64], strides = [1, 1]} : vector<4096x64xbf16> to vector<256x64xbf16>
    %get3A_207 = arith.constant 0 : index
    %get3A_208 = arith.constant 0 : index
    %get3A_209 = vector.load %arg10[%get3A_207, %get3A_208] : memref<256x256xbf16, #tpu.memory_space<vmem>>, vector<256x256xbf16>
    %dot_general3A_210 = arith.constant dense<0.000000e+00> : vector<256x64xf32>
    %dot_general3A_211 = tpu.matmul %get3A_209, %slice3A_206, %dot_general3A_210 {dimension_numbers = #tpu.dot_dimension_numbers<[1], [0], [0], [1], [0, 0, 1, 1], [], []>, transpose_lhs_hint = false} : vector<256x256xbf16>, vector<256x64xbf16>, vector<256x64xf32> -> vector<256x64xf32>
    %add3A_212 = vector.broadcast %add3A_205 : vector<1x64xf32> to vector<256x64xf32>
    %add3A_213 = arith.addf %dot_general3A_211, %add3A_212 : vector<256x64xf32>
    %slice3A_214 = vector.extract_strided_slice %convert_element_type3A_34 {offsets = [3328, 0], sizes = [256, 64], strides = [1, 1]} : vector<4096x64xf32> to vector<256x64xf32>
    %reduce_sum3A_215 = arith.constant dense<0.000000e+00> : vector<64xf32>
    %reduce_sum3A_216 = vector.multi_reduction <add>, %slice3A_214, %reduce_sum3A_215 [0] : vector<256x64xf32> to vector<64xf32>
    %broadcast_in_dim3A_217 = vector.shape_cast %reduce_sum3A_216 : vector<64xf32> to vector<1x64xf32>
    %add3A_218 = arith.addf %add3A_205, %broadcast_in_dim3A_217 : vector<1x64xf32>
    %slice3A_219 = vector.extract_strided_slice %convert_element_type3A_38 {offsets = [3584, 0], sizes = [256, 64], strides = [1, 1]} : vector<4096x64xbf16> to vector<256x64xbf16>
    %get3A_220 = arith.constant 0 : index
    %get3A_221 = arith.constant 0 : index
    %get3A_222 = vector.load %arg10[%get3A_220, %get3A_221] : memref<256x256xbf16, #tpu.memory_space<vmem>>, vector<256x256xbf16>
    %dot_general3A_223 = arith.constant dense<0.000000e+00> : vector<256x64xf32>
    %dot_general3A_224 = tpu.matmul %get3A_222, %slice3A_219, %dot_general3A_223 {dimension_numbers = #tpu.dot_dimension_numbers<[1], [0], [0], [1], [0, 0, 1, 1], [], []>, transpose_lhs_hint = false} : vector<256x256xbf16>, vector<256x64xbf16>, vector<256x64xf32> -> vector<256x64xf32>
    %add3A_225 = vector.broadcast %add3A_218 : vector<1x64xf32> to vector<256x64xf32>
    %add3A_226 = arith.addf %dot_general3A_224, %add3A_225 : vector<256x64xf32>
    %slice3A_227 = vector.extract_strided_slice %convert_element_type3A_34 {offsets = [3584, 0], sizes = [256, 64], strides = [1, 1]} : vector<4096x64xf32> to vector<256x64xf32>
    %reduce_sum3A_228 = arith.constant dense<0.000000e+00> : vector<64xf32>
    %reduce_sum3A_229 = vector.multi_reduction <add>, %slice3A_227, %reduce_sum3A_228 [0] : vector<256x64xf32> to vector<64xf32>
    %broadcast_in_dim3A_230 = vector.shape_cast %reduce_sum3A_229 : vector<64xf32> to vector<1x64xf32>
    %add3A_231 = arith.addf %add3A_218, %broadcast_in_dim3A_230 : vector<1x64xf32>
    %slice3A_232 = vector.extract_strided_slice %convert_element_type3A_38 {offsets = [3840, 0], sizes = [256, 64], strides = [1, 1]} : vector<4096x64xbf16> to vector<256x64xbf16>
    %get3A_233 = arith.constant 0 : index
    %get3A_234 = arith.constant 0 : index
    %get3A_235 = vector.load %arg10[%get3A_233, %get3A_234] : memref<256x256xbf16, #tpu.memory_space<vmem>>, vector<256x256xbf16>
    %dot_general3A_236 = arith.constant dense<0.000000e+00> : vector<256x64xf32>
    %dot_general3A_237 = tpu.matmul %get3A_235, %slice3A_232, %dot_general3A_236 {dimension_numbers = #tpu.dot_dimension_numbers<[1], [0], [0], [1], [0, 0, 1, 1], [], []>, transpose_lhs_hint = false} : vector<256x256xbf16>, vector<256x64xbf16>, vector<256x64xf32> -> vector<256x64xf32>
    %add3A_238 = vector.broadcast %add3A_231 : vector<1x64xf32> to vector<256x64xf32>
    %add3A_239 = arith.addf %dot_general3A_237, %add3A_238 : vector<256x64xf32>
    %slice3A_240 = vector.extract_strided_slice %convert_element_type3A_34 {offsets = [3840, 0], sizes = [256, 64], strides = [1, 1]} : vector<4096x64xf32> to vector<256x64xf32>
    %reduce_sum3A_241 = arith.constant dense<0.000000e+00> : vector<64xf32>
    %reduce_sum3A_242 = vector.multi_reduction <add>, %slice3A_240, %reduce_sum3A_241 [0] : vector<256x64xf32> to vector<64xf32>
    %broadcast_in_dim3A_243 = vector.shape_cast %reduce_sum3A_242 : vector<64xf32> to vector<1x64xf32>
    %add3A_244 = arith.addf %add3A_231, %broadcast_in_dim3A_243 : vector<1x64xf32>
    %concatenate3A = tpu.concatenate %add3A_44, %add3A_57, %add3A_70, %add3A_83, %add3A_96, %add3A_109, %add3A_122, %add3A_135, %add3A_148, %add3A_161, %add3A_174, %add3A_187, %add3A_200, %add3A_213, %add3A_226, %add3A_239 in 0 : vector<256x64xf32>, vector<256x64xf32>, vector<256x64xf32>, vector<256x64xf32>, vector<256x64xf32>, vector<256x64xf32>, vector<256x64xf32>, vector<256x64xf32>, vector<256x64xf32>, vector<256x64xf32>, vector<256x64xf32>, vector<256x64xf32>, vector<256x64xf32>, vector<256x64xf32>, vector<256x64xf32>, vector<256x64xf32> -> vector<4096x64xf32>
    %mul3A_245 = arith.constant 6.400000e+01 : f32
    %mul3A_246 = vector.broadcast %mul3A_245 : f32 to vector<4096x64xf32>
    %mul3A_247 = arith.mulf %mul3A_246, %concatenate3A : vector<4096x64xf32>
    %add3A_248 = arith.addf %convert_element_type3A_25, %mul3A_247 : vector<4096x64xf32>
    %mul3A_249 = arith.mulf %add3A_248, %convert_element_type3A_34 : vector<4096x64xf32>
    %reduce_sum3A_250 = arith.constant dense<0.000000e+00> : vector<4096xf32>
    %reduce_sum3A_251 = vector.multi_reduction <add>, %mul3A_249, %reduce_sum3A_250 [1] : vector<4096x64xf32> to vector<4096xf32>
    %broadcast_in_dim3A_252 = vector.shape_cast %reduce_sum3A_251 : vector<4096xf32> to vector<4096x1xf32>
    %convert_element_type3A_253 = arith.fptosi %broadcast_in_dim3A_252 : vector<4096x1xf32> to vector<4096x1xi32>
    %reshape3A = vector.shape_cast %convert_element_type3A_253 : vector<4096x1xi32> to vector<32x128xi32>
    %swap3A = arith.constant 0 : index
    %swap3A_254 = arith.constant 0 : index
    %swap3A_255 = vector.load %arg4[%swap3A, %swap3A_254] : memref<32x128xi32, #tpu.memory_space<vmem>>, vector<32x128xi32>
    tpu.vector_store %arg4[%swap3A, %swap3A_254], %reshape3A {strides = array<i32>} : memref<32x128xi32, #tpu.memory_space<vmem>>, vector<32x128xi32>,
    %swap3A_256 = arith.constant 0 : index
    %swap3A_257 = arith.constant 0 : index
    %swap3A_258 = vector.load %arg8[%swap3A_256, %swap3A_257] : memref<1x64xf32, #tpu.memory_space<vmem>>, vector<1x64xf32>
    tpu.vector_store %arg8[%swap3A_256, %swap3A_257], %add3A_244 {strides = array<i32>} : memref<1x64xf32, #tpu.memory_space<vmem>>, vector<1x64xf32>,
    %mul3A_259 = arith.constant 14.2857141 : f32
    %mul3A_260 = vector.broadcast %mul3A_259 : f32 to vector<4096x64xf32>
    %mul3A_261 = arith.mulf %dot_general3A_11, %mul3A_260 : vector<4096x64xf32>
    %exp3A = math.exp %mul3A_261 : vector<4096x64xf32>
    %reduce_sum3A_262 = arith.constant dense<0.000000e+00> : vector<4096xf32>
    %reduce_sum3A_263 = vector.multi_reduction <add>, %exp3A, %reduce_sum3A_262 [1] : vector<4096x64xf32> to vector<4096xf32>
    %broadcast_in_dim3A_264 = vector.shape_cast %reduce_sum3A_263 : vector<4096xf32> to vector<4096x1xf32>
    %div3A_265 = vector.broadcast %broadcast_in_dim3A_264 : vector<4096x1xf32> to vector<4096x64xf32>
    %div3A_266 = arith.divf %exp3A, %div3A_265 : vector<4096x64xf32>
    %get3A_267 = arith.constant 0 : index
    %get3A_268 = arith.constant 0 : index
    %get3A_269 = vector.load %arg9[%get3A_267, %get3A_268] : memref<1x64xf32, #tpu.memory_space<vmem>>, vector<1x64xf32>
    %reduce_sum3A_270 = arith.constant dense<0.000000e+00> : vector<64xf32>
    %reduce_sum3A_271 = vector.multi_reduction <add>, %div3A_266, %reduce_sum3A_270 [0] : vector<4096x64xf32> to vector<64xf32>
    %broadcast_in_dim3A_272 = vector.shape_cast %reduce_sum3A_271 : vector<64xf32> to vector<1x64xf32>
    %add3A_273 = arith.addf %get3A_269, %broadcast_in_dim3A_272 : vector<1x64xf32>
    %swap3A_274 = arith.constant 0 : index
    %swap3A_275 = arith.constant 0 : index
    %swap3A_276 = vector.load %arg9[%swap3A_274, %swap3A_275] : memref<1x64xf32, #tpu.memory_space<vmem>>, vector<1x64xf32>
    tpu.vector_store %arg9[%swap3A_274, %swap3A_275], %add3A_273 {strides = array<i32>} : memref<1x64xf32, #tpu.memory_space<vmem>>, vector<1x64xf32>,
    %eq3A_277 = arith.constant 7 : i32
    %eq3A_278 = arith.cmpi eq, %arg0, %eq3A_277 : i32
    %convert_element_type3A_279 = arith.extui %eq3A_278 : i1 to i32
    %cond3A_280 = arith.constant 0 : i32
    %cond3A_281 = arith.cmpi ne, %convert_element_type3A_279, %cond3A_280 : i32
    scf.if %cond3A_281 {
      %convert_element_type3A_282 = arith.fptosi %add3A_244 : vector<1x64xf32> to vector<1x64xi32>
      %swap3A_283 = arith.constant 0 : index
      %swap3A_284 = arith.constant 0 : index
      %swap3A_285 = vector.load %arg5[%swap3A_283, %swap3A_284] : memref<1x64xi32, #tpu.memory_space<vmem>>, vector<1x64xi32>
      tpu.vector_store %arg5[%swap3A_283, %swap3A_284], %convert_element_type3A_282 {strides = array<i32>} : memref<1x64xi32, #tpu.memory_space<vmem>>, vector<1x64xi32>,
      %broadcast_in_dim3A_286 = arith.constant 0.000000e+00 : f32
      %broadcast_in_dim3A_287 = vector.broadcast %broadcast_in_dim3A_286 : f32 to vector<1x1xf32>
      %slice3A_288 = vector.extract_strided_slice %add3A_244 {offsets = [0, 0], sizes = [1, 63], strides = [1, 1]} : vector<1x64xf32> to vector<1x63xf32>
      %concatenate3A_289 = tpu.concatenate %broadcast_in_dim3A_287, %slice3A_288 in 1 : vector<1x1xf32>, vector<1x63xf32> -> vector<1x64xf32>
      %add3A_290 = arith.addf %add3A_244, %concatenate3A_289 : vector<1x64xf32>
      %broadcast_in_dim3A_291 = arith.constant 0.000000e+00 : f32
      %broadcast_in_dim3A_292 = vector.broadcast %broadcast_in_dim3A_291 : f32 to vector<1x2xf32>
      %slice3A_293 = vector.extract_strided_slice %add3A_290 {offsets = [0, 0], sizes = [1, 62], strides = [1, 1]} : vector<1x64xf32> to vector<1x62xf32>
      %concatenate3A_294 = tpu.concatenate %broadcast_in_dim3A_292, %slice3A_293 in 1 : vector<1x2xf32>, vector<1x62xf32> -> vector<1x64xf32>
      %add3A_295 = arith.addf %add3A_290, %concatenate3A_294 : vector<1x64xf32>
      %broadcast_in_dim3A_296 = arith.constant 0.000000e+00 : f32
      %broadcast_in_dim3A_297 = vector.broadcast %broadcast_in_dim3A_296 : f32 to vector<1x4xf32>
      %slice3A_298 = vector.extract_strided_slice %add3A_295 {offsets = [0, 0], sizes = [1, 60], strides = [1, 1]} : vector<1x64xf32> to vector<1x60xf32>
      %concatenate3A_299 = tpu.concatenate %broadcast_in_dim3A_297, %slice3A_298 in 1 : vector<1x4xf32>, vector<1x60xf32> -> vector<1x64xf32>
      %add3A_300 = arith.addf %add3A_295, %concatenate3A_299 : vector<1x64xf32>
      %broadcast_in_dim3A_301 = arith.constant 0.000000e+00 : f32
      %broadcast_in_dim3A_302 = vector.broadcast %broadcast_in_dim3A_301 : f32 to vector<1x8xf32>
      %slice3A_303 = vector.extract_strided_slice %add3A_300 {offsets = [0, 0], sizes = [1, 56], strides = [1, 1]} : vector<1x64xf32> to vector<1x56xf32>
      %concatenate3A_304 = tpu.concatenate %broadcast_in_dim3A_302, %slice3A_303 in 1 : vector<1x8xf32>, vector<1x56xf32> -> vector<1x64xf32>
      %add3A_305 = arith.addf %add3A_300, %concatenate3A_304 : vector<1x64xf32>
      %broadcast_in_dim3A_306 = arith.constant 0.000000e+00 : f32
      %broadcast_in_dim3A_307 = vector.broadcast %broadcast_in_dim3A_306 : f32 to vector<1x16xf32>
      %slice3A_308 = vector.extract_strided_slice %add3A_305 {offsets = [0, 0], sizes = [1, 48], strides = [1, 1]} : vector<1x64xf32> to vector<1x48xf32>
      %concatenate3A_309 = tpu.concatenate %broadcast_in_dim3A_307, %slice3A_308 in 1 : vector<1x16xf32>, vector<1x48xf32> -> vector<1x64xf32>
      %add3A_310 = arith.addf %add3A_305, %concatenate3A_309 : vector<1x64xf32>
      %broadcast_in_dim3A_311 = arith.constant 0.000000e+00 : f32
      %broadcast_in_dim3A_312 = vector.broadcast %broadcast_in_dim3A_311 : f32 to vector<1x32xf32>
      %slice3A_313 = vector.extract_strided_slice %add3A_310 {offsets = [0, 0], sizes = [1, 32], strides = [1, 1]} : vector<1x64xf32> to vector<1x32xf32>
      %concatenate3A_314 = tpu.concatenate %broadcast_in_dim3A_312, %slice3A_313 in 1 : vector<1x32xf32>, vector<1x32xf32> -> vector<1x64xf32>
      %add3A_315 = arith.addf %add3A_310, %concatenate3A_314 : vector<1x64xf32>
      %sub3A = arith.subf %add3A_315, %add3A_244 : vector<1x64xf32>
      %convert_element_type3A_316 = arith.fptosi %sub3A : vector<1x64xf32> to vector<1x64xi32>
      %swap3A_317 = arith.constant 0 : index
      %swap3A_318 = arith.constant 0 : index
      %swap3A_319 = vector.load %arg7[%swap3A_317, %swap3A_318] : memref<1x64xi32, #tpu.memory_space<vmem>>, vector<1x64xi32>
      tpu.vector_store %arg7[%swap3A_317, %swap3A_318], %convert_element_type3A_316 {strides = array<i32>} : memref<1x64xi32, #tpu.memory_space<vmem>>, vector<1x64xi32>,
      %reduce_sum3A_320 = vector.shape_cast %add3A_244 : vector<1x64xf32> to vector<1x1x64xf32>
      %reduce_sum3A_321 = arith.constant dense<0.000000e+00> : vector<1xf32>
      %reduce_sum3A_322 = vector.multi_reduction <add>, %reduce_sum3A_320, %reduce_sum3A_321 [1, 2] : vector<1x1x64xf32> to vector<1xf32>
      %reduce_sum3A_323 = vector.shape_cast %reduce_sum3A_322 : vector<1xf32> to vector<1x1x1xf32>
      %reduce_sum3A_324 = vector.extract %reduce_sum3A_323[0, 0, 0] : f32 from vector<1x1x1xf32>
      %div3A_325 = vector.broadcast %reduce_sum3A_324 : f32 to vector<1x64xf32>
      %div3A_326 = arith.divf %add3A_244, %div3A_325 : vector<1x64xf32>
      %add3A_327 = arith.constant 9.99999997E-7 : f32
      %add3A_328 = vector.broadcast %add3A_327 : f32 to vector<1x64xf32>
      %add3A_329 = arith.addf %div3A_326, %add3A_328 : vector<1x64xf32>
      %mul3A_330 = arith.mulf %add3A_273, %add3A_329 : vector<1x64xf32>
      %reduce_sum3A_331 = vector.shape_cast %mul3A_330 : vector<1x64xf32> to vector<1x1x64xf32>
      %reduce_sum3A_332 = arith.constant dense<0.000000e+00> : vector<1xf32>
      %reduce_sum3A_333 = vector.multi_reduction <add>, %reduce_sum3A_331, %reduce_sum3A_332 [1, 2] : vector<1x1x64xf32> to vector<1xf32>
      %reduce_sum3A_334 = vector.shape_cast %reduce_sum3A_333 : vector<1xf32> to vector<1x1x1xf32>
      %reduce_sum3A_335 = vector.extract %reduce_sum3A_334[0, 0, 0] : f32 from vector<1x1x1xf32>
      %mul3A_336 = arith.constant 6.400000e+01 : f32
      %mul3A_337 = arith.mulf %reduce_sum3A_335, %mul3A_336 : f32
      %reshape3A_338 = vector.broadcast %mul3A_337 : f32 to vector<1x1xf32>
      %swap3A_339 = arith.constant 0 : index
      %swap3A_340 = arith.constant 0 : index
      %swap3A_341 = vector.load %arg6[%swap3A_339, %swap3A_340] : memref<1x1xf32, #tpu.memory_space<vmem>>, vector<1x1xf32>
      tpu.vector_store %arg6[%swap3A_339, %swap3A_340], %reshape3A_338 {strides = array<i32>} : memref<1x1xf32, #tpu.memory_space<vmem>>, vector<1x1xf32>,
    } else {
    }
    return
  }
  func.func @transform_0(%arg0: i32) -> i32 {
    %c0_i32 = arith.constant 0 : i32
    %c0_i32_0 = arith.constant 0 : i32
    return %c0_i32 : i32
  }
  func.func @transform_1(%arg0: i32) -> (i32, i32) {
    %c0_i32 = arith.constant 0 : i32
    %c0_i32_0 = arith.constant 0 : i32
    return %arg0, %c0_i32 : i32, i32
  }
  func.func @transform_2(%arg0: i32) -> (i32, i32) {
    %c0_i32 = arith.constant 0 : i32
    %c0_i32_0 = arith.constant 0 : i32
    %c0_i32_1 = arith.constant 0 : i32
    return %c0_i32, %c0_i32_0 : i32, i32
  }
  func.func @transform_3(%arg0: i32) -> (i32, i32) {
    %c0_i32 = arith.constant 0 : i32
    %c0_i32_0 = arith.constant 0 : i32
    return %arg0, %c0_i32 : i32, i32
  }
  func.func @transform_4(%arg0: i32) -> (i32, i32) {
    %c0_i32 = arith.constant 0 : i32
    %c0_i32_0 = arith.constant 0 : i32
    %c0_i32_1 = arith.constant 0 : i32
    return %c0_i32, %c0_i32_0 : i32, i32
  }
  func.func @transform_5(%arg0: i32) -> (i32, i32) {
    %c0_i32 = arith.constant 0 : i32
    %c0_i32_0 = arith.constant 0 : i32
    %c0_i32_1 = arith.constant 0 : i32
    return %c0_i32, %c0_i32_0 : i32, i32
  }
  func.func @transform_6(%arg0: i32) -> (i32, i32) {
    %c0_i32 = arith.constant 0 : i32
    %c0_i32_0 = arith.constant 0 : i32
    %c0_i32_1 = arith.constant 0 : i32
    return %c0_i32, %c0_i32_0 : i32, i32
  }
}

</mosaic_0001>

<sc_bundles>
// kernel: kernel.4.cloned.1.call-start
scs
__scs_entry_jumppad:
0x0: {  	(pc) =	sbr.rel $0x88, $3  }
0x1: {  	(tag) =	ssettag $0x0;
	lr =	simm.s32 $0x1  }
0x2: {  	[smem:$0x3F9E] =	sst lr;
	_ =	strace $0xD0000000  }
0x3: {  	_ = 	snop  }
0x4: {  	_ = 	snop  }
0x5: {  	_ = 	snop  }
0x6: {  	_ = 	snop  }
0x7: {  	_ = 	snop  }
__scs_overlays_trampoline_lowered:
0x8: {  	[smem:$0x3FAD] =	sst s0  }
0x9: {  	[smem:$0x3FAE] =	sst s1  }
0xa: {  	[smem:$0x3FAF] =	sst s2  }
0xb: {  	[smem:$0x3FB0] =	sst s3  }
0xc: {  	[smem:$0x3FB1] =	sst s4  }
0xd: {  	[smem:$0x3FB2] =	sst s5  }
0xe: {  	[smem:$0x3FB3] =	sst s6  }
0xf: {  	[smem:$0x3FB4] =	sst s7  }
0x10: {  	[smem:$0x3FB5] =	sst s8  }
0x11: {  	[smem:$0x3FB6] =	sst s9;
	s0 =	simm.s32 @!p0 $0x0  }
0x12: {  	s1 =	sld [smem:$0x3F9C];
	s0 =	simm.s32 @p0 $0x1  }
0x13: {  	[smem:$0x3FB7] =	sst s0;
	s0 =	simm.s32 @!p1 $0x0  }
0x14: {  	s2 =	sld [smem:$0x3F9B];
	s0 =	simm.s32 @p1 $0x1  }
0x15: {  	[smem:$0x3FB8] =	sst s0;
	s0 =	simm.s32 @!p2 $0x0  }
0x16: {  	s3 =	sld [smem:$0x3FDB];
	s0 =	simm.s32 @p2 $0x1  }
0x17: {  	s4 =	simm.s32 $0x1BF5;
	[smem:$0x3FBA] =	sst s0  }
0x18: {  	s0 =	sld [smem:$0x3F9D];
	_ =	swait.ge [sflag:s4], $0x0  }
0x19: {  	s7 =	sld [smem:$0x3F9E]  }
0x1a: {  	s8 =	sadd.s32 $0xFFFFE003, lr  }
0x1b: {  	s9 =	sadd.s32 $0xFFFFFEF7, lr;
	s5 =	simm.s32 $0xFFFFFFFF;
	p2 =	slt.u32 s8, $0xFFFFF086  }
0x1c: {  	p1 =	slt.u32 s9, $0xF7A;
	s5 =	simm.s32 @!p2 $0x0  }
0x1d: {  	s5 =	simm.s32 @p1 $0x1;
	p0 =	seq.s32 s7, s2  }
0x1e: {  	s7 =	smul.u32 @!p0 $0xF7A, s2;
	p2 =	seq.s32 @!p0 s5, $0x0  }
0x1f: {  	s9 =	smul.u32 $0xF7A, s1;
	s8 =	simm.s32 @!p0 $0x1BF5;
	p2 =	por !p2, p0  }
0x20: {  	[sflag:s8] =	ssyncset.s32 @!p0 $0xFFFFF086;
	s6 =	sadd.s32 @!p0 s3, s7;
	s7 =	simm.s32 @!p0 $0x108  }
0x21: {  	s3 =	sadd.s32 s3, s9;
	s6 =	sadd.s32 @!p0 $0x88, s6;
	s7 =	simm.s32 @p2 $0x1082  }
0x22: {  	[simem:s7], [sflag:s8] =	dma.local @!p0 [hbm:s6], $0xF7A  }
0x23: {  	s9 =	sor.u32 $0xD0000000, s2;
	s6 =	simm.s32 $0x108;
	_ =	swait.ge @!p0 [sflag:s8], $0x0  }
0x24: {  	s3 =	sadd.s32 $0x88, s3;
	s6 =	simm.s32 @!p1 $0x1082;
	[sflag:s4] =	ssyncset.s32 $0xFFFFF086  }
0x25: {  	[simem:s6], [sflag:s4] =	dma.local [hbm:s3], $0xF7A  }
0x26: {  	[smem:$0x3F9E] =	sst s1;
	(tag) =	ssettag s2;
	_ =	strace s9  }
0x27: {  	s1 =	sld [smem:$0x3FAE]  }
0x28: {  	s2 =	sld [smem:$0x3FAF]  }
0x29: {  	s4 =	sld [smem:$0x3FB1]  }
0x2a: {  	p0 =	seq.s32 s5, $0x0;
	s5 =	sld [smem:$0x3FB2]  }
0x2b: {  	s6 =	sld [smem:$0x3FB3]  }
0x2c: {  	s7 =	sld [smem:$0x3FB4]  }
0x2d: {  	s3 =	simm.s32 $0x108;
	s8 =	sld [smem:$0x3FB5]  }
0x2e: {  	s3 =	simm.s32 @!p0 $0x1082;
	s9 =	sld [smem:$0x3FB6]  }
0x2f: {  	lr =	sadd.s32 s0, s3;
	s0 =	sld [smem:$0x3FAD]  }
0x30: {  	s3 =	sld [smem:$0x3FB0]  }
0x31: {  	[smem:$0x3FB9] =	sst s10  }
0x32: {  	s10 =	sld [smem:$0x3FB7];
	_ =	sdelay $0x3  }
0x33: {  	p0 =	seq.s32 s10, $0x1;
	s10 =	sld [smem:$0x3FB9];
	_ =	sdelay $0x3  }
0x34: {  	[smem:$0x3FB9] =	sst s10  }
0x35: {  	s10 =	sld [smem:$0x3FB8];
	_ =	sdelay $0x3  }
0x36: {  	p1 =	seq.s32 s10, $0x1;
	s10 =	sld [smem:$0x3FB9];
	_ =	sdelay $0x3  }
0x37: {  	[smem:$0x3FB9] =	sst s10  }
0x38: {  	s10 =	sld [smem:$0x3FBA]  }
0x39: {  	_ = 	snop;
	(pc) =	sbr.ind lr, $3  }
0x3a: {  	_ = 	snop  }
0x3b: {  	_ = 	snop  }
0x3c: {  	p2 =	seq.s32 s10, $0x1;
	s10 =	sld [smem:$0x3FB9]  }
0x3d: {  	_ =	shalt  }
0x3e: {  	_ =	shalt  }
0x3f: {  	_ =	shalt  }
0x40: {  	_ =	shalt  }
0x41: {  	_ =	shalt  }
0x42: {  	_ =	shalt  }
0x43: {  	_ =	shalt  }
0x44: {  	_ =	shalt  }
0x45: {  	_ =	shalt  }
0x46: {  	_ =	shalt  }
0x47: {  	_ =	shalt  }
0x48: {  	_ =	shalt  }
0x49: {  	_ =	shalt  }
0x4a: {  	_ =	shalt  }
0x4b: {  	_ =	shalt  }
0x4c: {  	_ =	shalt  }
0x4d: {  	_ =	shalt  }
0x4e: {  	_ =	shalt  }
0x4f: {  	_ =	shalt  }
0x50: {  	_ =	shalt  }
0x51: {  	_ =	shalt  }
0x52: {  	_ =	shalt  }
0x53: {  	_ =	shalt  }
0x54: {  	_ =	shalt  }
0x55: {  	_ =	shalt  }
0x56: {  	_ =	shalt  }
0x57: {  	_ =	shalt  }
0x58: {  	_ =	shalt  }
0x59: {  	_ =	shalt  }
0x5a: {  	_ =	shalt  }
0x5b: {  	_ =	shalt  }
0x5c: {  	_ =	shalt  }
0x5d: {  	_ =	shalt  }
0x5e: {  	_ =	shalt  }
0x5f: {  	_ =	shalt  }
0x60: {  	_ =	shalt  }
0x61: {  	_ =	shalt  }
0x62: {  	_ =	shalt  }
0x63: {  	_ =	shalt  }
0x64: {  	_ =	shalt  }
0x65: {  	_ =	shalt  }
0x66: {  	_ =	shalt  }
0x67: {  	_ =	shalt  }
0x68: {  	_ =	shalt  }
0x69: {  	_ =	shalt  }
0x6a: {  	_ =	shalt  }
0x6b: {  	_ =	shalt  }
0x6c: {  	_ =	shalt  }
0x6d: {  	_ =	shalt  }
0x6e: {  	_ =	shalt  }
0x6f: {  	_ =	shalt  }
0x70: {  	_ =	shalt  }
0x71: {  	_ =	shalt  }
0x72: {  	_ =	shalt  }
0x73: {  	_ =	shalt  }
0x74: {  	_ =	shalt  }
0x75: {  	_ =	shalt  }
0x76: {  	_ =	shalt  }
0x77: {  	_ =	shalt  }
0x78: {  	_ =	shalt  }
0x79: {  	_ =	shalt  }
0x7a: {  	_ =	shalt  }
0x7b: {  	_ =	shalt  }
0x7c: {  	_ =	shalt  }
0x7d: {  	_ =	shalt  }
0x7e: {  	_ =	shalt  }
0x7f: {  	_ =	shalt  }
0x80: {  	_ =	shalt  }
0x81: {  	_ =	shalt  }
0x82: {  	_ =	shalt  }
0x83: {  	_ =	shalt  }
0x84: {  	_ =	shalt  }
0x85: {  	_ =	shalt  }
0x86: {  	_ =	shalt  }
0x87: {  	_ =	shalt  }
.Lfunc_end0:
.L_simem_size_0:
called_computation_lowered:
.L_overlay_start_0:
0x88: {  	s0 =	sld [smem:$0x3FD9]  }
0x89: {  	s1 =	sld [smem:$0x3FFE];
	_ =	sdelay $0x3  }
0x8a: {  	s0 =	sadd.s32 s1, s0  }
0x8b: {  	[smem:$0x3FC5] =	sst s0  }
0x8c: {  	_ = 	snop  }
0x8d: {  	s0 =	sld [smem:$0x3FD0];
	_ =	sdelay $0x2  }
0x8e: {  	s13 =	simm.s32 $0xA;
	s2 =	simm.s32 $0x10  }
0x8f: {  	[smem:s2], [sflag:s13] =	dma.local [hbm:s0], $0x1  }
0x90: {  	_ =	swait.eq [sflag:s13], $0x1  }
0x91: {  	[sflag:s13] =	ssyncset.done $0x0  }
0x92: {  	s14 =	sld [smem:$0x11];
	[sflag:s13] =	ssyncadd.s32 $0xFFFFFFFF  }
0x93: {  	s15 =	sld [smem:$0x13];
	(tm) =	ssettm $0x1  }
0x94: {  	s16 =	sld [smem:$0x3FFB];
	_ =	sdelay $0x3  }
0x95: {  	_ =	strace s16  }
0x96: {  	s2 =	sld [smem:$0x3FFC];
	_ =	sdelay $0x3  }
0x97: {  	_ =	strace s2  }
0x98: {  	s2 =	sld [smem:$0x3FFD];
	_ =	sdelay $0x3  }
0x99: {  	_ =	strace s2  }
0x9a: {  	_ =	strace $0x8FFFFFFF  }
0x9b: {  	s17 =	sld [smem:$0x3FDB];
	_ =	sdelay $0x1  }
0x9c: {  	s3 =	simm.s32 $_scs_section_size  }
0x9d: {  	s4 =	simm.s32 $_size__tile_overlayer_lowered;
	s5 =	simm.s32 $_tile_overlayer_lowered  }
0x9e: {  	s20 =	simm.s32 $0x1BFF;
	s19 =	sshll.u32 s5, $0x1;
	s2 =	sadd.s32 s3, s17  }
0x9f: {  	s6 =	simm.s32 $0x0;
	s18 =	sshll.u32 s4, $0x1;
	s4 =	sadd.s32 s19, s2  }
0xa0: {  	[timem:s6], [sflag:s20] =	dma.local [hbm:s4], s18  }
0xa1: {  	_ =	swait.ge [sflag:s20], s18  }
0xa2: {  	s3 =	ssub.s32 $0x0, s18;
	[sflag:s20] =	ssyncset.done $0x0  }
0xa3: {  	[sflag:s20] =	ssyncadd.s32 s3;
	_ =	sdelay $0x1  }
0xa4: {  	s21 =	simm.s32 $0x1B8B  }
0xa5: {  	_ =	swait.ge [sflag:s21], $0x1  }
0xa6: {  	[sflag:s21] =	ssyncset.done $0x0  }
0xa7: {  	s23 =	simm.s32 $0x1B8E;
	s22 =	sld [smem:$0x3FFE];
	[sflag:s21] =	ssyncadd.s32 $0xFFFFFFFF  }
0xa8: {  	s24 =	simm.s32 $execute0_lowered;
	[smem:$0x3FD2] =	sst s23  }
0xa9: {  	s4 =	sshll.u32 s24, $0x1;
	_ =	strace $0x80000046;
	[dreg:$0x1] =	wrdreg $0xFFFFFFFF  }
0xaa: {  	s25 =	simm.s32 $_size_execute0_lowered;
	s2 =	sadd.s32 s2, s4;
	[dreg:$0x0] =	wrdreg $0x0  }
0xab: {  	s4 =	sshll.u32 s25, $0x1;
	[dreg:$0x2] =	wrdreg s2  }
0xac: {  	[dreg:$0x3] =	wrdreg s4  }
0xad: {  	[dreg:$0x4] =	wrdreg $0xC0  }
0xae: {  	_ =	task [dreg:s6], $0x5FFFF  }
0xaf: {  	[dreg:$0x1] =	wrdreg $0xFFFFFFFF  }
0xb0: {  	[dreg:$0x0] =	wrdreg $0x60  }
0xb1: {  	[dreg:$0x2] =	wrdreg s22  }
0xb2: {  	[dreg:$0x3] =	wrdreg s15  }
0xb3: {  	[dreg:$0x4] =	wrdreg s14  }
0xb4: {  	[dreg:$0x5] =	wrdreg $0x18800  }
0xb5: {  	[dreg:$0x6] =	wrdreg $0x9  }
0xb6: {  	_ =	task.clear_ibuf [dreg:s6], $0x7FFFF;
	_ =	strace $0x90000046  }
0xb7: {  	s26 =	simm.s32 $0x9;
	_ =	strace $0x80000048  }
0xb8: {  	_ =	swait.ge [sflag:s26], $0x1  }
0xb9: {  	[sflag:s26] =	ssyncadd.s32 $0xFFFFFFFF  }
0xba: {  	_ =	strace $0x90000048  }
0xbb: {  	_ =	sfence  }
0xbc: {  	s28 =	sld [smem:$0x0];
	_ =	sdelay $0x1  }
0xbd: {  	s29 =	srdreg.scid  }
0xbe: {  	s30 =	sshll.u32 s29, $0xD;
	s31 =	sshrl.u32 s29, $0x2  }
0xbf: {  	s1 =	sand.u32 $0x1, s29;
	s2 =	sand.u32 $0x4000, s30;
	s0 =	sadd.s32 s31, s28  }
0xc0: {  	s1 =	sor.u32 s2, s1;
	s0 =	sshll.u32 s0, $0x11  }
0xc1: {  	s0 =	sor.u32 s0, s1  }
0xc2: {  	s0 =	sadd.s32 $0x8F2B, s0  }
0xc3: {  	[sflag:s0] =	ssyncadd.remote.s32 $0x1  }
0xc4: {  	_ =	sfence.sel $0xFFFF  }
0xc5: {  	[dreg:$0x0] =	wrdreg $0xFFFFFFFF;
	(pc) =	sbr.abs _section_cstart, $3  }
0xc6: {  	[dreg:$0x1] =	wrdreg $0xFFFFFFFF  }
0xc7: {  	_ =	task.clear_ibuf [dreg:s6], $0x2FFFF;
	_ =	strace $0x9FFFFFFF  }
0xc8: {  	(tm) =	ssettm $0x7FFFFFFF  }
0xc9: {  	_ =	shalt  }
tec
execute0_lowered:
.L_overlay_start_1:
0x0: {  	(tag) =	ssettag $0x1  }
0x1: {  	s4 =	rddreg [dreg:$0x0]  }
0x2: {  	s6 =	rddreg [dreg:$0x1]  }
0x3: {  	s1 =	rddreg [dreg:$0x2];
	s3 =	stileid.u32  }
0x4: {  	s2 =	rddreg [dreg:$0x3];
	s7 =	simm.s32 $0x0;
	s5 =	sshll.u32 s3, $0x8  }
0x5: {  	[smem:$0x7FF] =	sst s7;
	s4 =	sadd.s32 s5, s4  }
0x6: {  	s0 =	rddreg [dreg:$0x4];
	_ =	strace $0x80000047;
	s4 =	sadd.s32 $0x600, s4  }
0x7: {  	[tilespmem:s7], [sflag:$0x1] =	stream.linear.gather [hbm4b:s4+s7], $0x800, $0x38;
	[tilespmem:$0x2080] =	vst v63  }
0x8: {  	s5 =	simm.s32 $0x800;
	s4 =	simm.s32 $0x1  }
0x9: {  	[tilespmem:s5], [sflag:$0x1] =	stream.linear.gather [hbm4b:s6+s7], $0x80, $0x38;
	[tilespmem:$0x2080] =	vst v63  }
0xa: {  	_ =	swait.ge [sflag:s4], $0x800  }
0xb: {  	[sflag:s4] =	ssyncset.done $0x0  }
0xc: {  	[sflag:s4] =	ssyncadd.s32 $0xFFFFF800  }
0xd: {  	_ =	swait.ge [sflag:s4], $0x80  }
0xe: {  	[sflag:s4] =	ssyncset.done $0x0  }
0xf: {  	[sflag:s4] =	ssyncadd.s32 $0xFFFFFF80  }
0x10: {  	v0 =	vld [tilespmem:$0x0];
	_ =	sdelay $0x4  }
0x11: {  	v1 =	vand.u32 $0x3F, v0;
	_ =	sdelay $0x1  }
0x12: {  	v2 =	vld [tilespmem:$0x10];
	_ =	sdelay $0x2  }
0x13: {  	v1 =	vld.idx.msk [tilespmem:v1+s5+$0x0], $0xffff;
	_ =	sdelay $0x1  }
0x14: {  	v3 =	vand.u32 $0x3F, v2  }
0x15: {  	s6 =	sshll.u32 s3, $0xB;
	v4 =	vshrl.u32 v0, $0x6;
	v0 =	vlaneseq.u32  }
0x16: {  	v26 =	vld [tilespmem:$0x20];
	v25 =	vor.u32 s6, v0  }
0x17: {  	[tilespmem:$0x1080] =	vst v25;
	v1 =	vadd.s32 v4, v1  }
0x18: {  	[tilespmem:$0x880] =	vst v1  }
0x19: {  	v3 =	vld.idx.msk [tilespmem:v3+s5+$0x0], $0xffff;
	_ =	sdelay $0x1  }
0x1a: {  	v27 =	vand.u32 $0x3F, v26  }
0x1b: {  	s11 =	sor.u32 $0x10, s6  }
0x1c: {  	v29 =	vld [tilespmem:$0x30];
	v2 =	vshrl.u32 v2, $0x6;
	v28 =	vor.u32 s11, v0  }
0x1d: {  	[tilespmem:$0x1090] =	vst v28;
	v2 =	vadd.s32 v2, v3  }
0x1e: {  	[tilespmem:$0x890] =	vst v2  }
0x1f: {  	v3 =	vld.idx.msk [tilespmem:v27+s5+$0x0], $0xffff;
	_ =	sdelay $0x1  }
0x20: {  	v30 =	vand.u32 $0x3F, v29  }
0x21: {  	s12 =	sor.u32 $0x20, s6  }
0x22: {  	v32 =	vld [tilespmem:$0x40];
	v31 =	vor.u32 s12, v0;
	v1 =	vshrl.u32 v26, $0x6  }
0x23: {  	[tilespmem:$0x10A0] =	vst v31;
	v1 =	vadd.s32 v1, v3  }
0x24: {  	[tilespmem:$0x8A0] =	vst v1  }
0x25: {  	v3 =	vld.idx.msk [tilespmem:v30+s5+$0x0], $0xffff;
	_ =	sdelay $0x1  }
0x26: {  	v33 =	vand.u32 $0x3F, v32  }
0x27: {  	s13 =	sor.u32 $0x30, s6  }
0x28: {  	v35 =	vld [tilespmem:$0x50];
	v34 =	vor.u32 s13, v0;
	v2 =	vshrl.u32 v29, $0x6  }
0x29: {  	[tilespmem:$0x10B0] =	vst v34;
	v2 =	vadd.s32 v2, v3  }
0x2a: {  	[tilespmem:$0x8B0] =	vst v2  }
0x2b: {  	v3 =	vld.idx.msk [tilespmem:v33+s5+$0x0], $0xffff;
	_ =	sdelay $0x1  }
0x2c: {  	v36 =	vand.u32 $0x3F, v35  }
0x2d: {  	s14 =	sor.u32 $0x40, s6  }
0x2e: {  	v38 =	vld [tilespmem:$0x60];
	v37 =	vor.u32 s14, v0;
	v1 =	vshrl.u32 v32, $0x6  }
0x2f: {  	[tilespmem:$0x10C0] =	vst v37;
	v1 =	vadd.s32 v1, v3  }
0x30: {  	[tilespmem:$0x8C0] =	vst v1  }
0x31: {  	v3 =	vld.idx.msk [tilespmem:v36+s5+$0x0], $0xffff;
	_ =	sdelay $0x1  }
0x32: {  	v39 =	vand.u32 $0x3F, v38  }
0x33: {  	s15 =	sor.u32 $0x50, s6  }
0x34: {  	v41 =	vld [tilespmem:$0x70];
	v40 =	vor.u32 s15, v0;
	v2 =	vshrl.u32 v35, $0x6  }
0x35: {  	[tilespmem:$0x10D0] =	vst v40;
	v2 =	vadd.s32 v2, v3  }
0x36: {  	[tilespmem:$0x8D0] =	vst v2  }
0x37: {  	v3 =	vld.idx.msk [tilespmem:v39+s5+$0x0], $0xffff;
	_ =	sdelay $0x1  }
0x38: {  	v42 =	vand.u32 $0x3F, v41  }
0x39: {  	s16 =	sor.u32 $0x60, s6  }
0x3a: {  	v44 =	vld [tilespmem:$0x80];
	v43 =	vor.u32 s16, v0;
	v1 =	vshrl.u32 v38, $0x6  }
0x3b: {  	[tilespmem:$0x10E0] =	vst v43;
	v1 =	vadd.s32 v1, v3  }
0x3c: {  	[tilespmem:$0x8E0] =	vst v1  }
0x3d: {  	v3 =	vld.idx.msk [tilespmem:v42+s5+$0x0], $0xffff;
	_ =	sdelay $0x1  }
0x3e: {  	v45 =	vand.u32 $0x3F, v44  }
0x3f: {  	s17 =	sor.u32 $0x70, s6  }
0x40: {  	v47 =	vld [tilespmem:$0x90];
	v46 =	vor.u32 s17, v0;
	v2 =	vshrl.u32 v41, $0x6  }
0x41: {  	[tilespmem:$0x10F0] =	vst v46;
	v2 =	vadd.s32 v2, v3  }
0x42: {  	[tilespmem:$0x8F0] =	vst v2  }
0x43: {  	v3 =	vld.idx.msk [tilespmem:v45+s5+$0x0], $0xffff;
	_ =	sdelay $0x1  }
0x44: {  	v48 =	vand.u32 $0x3F, v47  }
0x45: {  	s18 =	sor.u32 $0x80, s6  }
0x46: {  	v50 =	vld [tilespmem:$0xA0];
	v49 =	vor.u32 s18, v0;
	v1 =	vshrl.u32 v44, $0x6  }
0x47: {  	[tilespmem:$0x1100] =	vst v49;
	v1 =	vadd.s32 v1, v3  }
0x48: {  	[tilespmem:$0x900] =	vst v1  }
0x49: {  	v3 =	vld.idx.msk [tilespmem:v48+s5+$0x0], $0xffff;
	_ =	sdelay $0x1  }
0x4a: {  	v51 =	vand.u32 $0x3F, v50  }
0x4b: {  	s19 =	sor.u32 $0x90, s6  }
0x4c: {  	v53 =	vld [tilespmem:$0xB0];
	v52 =	vor.u32 s19, v0;
	v2 =	vshrl.u32 v47, $0x6  }
0x4d: {  	[tilespmem:$0x1110] =	vst v52;
	v2 =	vadd.s32 v2, v3  }
0x4e: {  	[tilespmem:$0x910] =	vst v2  }
0x4f: {  	v3 =	vld.idx.msk [tilespmem:v51+s5+$0x0], $0xffff;
	_ =	sdelay $0x1  }
0x50: {  	v54 =	vand.u32 $0x3F, v53  }
0x51: {  	s20 =	sor.u32 $0xA0, s6  }
0x52: {  	v56 =	vld [tilespmem:$0xC0];
	v55 =	vor.u32 s20, v0;
	v1 =	vshrl.u32 v50, $0x6  }
0x53: {  	[tilespmem:$0x1120] =	vst v55;
	v1 =	vadd.s32 v1, v3  }
0x54: {  	[tilespmem:$0x920] =	vst v1  }
0x55: {  	v3 =	vld.idx.msk [tilespmem:v54+s5+$0x0], $0xffff;
	_ =	sdelay $0x1  }
0x56: {  	v57 =	vand.u32 $0x3F, v56  }
0x57: {  	s21 =	sor.u32 $0xB0, s6  }
0x58: {  	v59 =	vld [tilespmem:$0xD0];
	v58 =	vor.u32 s21, v0;
	v2 =	vshrl.u32 v53, $0x6  }
0x59: {  	[tilespmem:$0x1130] =	vst v58;
	v2 =	vadd.s32 v2, v3  }
0x5a: {  	[tilespmem:$0x930] =	vst v2  }
0x5b: {  	v3 =	vld.idx.msk [tilespmem:v57+s5+$0x0], $0xffff;
	_ =	sdelay $0x1  }
0x5c: {  	v60 =	vand.u32 $0x3F, v59  }
0x5d: {  	s22 =	sor.u32 $0xC0, s6  }
0x5e: {  	v62 =	vld [tilespmem:$0xE0];
	v61 =	vor.u32 s22, v0;
	v1 =	vshrl.u32 v56, $0x6  }
0x5f: {  	[tilespmem:$0x1140] =	vst v61;
	v1 =	vadd.s32 v1, v3  }
0x60: {  	[tilespmem:$0x940] =	vst v1  }
0x61: {  	v3 =	vld.idx.msk [tilespmem:v60+s5+$0x0], $0xffff;
	_ =	sdelay $0x1  }
0x62: {  	v63 =	vand.u32 $0x3F, v62  }
0x63: {  	s23 =	sor.u32 $0xD0, s6  }
0x64: {  	v8 =	vld [tilespmem:$0xF0];
	v7 =	vor.u32 s23, v0;
	v2 =	vshrl.u32 v59, $0x6  }
0x65: {  	[tilespmem:$0x1150] =	vst v7;
	v2 =	vadd.s32 v2, v3  }
0x66: {  	[tilespmem:$0x950] =	vst v2  }
0x67: {  	v3 =	vld.idx.msk [tilespmem:v63+s5+$0x0], $0xffff;
	_ =	sdelay $0x1  }
0x68: {  	v9 =	vand.u32 $0x3F, v8  }
0x69: {  	s24 =	sor.u32 $0xE0, s6  }
0x6a: {  	v10 =	vor.u32 s24, v0;
	v1 =	vshrl.u32 v62, $0x6  }
0x6b: {  	[tilespmem:$0x1160] =	vst v10;
	v1 =	vadd.s32 v1, v3  }
0x6c: {  	[tilespmem:$0x960] =	vst v1  }
0x6d: {  	v1 =	vld.idx.msk [tilespmem:v9+s5+$0x0], $0xffff;
	_ =	sdelay $0x3  }
0x6e: {  	v2 =	vshrl.u32 v8, $0x6  }
0x6f: {  	s25 =	sor.u32 $0xF0, s6;
	v1 =	vadd.s32 v2, v1  }
0x70: {  	v11 =	vor.u32 s25, v0;
	[tilespmem:$0x970] =	vst v1  }
0x71: {  	[tilespmem:$0x1170] =	vst v11  }
0x72: {  	v12 =	vld [tilespmem:$0x100];
	_ =	sdelay $0x4  }
0x73: {  	v13 =	vand.u32 $0x3F, v12;
	_ =	sdelay $0x1  }
0x74: {  	v14 =	vld [tilespmem:$0x110];
	_ =	sdelay $0x2  }
0x75: {  	v2 =	vld.idx.msk [tilespmem:v13+s5+$0x0], $0xffff;
	_ =	sdelay $0x1  }
0x76: {  	v15 =	vand.u32 $0x3F, v14  }
0x77: {  	s26 =	sor.u32 $0x100, s6  }
0x78: {  	v16 =	vor.u32 s26, v0;
	v17 =	vld [tilespmem:$0x120];
	v1 =	vshrl.u32 v12, $0x6  }
0x79: {  	[tilespmem:$0x1180] =	vst v16;
	v1 =	vadd.s32 v1, v2  }
0x7a: {  	[tilespmem:$0x980] =	vst v1  }
0x7b: {  	v2 =	vld.idx.msk [tilespmem:v15+s5+$0x0], $0xffff;
	_ =	sdelay $0x1  }
0x7c: {  	v18 =	vand.u32 $0x3F, v17  }
0x7d: {  	s28 =	sor.u32 $0x110, s6  }
0x7e: {  	v19 =	vor.u32 s28, v0;
	v20 =	vld [tilespmem:$0x130];
	v3 =	vshrl.u32 v14, $0x6  }
0x7f: {  	[tilespmem:$0x1190] =	vst v19;
	v2 =	vadd.s32 v3, v2  }
0x80: {  	[tilespmem:$0x990] =	vst v2  }
0x81: {  	v3 =	vld.idx.msk [tilespmem:v18+s5+$0x0], $0xffff;
	_ =	sdelay $0x1  }
0x82: {  	v21 =	vand.u32 $0x3F, v20  }
0x83: {  	s29 =	sor.u32 $0x120, s6  }
0x84: {  	v22 =	vor.u32 s29, v0;
	v23 =	vld [tilespmem:$0x140];
	v1 =	vshrl.u32 v17, $0x6  }
0x85: {  	[tilespmem:$0x11A0] =	vst v22;
	v1 =	vadd.s32 v1, v3  }
0x86: {  	[tilespmem:$0x9A0] =	vst v1  }
0x87: {  	v3 =	vld.idx.msk [tilespmem:v21+s5+$0x0], $0xffff;
	_ =	sdelay $0x1  }
0x88: {  	v24 =	vand.u32 $0x3F, v23  }
0x89: {  	s30 =	sor.u32 $0x130, s6  }
0x8a: {  	v25 =	vor.u32 s30, v0;
	v26 =	vld [tilespmem:$0x150];
	v2 =	vshrl.u32 v20, $0x6  }
0x8b: {  	[tilespmem:$0x11B0] =	vst v25;
	v2 =	vadd.s32 v2, v3  }
0x8c: {  	[tilespmem:$0x9B0] =	vst v2  }
0x8d: {  	v3 =	vld.idx.msk [tilespmem:v24+s5+$0x0], $0xffff;
	_ =	sdelay $0x1  }
0x8e: {  	v27 =	vand.u32 $0x3F, v26  }
0x8f: {  	s31 =	sor.u32 $0x140, s6  }
0x90: {  	v28 =	vor.u32 s31, v0;
	v29 =	vld [tilespmem:$0x160];
	v1 =	vshrl.u32 v23, $0x6  }
0x91: {  	[tilespmem:$0x11C0] =	vst v28;
	v1 =	vadd.s32 v1, v3  }
0x92: {  	[tilespmem:$0x9C0] =	vst v1  }
0x93: {  	v3 =	vld.idx.msk [tilespmem:v27+s5+$0x0], $0xffff;
	_ =	sdelay $0x1  }
0x94: {  	v30 =	vand.u32 $0x3F, v29  }
0x95: {  	s8 =	sor.u32 $0x150, s6  }
0x96: {  	v31 =	vor.u32 s8, v0;
	v32 =	vld [tilespmem:$0x170];
	v2 =	vshrl.u32 v26, $0x6  }
0x97: {  	[tilespmem:$0x11D0] =	vst v31;
	v2 =	vadd.s32 v2, v3  }
0x98: {  	[tilespmem:$0x9D0] =	vst v2  }
0x99: {  	v3 =	vld.idx.msk [tilespmem:v30+s5+$0x0], $0xffff;
	_ =	sdelay $0x1  }
0x9a: {  	v33 =	vand.u32 $0x3F, v32  }
0x9b: {  	s9 =	sor.u32 $0x160, s6  }
0x9c: {  	v34 =	vor.u32 s9, v0;
	v35 =	vld [tilespmem:$0x180];
	v1 =	vshrl.u32 v29, $0x6  }
0x9d: {  	[tilespmem:$0x11E0] =	vst v34;
	v1 =	vadd.s32 v1, v3  }
0x9e: {  	[tilespmem:$0x9E0] =	vst v1  }
0x9f: {  	v3 =	vld.idx.msk [tilespmem:v33+s5+$0x0], $0xffff;
	_ =	sdelay $0x1  }
0xa0: {  	v36 =	vand.u32 $0x3F, v35  }
0xa1: {  	s10 =	sor.u32 $0x170, s6  }
0xa2: {  	v37 =	vor.u32 s10, v0;
	v38 =	vld [tilespmem:$0x190];
	v2 =	vshrl.u32 v32, $0x6  }
0xa3: {  	[tilespmem:$0x11F0] =	vst v37;
	v2 =	vadd.s32 v2, v3  }
0xa4: {  	[tilespmem:$0x9F0] =	vst v2  }
0xa5: {  	v3 =	vld.idx.msk [tilespmem:v36+s5+$0x0], $0xffff;
	_ =	sdelay $0x1  }
0xa6: {  	v39 =	vand.u32 $0x3F, v38  }
0xa7: {  	s11 =	sor.u32 $0x180, s6  }
0xa8: {  	v40 =	vor.u32 s11, v0;
	v41 =	vld [tilespmem:$0x1A0];
	v1 =	vshrl.u32 v35, $0x6  }
0xa9: {  	[tilespmem:$0x1200] =	vst v40;
	v1 =	vadd.s32 v1, v3  }
0xaa: {  	[tilespmem:$0xA00] =	vst v1  }
0xab: {  	v3 =	vld.idx.msk [tilespmem:v39+s5+$0x0], $0xffff;
	_ =	sdelay $0x1  }
0xac: {  	v42 =	vand.u32 $0x3F, v41  }
0xad: {  	s12 =	sor.u32 $0x190, s6  }
0xae: {  	v43 =	vor.u32 s12, v0;
	v44 =	vld [tilespmem:$0x1B0];
	v2 =	vshrl.u32 v38, $0x6  }
0xaf: {  	[tilespmem:$0x1210] =	vst v43;
	v2 =	vadd.s32 v2, v3  }
0xb0: {  	[tilespmem:$0xA10] =	vst v2  }
0xb1: {  	v3 =	vld.idx.msk [tilespmem:v42+s5+$0x0], $0xffff;
	_ =	sdelay $0x1  }
0xb2: {  	v45 =	vand.u32 $0x3F, v44  }
0xb3: {  	s13 =	sor.u32 $0x1A0, s6  }
0xb4: {  	v46 =	vor.u32 s13, v0;
	v47 =	vld [tilespmem:$0x1C0];
	v1 =	vshrl.u32 v41, $0x6  }
0xb5: {  	[tilespmem:$0x1220] =	vst v46;
	v1 =	vadd.s32 v1, v3  }
0xb6: {  	[tilespmem:$0xA20] =	vst v1  }
0xb7: {  	v3 =	vld.idx.msk [tilespmem:v45+s5+$0x0], $0xffff;
	_ =	sdelay $0x1  }
0xb8: {  	v48 =	vand.u32 $0x3F, v47  }
0xb9: {  	s14 =	sor.u32 $0x1B0, s6  }
0xba: {  	v49 =	vor.u32 s14, v0;
	v50 =	vld [tilespmem:$0x1D0];
	v2 =	vshrl.u32 v44, $0x6  }
0xbb: {  	[tilespmem:$0x1230] =	vst v49;
	v2 =	vadd.s32 v2, v3  }
0xbc: {  	[tilespmem:$0xA30] =	vst v2  }
0xbd: {  	v3 =	vld.idx.msk [tilespmem:v48+s5+$0x0], $0xffff;
	_ =	sdelay $0x1  }
0xbe: {  	v51 =	vand.u32 $0x3F, v50  }
0xbf: {  	s15 =	sor.u32 $0x1C0, s6  }
0xc0: {  	v52 =	vor.u32 s15, v0;
	v53 =	vld [tilespmem:$0x1E0];
	v1 =	vshrl.u32 v47, $0x6  }
0xc1: {  	[tilespmem:$0x1240] =	vst v52;
	v1 =	vadd.s32 v1, v3  }
0xc2: {  	[tilespmem:$0xA40] =	vst v1  }
0xc3: {  	v3 =	vld.idx.msk [tilespmem:v51+s5+$0x0], $0xffff;
	_ =	sdelay $0x1  }
0xc4: {  	v54 =	vand.u32 $0x3F, v53  }
0xc5: {  	s16 =	sor.u32 $0x1D0, s6  }
0xc6: {  	v55 =	vor.u32 s16, v0;
	v56 =	vld [tilespmem:$0x1F0];
	v2 =	vshrl.u32 v50, $0x6  }
0xc7: {  	[tilespmem:$0x1250] =	vst v55;
	v2 =	vadd.s32 v2, v3  }
0xc8: {  	[tilespmem:$0xA50] =	vst v2  }
0xc9: {  	v3 =	vld.idx.msk [tilespmem:v54+s5+$0x0], $0xffff;
	_ =	sdelay $0x1  }
0xca: {  	v57 =	vand.u32 $0x3F, v56  }
0xcb: {  	s17 =	sor.u32 $0x1E0, s6  }
0xcc: {  	v58 =	vor.u32 s17, v0;
	v59 =	vld [tilespmem:$0x200];
	v1 =	vshrl.u32 v53, $0x6  }
0xcd: {  	[tilespmem:$0x1260] =	vst v58;
	v1 =	vadd.s32 v1, v3  }
0xce: {  	[tilespmem:$0xA60] =	vst v1  }
0xcf: {  	v3 =	vld.idx.msk [tilespmem:v57+s5+$0x0], $0xffff;
	_ =	sdelay $0x1  }
0xd0: {  	v60 =	vand.u32 $0x3F, v59  }
0xd1: {  	s18 =	sor.u32 $0x1F0, s6  }
0xd2: {  	v61 =	vor.u32 s18, v0;
	v62 =	vld [tilespmem:$0x210];
	v2 =	vshrl.u32 v56, $0x6  }
0xd3: {  	[tilespmem:$0x1270] =	vst v61;
	v2 =	vadd.s32 v2, v3  }
0xd4: {  	[tilespmem:$0xA70] =	vst v2  }
0xd5: {  	v3 =	vld.idx.msk [tilespmem:v60+s5+$0x0], $0xffff;
	_ =	sdelay $0x1  }
0xd6: {  	v63 =	vand.u32 $0x3F, v62  }
0xd7: {  	s19 =	sor.u32 $0x200, s6  }
0xd8: {  	v7 =	vor.u32 s19, v0;
	v8 =	vld [tilespmem:$0x220];
	v1 =	vshrl.u32 v59, $0x6  }
0xd9: {  	[tilespmem:$0x1280] =	vst v7;
	v1 =	vadd.s32 v1, v3  }
0xda: {  	[tilespmem:$0xA80] =	vst v1  }
0xdb: {  	v3 =	vld.idx.msk [tilespmem:v63+s5+$0x0], $0xffff;
	_ =	sdelay $0x1  }
0xdc: {  	v9 =	vand.u32 $0x3F, v8  }
0xdd: {  	s20 =	sor.u32 $0x210, s6  }
0xde: {  	v10 =	vor.u32 s20, v0;
	v11 =	vld [tilespmem:$0x230];
	v2 =	vshrl.u32 v62, $0x6  }
0xdf: {  	[tilespmem:$0x1290] =	vst v10;
	v2 =	vadd.s32 v2, v3  }
0xe0: {  	[tilespmem:$0xA90] =	vst v2  }
0xe1: {  	v3 =	vld.idx.msk [tilespmem:v9+s5+$0x0], $0xffff;
	_ =	sdelay $0x1  }
0xe2: {  	v12 =	vand.u32 $0x3F, v11  }
0xe3: {  	s21 =	sor.u32 $0x220, s6  }
0xe4: {  	v14 =	vld [tilespmem:$0x240];
	v13 =	vor.u32 s21, v0;
	v1 =	vshrl.u32 v8, $0x6  }
0xe5: {  	[tilespmem:$0x12A0] =	vst v13;
	v1 =	vadd.s32 v1, v3  }
0xe6: {  	[tilespmem:$0xAA0] =	vst v1  }
0xe7: {  	v3 =	vld.idx.msk [tilespmem:v12+s5+$0x0], $0xffff;
	_ =	sdelay $0x1  }
0xe8: {  	v15 =	vand.u32 $0x3F, v14  }
0xe9: {  	s22 =	sor.u32 $0x230, s6  }
0xea: {  	v16 =	vor.u32 s22, v0;
	v17 =	vld [tilespmem:$0x250];
	v2 =	vshrl.u32 v11, $0x6  }
0xeb: {  	[tilespmem:$0x12B0] =	vst v16;
	v2 =	vadd.s32 v2, v3  }
0xec: {  	[tilespmem:$0xAB0] =	vst v2  }
0xed: {  	v3 =	vld.idx.msk [tilespmem:v15+s5+$0x0], $0xffff;
	_ =	sdelay $0x1  }
0xee: {  	v18 =	vand.u32 $0x3F, v17  }
0xef: {  	s23 =	sor.u32 $0x240, s6  }
0xf0: {  	v19 =	vor.u32 s23, v0;
	v20 =	vld [tilespmem:$0x260];
	v1 =	vshrl.u32 v14, $0x6  }
0xf1: {  	[tilespmem:$0x12C0] =	vst v19;
	v1 =	vadd.s32 v1, v3  }
0xf2: {  	[tilespmem:$0xAC0] =	vst v1  }
0xf3: {  	v3 =	vld.idx.msk [tilespmem:v18+s5+$0x0], $0xffff;
	_ =	sdelay $0x1  }
0xf4: {  	v21 =	vand.u32 $0x3F, v20  }
0xf5: {  	s24 =	sor.u32 $0x250, s6  }
0xf6: {  	v22 =	vor.u32 s24, v0;
	v23 =	vld [tilespmem:$0x270];
	v2 =	vshrl.u32 v17, $0x6  }
0xf7: {  	[tilespmem:$0x12D0] =	vst v22;
	v2 =	vadd.s32 v2, v3  }
0xf8: {  	[tilespmem:$0xAD0] =	vst v2  }
0xf9: {  	v3 =	vld.idx.msk [tilespmem:v21+s5+$0x0], $0xffff;
	_ =	sdelay $0x1  }
0xfa: {  	v24 =	vand.u32 $0x3F, v23  }
0xfb: {  	s25 =	sor.u32 $0x260, s6  }
0xfc: {  	v25 =	vor.u32 s25, v0;
	v26 =	vld [tilespmem:$0x280];
	v1 =	vshrl.u32 v20, $0x6  }
0xfd: {  	[tilespmem:$0x12E0] =	vst v25;
	v1 =	vadd.s32 v1, v3  }
0xfe: {  	[tilespmem:$0xAE0] =	vst v1  }
0xff: {  	v3 =	vld.idx.msk [tilespmem:v24+s5+$0x0], $0xffff;
	_ =	sdelay $0x1  }
0x100: {  	v27 =	vand.u32 $0x3F, v26  }
0x101: {  	s26 =	sor.u32 $0x270, s6  }
0x102: {  	v28 =	vor.u32 s26, v0;
	v29 =	vld [tilespmem:$0x290];
	v2 =	vshrl.u32 v23, $0x6  }
0x103: {  	[tilespmem:$0x12F0] =	vst v28;
	v2 =	vadd.s32 v2, v3  }
0x104: {  	[tilespmem:$0xAF0] =	vst v2  }
0x105: {  	v3 =	vld.idx.msk [tilespmem:v27+s5+$0x0], $0xffff;
	_ =	sdelay $0x1  }
0x106: {  	v30 =	vand.u32 $0x3F, v29  }
0x107: {  	s28 =	sor.u32 $0x280, s6  }
0x108: {  	v31 =	vor.u32 s28, v0;
	v32 =	vld [tilespmem:$0x2A0];
	v1 =	vshrl.u32 v26, $0x6  }
0x109: {  	[tilespmem:$0x1300] =	vst v31;
	v1 =	vadd.s32 v1, v3  }
0x10a: {  	[tilespmem:$0xB00] =	vst v1  }
0x10b: {  	v3 =	vld.idx.msk [tilespmem:v30+s5+$0x0], $0xffff;
	_ =	sdelay $0x1  }
0x10c: {  	v33 =	vand.u32 $0x3F, v32  }
0x10d: {  	s29 =	sor.u32 $0x290, s6  }
0x10e: {  	v34 =	vor.u32 s29, v0;
	v35 =	vld [tilespmem:$0x2B0];
	v2 =	vshrl.u32 v29, $0x6  }
0x10f: {  	[tilespmem:$0x1310] =	vst v34;
	v2 =	vadd.s32 v2, v3  }
0x110: {  	[tilespmem:$0xB10] =	vst v2  }
0x111: {  	v3 =	vld.idx.msk [tilespmem:v33+s5+$0x0], $0xffff;
	_ =	sdelay $0x1  }
0x112: {  	v36 =	vand.u32 $0x3F, v35  }
0x113: {  	s30 =	sor.u32 $0x2A0, s6  }
0x114: {  	v37 =	vor.u32 s30, v0;
	v38 =	vld [tilespmem:$0x2C0];
	v1 =	vshrl.u32 v32, $0x6  }
0x115: {  	[tilespmem:$0x1320] =	vst v37;
	v1 =	vadd.s32 v1, v3  }
0x116: {  	[tilespmem:$0xB20] =	vst v1  }
0x117: {  	v3 =	vld.idx.msk [tilespmem:v36+s5+$0x0], $0xffff;
	_ =	sdelay $0x1  }
0x118: {  	v39 =	vand.u32 $0x3F, v38  }
0x119: {  	s31 =	sor.u32 $0x2B0, s6  }
0x11a: {  	v40 =	vor.u32 s31, v0;
	v41 =	vld [tilespmem:$0x2D0];
	v2 =	vshrl.u32 v35, $0x6  }
0x11b: {  	[tilespmem:$0x1330] =	vst v40;
	v2 =	vadd.s32 v2, v3  }
0x11c: {  	[tilespmem:$0xB30] =	vst v2  }
0x11d: {  	v3 =	vld.idx.msk [tilespmem:v39+s5+$0x0], $0xffff;
	_ =	sdelay $0x1  }
0x11e: {  	v42 =	vand.u32 $0x3F, v41  }
0x11f: {  	s8 =	sor.u32 $0x2C0, s6  }
0x120: {  	v43 =	vor.u32 s8, v0;
	v44 =	vld [tilespmem:$0x2E0];
	v1 =	vshrl.u32 v38, $0x6  }
0x121: {  	[tilespmem:$0x1340] =	vst v43;
	v1 =	vadd.s32 v1, v3  }
0x122: {  	[tilespmem:$0xB40] =	vst v1  }
0x123: {  	v3 =	vld.idx.msk [tilespmem:v42+s5+$0x0], $0xffff;
	_ =	sdelay $0x1  }
0x124: {  	v45 =	vand.u32 $0x3F, v44  }
0x125: {  	s9 =	sor.u32 $0x2D0, s6  }
0x126: {  	v46 =	vor.u32 s9, v0;
	v47 =	vld [tilespmem:$0x2F0];
	v2 =	vshrl.u32 v41, $0x6  }
0x127: {  	[tilespmem:$0x1350] =	vst v46;
	v2 =	vadd.s32 v2, v3  }
0x128: {  	[tilespmem:$0xB50] =	vst v2  }
0x129: {  	v3 =	vld.idx.msk [tilespmem:v45+s5+$0x0], $0xffff;
	_ =	sdelay $0x1  }
0x12a: {  	v48 =	vand.u32 $0x3F, v47  }
0x12b: {  	s10 =	sor.u32 $0x2E0, s6  }
0x12c: {  	v49 =	vor.u32 s10, v0;
	v50 =	vld [tilespmem:$0x300];
	v1 =	vshrl.u32 v44, $0x6  }
0x12d: {  	[tilespmem:$0x1360] =	vst v49;
	v1 =	vadd.s32 v1, v3  }
0x12e: {  	[tilespmem:$0xB60] =	vst v1  }
0x12f: {  	v3 =	vld.idx.msk [tilespmem:v48+s5+$0x0], $0xffff;
	_ =	sdelay $0x1  }
0x130: {  	v51 =	vand.u32 $0x3F, v50  }
0x131: {  	s11 =	sor.u32 $0x2F0, s6  }
0x132: {  	v52 =	vor.u32 s11, v0;
	v53 =	vld [tilespmem:$0x310];
	v2 =	vshrl.u32 v47, $0x6  }
0x133: {  	[tilespmem:$0x1370] =	vst v52;
	v2 =	vadd.s32 v2, v3  }
0x134: {  	[tilespmem:$0xB70] =	vst v2  }
0x135: {  	v3 =	vld.idx.msk [tilespmem:v51+s5+$0x0], $0xffff;
	_ =	sdelay $0x1  }
0x136: {  	v54 =	vand.u32 $0x3F, v53  }
0x137: {  	s12 =	sor.u32 $0x300, s6  }
0x138: {  	v55 =	vor.u32 s12, v0;
	v56 =	vld [tilespmem:$0x320];
	v1 =	vshrl.u32 v50, $0x6  }
0x139: {  	[tilespmem:$0x1380] =	vst v55;
	v1 =	vadd.s32 v1, v3  }
0x13a: {  	[tilespmem:$0xB80] =	vst v1  }
0x13b: {  	v3 =	vld.idx.msk [tilespmem:v54+s5+$0x0], $0xffff;
	_ =	sdelay $0x1  }
0x13c: {  	v57 =	vand.u32 $0x3F, v56  }
0x13d: {  	s13 =	sor.u32 $0x310, s6  }
0x13e: {  	v58 =	vor.u32 s13, v0;
	v59 =	vld [tilespmem:$0x330];
	v2 =	vshrl.u32 v53, $0x6  }
0x13f: {  	[tilespmem:$0x1390] =	vst v58;
	v2 =	vadd.s32 v2, v3  }
0x140: {  	[tilespmem:$0xB90] =	vst v2  }
0x141: {  	v3 =	vld.idx.msk [tilespmem:v57+s5+$0x0], $0xffff;
	_ =	sdelay $0x1  }
0x142: {  	v60 =	vand.u32 $0x3F, v59  }
0x143: {  	s14 =	sor.u32 $0x320, s6  }
0x144: {  	v61 =	vor.u32 s14, v0;
	v62 =	vld [tilespmem:$0x340];
	v1 =	vshrl.u32 v56, $0x6  }
0x145: {  	[tilespmem:$0x13A0] =	vst v61;
	v1 =	vadd.s32 v1, v3  }
0x146: {  	[tilespmem:$0xBA0] =	vst v1  }
0x147: {  	v3 =	vld.idx.msk [tilespmem:v60+s5+$0x0], $0xffff;
	_ =	sdelay $0x1  }
0x148: {  	v63 =	vand.u32 $0x3F, v62  }
0x149: {  	s15 =	sor.u32 $0x330, s6  }
0x14a: {  	v7 =	vor.u32 s15, v0;
	v8 =	vld [tilespmem:$0x350];
	v2 =	vshrl.u32 v59, $0x6  }
0x14b: {  	[tilespmem:$0x13B0] =	vst v7;
	v2 =	vadd.s32 v2, v3  }
0x14c: {  	[tilespmem:$0xBB0] =	vst v2  }
0x14d: {  	v3 =	vld.idx.msk [tilespmem:v63+s5+$0x0], $0xffff;
	_ =	sdelay $0x1  }
0x14e: {  	v9 =	vand.u32 $0x3F, v8  }
0x14f: {  	s16 =	sor.u32 $0x340, s6  }
0x150: {  	v10 =	vor.u32 s16, v0;
	v11 =	vld [tilespmem:$0x360];
	v1 =	vshrl.u32 v62, $0x6  }
0x151: {  	[tilespmem:$0x13C0] =	vst v10;
	v1 =	vadd.s32 v1, v3  }
0x152: {  	[tilespmem:$0xBC0] =	vst v1  }
0x153: {  	v3 =	vld.idx.msk [tilespmem:v9+s5+$0x0], $0xffff;
	_ =	sdelay $0x1  }
0x154: {  	v12 =	vand.u32 $0x3F, v11  }
0x155: {  	s17 =	sor.u32 $0x350, s6  }
0x156: {  	v13 =	vor.u32 s17, v0;
	v14 =	vld [tilespmem:$0x370];
	v2 =	vshrl.u32 v8, $0x6  }
0x157: {  	[tilespmem:$0x13D0] =	vst v13;
	v2 =	vadd.s32 v2, v3  }
0x158: {  	[tilespmem:$0xBD0] =	vst v2  }
0x159: {  	v3 =	vld.idx.msk [tilespmem:v12+s5+$0x0], $0xffff;
	_ =	sdelay $0x1  }
0x15a: {  	v15 =	vand.u32 $0x3F, v14  }
0x15b: {  	s18 =	sor.u32 $0x360, s6  }
0x15c: {  	v16 =	vor.u32 s18, v0;
	v17 =	vld [tilespmem:$0x380];
	v1 =	vshrl.u32 v11, $0x6  }
0x15d: {  	[tilespmem:$0x13E0] =	vst v16;
	v1 =	vadd.s32 v1, v3  }
0x15e: {  	[tilespmem:$0xBE0] =	vst v1  }
0x15f: {  	v3 =	vld.idx.msk [tilespmem:v15+s5+$0x0], $0xffff;
	_ =	sdelay $0x1  }
0x160: {  	v18 =	vand.u32 $0x3F, v17  }
0x161: {  	s19 =	sor.u32 $0x370, s6  }
0x162: {  	v19 =	vor.u32 s19, v0;
	v20 =	vld [tilespmem:$0x390];
	v2 =	vshrl.u32 v14, $0x6  }
0x163: {  	[tilespmem:$0x13F0] =	vst v19;
	v2 =	vadd.s32 v2, v3  }
0x164: {  	[tilespmem:$0xBF0] =	vst v2  }
0x165: {  	v3 =	vld.idx.msk [tilespmem:v18+s5+$0x0], $0xffff;
	_ =	sdelay $0x1  }
0x166: {  	v21 =	vand.u32 $0x3F, v20  }
0x167: {  	s20 =	sor.u32 $0x380, s6  }
0x168: {  	v22 =	vor.u32 s20, v0;
	v23 =	vld [tilespmem:$0x3A0];
	v1 =	vshrl.u32 v17, $0x6  }
0x169: {  	[tilespmem:$0x1400] =	vst v22;
	v1 =	vadd.s32 v1, v3  }
0x16a: {  	[tilespmem:$0xC00] =	vst v1  }
0x16b: {  	v3 =	vld.idx.msk [tilespmem:v21+s5+$0x0], $0xffff;
	_ =	sdelay $0x1  }
0x16c: {  	v24 =	vand.u32 $0x3F, v23  }
0x16d: {  	s21 =	sor.u32 $0x390, s6  }
0x16e: {  	v25 =	vor.u32 s21, v0;
	v26 =	vld [tilespmem:$0x3B0];
	v2 =	vshrl.u32 v20, $0x6  }
0x16f: {  	[tilespmem:$0x1410] =	vst v25;
	v2 =	vadd.s32 v2, v3  }
0x170: {  	[tilespmem:$0xC10] =	vst v2  }
0x171: {  	v3 =	vld.idx.msk [tilespmem:v24+s5+$0x0], $0xffff;
	_ =	sdelay $0x1  }
0x172: {  	v27 =	vand.u32 $0x3F, v26  }
0x173: {  	s22 =	sor.u32 $0x3A0, s6  }
0x174: {  	v28 =	vor.u32 s22, v0;
	v29 =	vld [tilespmem:$0x3C0];
	v1 =	vshrl.u32 v23, $0x6  }
0x175: {  	[tilespmem:$0x1420] =	vst v28;
	v1 =	vadd.s32 v1, v3  }
0x176: {  	[tilespmem:$0xC20] =	vst v1  }
0x177: {  	v3 =	vld.idx.msk [tilespmem:v27+s5+$0x0], $0xffff;
	_ =	sdelay $0x1  }
0x178: {  	v30 =	vand.u32 $0x3F, v29  }
0x179: {  	s23 =	sor.u32 $0x3B0, s6  }
0x17a: {  	v31 =	vor.u32 s23, v0;
	v32 =	vld [tilespmem:$0x3D0];
	v2 =	vshrl.u32 v26, $0x6  }
0x17b: {  	[tilespmem:$0x1430] =	vst v31;
	v2 =	vadd.s32 v2, v3  }
0x17c: {  	[tilespmem:$0xC30] =	vst v2  }
0x17d: {  	v3 =	vld.idx.msk [tilespmem:v30+s5+$0x0], $0xffff;
	_ =	sdelay $0x1  }
0x17e: {  	v33 =	vand.u32 $0x3F, v32  }
0x17f: {  	s24 =	sor.u32 $0x3C0, s6  }
0x180: {  	v34 =	vor.u32 s24, v0;
	v35 =	vld [tilespmem:$0x3E0];
	v1 =	vshrl.u32 v29, $0x6  }
0x181: {  	[tilespmem:$0x1440] =	vst v34;
	v1 =	vadd.s32 v1, v3  }
0x182: {  	[tilespmem:$0xC40] =	vst v1  }
0x183: {  	v3 =	vld.idx.msk [tilespmem:v33+s5+$0x0], $0xffff;
	_ =	sdelay $0x1  }
0x184: {  	v36 =	vand.u32 $0x3F, v35  }
0x185: {  	s25 =	sor.u32 $0x3D0, s6  }
0x186: {  	v37 =	vor.u32 s25, v0;
	v38 =	vld [tilespmem:$0x3F0];
	v2 =	vshrl.u32 v32, $0x6  }
0x187: {  	[tilespmem:$0x1450] =	vst v37;
	v2 =	vadd.s32 v2, v3  }
0x188: {  	[tilespmem:$0xC50] =	vst v2  }
0x189: {  	v3 =	vld.idx.msk [tilespmem:v36+s5+$0x0], $0xffff;
	_ =	sdelay $0x1  }
0x18a: {  	v39 =	vand.u32 $0x3F, v38  }
0x18b: {  	s26 =	sor.u32 $0x3E0, s6  }
0x18c: {  	v40 =	vor.u32 s26, v0;
	v41 =	vld [tilespmem:$0x400];
	v1 =	vshrl.u32 v35, $0x6  }
0x18d: {  	[tilespmem:$0x1460] =	vst v40;
	v1 =	vadd.s32 v1, v3  }
0x18e: {  	[tilespmem:$0xC60] =	vst v1  }
0x18f: {  	v3 =	vld.idx.msk [tilespmem:v39+s5+$0x0], $0xffff;
	_ =	sdelay $0x1  }
0x190: {  	v42 =	vand.u32 $0x3F, v41  }
0x191: {  	s28 =	sor.u32 $0x3F0, s6  }
0x192: {  	v43 =	vor.u32 s28, v0;
	v44 =	vld [tilespmem:$0x410];
	v2 =	vshrl.u32 v38, $0x6  }
0x193: {  	[tilespmem:$0x1470] =	vst v43;
	v2 =	vadd.s32 v2, v3  }
0x194: {  	[tilespmem:$0xC70] =	vst v2  }
0x195: {  	v3 =	vld.idx.msk [tilespmem:v42+s5+$0x0], $0xffff;
	_ =	sdelay $0x1  }
0x196: {  	v45 =	vand.u32 $0x3F, v44  }
0x197: {  	s29 =	sor.u32 $0x400, s6  }
0x198: {  	v46 =	vor.u32 s29, v0;
	v47 =	vld [tilespmem:$0x420];
	v1 =	vshrl.u32 v41, $0x6  }
0x199: {  	[tilespmem:$0x1480] =	vst v46;
	v1 =	vadd.s32 v1, v3  }
0x19a: {  	[tilespmem:$0xC80] =	vst v1  }
0x19b: {  	v3 =	vld.idx.msk [tilespmem:v45+s5+$0x0], $0xffff;
	_ =	sdelay $0x1  }
0x19c: {  	v48 =	vand.u32 $0x3F, v47  }
0x19d: {  	s30 =	sor.u32 $0x410, s6  }
0x19e: {  	v49 =	vor.u32 s30, v0;
	v50 =	vld [tilespmem:$0x430];
	v2 =	vshrl.u32 v44, $0x6  }
0x19f: {  	[tilespmem:$0x1490] =	vst v49;
	v2 =	vadd.s32 v2, v3  }
0x1a0: {  	[tilespmem:$0xC90] =	vst v2  }
0x1a1: {  	v3 =	vld.idx.msk [tilespmem:v48+s5+$0x0], $0xffff;
	_ =	sdelay $0x1  }
0x1a2: {  	v51 =	vand.u32 $0x3F, v50  }
0x1a3: {  	s31 =	sor.u32 $0x420, s6  }
0x1a4: {  	v52 =	vor.u32 s31, v0;
	v53 =	vld [tilespmem:$0x440];
	v1 =	vshrl.u32 v47, $0x6  }
0x1a5: {  	[tilespmem:$0x14A0] =	vst v52;
	v1 =	vadd.s32 v1, v3  }
0x1a6: {  	[tilespmem:$0xCA0] =	vst v1  }
0x1a7: {  	v3 =	vld.idx.msk [tilespmem:v51+s5+$0x0], $0xffff;
	_ =	sdelay $0x1  }
0x1a8: {  	v54 =	vand.u32 $0x3F, v53  }
0x1a9: {  	s8 =	sor.u32 $0x430, s6  }
0x1aa: {  	v55 =	vor.u32 s8, v0;
	v56 =	vld [tilespmem:$0x450];
	v2 =	vshrl.u32 v50, $0x6  }
0x1ab: {  	[tilespmem:$0x14B0] =	vst v55;
	v2 =	vadd.s32 v2, v3  }
0x1ac: {  	[tilespmem:$0xCB0] =	vst v2  }
0x1ad: {  	v3 =	vld.idx.msk [tilespmem:v54+s5+$0x0], $0xffff;
	_ =	sdelay $0x1  }
0x1ae: {  	v57 =	vand.u32 $0x3F, v56  }
0x1af: {  	s9 =	sor.u32 $0x440, s6  }
0x1b0: {  	v58 =	vor.u32 s9, v0;
	v59 =	vld [tilespmem:$0x460];
	v1 =	vshrl.u32 v53, $0x6  }
0x1b1: {  	[tilespmem:$0x14C0] =	vst v58;
	v1 =	vadd.s32 v1, v3  }
0x1b2: {  	[tilespmem:$0xCC0] =	vst v1  }
0x1b3: {  	v3 =	vld.idx.msk [tilespmem:v57+s5+$0x0], $0xffff;
	_ =	sdelay $0x1  }
0x1b4: {  	v60 =	vand.u32 $0x3F, v59  }
0x1b5: {  	s10 =	sor.u32 $0x450, s6  }
0x1b6: {  	v61 =	vor.u32 s10, v0;
	v62 =	vld [tilespmem:$0x470];
	v2 =	vshrl.u32 v56, $0x6  }
0x1b7: {  	[tilespmem:$0x14D0] =	vst v61;
	v2 =	vadd.s32 v2, v3  }
0x1b8: {  	[tilespmem:$0xCD0] =	vst v2  }
0x1b9: {  	v3 =	vld.idx.msk [tilespmem:v60+s5+$0x0], $0xffff;
	_ =	sdelay $0x1  }
0x1ba: {  	v63 =	vand.u32 $0x3F, v62  }
0x1bb: {  	s11 =	sor.u32 $0x460, s6  }
0x1bc: {  	v7 =	vor.u32 s11, v0;
	v8 =	vld [tilespmem:$0x480];
	v1 =	vshrl.u32 v59, $0x6  }
0x1bd: {  	[tilespmem:$0x14E0] =	vst v7;
	v1 =	vadd.s32 v1, v3  }
0x1be: {  	[tilespmem:$0xCE0] =	vst v1  }
0x1bf: {  	v3 =	vld.idx.msk [tilespmem:v63+s5+$0x0], $0xffff;
	_ =	sdelay $0x1  }
0x1c0: {  	v9 =	vand.u32 $0x3F, v8  }
0x1c1: {  	s12 =	sor.u32 $0x470, s6  }
0x1c2: {  	v10 =	vor.u32 s12, v0;
	v11 =	vld [tilespmem:$0x490];
	v2 =	vshrl.u32 v62, $0x6  }
0x1c3: {  	[tilespmem:$0x14F0] =	vst v10;
	v2 =	vadd.s32 v2, v3  }
0x1c4: {  	[tilespmem:$0xCF0] =	vst v2  }
0x1c5: {  	v3 =	vld.idx.msk [tilespmem:v9+s5+$0x0], $0xffff;
	_ =	sdelay $0x1  }
0x1c6: {  	v12 =	vand.u32 $0x3F, v11  }
0x1c7: {  	s13 =	sor.u32 $0x480, s6  }
0x1c8: {  	v13 =	vor.u32 s13, v0;
	v14 =	vld [tilespmem:$0x4A0];
	v1 =	vshrl.u32 v8, $0x6  }
0x1c9: {  	[tilespmem:$0x1500] =	vst v13;
	v1 =	vadd.s32 v1, v3  }
0x1ca: {  	[tilespmem:$0xD00] =	vst v1  }
0x1cb: {  	v3 =	vld.idx.msk [tilespmem:v12+s5+$0x0], $0xffff;
	_ =	sdelay $0x1  }
0x1cc: {  	v15 =	vand.u32 $0x3F, v14  }
0x1cd: {  	s14 =	sor.u32 $0x490, s6  }
0x1ce: {  	v16 =	vor.u32 s14, v0;
	v17 =	vld [tilespmem:$0x4B0];
	v2 =	vshrl.u32 v11, $0x6  }
0x1cf: {  	[tilespmem:$0x1510] =	vst v16;
	v2 =	vadd.s32 v2, v3  }
0x1d0: {  	[tilespmem:$0xD10] =	vst v2  }
0x1d1: {  	v3 =	vld.idx.msk [tilespmem:v15+s5+$0x0], $0xffff;
	_ =	sdelay $0x1  }
0x1d2: {  	v18 =	vand.u32 $0x3F, v17  }
0x1d3: {  	s15 =	sor.u32 $0x4A0, s6  }
0x1d4: {  	v19 =	vor.u32 s15, v0;
	v20 =	vld [tilespmem:$0x4C0];
	v1 =	vshrl.u32 v14, $0x6  }
0x1d5: {  	[tilespmem:$0x1520] =	vst v19;
	v1 =	vadd.s32 v1, v3  }
0x1d6: {  	[tilespmem:$0xD20] =	vst v1  }
0x1d7: {  	v3 =	vld.idx.msk [tilespmem:v18+s5+$0x0], $0xffff;
	_ =	sdelay $0x1  }
0x1d8: {  	v21 =	vand.u32 $0x3F, v20  }
0x1d9: {  	s16 =	sor.u32 $0x4B0, s6  }
0x1da: {  	v22 =	vor.u32 s16, v0;
	v23 =	vld [tilespmem:$0x4D0];
	v2 =	vshrl.u32 v17, $0x6  }
0x1db: {  	[tilespmem:$0x1530] =	vst v22;
	v2 =	vadd.s32 v2, v3  }
0x1dc: {  	[tilespmem:$0xD30] =	vst v2  }
0x1dd: {  	v3 =	vld.idx.msk [tilespmem:v21+s5+$0x0], $0xffff;
	_ =	sdelay $0x1  }
0x1de: {  	v24 =	vand.u32 $0x3F, v23  }
0x1df: {  	s17 =	sor.u32 $0x4C0, s6  }
0x1e0: {  	v25 =	vor.u32 s17, v0;
	v26 =	vld [tilespmem:$0x4E0];
	v1 =	vshrl.u32 v20, $0x6  }
0x1e1: {  	[tilespmem:$0x1540] =	vst v25;
	v1 =	vadd.s32 v1, v3  }
0x1e2: {  	[tilespmem:$0xD40] =	vst v1  }
0x1e3: {  	v3 =	vld.idx.msk [tilespmem:v24+s5+$0x0], $0xffff;
	_ =	sdelay $0x1  }
0x1e4: {  	v27 =	vand.u32 $0x3F, v26  }
0x1e5: {  	s18 =	sor.u32 $0x4D0, s6  }
0x1e6: {  	v28 =	vor.u32 s18, v0;
	v29 =	vld [tilespmem:$0x4F0];
	v2 =	vshrl.u32 v23, $0x6  }
0x1e7: {  	[tilespmem:$0x1550] =	vst v28;
	v2 =	vadd.s32 v2, v3  }
0x1e8: {  	[tilespmem:$0xD50] =	vst v2  }
0x1e9: {  	v3 =	vld.idx.msk [tilespmem:v27+s5+$0x0], $0xffff;
	_ =	sdelay $0x1  }
0x1ea: {  	v30 =	vand.u32 $0x3F, v29  }
0x1eb: {  	s19 =	sor.u32 $0x4E0, s6  }
0x1ec: {  	v31 =	vor.u32 s19, v0;
	v32 =	vld [tilespmem:$0x500];
	v1 =	vshrl.u32 v26, $0x6  }
0x1ed: {  	[tilespmem:$0x1560] =	vst v31;
	v1 =	vadd.s32 v1, v3  }
0x1ee: {  	[tilespmem:$0xD60] =	vst v1  }
0x1ef: {  	v3 =	vld.idx.msk [tilespmem:v30+s5+$0x0], $0xffff;
	_ =	sdelay $0x1  }
0x1f0: {  	v33 =	vand.u32 $0x3F, v32  }
0x1f1: {  	s20 =	sor.u32 $0x4F0, s6  }
0x1f2: {  	v34 =	vor.u32 s20, v0;
	v35 =	vld [tilespmem:$0x510];
	v2 =	vshrl.u32 v29, $0x6  }
0x1f3: {  	[tilespmem:$0x1570] =	vst v34;
	v2 =	vadd.s32 v2, v3  }
0x1f4: {  	[tilespmem:$0xD70] =	vst v2  }
0x1f5: {  	v3 =	vld.idx.msk [tilespmem:v33+s5+$0x0], $0xffff;
	_ =	sdelay $0x1  }
0x1f6: {  	v36 =	vand.u32 $0x3F, v35  }
0x1f7: {  	s21 =	sor.u32 $0x500, s6  }
0x1f8: {  	v37 =	vor.u32 s21, v0;
	v38 =	vld [tilespmem:$0x520];
	v1 =	vshrl.u32 v32, $0x6  }
0x1f9: {  	[tilespmem:$0x1580] =	vst v37;
	v1 =	vadd.s32 v1, v3  }
0x1fa: {  	[tilespmem:$0xD80] =	vst v1  }
0x1fb: {  	v3 =	vld.idx.msk [tilespmem:v36+s5+$0x0], $0xffff;
	_ =	sdelay $0x1  }
0x1fc: {  	v39 =	vand.u32 $0x3F, v38  }
0x1fd: {  	s22 =	sor.u32 $0x510, s6  }
0x1fe: {  	v40 =	vor.u32 s22, v0;
	v41 =	vld [tilespmem:$0x530];
	v2 =	vshrl.u32 v35, $0x6  }
0x1ff: {  	[tilespmem:$0x1590] =	vst v40;
	v2 =	vadd.s32 v2, v3  }
0x200: {  	[tilespmem:$0xD90] =	vst v2  }
0x201: {  	v3 =	vld.idx.msk [tilespmem:v39+s5+$0x0], $0xffff;
	_ =	sdelay $0x1  }
0x202: {  	v42 =	vand.u32 $0x3F, v41  }
0x203: {  	s23 =	sor.u32 $0x520, s6  }
0x204: {  	v43 =	vor.u32 s23, v0;
	v44 =	vld [tilespmem:$0x540];
	v1 =	vshrl.u32 v38, $0x6  }
0x205: {  	[tilespmem:$0x15A0] =	vst v43;
	v1 =	vadd.s32 v1, v3  }
0x206: {  	[tilespmem:$0xDA0] =	vst v1  }
0x207: {  	v3 =	vld.idx.msk [tilespmem:v42+s5+$0x0], $0xffff;
	_ =	sdelay $0x1  }
0x208: {  	v45 =	vand.u32 $0x3F, v44  }
0x209: {  	s24 =	sor.u32 $0x530, s6  }
0x20a: {  	v46 =	vor.u32 s24, v0;
	v47 =	vld [tilespmem:$0x550];
	v2 =	vshrl.u32 v41, $0x6  }
0x20b: {  	[tilespmem:$0x15B0] =	vst v46;
	v2 =	vadd.s32 v2, v3  }
0x20c: {  	[tilespmem:$0xDB0] =	vst v2  }
0x20d: {  	v3 =	vld.idx.msk [tilespmem:v45+s5+$0x0], $0xffff;
	_ =	sdelay $0x1  }
0x20e: {  	v48 =	vand.u32 $0x3F, v47  }
0x20f: {  	s25 =	sor.u32 $0x540, s6  }
0x210: {  	v49 =	vor.u32 s25, v0;
	v50 =	vld [tilespmem:$0x560];
	v1 =	vshrl.u32 v44, $0x6  }
0x211: {  	[tilespmem:$0x15C0] =	vst v49;
	v1 =	vadd.s32 v1, v3  }
0x212: {  	[tilespmem:$0xDC0] =	vst v1  }
0x213: {  	v3 =	vld.idx.msk [tilespmem:v48+s5+$0x0], $0xffff;
	_ =	sdelay $0x1  }
0x214: {  	v51 =	vand.u32 $0x3F, v50  }
0x215: {  	s26 =	sor.u32 $0x550, s6  }
0x216: {  	v52 =	vor.u32 s26, v0;
	v53 =	vld [tilespmem:$0x570];
	v2 =	vshrl.u32 v47, $0x6  }
0x217: {  	[tilespmem:$0x15D0] =	vst v52;
	v2 =	vadd.s32 v2, v3  }
0x218: {  	[tilespmem:$0xDD0] =	vst v2  }
0x219: {  	v3 =	vld.idx.msk [tilespmem:v51+s5+$0x0], $0xffff;
	_ =	sdelay $0x1  }
0x21a: {  	v54 =	vand.u32 $0x3F, v53  }
0x21b: {  	s28 =	sor.u32 $0x560, s6  }
0x21c: {  	v55 =	vor.u32 s28, v0;
	v56 =	vld [tilespmem:$0x580];
	v1 =	vshrl.u32 v50, $0x6  }
0x21d: {  	[tilespmem:$0x15E0] =	vst v55;
	v1 =	vadd.s32 v1, v3  }
0x21e: {  	[tilespmem:$0xDE0] =	vst v1  }
0x21f: {  	v3 =	vld.idx.msk [tilespmem:v54+s5+$0x0], $0xffff;
	_ =	sdelay $0x1  }
0x220: {  	v57 =	vand.u32 $0x3F, v56  }
0x221: {  	s29 =	sor.u32 $0x570, s6  }
0x222: {  	v58 =	vor.u32 s29, v0;
	v59 =	vld [tilespmem:$0x590];
	v2 =	vshrl.u32 v53, $0x6  }
0x223: {  	[tilespmem:$0x15F0] =	vst v58;
	v2 =	vadd.s32 v2, v3  }
0x224: {  	[tilespmem:$0xDF0] =	vst v2  }
0x225: {  	v3 =	vld.idx.msk [tilespmem:v57+s5+$0x0], $0xffff;
	_ =	sdelay $0x1  }
0x226: {  	v60 =	vand.u32 $0x3F, v59  }
0x227: {  	s30 =	sor.u32 $0x580, s6  }
0x228: {  	v61 =	vor.u32 s30, v0;
	v62 =	vld [tilespmem:$0x5A0];
	v1 =	vshrl.u32 v56, $0x6  }
0x229: {  	[tilespmem:$0x1600] =	vst v61;
	v1 =	vadd.s32 v1, v3  }
0x22a: {  	[tilespmem:$0xE00] =	vst v1  }
0x22b: {  	v3 =	vld.idx.msk [tilespmem:v60+s5+$0x0], $0xffff;
	_ =	sdelay $0x1  }
0x22c: {  	v63 =	vand.u32 $0x3F, v62  }
0x22d: {  	s31 =	sor.u32 $0x590, s6  }
0x22e: {  	v8 =	vor.u32 s31, v0;
	v9 =	vld [tilespmem:$0x5B0];
	v2 =	vshrl.u32 v59, $0x6  }
0x22f: {  	[tilespmem:$0x1610] =	vst v8;
	v2 =	vadd.s32 v2, v3  }
0x230: {  	[tilespmem:$0xE10] =	vst v2  }
0x231: {  	v3 =	vld.idx.msk [tilespmem:v63+s5+$0x0], $0xffff;
	_ =	sdelay $0x1  }
0x232: {  	v10 =	vand.u32 $0x3F, v9  }
0x233: {  	s8 =	sor.u32 $0x5A0, s6  }
0x234: {  	v11 =	vor.u32 s8, v0;
	v12 =	vld [tilespmem:$0x5C0];
	v1 =	vshrl.u32 v62, $0x6  }
0x235: {  	[tilespmem:$0x1620] =	vst v11;
	v1 =	vadd.s32 v1, v3  }
0x236: {  	[tilespmem:$0xE20] =	vst v1  }
0x237: {  	v3 =	vld.idx.msk [tilespmem:v10+s5+$0x0], $0xffff;
	_ =	sdelay $0x1  }
0x238: {  	v13 =	vand.u32 $0x3F, v12  }
0x239: {  	s9 =	sor.u32 $0x5B0, s6  }
0x23a: {  	v14 =	vor.u32 s9, v0;
	v15 =	vld [tilespmem:$0x5D0];
	v2 =	vshrl.u32 v9, $0x6  }
0x23b: {  	[tilespmem:$0x1630] =	vst v14;
	v2 =	vadd.s32 v2, v3  }
0x23c: {  	[tilespmem:$0xE30] =	vst v2  }
0x23d: {  	v3 =	vld.idx.msk [tilespmem:v13+s5+$0x0], $0xffff;
	_ =	sdelay $0x1  }
0x23e: {  	v16 =	vand.u32 $0x3F, v15  }
0x23f: {  	s10 =	sor.u32 $0x5C0, s6  }
0x240: {  	v17 =	vor.u32 s10, v0;
	v18 =	vld [tilespmem:$0x5E0];
	v1 =	vshrl.u32 v12, $0x6  }
0x241: {  	[tilespmem:$0x1640] =	vst v17;
	v1 =	vadd.s32 v1, v3  }
0x242: {  	[tilespmem:$0xE40] =	vst v1  }
0x243: {  	v3 =	vld.idx.msk [tilespmem:v16+s5+$0x0], $0xffff;
	_ =	sdelay $0x1  }
0x244: {  	v19 =	vand.u32 $0x3F, v18  }
0x245: {  	s11 =	sor.u32 $0x5D0, s6  }
0x246: {  	v20 =	vor.u32 s11, v0;
	v21 =	vld [tilespmem:$0x5F0];
	v2 =	vshrl.u32 v15, $0x6  }
0x247: {  	[tilespmem:$0x1650] =	vst v20;
	v2 =	vadd.s32 v2, v3  }
0x248: {  	[tilespmem:$0xE50] =	vst v2  }
0x249: {  	v3 =	vld.idx.msk [tilespmem:v19+s5+$0x0], $0xffff;
	_ =	sdelay $0x1  }
0x24a: {  	v22 =	vand.u32 $0x3F, v21  }
0x24b: {  	s12 =	sor.u32 $0x5E0, s6  }
0x24c: {  	v23 =	vor.u32 s12, v0;
	v24 =	vld [tilespmem:$0x600];
	v1 =	vshrl.u32 v18, $0x6  }
0x24d: {  	[tilespmem:$0x1660] =	vst v23;
	v1 =	vadd.s32 v1, v3  }
0x24e: {  	[tilespmem:$0xE60] =	vst v1  }
0x24f: {  	v3 =	vld.idx.msk [tilespmem:v22+s5+$0x0], $0xffff;
	_ =	sdelay $0x1  }
0x250: {  	v25 =	vand.u32 $0x3F, v24  }
0x251: {  	s13 =	sor.u32 $0x5F0, s6  }
0x252: {  	v26 =	vor.u32 s13, v0;
	v27 =	vld [tilespmem:$0x610];
	v2 =	vshrl.u32 v21, $0x6  }
0x253: {  	[tilespmem:$0x1670] =	vst v26;
	v2 =	vadd.s32 v2, v3  }
0x254: {  	[tilespmem:$0xE70] =	vst v2  }
0x255: {  	v3 =	vld.idx.msk [tilespmem:v25+s5+$0x0], $0xffff;
	_ =	sdelay $0x1  }
0x256: {  	v28 =	vand.u32 $0x3F, v27  }
0x257: {  	s14 =	sor.u32 $0x600, s6  }
0x258: {  	v29 =	vor.u32 s14, v0;
	v30 =	vld [tilespmem:$0x620];
	v1 =	vshrl.u32 v24, $0x6  }
0x259: {  	[tilespmem:$0x1680] =	vst v29;
	v1 =	vadd.s32 v1, v3  }
0x25a: {  	[tilespmem:$0xE80] =	vst v1  }
0x25b: {  	v3 =	vld.idx.msk [tilespmem:v28+s5+$0x0], $0xffff;
	_ =	sdelay $0x1  }
0x25c: {  	v31 =	vand.u32 $0x3F, v30  }
0x25d: {  	s15 =	sor.u32 $0x610, s6  }
0x25e: {  	v32 =	vor.u32 s15, v0;
	v33 =	vld [tilespmem:$0x630];
	v2 =	vshrl.u32 v27, $0x6  }
0x25f: {  	[tilespmem:$0x1690] =	vst v32;
	v2 =	vadd.s32 v2, v3  }
0x260: {  	[tilespmem:$0xE90] =	vst v2  }
0x261: {  	v3 =	vld.idx.msk [tilespmem:v31+s5+$0x0], $0xffff;
	_ =	sdelay $0x1  }
0x262: {  	v34 =	vand.u32 $0x3F, v33  }
0x263: {  	s16 =	sor.u32 $0x620, s6  }
0x264: {  	v35 =	vor.u32 s16, v0;
	v36 =	vld [tilespmem:$0x640];
	v1 =	vshrl.u32 v30, $0x6  }
0x265: {  	[tilespmem:$0x16A0] =	vst v35;
	v1 =	vadd.s32 v1, v3  }
0x266: {  	[tilespmem:$0xEA0] =	vst v1  }
0x267: {  	v3 =	vld.idx.msk [tilespmem:v34+s5+$0x0], $0xffff;
	_ =	sdelay $0x1  }
0x268: {  	v37 =	vand.u32 $0x3F, v36  }
0x269: {  	s17 =	sor.u32 $0x630, s6  }
0x26a: {  	v38 =	vor.u32 s17, v0;
	v39 =	vld [tilespmem:$0x650];
	v2 =	vshrl.u32 v33, $0x6  }
0x26b: {  	[tilespmem:$0x16B0] =	vst v38;
	v2 =	vadd.s32 v2, v3  }
0x26c: {  	[tilespmem:$0xEB0] =	vst v2  }
0x26d: {  	v3 =	vld.idx.msk [tilespmem:v37+s5+$0x0], $0xffff;
	_ =	sdelay $0x1  }
0x26e: {  	v40 =	vand.u32 $0x3F, v39  }
0x26f: {  	s18 =	sor.u32 $0x640, s6  }
0x270: {  	v41 =	vor.u32 s18, v0;
	v42 =	vld [tilespmem:$0x660];
	v1 =	vshrl.u32 v36, $0x6  }
0x271: {  	[tilespmem:$0x16C0] =	vst v41;
	v1 =	vadd.s32 v1, v3  }
0x272: {  	[tilespmem:$0xEC0] =	vst v1  }
0x273: {  	v3 =	vld.idx.msk [tilespmem:v40+s5+$0x0], $0xffff;
	_ =	sdelay $0x1  }
0x274: {  	v43 =	vand.u32 $0x3F, v42  }
0x275: {  	s19 =	sor.u32 $0x650, s6  }
0x276: {  	v44 =	vor.u32 s19, v0;
	v45 =	vld [tilespmem:$0x670];
	v2 =	vshrl.u32 v39, $0x6  }
0x277: {  	[tilespmem:$0x16D0] =	vst v44;
	v2 =	vadd.s32 v2, v3  }
0x278: {  	[tilespmem:$0xED0] =	vst v2  }
0x279: {  	v3 =	vld.idx.msk [tilespmem:v43+s5+$0x0], $0xffff;
	_ =	sdelay $0x1  }
0x27a: {  	v46 =	vand.u32 $0x3F, v45  }
0x27b: {  	s20 =	sor.u32 $0x660, s6  }
0x27c: {  	v47 =	vor.u32 s20, v0;
	v48 =	vld [tilespmem:$0x680];
	v1 =	vshrl.u32 v42, $0x6  }
0x27d: {  	[tilespmem:$0x16E0] =	vst v47;
	v1 =	vadd.s32 v1, v3  }
0x27e: {  	[tilespmem:$0xEE0] =	vst v1  }
0x27f: {  	v3 =	vld.idx.msk [tilespmem:v46+s5+$0x0], $0xffff;
	_ =	sdelay $0x1  }
0x280: {  	v49 =	vand.u32 $0x3F, v48  }
0x281: {  	s21 =	sor.u32 $0x670, s6  }
0x282: {  	v50 =	vor.u32 s21, v0;
	v51 =	vld [tilespmem:$0x690];
	v2 =	vshrl.u32 v45, $0x6  }
0x283: {  	[tilespmem:$0x16F0] =	vst v50;
	v2 =	vadd.s32 v2, v3  }
0x284: {  	[tilespmem:$0xEF0] =	vst v2  }
0x285: {  	v3 =	vld.idx.msk [tilespmem:v49+s5+$0x0], $0xffff;
	_ =	sdelay $0x1  }
0x286: {  	v52 =	vand.u32 $0x3F, v51  }
0x287: {  	s22 =	sor.u32 $0x680, s6  }
0x288: {  	v53 =	vor.u32 s22, v0;
	v54 =	vld [tilespmem:$0x6A0];
	v1 =	vshrl.u32 v48, $0x6  }
0x289: {  	[tilespmem:$0x1700] =	vst v53;
	v1 =	vadd.s32 v1, v3  }
0x28a: {  	[tilespmem:$0xF00] =	vst v1  }
0x28b: {  	v3 =	vld.idx.msk [tilespmem:v52+s5+$0x0], $0xffff;
	_ =	sdelay $0x1  }
0x28c: {  	v55 =	vand.u32 $0x3F, v54  }
0x28d: {  	s23 =	sor.u32 $0x690, s6  }
0x28e: {  	v56 =	vor.u32 s23, v0;
	v57 =	vld [tilespmem:$0x6B0];
	v2 =	vshrl.u32 v51, $0x6  }
0x28f: {  	[tilespmem:$0x1710] =	vst v56;
	v2 =	vadd.s32 v2, v3  }
0x290: {  	[tilespmem:$0xF10] =	vst v2  }
0x291: {  	v3 =	vld.idx.msk [tilespmem:v55+s5+$0x0], $0xffff;
	_ =	sdelay $0x1  }
0x292: {  	v58 =	vand.u32 $0x3F, v57  }
0x293: {  	s24 =	sor.u32 $0x6A0, s6  }
0x294: {  	v59 =	vor.u32 s24, v0;
	v60 =	vld [tilespmem:$0x6C0];
	v1 =	vshrl.u32 v54, $0x6  }
0x295: {  	[tilespmem:$0x1720] =	vst v59;
	v1 =	vadd.s32 v1, v3  }
0x296: {  	[tilespmem:$0xF20] =	vst v1  }
0x297: {  	v3 =	vld.idx.msk [tilespmem:v58+s5+$0x0], $0xffff;
	_ =	sdelay $0x1  }
0x298: {  	v61 =	vand.u32 $0x3F, v60  }
0x299: {  	s25 =	sor.u32 $0x6B0, s6  }
0x29a: {  	v62 =	vor.u32 s25, v0;
	v63 =	vld [tilespmem:$0x6D0];
	v2 =	vshrl.u32 v57, $0x6  }
0x29b: {  	[tilespmem:$0x1730] =	vst v62;
	v2 =	vadd.s32 v2, v3  }
0x29c: {  	[tilespmem:$0xF30] =	vst v2  }
0x29d: {  	v3 =	vld.idx.msk [tilespmem:v61+s5+$0x0], $0xffff;
	_ =	sdelay $0x1  }
0x29e: {  	v8 =	vand.u32 $0x3F, v63  }
0x29f: {  	s26 =	sor.u32 $0x6C0, s6  }
0x2a0: {  	v9 =	vor.u32 s26, v0;
	v10 =	vld [tilespmem:$0x6E0];
	v1 =	vshrl.u32 v60, $0x6  }
0x2a1: {  	[tilespmem:$0x1740] =	vst v9;
	v1 =	vadd.s32 v1, v3  }
0x2a2: {  	[tilespmem:$0xF40] =	vst v1  }
0x2a3: {  	v3 =	vld.idx.msk [tilespmem:v8+s5+$0x0], $0xffff;
	_ =	sdelay $0x1  }
0x2a4: {  	v11 =	vand.u32 $0x3F, v10  }
0x2a5: {  	s28 =	sor.u32 $0x6D0, s6  }
0x2a6: {  	v12 =	vor.u32 s28, v0;
	v13 =	vld [tilespmem:$0x6F0];
	v2 =	vshrl.u32 v63, $0x6  }
0x2a7: {  	[tilespmem:$0x1750] =	vst v12;
	v2 =	vadd.s32 v2, v3  }
0x2a8: {  	[tilespmem:$0xF50] =	vst v2  }
0x2a9: {  	v3 =	vld.idx.msk [tilespmem:v11+s5+$0x0], $0xffff;
	_ =	sdelay $0x1  }
0x2aa: {  	v14 =	vand.u32 $0x3F, v13  }
0x2ab: {  	s29 =	sor.u32 $0x6E0, s6  }
0x2ac: {  	v15 =	vor.u32 s29, v0;
	v16 =	vld [tilespmem:$0x700];
	v1 =	vshrl.u32 v10, $0x6  }
0x2ad: {  	[tilespmem:$0x1760] =	vst v15;
	v1 =	vadd.s32 v1, v3  }
0x2ae: {  	[tilespmem:$0xF60] =	vst v1  }
0x2af: {  	v3 =	vld.idx.msk [tilespmem:v14+s5+$0x0], $0xffff;
	_ =	sdelay $0x1  }
0x2b0: {  	v17 =	vand.u32 $0x3F, v16  }
0x2b1: {  	s30 =	sor.u32 $0x6F0, s6  }
0x2b2: {  	v18 =	vor.u32 s30, v0;
	v19 =	vld [tilespmem:$0x710];
	v2 =	vshrl.u32 v13, $0x6  }
0x2b3: {  	[tilespmem:$0x1770] =	vst v18;
	v2 =	vadd.s32 v2, v3  }
0x2b4: {  	[tilespmem:$0xF70] =	vst v2  }
0x2b5: {  	v3 =	vld.idx.msk [tilespmem:v17+s5+$0x0], $0xffff;
	_ =	sdelay $0x1  }
0x2b6: {  	v20 =	vand.u32 $0x3F, v19  }
0x2b7: {  	s31 =	sor.u32 $0x700, s6  }
0x2b8: {  	v21 =	vor.u32 s31, v0;
	v22 =	vld [tilespmem:$0x720];
	v1 =	vshrl.u32 v16, $0x6  }
0x2b9: {  	[tilespmem:$0x1780] =	vst v21;
	v1 =	vadd.s32 v1, v3  }
0x2ba: {  	[tilespmem:$0xF80] =	vst v1  }
0x2bb: {  	v3 =	vld.idx.msk [tilespmem:v20+s5+$0x0], $0xffff;
	_ =	sdelay $0x1  }
0x2bc: {  	v23 =	vand.u32 $0x3F, v22  }
0x2bd: {  	s8 =	sor.u32 $0x710, s6  }
0x2be: {  	v24 =	vor.u32 s8, v0;
	v25 =	vld [tilespmem:$0x730];
	v2 =	vshrl.u32 v19, $0x6  }
0x2bf: {  	[tilespmem:$0x1790] =	vst v24;
	v2 =	vadd.s32 v2, v3  }
0x2c0: {  	[tilespmem:$0xF90] =	vst v2  }
0x2c1: {  	v3 =	vld.idx.msk [tilespmem:v23+s5+$0x0], $0xffff;
	_ =	sdelay $0x1  }
0x2c2: {  	v26 =	vand.u32 $0x3F, v25  }
0x2c3: {  	s9 =	sor.u32 $0x720, s6  }
0x2c4: {  	v27 =	vor.u32 s9, v0;
	v28 =	vld [tilespmem:$0x740];
	v1 =	vshrl.u32 v22, $0x6  }
0x2c5: {  	[tilespmem:$0x17A0] =	vst v27;
	v1 =	vadd.s32 v1, v3  }
0x2c6: {  	[tilespmem:$0xFA0] =	vst v1  }
0x2c7: {  	v3 =	vld.idx.msk [tilespmem:v26+s5+$0x0], $0xffff;
	_ =	sdelay $0x1  }
0x2c8: {  	v29 =	vand.u32 $0x3F, v28  }
0x2c9: {  	s10 =	sor.u32 $0x730, s6  }
0x2ca: {  	v30 =	vor.u32 s10, v0;
	v31 =	vld [tilespmem:$0x750];
	v2 =	vshrl.u32 v25, $0x6  }
0x2cb: {  	[tilespmem:$0x17B0] =	vst v30;
	v2 =	vadd.s32 v2, v3  }
0x2cc: {  	[tilespmem:$0xFB0] =	vst v2  }
0x2cd: {  	v3 =	vld.idx.msk [tilespmem:v29+s5+$0x0], $0xffff;
	_ =	sdelay $0x1  }
0x2ce: {  	v32 =	vand.u32 $0x3F, v31  }
0x2cf: {  	s11 =	sor.u32 $0x740, s6  }
0x2d0: {  	v33 =	vor.u32 s11, v0;
	v34 =	vld [tilespmem:$0x760];
	v1 =	vshrl.u32 v28, $0x6  }
0x2d1: {  	[tilespmem:$0x17C0] =	vst v33;
	v1 =	vadd.s32 v1, v3  }
0x2d2: {  	[tilespmem:$0xFC0] =	vst v1  }
0x2d3: {  	v3 =	vld.idx.msk [tilespmem:v32+s5+$0x0], $0xffff;
	_ =	sdelay $0x1  }
0x2d4: {  	v35 =	vand.u32 $0x3F, v34  }
0x2d5: {  	s12 =	sor.u32 $0x750, s6  }
0x2d6: {  	v36 =	vor.u32 s12, v0;
	v37 =	vld [tilespmem:$0x770];
	v2 =	vshrl.u32 v31, $0x6  }
0x2d7: {  	[tilespmem:$0x17D0] =	vst v36;
	v2 =	vadd.s32 v2, v3  }
0x2d8: {  	[tilespmem:$0xFD0] =	vst v2  }
0x2d9: {  	v3 =	vld.idx.msk [tilespmem:v35+s5+$0x0], $0xffff;
	_ =	sdelay $0x1  }
0x2da: {  	v38 =	vand.u32 $0x3F, v37  }
0x2db: {  	s13 =	sor.u32 $0x760, s6  }
0x2dc: {  	v39 =	vor.u32 s13, v0;
	v40 =	vld [tilespmem:$0x780];
	v1 =	vshrl.u32 v34, $0x6  }
0x2dd: {  	[tilespmem:$0x17E0] =	vst v39;
	v1 =	vadd.s32 v1, v3  }
0x2de: {  	[tilespmem:$0xFE0] =	vst v1  }
0x2df: {  	v3 =	vld.idx.msk [tilespmem:v38+s5+$0x0], $0xffff;
	_ =	sdelay $0x1  }
0x2e0: {  	v41 =	vand.u32 $0x3F, v40  }
0x2e1: {  	s14 =	sor.u32 $0x770, s6  }
0x2e2: {  	v42 =	vor.u32 s14, v0;
	v43 =	vld [tilespmem:$0x790];
	v2 =	vshrl.u32 v37, $0x6  }
0x2e3: {  	[tilespmem:$0x17F0] =	vst v42;
	v2 =	vadd.s32 v2, v3  }
0x2e4: {  	[tilespmem:$0xFF0] =	vst v2  }
0x2e5: {  	v3 =	vld.idx.msk [tilespmem:v41+s5+$0x0], $0xffff;
	_ =	sdelay $0x1  }
0x2e6: {  	v44 =	vand.u32 $0x3F, v43  }
0x2e7: {  	s15 =	sor.u32 $0x780, s6  }
0x2e8: {  	v45 =	vor.u32 s15, v0;
	v46 =	vld [tilespmem:$0x7A0];
	v1 =	vshrl.u32 v40, $0x6  }
0x2e9: {  	[tilespmem:$0x1800] =	vst v45;
	v1 =	vadd.s32 v1, v3  }
0x2ea: {  	[tilespmem:$0x1000] =	vst v1  }
0x2eb: {  	v3 =	vld.idx.msk [tilespmem:v44+s5+$0x0], $0xffff;
	_ =	sdelay $0x1  }
0x2ec: {  	v47 =	vand.u32 $0x3F, v46  }
0x2ed: {  	s16 =	sor.u32 $0x790, s6  }
0x2ee: {  	v48 =	vor.u32 s16, v0;
	v49 =	vld [tilespmem:$0x7B0];
	v2 =	vshrl.u32 v43, $0x6  }
0x2ef: {  	[tilespmem:$0x1810] =	vst v48;
	v2 =	vadd.s32 v2, v3  }
0x2f0: {  	[tilespmem:$0x1010] =	vst v2  }
0x2f1: {  	v3 =	vld.idx.msk [tilespmem:v47+s5+$0x0], $0xffff;
	_ =	sdelay $0x1  }
0x2f2: {  	v50 =	vand.u32 $0x3F, v49  }
0x2f3: {  	s17 =	sor.u32 $0x7A0, s6  }
0x2f4: {  	v51 =	vor.u32 s17, v0;
	v52 =	vld [tilespmem:$0x7C0];
	v1 =	vshrl.u32 v46, $0x6  }
0x2f5: {  	[tilespmem:$0x1820] =	vst v51;
	v1 =	vadd.s32 v1, v3  }
0x2f6: {  	[tilespmem:$0x1020] =	vst v1  }
0x2f7: {  	v3 =	vld.idx.msk [tilespmem:v50+s5+$0x0], $0xffff;
	_ =	sdelay $0x1  }
0x2f8: {  	v53 =	vand.u32 $0x3F, v52  }
0x2f9: {  	s18 =	sor.u32 $0x7B0, s6  }
0x2fa: {  	v54 =	vor.u32 s18, v0;
	v55 =	vld [tilespmem:$0x7D0];
	v2 =	vshrl.u32 v49, $0x6  }
0x2fb: {  	[tilespmem:$0x1830] =	vst v54;
	v2 =	vadd.s32 v2, v3  }
0x2fc: {  	[tilespmem:$0x1030] =	vst v2  }
0x2fd: {  	v3 =	vld.idx.msk [tilespmem:v53+s5+$0x0], $0xffff;
	_ =	sdelay $0x1  }
0x2fe: {  	v56 =	vand.u32 $0x3F, v55  }
0x2ff: {  	s19 =	sor.u32 $0x7C0, s6  }
0x300: {  	v57 =	vor.u32 s19, v0;
	v58 =	vld [tilespmem:$0x7E0];
	v1 =	vshrl.u32 v52, $0x6  }
0x301: {  	[tilespmem:$0x1840] =	vst v57;
	v1 =	vadd.s32 v1, v3  }
0x302: {  	[tilespmem:$0x1040] =	vst v1  }
0x303: {  	v3 =	vld.idx.msk [tilespmem:v56+s5+$0x0], $0xffff;
	_ =	sdelay $0x1  }
0x304: {  	v59 =	vand.u32 $0x3F, v58  }
0x305: {  	s20 =	sor.u32 $0x7D0, s6  }
0x306: {  	v60 =	vor.u32 s20, v0;
	v61 =	vld [tilespmem:$0x7F0];
	v2 =	vshrl.u32 v55, $0x6  }
0x307: {  	[tilespmem:$0x1850] =	vst v60;
	v2 =	vadd.s32 v2, v3  }
0x308: {  	[tilespmem:$0x1050] =	vst v2  }
0x309: {  	v3 =	vld.idx.msk [tilespmem:v59+s5+$0x0], $0xffff;
	_ =	sdelay $0x1  }
0x30a: {  	v62 =	vand.u32 $0x3F, v61  }
0x30b: {  	s21 =	sor.u32 $0x7E0, s6  }
0x30c: {  	v63 =	vor.u32 s21, v0;
	v1 =	vshrl.u32 v58, $0x6  }
0x30d: {  	[tilespmem:$0x1860] =	vst v63;
	v1 =	vadd.s32 v1, v3  }
0x30e: {  	[tilespmem:$0x1060] =	vst v1  }
0x30f: {  	v1 =	vld.idx.msk [tilespmem:v62+s5+$0x0], $0xffff;
	_ =	sdelay $0x2  }
0x310: {  	s22 =	sor.u32 $0x7F0, s6  }
0x311: {  	v0 =	vor.u32 s22, v0;
	v2 =	vshrl.u32 v61, $0x6  }
0x312: {  	[tilespmem:$0x1870] =	vst v0;
	v1 =	vadd.s32 v2, v1  }
0x313: {  	s23 =	simm.s32 $0x880;
	s24 =	simm.s32 $0x1080;
	s5 =	simm.s32 $0x80;
	[tilespmem:$0x1070] =	vst v1  }
0x314: {  	[spmem:s2] =	stream.indirect.scatter [tilespmem:s24], [sflag:$0x1], $0x1, s23, s5, $0xb8;
	[tilespmem:$0x2080] =	vst v63  }
0x315: {  	s25 =	simm.s32 $0x900;
	s26 =	simm.s32 $0x1100  }
0x316: {  	[spmem:s2] =	stream.indirect.scatter [tilespmem:s26], [sflag:$0x1], $0x1, s25, s5, $0xb8;
	[tilespmem:$0x2080] =	vst v63  }
0x317: {  	s28 =	simm.s32 $0x980;
	s29 =	simm.s32 $0x1180  }
0x318: {  	[spmem:s2] =	stream.indirect.scatter [tilespmem:s29], [sflag:$0x1], $0x1, s28, s5, $0xb8;
	[tilespmem:$0x2080] =	vst v63  }
0x319: {  	s30 =	simm.s32 $0xA00;
	s31 =	simm.s32 $0x1200  }
0x31a: {  	[spmem:s2] =	stream.indirect.scatter [tilespmem:s31], [sflag:$0x1], $0x1, s30, s5, $0xb8;
	[tilespmem:$0x2080] =	vst v63  }
0x31b: {  	s7 =	simm.s32 $0xA80;
	s8 =	simm.s32 $0x1280  }
0x31c: {  	[spmem:s2] =	stream.indirect.scatter [tilespmem:s8], [sflag:$0x1], $0x1, s7, s5, $0xb8;
	[tilespmem:$0x2080] =	vst v63  }
0x31d: {  	s9 =	simm.s32 $0xB00;
	s10 =	simm.s32 $0x1300  }
0x31e: {  	[spmem:s2] =	stream.indirect.scatter [tilespmem:s10], [sflag:$0x1], $0x1, s9, s5, $0xb8;
	[tilespmem:$0x2080] =	vst v63  }
0x31f: {  	s11 =	simm.s32 $0xB80;
	s12 =	simm.s32 $0x1380  }
0x320: {  	[spmem:s2] =	stream.indirect.scatter [tilespmem:s12], [sflag:$0x1], $0x1, s11, s5, $0xb8;
	[tilespmem:$0x2080] =	vst v63  }
0x321: {  	s13 =	simm.s32 $0xC00;
	s14 =	simm.s32 $0x1400  }
0x322: {  	[spmem:s2] =	stream.indirect.scatter [tilespmem:s14], [sflag:$0x1], $0x1, s13, s5, $0xb8;
	[tilespmem:$0x2080] =	vst v63  }
0x323: {  	s15 =	simm.s32 $0xC80;
	s16 =	simm.s32 $0x1480  }
0x324: {  	[spmem:s2] =	stream.indirect.scatter [tilespmem:s16], [sflag:$0x1], $0x1, s15, s5, $0xb8;
	[tilespmem:$0x2080] =	vst v63  }
0x325: {  	s17 =	simm.s32 $0xD00;
	s18 =	simm.s32 $0x1500  }
0x326: {  	[spmem:s2] =	stream.indirect.scatter [tilespmem:s18], [sflag:$0x1], $0x1, s17, s5, $0xb8;
	[tilespmem:$0x2080] =	vst v63  }
0x327: {  	s19 =	simm.s32 $0xD80;
	s20 =	simm.s32 $0x1580  }
0x328: {  	[spmem:s2] =	stream.indirect.scatter [tilespmem:s20], [sflag:$0x1], $0x1, s19, s5, $0xb8;
	[tilespmem:$0x2080] =	vst v63  }
0x329: {  	s21 =	simm.s32 $0xE00;
	s22 =	simm.s32 $0x1600  }
0x32a: {  	[spmem:s2] =	stream.indirect.scatter [tilespmem:s22], [sflag:$0x1], $0x1, s21, s5, $0xb8;
	[tilespmem:$0x2080] =	vst v63  }
0x32b: {  	s23 =	simm.s32 $0xE80;
	s24 =	simm.s32 $0x1680  }
0x32c: {  	[spmem:s2] =	stream.indirect.scatter [tilespmem:s24], [sflag:$0x1], $0x1, s23, s5, $0xb8;
	[tilespmem:$0x2080] =	vst v63  }
0x32d: {  	s25 =	simm.s32 $0xF00;
	s26 =	simm.s32 $0x1700  }
0x32e: {  	[spmem:s2] =	stream.indirect.scatter [tilespmem:s26], [sflag:$0x1], $0x1, s25, s5, $0xb8;
	[tilespmem:$0x2080] =	vst v63  }
0x32f: {  	s28 =	simm.s32 $0xF80;
	s29 =	simm.s32 $0x1780  }
0x330: {  	[spmem:s2] =	stream.indirect.scatter [tilespmem:s29], [sflag:$0x1], $0x1, s28, s5, $0xb8;
	[tilespmem:$0x2080] =	vst v63  }
0x331: {  	s30 =	simm.s32 $0x1000;
	s31 =	simm.s32 $0x1800  }
0x332: {  	[spmem:s2] =	stream.indirect.scatter [tilespmem:s31], [sflag:$0x1], $0x1, s30, s5, $0xb8;
	[tilespmem:$0x2080] =	vst v63  }
0x333: {  	_ =	swait.ge [sflag:s4], $0x80  }
0x334: {  	[sflag:s4] =	ssyncset.done $0x0  }
0x335: {  	[sflag:s4] =	ssyncadd.s32 $0xFFFFFF80  }
0x336: {  	_ =	swait.ge [sflag:s4], $0x80  }
0x337: {  	[sflag:s4] =	ssyncset.done $0x0  }
0x338: {  	[sflag:s4] =	ssyncadd.s32 $0xFFFFFF80  }
0x339: {  	_ =	swait.ge [sflag:s4], $0x80  }
0x33a: {  	[sflag:s4] =	ssyncset.done $0x0  }
0x33b: {  	[sflag:s4] =	ssyncadd.s32 $0xFFFFFF80  }
0x33c: {  	_ =	swait.ge [sflag:s4], $0x80  }
0x33d: {  	[sflag:s4] =	ssyncset.done $0x0  }
0x33e: {  	[sflag:s4] =	ssyncadd.s32 $0xFFFFFF80  }
0x33f: {  	_ =	swait.ge [sflag:s4], $0x80  }
0x340: {  	[sflag:s4] =	ssyncset.done $0x0  }
0x341: {  	[sflag:s4] =	ssyncadd.s32 $0xFFFFFF80  }
0x342: {  	_ =	swait.ge [sflag:s4], $0x80  }
0x343: {  	[sflag:s4] =	ssyncset.done $0x0  }
0x344: {  	[sflag:s4] =	ssyncadd.s32 $0xFFFFFF80  }
0x345: {  	_ =	swait.ge [sflag:s4], $0x80  }
0x346: {  	[sflag:s4] =	ssyncset.done $0x0  }
0x347: {  	[sflag:s4] =	ssyncadd.s32 $0xFFFFFF80  }
0x348: {  	_ =	swait.ge [sflag:s4], $0x80  }
0x349: {  	[sflag:s4] =	ssyncset.done $0x0  }
0x34a: {  	[sflag:s4] =	ssyncadd.s32 $0xFFFFFF80  }
0x34b: {  	_ =	swait.ge [sflag:s4], $0x80  }
0x34c: {  	[sflag:s4] =	ssyncset.done $0x0  }
0x34d: {  	[sflag:s4] =	ssyncadd.s32 $0xFFFFFF80  }
0x34e: {  	_ =	swait.ge [sflag:s4], $0x80  }
0x34f: {  	[sflag:s4] =	ssyncset.done $0x0  }
0x350: {  	[sflag:s4] =	ssyncadd.s32 $0xFFFFFF80  }
0x351: {  	_ =	swait.ge [sflag:s4], $0x80  }
0x352: {  	[sflag:s4] =	ssyncset.done $0x0  }
0x353: {  	[sflag:s4] =	ssyncadd.s32 $0xFFFFFF80  }
0x354: {  	_ =	swait.ge [sflag:s4], $0x80  }
0x355: {  	[sflag:s4] =	ssyncset.done $0x0  }
0x356: {  	[sflag:s4] =	ssyncadd.s32 $0xFFFFFF80  }
0x357: {  	_ =	swait.ge [sflag:s4], $0x80  }
0x358: {  	[sflag:s4] =	ssyncset.done $0x0  }
0x359: {  	[sflag:s4] =	ssyncadd.s32 $0xFFFFFF80  }
0x35a: {  	_ =	swait.ge [sflag:s4], $0x80  }
0x35b: {  	[sflag:s4] =	ssyncset.done $0x0  }
0x35c: {  	[sflag:s4] =	ssyncadd.s32 $0xFFFFFF80  }
0x35d: {  	_ =	swait.ge [sflag:s4], $0x80  }
0x35e: {  	[sflag:s4] =	ssyncset.done $0x0  }
0x35f: {  	[sflag:s4] =	ssyncadd.s32 $0xFFFFFF80  }
0x360: {  	_ =	swait.ge [sflag:s4], $0x80  }
0x361: {  	[sflag:s4] =	ssyncset.done $0x0  }
0x362: {  	[sflag:s4] =	ssyncadd.s32 $0xFFFFFF80  }
0x363: {  	p0 =	sne.s32 s3, $0x0;
	[bflag:$0x0] =	sbarrier.arrive $0xFFFF  }
0x364: {  	_ =	sfence.sel @p0 $0x180000  }
0x365: {  	[bflag:$0x0] =	sbarrier.arrive @p0 $0xFFFF  }
0x366: {  	_ =	strace @p0 $0x90000047  }
0x367: {  	s3 =	simm.s32 @!p0 $0x1C02;
	s2 =	sshrl.u32 @!p0 s2, $0x3;
	[bflag:$0x2] =	sbarrier.arrive @p0 $0xFFFF  }
0x368: {  	[hbm:s1], [sflag:s3] =	dma.local @!p0 [spmem:s2], $0x1000  }
0x369: {  	s1 =	simm.s32 @!p0 $0x2  }
0x36a: {  	_ =	swait.ge @!p0 [sflag:s1], $0x1000  }
0x36b: {  	[sflag:s1] =	ssyncset.done @!p0 $0x0  }
0x36c: {  	[sflag:s1] =	ssyncadd.s32 @!p0 $0xFFFFF000  }
0x36d: {  	_ =	sfence.sel @!p0 $0x180000  }
0x36e: {  	[bflag:$0x0] =	sbarrier.arrive @!p0 $0xFFFF  }
0x36f: {  	_ =	strace @!p0 $0x90000047  }
0x370: {  	s0 =	sadd.s32 @!p0 $0x100000, s0;
	[bflag:$0x2] =	sbarrier.arrive @!p0 $0xFFFF  }
0x371: {  	[sflag:s0] =	ssyncadd.tile.s32 @!p0 $0x1;
	_ =	shalt  }
.Lfunc_end2:
_tile_overlayer_lowered:
.L_overlay_start_2:
0x372: {  	(tag) =	ssettag $0x2  }
0x373: {  	s0 =	rddreg [dreg:$0x0];
	s2 =	stileid.u32  }
0x374: {  	s1 =	rddreg [dreg:$0x1];
	p0 =	sne.s32 s2, $0x0  }
0x375: {  	s3 =	rddreg [dreg:$0x2];
	[bflag:$0x3] =	sbarrier.arrive $0xFFFF;
	s2 =	simm.s32 @!p0 $0x1C02  }
0x376: {  	[timem:s3], [sflag:s2] =	dma.local @!p0 [hbm:s0], s1  }
0x377: {  	s0 =	simm.s32 @!p0 $0x2  }
0x378: {  	_ =	swait.ge @!p0 [sflag:s0], s1  }
0x379: {  	s1 =	ssub.s32 @!p0 $0x0, s1;
	[sflag:s0] =	ssyncset.done @!p0 $0x0  }
0x37a: {  	[sflag:s0] =	ssyncadd.s32 @!p0 s1  }
0x37b: {  	[bflag:$0x3] =	sbarrier.arrive $0xFFFF  }
0x37c: {  	_ =	shalt  }

</sc_bundles>
